<compile_context>
chip_gen: v7x
topology: tpu7x:2x2x1
jax: 0.10.2.dev20260603
libtpu: 0.0.44.dev20260713+nightly
codegen_flags: <defaults>
</compile_context>

<pallas_src>
import functools

import jax
import jax.numpy as jnp
from jax import lax
from jax.experimental import pallas as pl
from jax.experimental.pallas import tpu as pltpu
from jax.experimental.pallas import tpu_sc as plsc

_LAMBDA = 5.0
_Q = 16

_NC, _NS, _L = 2, 16, 16
_NW = _NC * _NS

_SIGN_INT = -(2 ** 31)
_MANT_INT = 0x7FFFFFFF

_R_SC = 32




def _sc_level(cur_ref, out_ref, first, bitpos, lo, hi, obits, r, k, cap):
    lane = lax.broadcasted_iota(jnp.int32, (_L,), 0)
    lane1 = lane + 1
    cand_o = obits | (jnp.int32(1) << bitpos)
    cand_s = cand_o ^ jnp.int32(_SIGN_INT)
    start = lo & ~jnp.int32(15)
    unroll = 4
    trip = (hi - start + jnp.int32(unroll * 16 - 1)) // jnp.int32(
        unroll * 16)

    def inner(j, c):
        aoff, boff = c
        base0 = start + j * (unroll * 16)
        for u in range(unroll):
            base = base0 + u * 16
            kk = cur_ref[pl.ds(base, 16)]
            if first:
                kk = kk ^ ((kk >> 31) & jnp.int32(_MANT_INT))
            pv = jnp.clip(jnp.minimum(lane1, hi - base)
                          - jnp.maximum(lo - base, 0), 0, _L)
            valid = (base + lane >= lo) & (base + lane < hi)
            above = kk >= cand_s
            m_ab = above & valid
            m_be = jnp.logical_not(above) & valid
            pa = plsc.cumsum(m_ab.astype(jnp.int32))
            plsc.store_scatter(out_ref, [aoff + (pa - 1)], kk, mask=m_ab)
            pb = pv - pa
            plsc.store_scatter(out_ref,
                               [jnp.int32(cap - 1) - boff - (pb - 1)], kk,
                               mask=m_be)
            aoff = aoff + plsc.all_reduce_population_count(m_ab)
            boff = boff + plsc.all_reduce_population_count(m_be)
        return aoff, boff

    zero = jnp.zeros((_L,), jnp.int32)
    aoff, boff = lax.fori_loop(0, trip, inner, (zero, zero))
    ca = jnp.max(aoff)
    cb = jnp.max(boff)
    keep_above = (r + ca) >= k
    obits = jnp.where(keep_above, cand_o, obits)
    r = jnp.where(keep_above, r, r + ca)
    lo = jnp.where(keep_above, jnp.int32(0), jnp.int32(cap) - cb)
    hi = jnp.where(keep_above, ca, jnp.int32(cap))
    return lo, hi, obits, r


def _sc_quickselect_kth_key(raw, bufa, bufb, k, cap):
    st = _sc_level(raw, bufa, True, 31, jnp.int32(0), jnp.int32(cap),
                   jnp.int32(0), jnp.int32(0), k, cap)

    def pair(i, st):
        bit = 30 - 2 * i
        lo, hi, obits, r = st
        lo, hi, obits, r = _sc_level(bufa, bufb, False, bit, lo, hi,
                                     obits, r, k, cap)
        return _sc_level(bufb, bufa, False, bit - 1, lo, hi, obits, r,
                         k, cap)

    st = lax.fori_loop(0, 15, pair, st)
    lo, hi, obits, r = _sc_level(bufa, bufb, False, 0, *st, k, cap)
    return obits ^ jnp.int32(_SIGN_INT)


def _sc_topk_keys(hl_i, hlc_i, k, r_sc):
    B, T = hl_i.shape
    rows_per_w = r_sc // _NW
    mesh = plsc.VectorSubcoreMesh(core_axis_name="c", subcore_axis_name="s",
                                  num_cores=_NC, num_subcores=_NS)

    @functools.partial(
        pl.kernel,
        out_type=jax.ShapeDtypeStruct((2, _NW, _L), jnp.int32),
        mesh=mesh,
        scratch_types=[
            pltpu.VMEM((T,), jnp.int32),
            pltpu.VMEM((T + 64,), jnp.int32),
            pltpu.VMEM((T + 64,), jnp.int32),
            pltpu.VMEM((_L,), jnp.int32),
        ],
        compiler_params=pltpu.CompilerParams(needs_layout_passes=False),
    )
    def body(hl_ref, hlc_ref, out_ref, raw, bufa, bufb, res):
        wid = lax.axis_index("c") * _NS + lax.axis_index("s")
        lane = lax.broadcasted_iota(jnp.int32, (_L,), 0)
        for ai, src in enumerate((hl_ref, hlc_ref)):
            def row_body(j, resvec):
                row = wid * rows_per_w + j
                pltpu.sync_copy(src.at[row], raw)
                tkey = _sc_quickselect_kth_key(raw, bufa, bufb, k, T)
                return jnp.where(lane == j, tkey, resvec)

            res[...] = lax.fori_loop(0, rows_per_w, row_body,
                                     jnp.zeros((_L,), jnp.int32))
            pltpu.sync_copy(res, out_ref.at[ai, wid])

    return body(hl_i, hlc_i)




def _monotone_key(x):
    i = lax.bitcast_convert_type(x, jnp.int32)
    return i ^ ((i >> 31) & jnp.int32(_MANT_INT))


def _sct_from_key(skey, x, obits, k):
    t_s = obits ^ jnp.int32(_SIGN_INT)
    gt = skey > t_s
    cnt_gt = jnp.sum(gt.astype(jnp.float32), axis=1, keepdims=True)
    sum_gt = jnp.sum(jnp.where(gt, x, 0.0), axis=1, keepdims=True)
    tbits = t_s ^ ((t_s >> 31) & jnp.int32(_MANT_INT))
    tval = lax.bitcast_convert_type(tbits, jnp.float32)
    del k
    return sum_gt, cnt_gt, tval


def _tc_main_body(k, hl_ref, hlc_ref, dp_ref, shl_ref, chl_ref, thl_ref,
                  shlc_ref, chlc_ref, thlc_ref):
    hl = hl_ref[...]
    hlc = hlc_ref[...]
    s_hl = jax.nn.sigmoid(hl)
    log_sig_hlc = jnp.minimum(hlc, 0.0) - jnp.log1p(jnp.exp(-jnp.abs(hlc)))
    dp_ref[...] = jnp.sum(s_hl * log_sig_hlc, axis=1, keepdims=True)
    ka = _monotone_key(hl)
    kb = _monotone_key(hlc)
    R = hl.shape[0]
    sign = jnp.int32(_SIGN_INT)

    def body(i, carry):
        oa, ob = carry
        bit = jnp.int32(1) << (31 - i)
        ca = (oa | bit) ^ sign
        cb = (ob | bit) ^ sign
        cnt_a = jnp.sum((ka >= ca).astype(jnp.int32), axis=1, keepdims=True)
        cnt_b = jnp.sum((kb >= cb).astype(jnp.int32), axis=1, keepdims=True)
        return (jnp.where(cnt_a >= k, oa | bit, oa),
                jnp.where(cnt_b >= k, ob | bit, ob))

    zero = jnp.zeros((R, 1), jnp.int32)
    oa, ob = lax.fori_loop(0, 32, body, (zero, zero))
    shl_ref[...], chl_ref[...], thl_ref[...] = _sct_from_key(ka, hl, oa, k)
    shlc_ref[...], chlc_ref[...], thlc_ref[...] = _sct_from_key(
        kb, hlc, ob, k)


def _tc_fixup_body(hl_ref, hlc_ref, thl_ref, thlc_ref,
                   dp_ref, shl_ref, chl_ref, shlc_ref, chlc_ref):
    hl = hl_ref[...]
    hlc = hlc_ref[...]
    s_hl = jax.nn.sigmoid(hl)
    log_sig_hlc = jnp.minimum(hlc, 0.0) - jnp.log1p(jnp.exp(-jnp.abs(hlc)))
    dp_ref[...] = jnp.sum(s_hl * log_sig_hlc, axis=1, keepdims=True)
    for x, t_ref, s_ref, c_ref in ((hl, thl_ref, shl_ref, chl_ref),
                                   (hlc, thlc_ref, shlc_ref, chlc_ref)):
        gt = x > t_ref[...]
        s_ref[...] = jnp.sum(jnp.where(gt, x, 0.0), axis=1, keepdims=True)
        c_ref[...] = jnp.sum(gt.astype(jnp.float32), axis=1, keepdims=True)


def _finish_body(k, b, shl_ref, chl_ref, thl_ref, shlc_ref, chlc_ref,
                 thlc_ref, dp_ref, y_ref,
                 total_ref, distill_ref, mil_hl_ref, mil_hlc_ref):
    y = y_ref[...]

    def bce_mean(s, c, t):
        x = (s + (k - c) * t) * (1.0 / k)
        return jnp.mean(jnp.maximum(x, 0.0) - x * y
                        + jnp.log1p(jnp.exp(-jnp.abs(x))))

    mil_hl = bce_mean(shl_ref[...], chl_ref[...], thl_ref[...])
    mil_hlc = bce_mean(shlc_ref[...], chlc_ref[...], thlc_ref[...])
    distill = -jnp.sum(dp_ref[...]) * (1.0 / b)
    total_ref[0] = _LAMBDA * distill + mil_hlc + mil_hl
    distill_ref[0] = distill
    mil_hl_ref[0] = mil_hl
    mil_hlc_ref[0] = mil_hlc


def kernel(logits_hl, logits_hlc, bag_labels):
    B, T, _ = logits_hl.shape
    k = max(T // _Q, 1)
    hl = logits_hl.reshape(B, T)
    hlc = logits_hlc.reshape(B, T)

    hl_i = lax.bitcast_convert_type(hl, jnp.int32)
    hlc_i = lax.bitcast_convert_type(hlc, jnp.int32)
    keys = _sc_topk_keys(hl_i, hlc_i, k, _R_SC)
    rows_per_w = _R_SC // _NW
    tkeys = keys[:, :, :rows_per_w].reshape(2, _R_SC)
    tvals_sc = lax.bitcast_convert_type(
        tkeys ^ ((tkeys >> 31) & jnp.int32(_MANT_INT)), jnp.float32)

    rows = 32
    r_tc = B - _R_SC
    off = _R_SC // rows
    spec_in = pl.BlockSpec((rows, T), lambda i: (i + off, 0))
    spec_row = pl.BlockSpec((rows, 1), lambda i: (i, 0))
    dp_tc, s1, c1, t1, s2, c2, t2 = pl.pallas_call(
        functools.partial(_tc_main_body, k),
        grid=(r_tc // rows,),
        in_specs=[spec_in, spec_in],
        out_specs=[spec_row] * 7,
        out_shape=[jax.ShapeDtypeStruct((r_tc, 1), jnp.float32)] * 7,
    )(hl, hlc)

    rows_b = 16
    spec_in_b = pl.BlockSpec((rows_b, T), lambda i: (i, 0))
    spec_row_b = pl.BlockSpec((rows_b, 1), lambda i: (i, 0))
    dp_sc, s1s, c1s, s2s, c2s = pl.pallas_call(
        _tc_fixup_body,
        grid=(_R_SC // rows_b,),
        in_specs=[spec_in_b, spec_in_b, spec_row_b, spec_row_b],
        out_specs=[spec_row_b] * 5,
        out_shape=[jax.ShapeDtypeStruct((_R_SC, 1), jnp.float32)] * 5,
    )(hl, hlc, tvals_sc[0].reshape(_R_SC, 1), tvals_sc[1].reshape(_R_SC, 1))

    dp = jnp.concatenate([dp_sc, dp_tc]).reshape(1, B)
    s_hl = jnp.concatenate([s1s, s1]).reshape(1, B)
    c_hl = jnp.concatenate([c1s, c1]).reshape(1, B)
    t_hl = jnp.concatenate([tvals_sc[0].reshape(_R_SC, 1), t1]).reshape(1, B)
    s_hlc = jnp.concatenate([s2s, s2]).reshape(1, B)
    c_hlc = jnp.concatenate([c2s, c2]).reshape(1, B)
    t_hlc = jnp.concatenate([tvals_sc[1].reshape(_R_SC, 1), t2]).reshape(1, B)

    y = bag_labels.astype(jnp.float32).reshape(1, B)
    total, distill, mil_hl, mil_hlc = pl.pallas_call(
        functools.partial(_finish_body, k, B),
        in_specs=[pl.BlockSpec((1, B), lambda: (0, 0))] * 8,
        out_specs=[pl.BlockSpec(memory_space=pltpu.SMEM)] * 4,
        out_shape=[jax.ShapeDtypeStruct((1,), jnp.float32)] * 4,
    )(s_hl, c_hl, t_hl, s_hlc, c_hlc, t_hlc, dp, y)

    return (total.reshape(()), distill.reshape(()),
            mil_hl.reshape(()), mil_hlc.reshape(()))

# --- scband reference (transcript-rebuilt; emitter-appended) ---
"""Pipeline reference for scband-peng-wu-net-loss-47845935677535 (READ-ONLY COPY).

The authoritative reference and input builder live on the scoring server;
editing this copy changes nothing except your own understanding.
"""

import jax, jax.numpy as jnp
import numpy as np

LAMBDA_ = 5.0
Q = 16


def _bce_with_logits_mean(x, y):
    # numerically stable BCEWithLogitsLoss (reduction='mean')
    return jnp.mean(jnp.maximum(x, 0.0) - x * y + jnp.log1p(jnp.exp(-jnp.abs(x))))


def _mil_topk_loss(logits, bag_labels_f):
    # logits: (B, T, 1); top-k pooling with k = max(T // Q, 1)
    B, T, _ = logits.shape
    k = max(T // Q, 1)
    l = logits[:, :, 0]
    topk_vals, _ = jax.lax.top_k(l, k)
    bag_logits = jnp.mean(topk_vals, axis=1)
    return _bce_with_logits_mean(bag_logits, bag_labels_f)


def setup_inputs(seed: int = 0) -> dict:
    key = jax.random.key(seed)
    k1, k2, k3 = jax.random.split(key, 3)
    B, T = 128, 32768
    logits_hl = jax.random.normal(k1, (B, T, 1), dtype=jnp.float32)
    logits_hlc = jax.random.normal(k2, (B, T, 1), dtype=jnp.float32)
    bag_labels = jax.random.randint(k3, (B,), 0, 2)
    return {"logits_hl": logits_hl, "logits_hlc": logits_hlc, "bag_labels": bag_labels}


def reference(logits_hl, logits_hlc, bag_labels):
    B = logits_hl.shape[0]
    y = bag_labels.astype(jnp.float32)
    # DistillLoss (seq_len=None branch): teacher scores detached
    scores_hl = jax.lax.stop_gradient(jax.nn.sigmoid(logits_hl))
    scores_hlc = jax.nn.sigmoid(logits_hlc)
    distill_loss = -jnp.sum(scores_hl * jnp.log(scores_hlc)) / B
    # MIL losses with top-k pooling
    mil_loss_hlc = _mil_topk_loss(logits_hlc, y)
    mil_loss_hl = _mil_topk_loss(logits_hl, y)
    total_loss = LAMBDA_ * distill_loss + mil_loss_hlc + mil_loss_hl
    return (total_loss,
            jax.lax.stop_gradient(distill_loss),
            jax.lax.stop_gradient(mil_loss_hl),
            jax.lax.stop_gradient(mil_loss_hlc))

if __name__ == "__main__":
    import jax
    _d = setup_inputs()
    print(jax.jit(kernel)(*tuple(_d.values())))

</pallas_src>

<mosaic_0001>
#map = affine_map<(d0, d1) -> (0, 0)>
#map1 = affine_map<(d0, d1) -> (0, 0, 0)>
module attributes {stable_mosaic.version = 14 : i64} {
  func.func @body(%arg0: i32, %arg1: i32, %arg2: memref<128x32768xi32, #tpu.memory_space<hbm>>, %arg3: memref<128x32768xi32, #tpu.memory_space<hbm>>, %arg4: memref<2x32x16xi32, #tpu.memory_space<hbm>>, %arg5: memref<32768xi32, #tpu.memory_space<vmem>>, %arg6: memref<32832xi32, #tpu.memory_space<vmem>>, %arg7: memref<32832xi32, #tpu.memory_space<vmem>>, %arg8: memref<16xi32, #tpu.memory_space<vmem>>) attributes {dimension_semantics = [#tpu.dimension_semantics<core_parallel>, #tpu.dimension_semantics<subcore_parallel>], iteration_bounds = array<i64: 2, 16>, scalar_prefetch = 0 : i64, scratch_operands = 4 : i64, tpu.core_type = #tpu.core_type<sc_vector_subcore>, window_params = [{transform_indices = #map}, {transform_indices = #map}, {transform_indices = #map1}]} {
    %mul3A = arith.constant 16 : i32
    %mul3A_0 = arith.muli %arg0, %mul3A : i32
    %add3A = arith.addi %mul3A_0, %arg1 : i32
    %iota3A = tpu.iota {dimensions = array<i32: 0>} : vector<16xi32>
    %broadcast_in_dim3A = arith.constant 0 : i32
    %broadcast_in_dim3A_1 = vector.broadcast %broadcast_in_dim3A : i32 to vector<16xi32>
    %scan3A = arith.constant 0 : i32
    %mul3A_2 = arith.constant 1 : i32
    %mul3A_3 = arith.muli %add3A, %mul3A_2 : i32
    %add3A_4 = arith.addi %mul3A_3, %scan3A : i32
    "tpu.region"() ({
      %run_scoped3A_371 = tpu.sem_alloc : memref<!tpu.dma_semaphore, #tpu.memory_space<semaphore_mem>>
      %dma_start3A = arith.constant 0 : i32
      %dma_start3A_372 = tpu.memref_slice %arg2[%add3A_4, %dma_start3A] : memref<128x32768xi32, #tpu.memory_space<hbm>> -> memref<1x32768xi32, #tpu.memory_space<hbm>>
      %dma_start3A_373 = tpu.memref_squeeze %dma_start3A_372 : memref<1x32768xi32, #tpu.memory_space<hbm>> -> memref<32768xi32, #tpu.memory_space<hbm>>
      %dma_start3A_374 = arith.constant 0 : i32
      %dma_start3A_375 = tpu.memref_slice %arg2[%add3A_4, %dma_start3A_374] : memref<128x32768xi32, #tpu.memory_space<hbm>> -> memref<1x32768xi32, #tpu.memory_space<hbm>>
      %dma_start3A_376 = tpu.memref_squeeze %dma_start3A_375 : memref<1x32768xi32, #tpu.memory_space<hbm>> -> memref<32768xi32, #tpu.memory_space<hbm>>
      tpu.enqueue_dma source(%dma_start3A_376 : memref<32768xi32, #tpu.memory_space<hbm>>) target(%arg5 : memref<32768xi32, #tpu.memory_space<vmem>>) target_semaphore(%run_scoped3A_371 : memref<!tpu.dma_semaphore, #tpu.memory_space<semaphore_mem>>)
      %dma_wait3A = arith.constant 0 : i32
      %dma_wait3A_377 = tpu.memref_slice %arg2[%add3A_4, %dma_wait3A] : memref<128x32768xi32, #tpu.memory_space<hbm>> -> memref<1x32768xi32, #tpu.memory_space<hbm>>
      %dma_wait3A_378 = tpu.memref_squeeze %dma_wait3A_377 : memref<1x32768xi32, #tpu.memory_space<hbm>> -> memref<32768xi32, #tpu.memory_space<hbm>>
      %dma_wait3A_379 = arith.constant 0 : i32
      %dma_wait3A_380 = tpu.memref_slice %arg2[%add3A_4, %dma_wait3A_379] : memref<128x32768xi32, #tpu.memory_space<hbm>> -> memref<1x32768xi32, #tpu.memory_space<hbm>>
      %dma_wait3A_381 = tpu.memref_squeeze %dma_wait3A_380 : memref<1x32768xi32, #tpu.memory_space<hbm>> -> memref<32768xi32, #tpu.memory_space<hbm>>
      tpu.wait_dma2 semaphore(%run_scoped3A_371 : memref<!tpu.dma_semaphore, #tpu.memory_space<semaphore_mem>>) src(%dma_wait3A_381 : memref<32768xi32, #tpu.memory_space<hbm>>) dst(%arg5 : memref<32768xi32, #tpu.memory_space<vmem>>)
      tpu.yield
    }) : () -> ()
    %iota3A_5 = tpu.iota {dimensions = array<i32: 0>} : vector<16xi32>
    %add3A_6 = arith.constant 1 : i32
    %add3A_7 = vector.broadcast %add3A_6 : i32 to vector<16xi32>
    %add3A_8 = arith.addi %iota3A_5, %add3A_7 : vector<16xi32>
    %shift_left3A = arith.constant 1 : i32
    %shift_left3A_9 = arith.constant 31 : i32
    %shift_left3A_10 = arith.shli %shift_left3A, %shift_left3A_9 : i32
    %or3A = arith.constant 0 : i32
    %or3A_11 = arith.ori %or3A, %shift_left3A_10 : i32
    %xor3A = arith.constant -2147483648 : i32
    %xor3A_12 = arith.xori %or3A_11, %xor3A : i32
    %not3A = arith.constant 15 : i32
    %not3A_13 = arith.constant -1 : i32
    %not3A_14 = arith.xori %not3A, %not3A_13 : i32
    %and3A = arith.constant 0 : i32
    %and3A_15 = arith.andi %and3A, %not3A_14 : i32
    %sub3A = arith.constant 32768 : i32
    %sub3A_16 = arith.subi %sub3A, %and3A_15 : i32
    %add3A_17 = arith.constant 63 : i32
    %add3A_18 = arith.addi %sub3A_16, %add3A_17 : i32
    %jit3A = arith.constant 64 : i32
    %div3A = arith.divsi %add3A_18, %jit3A : i32
    %sign3A = arith.constant 0 : i32
    %sign3A_19 = arith.cmpi sgt, %add3A_18, %sign3A : i32
    %sign3A_20 = arith.extui %sign3A_19 : i1 to i32
    %sign3A_21 = arith.constant 0 : i32
    %sign3A_22 = arith.cmpi slt, %add3A_18, %sign3A_21 : i32
    %sign3A_23 = arith.extui %sign3A_22 : i1 to i32
    %sign3A_24 = arith.subi %sign3A_20, %sign3A_23 : i32
    %sign3A_25 = arith.constant 0 : i32
    %sign3A_26 = arith.cmpi sgt, %jit3A, %sign3A_25 : i32
    %sign3A_27 = arith.extui %sign3A_26 : i1 to i32
    %sign3A_28 = arith.constant 0 : i32
    %sign3A_29 = arith.cmpi slt, %jit3A, %sign3A_28 : i32
    %sign3A_30 = arith.extui %sign3A_29 : i1 to i32
    %sign3A_31 = arith.subi %sign3A_27, %sign3A_30 : i32
    %ne3A = arith.cmpi ne, %sign3A_24, %sign3A_31 : i32
    %rem3A = arith.remsi %add3A_18, %jit3A : i32
    %ne3A_32 = arith.constant 0 : i32
    %ne3A_33 = arith.cmpi ne, %rem3A, %ne3A_32 : i32
    %and3A_34 = arith.andi %ne3A, %ne3A_33 : i1
    %sub3A_35 = arith.constant 1 : i32
    %sub3A_36 = arith.subi %div3A, %sub3A_35 : i32
    %select_n3A = arith.select %and3A_34, %sub3A_36, %div3A : i32
    %broadcast_in_dim3A_37 = arith.constant 0 : i32
    %broadcast_in_dim3A_38 = vector.broadcast %broadcast_in_dim3A_37 : i32 to vector<16xi32>
    %while3A = arith.constant 32768 : i32
    %while3A_39 = arith.constant 0 : i32
    %while3A_40 = arith.constant 0 : i32
    %while3A_41 = arith.subi %select_n3A, %while3A_40 : i32
    %while3A_42 = arith.addi %while3A_40, %while3A_41 : i32
    %while3A_43 = arith.constant 1 : i32
    %while3A_44 = arith.divsi %while3A_41, %while3A_43 : i32
    %while3A_45 = arith.muli %while3A_44, %while3A_43 : i32
    %while3A_46 = arith.addi %while3A_40, %while3A_45 : i32
    %while3A_47 = arith.constant 1 : i32
    %while3A_48:2 = scf.for %while3A_371 = %while3A_40 to %while3A_46 step %while3A_47 iter_args(%while3A_372 = %broadcast_in_dim3A_38, %while3A_373 = %broadcast_in_dim3A_38) -> (vector<16xi32>, vector<16xi32>)  : i32 {
      %mul3A_374 = arith.constant 64 : i32
      %mul3A_375 = arith.muli %while3A_371, %mul3A_374 : i32
      %add3A_376 = arith.addi %and3A_15, %mul3A_375 : i32
      %add3A_377 = arith.constant 0 : i32
      %add3A_378 = arith.addi %add3A_376, %add3A_377 : i32
      %get3A = arith.index_cast %add3A_378 : i32 to index
      %get3A_379 = tpu.vector_load %arg5[%get3A] {strides = array<i32>} : memref<32768xi32, #tpu.memory_space<vmem>>, vector<16xi32>,
      %shift_right_arithmetic3A = arith.constant 31 : i32
      %shift_right_arithmetic3A_380 = vector.broadcast %shift_right_arithmetic3A : i32 to vector<16xi32>
      %shift_right_arithmetic3A_381 = arith.shrsi %get3A_379, %shift_right_arithmetic3A_380 : vector<16xi32>
      %and3A_382 = arith.constant 2147483647 : i32
      %and3A_383 = vector.broadcast %and3A_382 : i32 to vector<16xi32>
      %and3A_384 = arith.andi %shift_right_arithmetic3A_381, %and3A_383 : vector<16xi32>
      %xor3A_385 = arith.xori %get3A_379, %and3A_384 : vector<16xi32>
      %sub3A_386 = arith.subi %while3A, %add3A_378 : i32
      %min3A = vector.broadcast %sub3A_386 : i32 to vector<16xi32>
      %min3A_387 = arith.minsi %add3A_8, %min3A : vector<16xi32>
      %sub3A_388 = arith.subi %while3A_39, %add3A_378 : i32
      %max3A = arith.constant 0 : i32
      %max3A_389 = arith.maxsi %sub3A_388, %max3A : i32
      %sub3A_390 = vector.broadcast %max3A_389 : i32 to vector<16xi32>
      %sub3A_391 = arith.subi %min3A_387, %sub3A_390 : vector<16xi32>
      %jit3A_392 = arith.constant 0 : i32
      %jit3A_393 = arith.constant 16 : i32
      %max3A_394 = vector.broadcast %jit3A_392 : i32 to vector<16xi32>
      %max3A_395 = arith.maxsi %max3A_394, %sub3A_391 : vector<16xi32>
      %min3A_396 = vector.broadcast %jit3A_393 : i32 to vector<16xi32>
      %min3A_397 = arith.minsi %min3A_396, %max3A_395 : vector<16xi32>
      %add3A_398 = vector.broadcast %add3A_378 : i32 to vector<16xi32>
      %add3A_399 = arith.addi %add3A_398, %iota3A_5 : vector<16xi32>
      %ge3A_400 = vector.broadcast %while3A_39 : i32 to vector<16xi32>
      %ge3A_401 = arith.cmpi sge, %add3A_399, %ge3A_400 : vector<16xi32>
      %add3A_402 = vector.broadcast %add3A_378 : i32 to vector<16xi32>
      %add3A_403 = arith.addi %add3A_402, %iota3A_5 : vector<16xi32>
      %lt3A = vector.broadcast %while3A : i32 to vector<16xi32>
      %lt3A_404 = arith.cmpi slt, %add3A_403, %lt3A : vector<16xi32>
      %and3A_405 = arith.andi %ge3A_401, %lt3A_404 : vector<16xi1>
      %ge3A_406 = vector.broadcast %xor3A_12 : i32 to vector<16xi32>
      %ge3A_407 = arith.cmpi sge, %xor3A_385, %ge3A_406 : vector<16xi32>
      %and3A_408 = arith.andi %ge3A_407, %and3A_405 : vector<16xi1>
      %not3A_409 = arith.constant dense<true> : vector<16xi1>
      %not3A_410 = arith.xori %ge3A_407, %not3A_409 : vector<16xi1>
      %and3A_411 = arith.andi %not3A_410, %and3A_405 : vector<16xi1>
      %convert_element_type3A = arith.extui %and3A_408 : vector<16xi1> to vector<16xi32>
      %broadcast_in_dim3A_412 = arith.constant true
      %broadcast_in_dim3A_413 = vector.broadcast %broadcast_in_dim3A_412 : i1 to vector<16xi1>
      %masked_cumsum3A = tpu.scan <sum>, %convert_element_type3A masked %broadcast_in_dim3A_413 : vector<16xi32>, vector<16xi1> -> vector<16xi32>
      %sub3A_414 = arith.constant 1 : i32
      %sub3A_415 = vector.broadcast %sub3A_414 : i32 to vector<16xi32>
      %sub3A_416 = arith.subi %masked_cumsum3A, %sub3A_415 : vector<16xi32>
      %add3A_417 = arith.addi %while3A_372, %sub3A_416 : vector<16xi32>
      tpu.vector_store_idx %arg6[%add3A_417], %xor3A_385 masked %and3A_408 : memref<32832xi32, #tpu.memory_space<vmem>>[vector<16xi32>], vector<16xi32>, vector<16xi1>
      %sub3A_418 = arith.subi %min3A_397, %masked_cumsum3A : vector<16xi32>
      %sub3A_419 = arith.constant 32767 : i32
      %sub3A_420 = vector.broadcast %sub3A_419 : i32 to vector<16xi32>
      %sub3A_421 = arith.subi %sub3A_420, %while3A_373 : vector<16xi32>
      %sub3A_422 = arith.constant 1 : i32
      %sub3A_423 = vector.broadcast %sub3A_422 : i32 to vector<16xi32>
      %sub3A_424 = arith.subi %sub3A_418, %sub3A_423 : vector<16xi32>
      %sub3A_425 = arith.subi %sub3A_421, %sub3A_424 : vector<16xi32>
      tpu.vector_store_idx %arg6[%sub3A_425], %xor3A_385 masked %and3A_411 : memref<32832xi32, #tpu.memory_space<vmem>>[vector<16xi32>], vector<16xi32>, vector<16xi1>
      %all_reduce_population_count3A = tpu.all_reduce %and3A_408 {dim = 0 : i64, kind = #tpu.reduction_kind<sum>} : vector<16xi1> -> vector<16xi32>
      %add3A_426 = arith.addi %while3A_372, %all_reduce_population_count3A : vector<16xi32>
      %all_reduce_population_count3A_427 = tpu.all_reduce %and3A_411 {dim = 0 : i64, kind = #tpu.reduction_kind<sum>} : vector<16xi1> -> vector<16xi32>
      %add3A_428 = arith.addi %while3A_373, %all_reduce_population_count3A_427 : vector<16xi32>
      %add3A_429 = arith.constant 16 : i32
      %add3A_430 = arith.addi %add3A_376, %add3A_429 : i32
      %get3A_431 = arith.index_cast %add3A_430 : i32 to index
      %get3A_432 = tpu.vector_load %arg5[%get3A_431] {strides = array<i32>} : memref<32768xi32, #tpu.memory_space<vmem>>, vector<16xi32>,
      %shift_right_arithmetic3A_433 = arith.constant 31 : i32
      %shift_right_arithmetic3A_434 = vector.broadcast %shift_right_arithmetic3A_433 : i32 to vector<16xi32>
      %shift_right_arithmetic3A_435 = arith.shrsi %get3A_432, %shift_right_arithmetic3A_434 : vector<16xi32>
      %and3A_436 = arith.constant 2147483647 : i32
      %and3A_437 = vector.broadcast %and3A_436 : i32 to vector<16xi32>
      %and3A_438 = arith.andi %shift_right_arithmetic3A_435, %and3A_437 : vector<16xi32>
      %xor3A_439 = arith.xori %get3A_432, %and3A_438 : vector<16xi32>
      %sub3A_440 = arith.subi %while3A, %add3A_430 : i32
      %min3A_441 = vector.broadcast %sub3A_440 : i32 to vector<16xi32>
      %min3A_442 = arith.minsi %add3A_8, %min3A_441 : vector<16xi32>
      %sub3A_443 = arith.subi %while3A_39, %add3A_430 : i32
      %max3A_444 = arith.constant 0 : i32
      %max3A_445 = arith.maxsi %sub3A_443, %max3A_444 : i32
      %sub3A_446 = vector.broadcast %max3A_445 : i32 to vector<16xi32>
      %sub3A_447 = arith.subi %min3A_442, %sub3A_446 : vector<16xi32>
      %jit3A_448 = arith.constant 0 : i32
      %jit3A_449 = arith.constant 16 : i32
      %max3A_450 = vector.broadcast %jit3A_448 : i32 to vector<16xi32>
      %max3A_451 = arith.maxsi %max3A_450, %sub3A_447 : vector<16xi32>
      %min3A_452 = vector.broadcast %jit3A_449 : i32 to vector<16xi32>
      %min3A_453 = arith.minsi %min3A_452, %max3A_451 : vector<16xi32>
      %add3A_454 = vector.broadcast %add3A_430 : i32 to vector<16xi32>
      %add3A_455 = arith.addi %add3A_454, %iota3A_5 : vector<16xi32>
      %ge3A_456 = vector.broadcast %while3A_39 : i32 to vector<16xi32>
      %ge3A_457 = arith.cmpi sge, %add3A_455, %ge3A_456 : vector<16xi32>
      %add3A_458 = vector.broadcast %add3A_430 : i32 to vector<16xi32>
      %add3A_459 = arith.addi %add3A_458, %iota3A_5 : vector<16xi32>
      %lt3A_460 = vector.broadcast %while3A : i32 to vector<16xi32>
      %lt3A_461 = arith.cmpi slt, %add3A_459, %lt3A_460 : vector<16xi32>
      %and3A_462 = arith.andi %ge3A_457, %lt3A_461 : vector<16xi1>
      %ge3A_463 = vector.broadcast %xor3A_12 : i32 to vector<16xi32>
      %ge3A_464 = arith.cmpi sge, %xor3A_439, %ge3A_463 : vector<16xi32>
      %and3A_465 = arith.andi %ge3A_464, %and3A_462 : vector<16xi1>
      %not3A_466 = arith.constant dense<true> : vector<16xi1>
      %not3A_467 = arith.xori %ge3A_464, %not3A_466 : vector<16xi1>
      %and3A_468 = arith.andi %not3A_467, %and3A_462 : vector<16xi1>
      %convert_element_type3A_469 = arith.extui %and3A_465 : vector<16xi1> to vector<16xi32>
      %broadcast_in_dim3A_470 = arith.constant true
      %broadcast_in_dim3A_471 = vector.broadcast %broadcast_in_dim3A_470 : i1 to vector<16xi1>
      %masked_cumsum3A_472 = tpu.scan <sum>, %convert_element_type3A_469 masked %broadcast_in_dim3A_471 : vector<16xi32>, vector<16xi1> -> vector<16xi32>
      %sub3A_473 = arith.constant 1 : i32
      %sub3A_474 = vector.broadcast %sub3A_473 : i32 to vector<16xi32>
      %sub3A_475 = arith.subi %masked_cumsum3A_472, %sub3A_474 : vector<16xi32>
      %add3A_476 = arith.addi %add3A_426, %sub3A_475 : vector<16xi32>
      tpu.vector_store_idx %arg6[%add3A_476], %xor3A_439 masked %and3A_465 : memref<32832xi32, #tpu.memory_space<vmem>>[vector<16xi32>], vector<16xi32>, vector<16xi1>
      %sub3A_477 = arith.subi %min3A_453, %masked_cumsum3A_472 : vector<16xi32>
      %sub3A_478 = arith.constant 32767 : i32
      %sub3A_479 = vector.broadcast %sub3A_478 : i32 to vector<16xi32>
      %sub3A_480 = arith.subi %sub3A_479, %add3A_428 : vector<16xi32>
      %sub3A_481 = arith.constant 1 : i32
      %sub3A_482 = vector.broadcast %sub3A_481 : i32 to vector<16xi32>
      %sub3A_483 = arith.subi %sub3A_477, %sub3A_482 : vector<16xi32>
      %sub3A_484 = arith.subi %sub3A_480, %sub3A_483 : vector<16xi32>
      tpu.vector_store_idx %arg6[%sub3A_484], %xor3A_439 masked %and3A_468 : memref<32832xi32, #tpu.memory_space<vmem>>[vector<16xi32>], vector<16xi32>, vector<16xi1>
      %all_reduce_population_count3A_485 = tpu.all_reduce %and3A_465 {dim = 0 : i64, kind = #tpu.reduction_kind<sum>} : vector<16xi1> -> vector<16xi32>
      %add3A_486 = arith.addi %add3A_426, %all_reduce_population_count3A_485 : vector<16xi32>
      %all_reduce_population_count3A_487 = tpu.all_reduce %and3A_468 {dim = 0 : i64, kind = #tpu.reduction_kind<sum>} : vector<16xi1> -> vector<16xi32>
      %add3A_488 = arith.addi %add3A_428, %all_reduce_population_count3A_487 : vector<16xi32>
      %add3A_489 = arith.constant 32 : i32
      %add3A_490 = arith.addi %add3A_376, %add3A_489 : i32
      %get3A_491 = arith.index_cast %add3A_490 : i32 to index
      %get3A_492 = tpu.vector_load %arg5[%get3A_491] {strides = array<i32>} : memref<32768xi32, #tpu.memory_space<vmem>>, vector<16xi32>,
      %shift_right_arithmetic3A_493 = arith.constant 31 : i32
      %shift_right_arithmetic3A_494 = vector.broadcast %shift_right_arithmetic3A_493 : i32 to vector<16xi32>
      %shift_right_arithmetic3A_495 = arith.shrsi %get3A_492, %shift_right_arithmetic3A_494 : vector<16xi32>
      %and3A_496 = arith.constant 2147483647 : i32
      %and3A_497 = vector.broadcast %and3A_496 : i32 to vector<16xi32>
      %and3A_498 = arith.andi %shift_right_arithmetic3A_495, %and3A_497 : vector<16xi32>
      %xor3A_499 = arith.xori %get3A_492, %and3A_498 : vector<16xi32>
      %sub3A_500 = arith.subi %while3A, %add3A_490 : i32
      %min3A_501 = vector.broadcast %sub3A_500 : i32 to vector<16xi32>
      %min3A_502 = arith.minsi %add3A_8, %min3A_501 : vector<16xi32>
      %sub3A_503 = arith.subi %while3A_39, %add3A_490 : i32
      %max3A_504 = arith.constant 0 : i32
      %max3A_505 = arith.maxsi %sub3A_503, %max3A_504 : i32
      %sub3A_506 = vector.broadcast %max3A_505 : i32 to vector<16xi32>
      %sub3A_507 = arith.subi %min3A_502, %sub3A_506 : vector<16xi32>
      %jit3A_508 = arith.constant 0 : i32
      %jit3A_509 = arith.constant 16 : i32
      %max3A_510 = vector.broadcast %jit3A_508 : i32 to vector<16xi32>
      %max3A_511 = arith.maxsi %max3A_510, %sub3A_507 : vector<16xi32>
      %min3A_512 = vector.broadcast %jit3A_509 : i32 to vector<16xi32>
      %min3A_513 = arith.minsi %min3A_512, %max3A_511 : vector<16xi32>
      %add3A_514 = vector.broadcast %add3A_490 : i32 to vector<16xi32>
      %add3A_515 = arith.addi %add3A_514, %iota3A_5 : vector<16xi32>
      %ge3A_516 = vector.broadcast %while3A_39 : i32 to vector<16xi32>
      %ge3A_517 = arith.cmpi sge, %add3A_515, %ge3A_516 : vector<16xi32>
      %add3A_518 = vector.broadcast %add3A_490 : i32 to vector<16xi32>
      %add3A_519 = arith.addi %add3A_518, %iota3A_5 : vector<16xi32>
      %lt3A_520 = vector.broadcast %while3A : i32 to vector<16xi32>
      %lt3A_521 = arith.cmpi slt, %add3A_519, %lt3A_520 : vector<16xi32>
      %and3A_522 = arith.andi %ge3A_517, %lt3A_521 : vector<16xi1>
      %ge3A_523 = vector.broadcast %xor3A_12 : i32 to vector<16xi32>
      %ge3A_524 = arith.cmpi sge, %xor3A_499, %ge3A_523 : vector<16xi32>
      %and3A_525 = arith.andi %ge3A_524, %and3A_522 : vector<16xi1>
      %not3A_526 = arith.constant dense<true> : vector<16xi1>
      %not3A_527 = arith.xori %ge3A_524, %not3A_526 : vector<16xi1>
      %and3A_528 = arith.andi %not3A_527, %and3A_522 : vector<16xi1>
      %convert_element_type3A_529 = arith.extui %and3A_525 : vector<16xi1> to vector<16xi32>
      %broadcast_in_dim3A_530 = arith.constant true
      %broadcast_in_dim3A_531 = vector.broadcast %broadcast_in_dim3A_530 : i1 to vector<16xi1>
      %masked_cumsum3A_532 = tpu.scan <sum>, %convert_element_type3A_529 masked %broadcast_in_dim3A_531 : vector<16xi32>, vector<16xi1> -> vector<16xi32>
      %sub3A_533 = arith.constant 1 : i32
      %sub3A_534 = vector.broadcast %sub3A_533 : i32 to vector<16xi32>
      %sub3A_535 = arith.subi %masked_cumsum3A_532, %sub3A_534 : vector<16xi32>
      %add3A_536 = arith.addi %add3A_486, %sub3A_535 : vector<16xi32>
      tpu.vector_store_idx %arg6[%add3A_536], %xor3A_499 masked %and3A_525 : memref<32832xi32, #tpu.memory_space<vmem>>[vector<16xi32>], vector<16xi32>, vector<16xi1>
      %sub3A_537 = arith.subi %min3A_513, %masked_cumsum3A_532 : vector<16xi32>
      %sub3A_538 = arith.constant 32767 : i32
      %sub3A_539 = vector.broadcast %sub3A_538 : i32 to vector<16xi32>
      %sub3A_540 = arith.subi %sub3A_539, %add3A_488 : vector<16xi32>
      %sub3A_541 = arith.constant 1 : i32
      %sub3A_542 = vector.broadcast %sub3A_541 : i32 to vector<16xi32>
      %sub3A_543 = arith.subi %sub3A_537, %sub3A_542 : vector<16xi32>
      %sub3A_544 = arith.subi %sub3A_540, %sub3A_543 : vector<16xi32>
      tpu.vector_store_idx %arg6[%sub3A_544], %xor3A_499 masked %and3A_528 : memref<32832xi32, #tpu.memory_space<vmem>>[vector<16xi32>], vector<16xi32>, vector<16xi1>
      %all_reduce_population_count3A_545 = tpu.all_reduce %and3A_525 {dim = 0 : i64, kind = #tpu.reduction_kind<sum>} : vector<16xi1> -> vector<16xi32>
      %add3A_546 = arith.addi %add3A_486, %all_reduce_population_count3A_545 : vector<16xi32>
      %all_reduce_population_count3A_547 = tpu.all_reduce %and3A_528 {dim = 0 : i64, kind = #tpu.reduction_kind<sum>} : vector<16xi1> -> vector<16xi32>
      %add3A_548 = arith.addi %add3A_488, %all_reduce_population_count3A_547 : vector<16xi32>
      %add3A_549 = arith.constant 48 : i32
      %add3A_550 = arith.addi %add3A_376, %add3A_549 : i32
      %get3A_551 = arith.index_cast %add3A_550 : i32 to index
      %get3A_552 = tpu.vector_load %arg5[%get3A_551] {strides = array<i32>} : memref<32768xi32, #tpu.memory_space<vmem>>, vector<16xi32>,
      %shift_right_arithmetic3A_553 = arith.constant 31 : i32
      %shift_right_arithmetic3A_554 = vector.broadcast %shift_right_arithmetic3A_553 : i32 to vector<16xi32>
      %shift_right_arithmetic3A_555 = arith.shrsi %get3A_552, %shift_right_arithmetic3A_554 : vector<16xi32>
      %and3A_556 = arith.constant 2147483647 : i32
      %and3A_557 = vector.broadcast %and3A_556 : i32 to vector<16xi32>
      %and3A_558 = arith.andi %shift_right_arithmetic3A_555, %and3A_557 : vector<16xi32>
      %xor3A_559 = arith.xori %get3A_552, %and3A_558 : vector<16xi32>
      %sub3A_560 = arith.subi %while3A, %add3A_550 : i32
      %min3A_561 = vector.broadcast %sub3A_560 : i32 to vector<16xi32>
      %min3A_562 = arith.minsi %add3A_8, %min3A_561 : vector<16xi32>
      %sub3A_563 = arith.subi %while3A_39, %add3A_550 : i32
      %max3A_564 = arith.constant 0 : i32
      %max3A_565 = arith.maxsi %sub3A_563, %max3A_564 : i32
      %sub3A_566 = vector.broadcast %max3A_565 : i32 to vector<16xi32>
      %sub3A_567 = arith.subi %min3A_562, %sub3A_566 : vector<16xi32>
      %jit3A_568 = arith.constant 0 : i32
      %jit3A_569 = arith.constant 16 : i32
      %max3A_570 = vector.broadcast %jit3A_568 : i32 to vector<16xi32>
      %max3A_571 = arith.maxsi %max3A_570, %sub3A_567 : vector<16xi32>
      %min3A_572 = vector.broadcast %jit3A_569 : i32 to vector<16xi32>
      %min3A_573 = arith.minsi %min3A_572, %max3A_571 : vector<16xi32>
      %add3A_574 = vector.broadcast %add3A_550 : i32 to vector<16xi32>
      %add3A_575 = arith.addi %add3A_574, %iota3A_5 : vector<16xi32>
      %ge3A_576 = vector.broadcast %while3A_39 : i32 to vector<16xi32>
      %ge3A_577 = arith.cmpi sge, %add3A_575, %ge3A_576 : vector<16xi32>
      %add3A_578 = vector.broadcast %add3A_550 : i32 to vector<16xi32>
      %add3A_579 = arith.addi %add3A_578, %iota3A_5 : vector<16xi32>
      %lt3A_580 = vector.broadcast %while3A : i32 to vector<16xi32>
      %lt3A_581 = arith.cmpi slt, %add3A_579, %lt3A_580 : vector<16xi32>
      %and3A_582 = arith.andi %ge3A_577, %lt3A_581 : vector<16xi1>
      %ge3A_583 = vector.broadcast %xor3A_12 : i32 to vector<16xi32>
      %ge3A_584 = arith.cmpi sge, %xor3A_559, %ge3A_583 : vector<16xi32>
      %and3A_585 = arith.andi %ge3A_584, %and3A_582 : vector<16xi1>
      %not3A_586 = arith.constant dense<true> : vector<16xi1>
      %not3A_587 = arith.xori %ge3A_584, %not3A_586 : vector<16xi1>
      %and3A_588 = arith.andi %not3A_587, %and3A_582 : vector<16xi1>
      %convert_element_type3A_589 = arith.extui %and3A_585 : vector<16xi1> to vector<16xi32>
      %broadcast_in_dim3A_590 = arith.constant true
      %broadcast_in_dim3A_591 = vector.broadcast %broadcast_in_dim3A_590 : i1 to vector<16xi1>
      %masked_cumsum3A_592 = tpu.scan <sum>, %convert_element_type3A_589 masked %broadcast_in_dim3A_591 : vector<16xi32>, vector<16xi1> -> vector<16xi32>
      %sub3A_593 = arith.constant 1 : i32
      %sub3A_594 = vector.broadcast %sub3A_593 : i32 to vector<16xi32>
      %sub3A_595 = arith.subi %masked_cumsum3A_592, %sub3A_594 : vector<16xi32>
      %add3A_596 = arith.addi %add3A_546, %sub3A_595 : vector<16xi32>
      tpu.vector_store_idx %arg6[%add3A_596], %xor3A_559 masked %and3A_585 : memref<32832xi32, #tpu.memory_space<vmem>>[vector<16xi32>], vector<16xi32>, vector<16xi1>
      %sub3A_597 = arith.subi %min3A_573, %masked_cumsum3A_592 : vector<16xi32>
      %sub3A_598 = arith.constant 32767 : i32
      %sub3A_599 = vector.broadcast %sub3A_598 : i32 to vector<16xi32>
      %sub3A_600 = arith.subi %sub3A_599, %add3A_548 : vector<16xi32>
      %sub3A_601 = arith.constant 1 : i32
      %sub3A_602 = vector.broadcast %sub3A_601 : i32 to vector<16xi32>
      %sub3A_603 = arith.subi %sub3A_597, %sub3A_602 : vector<16xi32>
      %sub3A_604 = arith.subi %sub3A_600, %sub3A_603 : vector<16xi32>
      tpu.vector_store_idx %arg6[%sub3A_604], %xor3A_559 masked %and3A_588 : memref<32832xi32, #tpu.memory_space<vmem>>[vector<16xi32>], vector<16xi32>, vector<16xi1>
      %all_reduce_population_count3A_605 = tpu.all_reduce %and3A_585 {dim = 0 : i64, kind = #tpu.reduction_kind<sum>} : vector<16xi1> -> vector<16xi32>
      %add3A_606 = arith.addi %add3A_546, %all_reduce_population_count3A_605 : vector<16xi32>
      %all_reduce_population_count3A_607 = tpu.all_reduce %and3A_588 {dim = 0 : i64, kind = #tpu.reduction_kind<sum>} : vector<16xi1> -> vector<16xi32>
      %add3A_608 = arith.addi %add3A_548, %all_reduce_population_count3A_607 : vector<16xi32>
      scf.yield %add3A_606, %add3A_608 : vector<16xi32>, vector<16xi32>
    }
    %while3A_49 = arith.constant 1 : i32
    %while3A_50:2 = scf.for %while3A_371 = %while3A_46 to %while3A_42 step %while3A_49 iter_args(%while3A_372 = %while3A_48#0, %while3A_373 = %while3A_48#1) -> (vector<16xi32>, vector<16xi32>)  : i32 {
      %mul3A_374 = arith.constant 64 : i32
      %mul3A_375 = arith.muli %while3A_371, %mul3A_374 : i32
      %add3A_376 = arith.addi %and3A_15, %mul3A_375 : i32
      %add3A_377 = arith.constant 0 : i32
      %add3A_378 = arith.addi %add3A_376, %add3A_377 : i32
      %get3A = arith.index_cast %add3A_378 : i32 to index
      %get3A_379 = tpu.vector_load %arg5[%get3A] {strides = array<i32>} : memref<32768xi32, #tpu.memory_space<vmem>>, vector<16xi32>,
      %shift_right_arithmetic3A = arith.constant 31 : i32
      %shift_right_arithmetic3A_380 = vector.broadcast %shift_right_arithmetic3A : i32 to vector<16xi32>
      %shift_right_arithmetic3A_381 = arith.shrsi %get3A_379, %shift_right_arithmetic3A_380 : vector<16xi32>
      %and3A_382 = arith.constant 2147483647 : i32
      %and3A_383 = vector.broadcast %and3A_382 : i32 to vector<16xi32>
      %and3A_384 = arith.andi %shift_right_arithmetic3A_381, %and3A_383 : vector<16xi32>
      %xor3A_385 = arith.xori %get3A_379, %and3A_384 : vector<16xi32>
      %sub3A_386 = arith.subi %while3A, %add3A_378 : i32
      %min3A = vector.broadcast %sub3A_386 : i32 to vector<16xi32>
      %min3A_387 = arith.minsi %add3A_8, %min3A : vector<16xi32>
      %sub3A_388 = arith.subi %while3A_39, %add3A_378 : i32
      %max3A = arith.constant 0 : i32
      %max3A_389 = arith.maxsi %sub3A_388, %max3A : i32
      %sub3A_390 = vector.broadcast %max3A_389 : i32 to vector<16xi32>
      %sub3A_391 = arith.subi %min3A_387, %sub3A_390 : vector<16xi32>
      %jit3A_392 = arith.constant 0 : i32
      %jit3A_393 = arith.constant 16 : i32
      %max3A_394 = vector.broadcast %jit3A_392 : i32 to vector<16xi32>
      %max3A_395 = arith.maxsi %max3A_394, %sub3A_391 : vector<16xi32>
      %min3A_396 = vector.broadcast %jit3A_393 : i32 to vector<16xi32>
      %min3A_397 = arith.minsi %min3A_396, %max3A_395 : vector<16xi32>
      %add3A_398 = vector.broadcast %add3A_378 : i32 to vector<16xi32>
      %add3A_399 = arith.addi %add3A_398, %iota3A_5 : vector<16xi32>
      %ge3A_400 = vector.broadcast %while3A_39 : i32 to vector<16xi32>
      %ge3A_401 = arith.cmpi sge, %add3A_399, %ge3A_400 : vector<16xi32>
      %add3A_402 = vector.broadcast %add3A_378 : i32 to vector<16xi32>
      %add3A_403 = arith.addi %add3A_402, %iota3A_5 : vector<16xi32>
      %lt3A = vector.broadcast %while3A : i32 to vector<16xi32>
      %lt3A_404 = arith.cmpi slt, %add3A_403, %lt3A : vector<16xi32>
      %and3A_405 = arith.andi %ge3A_401, %lt3A_404 : vector<16xi1>
      %ge3A_406 = vector.broadcast %xor3A_12 : i32 to vector<16xi32>
      %ge3A_407 = arith.cmpi sge, %xor3A_385, %ge3A_406 : vector<16xi32>
      %and3A_408 = arith.andi %ge3A_407, %and3A_405 : vector<16xi1>
      %not3A_409 = arith.constant dense<true> : vector<16xi1>
      %not3A_410 = arith.xori %ge3A_407, %not3A_409 : vector<16xi1>
      %and3A_411 = arith.andi %not3A_410, %and3A_405 : vector<16xi1>
      %convert_element_type3A = arith.extui %and3A_408 : vector<16xi1> to vector<16xi32>
      %broadcast_in_dim3A_412 = arith.constant true
      %broadcast_in_dim3A_413 = vector.broadcast %broadcast_in_dim3A_412 : i1 to vector<16xi1>
      %masked_cumsum3A = tpu.scan <sum>, %convert_element_type3A masked %broadcast_in_dim3A_413 : vector<16xi32>, vector<16xi1> -> vector<16xi32>
      %sub3A_414 = arith.constant 1 : i32
      %sub3A_415 = vector.broadcast %sub3A_414 : i32 to vector<16xi32>
      %sub3A_416 = arith.subi %masked_cumsum3A, %sub3A_415 : vector<16xi32>
      %add3A_417 = arith.addi %while3A_372, %sub3A_416 : vector<16xi32>
      tpu.vector_store_idx %arg6[%add3A_417], %xor3A_385 masked %and3A_408 : memref<32832xi32, #tpu.memory_space<vmem>>[vector<16xi32>], vector<16xi32>, vector<16xi1>
      %sub3A_418 = arith.subi %min3A_397, %masked_cumsum3A : vector<16xi32>
      %sub3A_419 = arith.constant 32767 : i32
      %sub3A_420 = vector.broadcast %sub3A_419 : i32 to vector<16xi32>
      %sub3A_421 = arith.subi %sub3A_420, %while3A_373 : vector<16xi32>
      %sub3A_422 = arith.constant 1 : i32
      %sub3A_423 = vector.broadcast %sub3A_422 : i32 to vector<16xi32>
      %sub3A_424 = arith.subi %sub3A_418, %sub3A_423 : vector<16xi32>
      %sub3A_425 = arith.subi %sub3A_421, %sub3A_424 : vector<16xi32>
      tpu.vector_store_idx %arg6[%sub3A_425], %xor3A_385 masked %and3A_411 : memref<32832xi32, #tpu.memory_space<vmem>>[vector<16xi32>], vector<16xi32>, vector<16xi1>
      %all_reduce_population_count3A = tpu.all_reduce %and3A_408 {dim = 0 : i64, kind = #tpu.reduction_kind<sum>} : vector<16xi1> -> vector<16xi32>
      %add3A_426 = arith.addi %while3A_372, %all_reduce_population_count3A : vector<16xi32>
      %all_reduce_population_count3A_427 = tpu.all_reduce %and3A_411 {dim = 0 : i64, kind = #tpu.reduction_kind<sum>} : vector<16xi1> -> vector<16xi32>
      %add3A_428 = arith.addi %while3A_373, %all_reduce_population_count3A_427 : vector<16xi32>
      %add3A_429 = arith.constant 16 : i32
      %add3A_430 = arith.addi %add3A_376, %add3A_429 : i32
      %get3A_431 = arith.index_cast %add3A_430 : i32 to index
      %get3A_432 = tpu.vector_load %arg5[%get3A_431] {strides = array<i32>} : memref<32768xi32, #tpu.memory_space<vmem>>, vector<16xi32>,
      %shift_right_arithmetic3A_433 = arith.constant 31 : i32
      %shift_right_arithmetic3A_434 = vector.broadcast %shift_right_arithmetic3A_433 : i32 to vector<16xi32>
      %shift_right_arithmetic3A_435 = arith.shrsi %get3A_432, %shift_right_arithmetic3A_434 : vector<16xi32>
      %and3A_436 = arith.constant 2147483647 : i32
      %and3A_437 = vector.broadcast %and3A_436 : i32 to vector<16xi32>
      %and3A_438 = arith.andi %shift_right_arithmetic3A_435, %and3A_437 : vector<16xi32>
      %xor3A_439 = arith.xori %get3A_432, %and3A_438 : vector<16xi32>
      %sub3A_440 = arith.subi %while3A, %add3A_430 : i32
      %min3A_441 = vector.broadcast %sub3A_440 : i32 to vector<16xi32>
      %min3A_442 = arith.minsi %add3A_8, %min3A_441 : vector<16xi32>
      %sub3A_443 = arith.subi %while3A_39, %add3A_430 : i32
      %max3A_444 = arith.constant 0 : i32
      %max3A_445 = arith.maxsi %sub3A_443, %max3A_444 : i32
      %sub3A_446 = vector.broadcast %max3A_445 : i32 to vector<16xi32>
      %sub3A_447 = arith.subi %min3A_442, %sub3A_446 : vector<16xi32>
      %jit3A_448 = arith.constant 0 : i32
      %jit3A_449 = arith.constant 16 : i32
      %max3A_450 = vector.broadcast %jit3A_448 : i32 to vector<16xi32>
      %max3A_451 = arith.maxsi %max3A_450, %sub3A_447 : vector<16xi32>
      %min3A_452 = vector.broadcast %jit3A_449 : i32 to vector<16xi32>
      %min3A_453 = arith.minsi %min3A_452, %max3A_451 : vector<16xi32>
      %add3A_454 = vector.broadcast %add3A_430 : i32 to vector<16xi32>
      %add3A_455 = arith.addi %add3A_454, %iota3A_5 : vector<16xi32>
      %ge3A_456 = vector.broadcast %while3A_39 : i32 to vector<16xi32>
      %ge3A_457 = arith.cmpi sge, %add3A_455, %ge3A_456 : vector<16xi32>
      %add3A_458 = vector.broadcast %add3A_430 : i32 to vector<16xi32>
      %add3A_459 = arith.addi %add3A_458, %iota3A_5 : vector<16xi32>
      %lt3A_460 = vector.broadcast %while3A : i32 to vector<16xi32>
      %lt3A_461 = arith.cmpi slt, %add3A_459, %lt3A_460 : vector<16xi32>
      %and3A_462 = arith.andi %ge3A_457, %lt3A_461 : vector<16xi1>
      %ge3A_463 = vector.broadcast %xor3A_12 : i32 to vector<16xi32>
      %ge3A_464 = arith.cmpi sge, %xor3A_439, %ge3A_463 : vector<16xi32>
      %and3A_465 = arith.andi %ge3A_464, %and3A_462 : vector<16xi1>
      %not3A_466 = arith.constant dense<true> : vector<16xi1>
      %not3A_467 = arith.xori %ge3A_464, %not3A_466 : vector<16xi1>
      %and3A_468 = arith.andi %not3A_467, %and3A_462 : vector<16xi1>
      %convert_element_type3A_469 = arith.extui %and3A_465 : vector<16xi1> to vector<16xi32>
      %broadcast_in_dim3A_470 = arith.constant true
      %broadcast_in_dim3A_471 = vector.broadcast %broadcast_in_dim3A_470 : i1 to vector<16xi1>
      %masked_cumsum3A_472 = tpu.scan <sum>, %convert_element_type3A_469 masked %broadcast_in_dim3A_471 : vector<16xi32>, vector<16xi1> -> vector<16xi32>
      %sub3A_473 = arith.constant 1 : i32
      %sub3A_474 = vector.broadcast %sub3A_473 : i32 to vector<16xi32>
      %sub3A_475 = arith.subi %masked_cumsum3A_472, %sub3A_474 : vector<16xi32>
      %add3A_476 = arith.addi %add3A_426, %sub3A_475 : vector<16xi32>
      tpu.vector_store_idx %arg6[%add3A_476], %xor3A_439 masked %and3A_465 : memref<32832xi32, #tpu.memory_space<vmem>>[vector<16xi32>], vector<16xi32>, vector<16xi1>
      %sub3A_477 = arith.subi %min3A_453, %masked_cumsum3A_472 : vector<16xi32>
      %sub3A_478 = arith.constant 32767 : i32
      %sub3A_479 = vector.broadcast %sub3A_478 : i32 to vector<16xi32>
      %sub3A_480 = arith.subi %sub3A_479, %add3A_428 : vector<16xi32>
      %sub3A_481 = arith.constant 1 : i32
      %sub3A_482 = vector.broadcast %sub3A_481 : i32 to vector<16xi32>
      %sub3A_483 = arith.subi %sub3A_477, %sub3A_482 : vector<16xi32>
      %sub3A_484 = arith.subi %sub3A_480, %sub3A_483 : vector<16xi32>
      tpu.vector_store_idx %arg6[%sub3A_484], %xor3A_439 masked %and3A_468 : memref<32832xi32, #tpu.memory_space<vmem>>[vector<16xi32>], vector<16xi32>, vector<16xi1>
      %all_reduce_population_count3A_485 = tpu.all_reduce %and3A_465 {dim = 0 : i64, kind = #tpu.reduction_kind<sum>} : vector<16xi1> -> vector<16xi32>
      %add3A_486 = arith.addi %add3A_426, %all_reduce_population_count3A_485 : vector<16xi32>
      %all_reduce_population_count3A_487 = tpu.all_reduce %and3A_468 {dim = 0 : i64, kind = #tpu.reduction_kind<sum>} : vector<16xi1> -> vector<16xi32>
      %add3A_488 = arith.addi %add3A_428, %all_reduce_population_count3A_487 : vector<16xi32>
      %add3A_489 = arith.constant 32 : i32
      %add3A_490 = arith.addi %add3A_376, %add3A_489 : i32
      %get3A_491 = arith.index_cast %add3A_490 : i32 to index
      %get3A_492 = tpu.vector_load %arg5[%get3A_491] {strides = array<i32>} : memref<32768xi32, #tpu.memory_space<vmem>>, vector<16xi32>,
      %shift_right_arithmetic3A_493 = arith.constant 31 : i32
      %shift_right_arithmetic3A_494 = vector.broadcast %shift_right_arithmetic3A_493 : i32 to vector<16xi32>
      %shift_right_arithmetic3A_495 = arith.shrsi %get3A_492, %shift_right_arithmetic3A_494 : vector<16xi32>
      %and3A_496 = arith.constant 2147483647 : i32
      %and3A_497 = vector.broadcast %and3A_496 : i32 to vector<16xi32>
      %and3A_498 = arith.andi %shift_right_arithmetic3A_495, %and3A_497 : vector<16xi32>
      %xor3A_499 = arith.xori %get3A_492, %and3A_498 : vector<16xi32>
      %sub3A_500 = arith.subi %while3A, %add3A_490 : i32
      %min3A_501 = vector.broadcast %sub3A_500 : i32 to vector<16xi32>
      %min3A_502 = arith.minsi %add3A_8, %min3A_501 : vector<16xi32>
      %sub3A_503 = arith.subi %while3A_39, %add3A_490 : i32
      %max3A_504 = arith.constant 0 : i32
      %max3A_505 = arith.maxsi %sub3A_503, %max3A_504 : i32
      %sub3A_506 = vector.broadcast %max3A_505 : i32 to vector<16xi32>
      %sub3A_507 = arith.subi %min3A_502, %sub3A_506 : vector<16xi32>
      %jit3A_508 = arith.constant 0 : i32
      %jit3A_509 = arith.constant 16 : i32
      %max3A_510 = vector.broadcast %jit3A_508 : i32 to vector<16xi32>
      %max3A_511 = arith.maxsi %max3A_510, %sub3A_507 : vector<16xi32>
      %min3A_512 = vector.broadcast %jit3A_509 : i32 to vector<16xi32>
      %min3A_513 = arith.minsi %min3A_512, %max3A_511 : vector<16xi32>
      %add3A_514 = vector.broadcast %add3A_490 : i32 to vector<16xi32>
      %add3A_515 = arith.addi %add3A_514, %iota3A_5 : vector<16xi32>
      %ge3A_516 = vector.broadcast %while3A_39 : i32 to vector<16xi32>
      %ge3A_517 = arith.cmpi sge, %add3A_515, %ge3A_516 : vector<16xi32>
      %add3A_518 = vector.broadcast %add3A_490 : i32 to vector<16xi32>
      %add3A_519 = arith.addi %add3A_518, %iota3A_5 : vector<16xi32>
      %lt3A_520 = vector.broadcast %while3A : i32 to vector<16xi32>
      %lt3A_521 = arith.cmpi slt, %add3A_519, %lt3A_520 : vector<16xi32>
      %and3A_522 = arith.andi %ge3A_517, %lt3A_521 : vector<16xi1>
      %ge3A_523 = vector.broadcast %xor3A_12 : i32 to vector<16xi32>
      %ge3A_524 = arith.cmpi sge, %xor3A_499, %ge3A_523 : vector<16xi32>
      %and3A_525 = arith.andi %ge3A_524, %and3A_522 : vector<16xi1>
      %not3A_526 = arith.constant dense<true> : vector<16xi1>
      %not3A_527 = arith.xori %ge3A_524, %not3A_526 : vector<16xi1>
      %and3A_528 = arith.andi %not3A_527, %and3A_522 : vector<16xi1>
      %convert_element_type3A_529 = arith.extui %and3A_525 : vector<16xi1> to vector<16xi32>
      %broadcast_in_dim3A_530 = arith.constant true
      %broadcast_in_dim3A_531 = vector.broadcast %broadcast_in_dim3A_530 : i1 to vector<16xi1>
      %masked_cumsum3A_532 = tpu.scan <sum>, %convert_element_type3A_529 masked %broadcast_in_dim3A_531 : vector<16xi32>, vector<16xi1> -> vector<16xi32>
      %sub3A_533 = arith.constant 1 : i32
      %sub3A_534 = vector.broadcast %sub3A_533 : i32 to vector<16xi32>
      %sub3A_535 = arith.subi %masked_cumsum3A_532, %sub3A_534 : vector<16xi32>
      %add3A_536 = arith.addi %add3A_486, %sub3A_535 : vector<16xi32>
      tpu.vector_store_idx %arg6[%add3A_536], %xor3A_499 masked %and3A_525 : memref<32832xi32, #tpu.memory_space<vmem>>[vector<16xi32>], vector<16xi32>, vector<16xi1>
      %sub3A_537 = arith.subi %min3A_513, %masked_cumsum3A_532 : vector<16xi32>
      %sub3A_538 = arith.constant 32767 : i32
      %sub3A_539 = vector.broadcast %sub3A_538 : i32 to vector<16xi32>
      %sub3A_540 = arith.subi %sub3A_539, %add3A_488 : vector<16xi32>
      %sub3A_541 = arith.constant 1 : i32
      %sub3A_542 = vector.broadcast %sub3A_541 : i32 to vector<16xi32>
      %sub3A_543 = arith.subi %sub3A_537, %sub3A_542 : vector<16xi32>
      %sub3A_544 = arith.subi %sub3A_540, %sub3A_543 : vector<16xi32>
      tpu.vector_store_idx %arg6[%sub3A_544], %xor3A_499 masked %and3A_528 : memref<32832xi32, #tpu.memory_space<vmem>>[vector<16xi32>], vector<16xi32>, vector<16xi1>
      %all_reduce_population_count3A_545 = tpu.all_reduce %and3A_525 {dim = 0 : i64, kind = #tpu.reduction_kind<sum>} : vector<16xi1> -> vector<16xi32>
      %add3A_546 = arith.addi %add3A_486, %all_reduce_population_count3A_545 : vector<16xi32>
      %all_reduce_population_count3A_547 = tpu.all_reduce %and3A_528 {dim = 0 : i64, kind = #tpu.reduction_kind<sum>} : vector<16xi1> -> vector<16xi32>
      %add3A_548 = arith.addi %add3A_488, %all_reduce_population_count3A_547 : vector<16xi32>
      %add3A_549 = arith.constant 48 : i32
      %add3A_550 = arith.addi %add3A_376, %add3A_549 : i32
      %get3A_551 = arith.index_cast %add3A_550 : i32 to index
      %get3A_552 = tpu.vector_load %arg5[%get3A_551] {strides = array<i32>} : memref<32768xi32, #tpu.memory_space<vmem>>, vector<16xi32>,
      %shift_right_arithmetic3A_553 = arith.constant 31 : i32
      %shift_right_arithmetic3A_554 = vector.broadcast %shift_right_arithmetic3A_553 : i32 to vector<16xi32>
      %shift_right_arithmetic3A_555 = arith.shrsi %get3A_552, %shift_right_arithmetic3A_554 : vector<16xi32>
      %and3A_556 = arith.constant 2147483647 : i32
      %and3A_557 = vector.broadcast %and3A_556 : i32 to vector<16xi32>
      %and3A_558 = arith.andi %shift_right_arithmetic3A_555, %and3A_557 : vector<16xi32>
      %xor3A_559 = arith.xori %get3A_552, %and3A_558 : vector<16xi32>
      %sub3A_560 = arith.subi %while3A, %add3A_550 : i32
      %min3A_561 = vector.broadcast %sub3A_560 : i32 to vector<16xi32>
      %min3A_562 = arith.minsi %add3A_8, %min3A_561 : vector<16xi32>
      %sub3A_563 = arith.subi %while3A_39, %add3A_550 : i32
      %max3A_564 = arith.constant 0 : i32
      %max3A_565 = arith.maxsi %sub3A_563, %max3A_564 : i32
      %sub3A_566 = vector.broadcast %max3A_565 : i32 to vector<16xi32>
      %sub3A_567 = arith.subi %min3A_562, %sub3A_566 : vector<16xi32>
      %jit3A_568 = arith.constant 0 : i32
      %jit3A_569 = arith.constant 16 : i32
      %max3A_570 = vector.broadcast %jit3A_568 : i32 to vector<16xi32>
      %max3A_571 = arith.maxsi %max3A_570, %sub3A_567 : vector<16xi32>
      %min3A_572 = vector.broadcast %jit3A_569 : i32 to vector<16xi32>
      %min3A_573 = arith.minsi %min3A_572, %max3A_571 : vector<16xi32>
      %add3A_574 = vector.broadcast %add3A_550 : i32 to vector<16xi32>
      %add3A_575 = arith.addi %add3A_574, %iota3A_5 : vector<16xi32>
      %ge3A_576 = vector.broadcast %while3A_39 : i32 to vector<16xi32>
      %ge3A_577 = arith.cmpi sge, %add3A_575, %ge3A_576 : vector<16xi32>
      %add3A_578 = vector.broadcast %add3A_550 : i32 to vector<16xi32>
      %add3A_579 = arith.addi %add3A_578, %iota3A_5 : vector<16xi32>
      %lt3A_580 = vector.broadcast %while3A : i32 to vector<16xi32>
      %lt3A_581 = arith.cmpi slt, %add3A_579, %lt3A_580 : vector<16xi32>
      %and3A_582 = arith.andi %ge3A_577, %lt3A_581 : vector<16xi1>
      %ge3A_583 = vector.broadcast %xor3A_12 : i32 to vector<16xi32>
      %ge3A_584 = arith.cmpi sge, %xor3A_559, %ge3A_583 : vector<16xi32>
      %and3A_585 = arith.andi %ge3A_584, %and3A_582 : vector<16xi1>
      %not3A_586 = arith.constant dense<true> : vector<16xi1>
      %not3A_587 = arith.xori %ge3A_584, %not3A_586 : vector<16xi1>
      %and3A_588 = arith.andi %not3A_587, %and3A_582 : vector<16xi1>
      %convert_element_type3A_589 = arith.extui %and3A_585 : vector<16xi1> to vector<16xi32>
      %broadcast_in_dim3A_590 = arith.constant true
      %broadcast_in_dim3A_591 = vector.broadcast %broadcast_in_dim3A_590 : i1 to vector<16xi1>
      %masked_cumsum3A_592 = tpu.scan <sum>, %convert_element_type3A_589 masked %broadcast_in_dim3A_591 : vector<16xi32>, vector<16xi1> -> vector<16xi32>
      %sub3A_593 = arith.constant 1 : i32
      %sub3A_594 = vector.broadcast %sub3A_593 : i32 to vector<16xi32>
      %sub3A_595 = arith.subi %masked_cumsum3A_592, %sub3A_594 : vector<16xi32>
      %add3A_596 = arith.addi %add3A_546, %sub3A_595 : vector<16xi32>
      tpu.vector_store_idx %arg6[%add3A_596], %xor3A_559 masked %and3A_585 : memref<32832xi32, #tpu.memory_space<vmem>>[vector<16xi32>], vector<16xi32>, vector<16xi1>
      %sub3A_597 = arith.subi %min3A_573, %masked_cumsum3A_592 : vector<16xi32>
      %sub3A_598 = arith.constant 32767 : i32
      %sub3A_599 = vector.broadcast %sub3A_598 : i32 to vector<16xi32>
      %sub3A_600 = arith.subi %sub3A_599, %add3A_548 : vector<16xi32>
      %sub3A_601 = arith.constant 1 : i32
      %sub3A_602 = vector.broadcast %sub3A_601 : i32 to vector<16xi32>
      %sub3A_603 = arith.subi %sub3A_597, %sub3A_602 : vector<16xi32>
      %sub3A_604 = arith.subi %sub3A_600, %sub3A_603 : vector<16xi32>
      tpu.vector_store_idx %arg6[%sub3A_604], %xor3A_559 masked %and3A_588 : memref<32832xi32, #tpu.memory_space<vmem>>[vector<16xi32>], vector<16xi32>, vector<16xi1>
      %all_reduce_population_count3A_605 = tpu.all_reduce %and3A_585 {dim = 0 : i64, kind = #tpu.reduction_kind<sum>} : vector<16xi1> -> vector<16xi32>
      %add3A_606 = arith.addi %add3A_546, %all_reduce_population_count3A_605 : vector<16xi32>
      %all_reduce_population_count3A_607 = tpu.all_reduce %and3A_588 {dim = 0 : i64, kind = #tpu.reduction_kind<sum>} : vector<16xi1> -> vector<16xi32>
      %add3A_608 = arith.addi %add3A_548, %all_reduce_population_count3A_607 : vector<16xi32>
      scf.yield %add3A_606, %add3A_608 : vector<16xi32>, vector<16xi32>
    }
    %reduce_max3A = arith.constant true
    %reduce_max3A_51 = vector.broadcast %reduce_max3A : i1 to vector<16xi1>
    %reduce_max3A_52 = arith.constant -2147483648 : i32
    %reduce_max3A_53 = vector.broadcast %reduce_max3A_52 : i32 to vector<16xi32>
    %reduce_max3A_54 = arith.xori %while3A_50#0, %reduce_max3A_53 : vector<16xi32>
    %reduce_max3A_55 = tpu.scan <max>, %reduce_max3A_54 masked %reduce_max3A_51 : vector<16xi32>, vector<16xi1> -> vector<16xi32>
    %reduce_max3A_56 = arith.xori %reduce_max3A_55, %reduce_max3A_53 : vector<16xi32>
    %reduce_max3A_57 = vector.extract %reduce_max3A_56[15] : i32 from vector<16xi32>
    %reduce_max3A_58 = arith.constant true
    %reduce_max3A_59 = vector.broadcast %reduce_max3A_58 : i1 to vector<16xi1>
    %reduce_max3A_60 = arith.constant -2147483648 : i32
    %reduce_max3A_61 = vector.broadcast %reduce_max3A_60 : i32 to vector<16xi32>
    %reduce_max3A_62 = arith.xori %while3A_50#1, %reduce_max3A_61 : vector<16xi32>
    %reduce_max3A_63 = tpu.scan <max>, %reduce_max3A_62 masked %reduce_max3A_59 : vector<16xi32>, vector<16xi1> -> vector<16xi32>
    %reduce_max3A_64 = arith.xori %reduce_max3A_63, %reduce_max3A_61 : vector<16xi32>
    %reduce_max3A_65 = vector.extract %reduce_max3A_64[15] : i32 from vector<16xi32>
    %add3A_66 = arith.constant 0 : i32
    %add3A_67 = arith.addi %add3A_66, %reduce_max3A_57 : i32
    %ge3A = arith.constant 2048 : i32
    %ge3A_68 = arith.cmpi sge, %add3A_67, %ge3A : i32
    %jit3A_69 = arith.constant 0 : i32
    %select_n3A_70 = arith.select %ge3A_68, %or3A_11, %jit3A_69 : i32
    %add3A_71 = arith.constant 0 : i32
    %add3A_72 = arith.addi %add3A_71, %reduce_max3A_57 : i32
    %jit3A_73 = arith.constant 0 : i32
    %select_n3A_74 = arith.select %ge3A_68, %jit3A_73, %add3A_72 : i32
    %sub3A_75 = arith.constant 32768 : i32
    %sub3A_76 = arith.subi %sub3A_75, %reduce_max3A_65 : i32
    %jit3A_77 = arith.constant 0 : i32
    %select_n3A_78 = arith.select %ge3A_68, %jit3A_77, %sub3A_76 : i32
    %jit3A_79 = arith.constant 32768 : i32
    %select_n3A_80 = arith.select %ge3A_68, %reduce_max3A_57, %jit3A_79 : i32
    %scan3A_81 = arith.constant 0 : i32
    %scan3A_82 = arith.constant 15 : i32
    %scan3A_83 = arith.addi %scan3A_81, %scan3A_82 : i32
    %scan3A_84 = arith.constant 1 : i32
    %scan3A_85:4 = scf.for %scan3A_371 = %scan3A_81 to %scan3A_83 step %scan3A_84 iter_args(%scan3A_372 = %select_n3A_78, %scan3A_373 = %select_n3A_80, %scan3A_374 = %select_n3A_70, %scan3A_375 = %select_n3A_74) -> (i32, i32, i32, i32)  : i32 {
      %mul3A_376 = arith.constant 2 : i32
      %mul3A_377 = arith.muli %mul3A_376, %scan3A_371 : i32
      %sub3A_378 = arith.constant 30 : i32
      %sub3A_379 = arith.subi %sub3A_378, %mul3A_377 : i32
      %iota3A_380 = tpu.iota {dimensions = array<i32: 0>} : vector<16xi32>
      %add3A_381 = arith.constant 1 : i32
      %add3A_382 = vector.broadcast %add3A_381 : i32 to vector<16xi32>
      %add3A_383 = arith.addi %iota3A_380, %add3A_382 : vector<16xi32>
      %shift_left3A_384 = arith.constant 1 : i32
      %shift_left3A_385 = arith.shli %shift_left3A_384, %sub3A_379 : i32
      %or3A_386 = arith.ori %scan3A_374, %shift_left3A_385 : i32
      %xor3A_387 = arith.constant -2147483648 : i32
      %xor3A_388 = arith.xori %or3A_386, %xor3A_387 : i32
      %not3A_389 = arith.constant 15 : i32
      %not3A_390 = arith.constant -1 : i32
      %not3A_391 = arith.xori %not3A_389, %not3A_390 : i32
      %and3A_392 = arith.andi %scan3A_372, %not3A_391 : i32
      %sub3A_393 = arith.subi %scan3A_373, %and3A_392 : i32
      %add3A_394 = arith.constant 63 : i32
      %add3A_395 = arith.addi %sub3A_393, %add3A_394 : i32
      %jit3A_396 = arith.constant 64 : i32
      %div3A_397 = arith.divsi %add3A_395, %jit3A_396 : i32
      %sign3A_398 = arith.constant 0 : i32
      %sign3A_399 = arith.cmpi sgt, %add3A_395, %sign3A_398 : i32
      %sign3A_400 = arith.extui %sign3A_399 : i1 to i32
      %sign3A_401 = arith.constant 0 : i32
      %sign3A_402 = arith.cmpi slt, %add3A_395, %sign3A_401 : i32
      %sign3A_403 = arith.extui %sign3A_402 : i1 to i32
      %sign3A_404 = arith.subi %sign3A_400, %sign3A_403 : i32
      %sign3A_405 = arith.constant 0 : i32
      %sign3A_406 = arith.cmpi sgt, %jit3A_396, %sign3A_405 : i32
      %sign3A_407 = arith.extui %sign3A_406 : i1 to i32
      %sign3A_408 = arith.constant 0 : i32
      %sign3A_409 = arith.cmpi slt, %jit3A_396, %sign3A_408 : i32
      %sign3A_410 = arith.extui %sign3A_409 : i1 to i32
      %sign3A_411 = arith.subi %sign3A_407, %sign3A_410 : i32
      %ne3A_412 = arith.cmpi ne, %sign3A_404, %sign3A_411 : i32
      %rem3A_413 = arith.remsi %add3A_395, %jit3A_396 : i32
      %ne3A_414 = arith.constant 0 : i32
      %ne3A_415 = arith.cmpi ne, %rem3A_413, %ne3A_414 : i32
      %and3A_416 = arith.andi %ne3A_412, %ne3A_415 : i1
      %sub3A_417 = arith.constant 1 : i32
      %sub3A_418 = arith.subi %div3A_397, %sub3A_417 : i32
      %select_n3A_419 = arith.select %and3A_416, %sub3A_418, %div3A_397 : i32
      %broadcast_in_dim3A_420 = arith.constant 0 : i32
      %broadcast_in_dim3A_421 = vector.broadcast %broadcast_in_dim3A_420 : i32 to vector<16xi32>
      %while3A_422 = arith.constant 0 : i32
      %while3A_423 = arith.subi %select_n3A_419, %while3A_422 : i32
      %while3A_424 = arith.addi %while3A_422, %while3A_423 : i32
      %while3A_425 = arith.constant 1 : i32
      %while3A_426 = arith.divsi %while3A_423, %while3A_425 : i32
      %while3A_427 = arith.muli %while3A_426, %while3A_425 : i32
      %while3A_428 = arith.addi %while3A_422, %while3A_427 : i32
      %while3A_429 = arith.constant 1 : i32
      %while3A_430:2 = scf.for %while3A_544 = %while3A_422 to %while3A_428 step %while3A_429 iter_args(%while3A_545 = %broadcast_in_dim3A_421, %while3A_546 = %broadcast_in_dim3A_421) -> (vector<16xi32>, vector<16xi32>)  : i32 {
        %mul3A_547 = arith.constant 64 : i32
        %mul3A_548 = arith.muli %while3A_544, %mul3A_547 : i32
        %add3A_549 = arith.addi %and3A_392, %mul3A_548 : i32
        %add3A_550 = arith.constant 0 : i32
        %add3A_551 = arith.addi %add3A_549, %add3A_550 : i32
        %get3A = arith.index_cast %add3A_551 : i32 to index
        %get3A_552 = tpu.vector_load %arg6[%get3A] {strides = array<i32>} : memref<32832xi32, #tpu.memory_space<vmem>>, vector<16xi32>,
        %sub3A_553 = arith.subi %scan3A_373, %add3A_551 : i32
        %min3A = vector.broadcast %sub3A_553 : i32 to vector<16xi32>
        %min3A_554 = arith.minsi %add3A_383, %min3A : vector<16xi32>
        %sub3A_555 = arith.subi %scan3A_372, %add3A_551 : i32
        %max3A = arith.constant 0 : i32
        %max3A_556 = arith.maxsi %sub3A_555, %max3A : i32
        %sub3A_557 = vector.broadcast %max3A_556 : i32 to vector<16xi32>
        %sub3A_558 = arith.subi %min3A_554, %sub3A_557 : vector<16xi32>
        %jit3A_559 = arith.constant 0 : i32
        %jit3A_560 = arith.constant 16 : i32
        %max3A_561 = vector.broadcast %jit3A_559 : i32 to vector<16xi32>
        %max3A_562 = arith.maxsi %max3A_561, %sub3A_558 : vector<16xi32>
        %min3A_563 = vector.broadcast %jit3A_560 : i32 to vector<16xi32>
        %min3A_564 = arith.minsi %min3A_563, %max3A_562 : vector<16xi32>
        %add3A_565 = vector.broadcast %add3A_551 : i32 to vector<16xi32>
        %add3A_566 = arith.addi %add3A_565, %iota3A_380 : vector<16xi32>
        %ge3A_567 = vector.broadcast %scan3A_372 : i32 to vector<16xi32>
        %ge3A_568 = arith.cmpi sge, %add3A_566, %ge3A_567 : vector<16xi32>
        %add3A_569 = vector.broadcast %add3A_551 : i32 to vector<16xi32>
        %add3A_570 = arith.addi %add3A_569, %iota3A_380 : vector<16xi32>
        %lt3A = vector.broadcast %scan3A_373 : i32 to vector<16xi32>
        %lt3A_571 = arith.cmpi slt, %add3A_570, %lt3A : vector<16xi32>
        %and3A_572 = arith.andi %ge3A_568, %lt3A_571 : vector<16xi1>
        %ge3A_573 = vector.broadcast %xor3A_388 : i32 to vector<16xi32>
        %ge3A_574 = arith.cmpi sge, %get3A_552, %ge3A_573 : vector<16xi32>
        %and3A_575 = arith.andi %ge3A_574, %and3A_572 : vector<16xi1>
        %not3A_576 = arith.constant dense<true> : vector<16xi1>
        %not3A_577 = arith.xori %ge3A_574, %not3A_576 : vector<16xi1>
        %and3A_578 = arith.andi %not3A_577, %and3A_572 : vector<16xi1>
        %convert_element_type3A = arith.extui %and3A_575 : vector<16xi1> to vector<16xi32>
        %broadcast_in_dim3A_579 = arith.constant true
        %broadcast_in_dim3A_580 = vector.broadcast %broadcast_in_dim3A_579 : i1 to vector<16xi1>
        %masked_cumsum3A = tpu.scan <sum>, %convert_element_type3A masked %broadcast_in_dim3A_580 : vector<16xi32>, vector<16xi1> -> vector<16xi32>
        %sub3A_581 = arith.constant 1 : i32
        %sub3A_582 = vector.broadcast %sub3A_581 : i32 to vector<16xi32>
        %sub3A_583 = arith.subi %masked_cumsum3A, %sub3A_582 : vector<16xi32>
        %add3A_584 = arith.addi %while3A_545, %sub3A_583 : vector<16xi32>
        tpu.vector_store_idx %arg7[%add3A_584], %get3A_552 masked %and3A_575 : memref<32832xi32, #tpu.memory_space<vmem>>[vector<16xi32>], vector<16xi32>, vector<16xi1>
        %sub3A_585 = arith.subi %min3A_564, %masked_cumsum3A : vector<16xi32>
        %sub3A_586 = arith.constant 32767 : i32
        %sub3A_587 = vector.broadcast %sub3A_586 : i32 to vector<16xi32>
        %sub3A_588 = arith.subi %sub3A_587, %while3A_546 : vector<16xi32>
        %sub3A_589 = arith.constant 1 : i32
        %sub3A_590 = vector.broadcast %sub3A_589 : i32 to vector<16xi32>
        %sub3A_591 = arith.subi %sub3A_585, %sub3A_590 : vector<16xi32>
        %sub3A_592 = arith.subi %sub3A_588, %sub3A_591 : vector<16xi32>
        tpu.vector_store_idx %arg7[%sub3A_592], %get3A_552 masked %and3A_578 : memref<32832xi32, #tpu.memory_space<vmem>>[vector<16xi32>], vector<16xi32>, vector<16xi1>
        %all_reduce_population_count3A = tpu.all_reduce %and3A_575 {dim = 0 : i64, kind = #tpu.reduction_kind<sum>} : vector<16xi1> -> vector<16xi32>
        %add3A_593 = arith.addi %while3A_545, %all_reduce_population_count3A : vector<16xi32>
        %all_reduce_population_count3A_594 = tpu.all_reduce %and3A_578 {dim = 0 : i64, kind = #tpu.reduction_kind<sum>} : vector<16xi1> -> vector<16xi32>
        %add3A_595 = arith.addi %while3A_546, %all_reduce_population_count3A_594 : vector<16xi32>
        %add3A_596 = arith.constant 16 : i32
        %add3A_597 = arith.addi %add3A_549, %add3A_596 : i32
        %get3A_598 = arith.index_cast %add3A_597 : i32 to index
        %get3A_599 = tpu.vector_load %arg6[%get3A_598] {strides = array<i32>} : memref<32832xi32, #tpu.memory_space<vmem>>, vector<16xi32>,
        %sub3A_600 = arith.subi %scan3A_373, %add3A_597 : i32
        %min3A_601 = vector.broadcast %sub3A_600 : i32 to vector<16xi32>
        %min3A_602 = arith.minsi %add3A_383, %min3A_601 : vector<16xi32>
        %sub3A_603 = arith.subi %scan3A_372, %add3A_597 : i32
        %max3A_604 = arith.constant 0 : i32
        %max3A_605 = arith.maxsi %sub3A_603, %max3A_604 : i32
        %sub3A_606 = vector.broadcast %max3A_605 : i32 to vector<16xi32>
        %sub3A_607 = arith.subi %min3A_602, %sub3A_606 : vector<16xi32>
        %jit3A_608 = arith.constant 0 : i32
        %jit3A_609 = arith.constant 16 : i32
        %max3A_610 = vector.broadcast %jit3A_608 : i32 to vector<16xi32>
        %max3A_611 = arith.maxsi %max3A_610, %sub3A_607 : vector<16xi32>
        %min3A_612 = vector.broadcast %jit3A_609 : i32 to vector<16xi32>
        %min3A_613 = arith.minsi %min3A_612, %max3A_611 : vector<16xi32>
        %add3A_614 = vector.broadcast %add3A_597 : i32 to vector<16xi32>
        %add3A_615 = arith.addi %add3A_614, %iota3A_380 : vector<16xi32>
        %ge3A_616 = vector.broadcast %scan3A_372 : i32 to vector<16xi32>
        %ge3A_617 = arith.cmpi sge, %add3A_615, %ge3A_616 : vector<16xi32>
        %add3A_618 = vector.broadcast %add3A_597 : i32 to vector<16xi32>
        %add3A_619 = arith.addi %add3A_618, %iota3A_380 : vector<16xi32>
        %lt3A_620 = vector.broadcast %scan3A_373 : i32 to vector<16xi32>
        %lt3A_621 = arith.cmpi slt, %add3A_619, %lt3A_620 : vector<16xi32>
        %and3A_622 = arith.andi %ge3A_617, %lt3A_621 : vector<16xi1>
        %ge3A_623 = vector.broadcast %xor3A_388 : i32 to vector<16xi32>
        %ge3A_624 = arith.cmpi sge, %get3A_599, %ge3A_623 : vector<16xi32>
        %and3A_625 = arith.andi %ge3A_624, %and3A_622 : vector<16xi1>
        %not3A_626 = arith.constant dense<true> : vector<16xi1>
        %not3A_627 = arith.xori %ge3A_624, %not3A_626 : vector<16xi1>
        %and3A_628 = arith.andi %not3A_627, %and3A_622 : vector<16xi1>
        %convert_element_type3A_629 = arith.extui %and3A_625 : vector<16xi1> to vector<16xi32>
        %broadcast_in_dim3A_630 = arith.constant true
        %broadcast_in_dim3A_631 = vector.broadcast %broadcast_in_dim3A_630 : i1 to vector<16xi1>
        %masked_cumsum3A_632 = tpu.scan <sum>, %convert_element_type3A_629 masked %broadcast_in_dim3A_631 : vector<16xi32>, vector<16xi1> -> vector<16xi32>
        %sub3A_633 = arith.constant 1 : i32
        %sub3A_634 = vector.broadcast %sub3A_633 : i32 to vector<16xi32>
        %sub3A_635 = arith.subi %masked_cumsum3A_632, %sub3A_634 : vector<16xi32>
        %add3A_636 = arith.addi %add3A_593, %sub3A_635 : vector<16xi32>
        tpu.vector_store_idx %arg7[%add3A_636], %get3A_599 masked %and3A_625 : memref<32832xi32, #tpu.memory_space<vmem>>[vector<16xi32>], vector<16xi32>, vector<16xi1>
        %sub3A_637 = arith.subi %min3A_613, %masked_cumsum3A_632 : vector<16xi32>
        %sub3A_638 = arith.constant 32767 : i32
        %sub3A_639 = vector.broadcast %sub3A_638 : i32 to vector<16xi32>
        %sub3A_640 = arith.subi %sub3A_639, %add3A_595 : vector<16xi32>
        %sub3A_641 = arith.constant 1 : i32
        %sub3A_642 = vector.broadcast %sub3A_641 : i32 to vector<16xi32>
        %sub3A_643 = arith.subi %sub3A_637, %sub3A_642 : vector<16xi32>
        %sub3A_644 = arith.subi %sub3A_640, %sub3A_643 : vector<16xi32>
        tpu.vector_store_idx %arg7[%sub3A_644], %get3A_599 masked %and3A_628 : memref<32832xi32, #tpu.memory_space<vmem>>[vector<16xi32>], vector<16xi32>, vector<16xi1>
        %all_reduce_population_count3A_645 = tpu.all_reduce %and3A_625 {dim = 0 : i64, kind = #tpu.reduction_kind<sum>} : vector<16xi1> -> vector<16xi32>
        %add3A_646 = arith.addi %add3A_593, %all_reduce_population_count3A_645 : vector<16xi32>
        %all_reduce_population_count3A_647 = tpu.all_reduce %and3A_628 {dim = 0 : i64, kind = #tpu.reduction_kind<sum>} : vector<16xi1> -> vector<16xi32>
        %add3A_648 = arith.addi %add3A_595, %all_reduce_population_count3A_647 : vector<16xi32>
        %add3A_649 = arith.constant 32 : i32
        %add3A_650 = arith.addi %add3A_549, %add3A_649 : i32
        %get3A_651 = arith.index_cast %add3A_650 : i32 to index
        %get3A_652 = tpu.vector_load %arg6[%get3A_651] {strides = array<i32>} : memref<32832xi32, #tpu.memory_space<vmem>>, vector<16xi32>,
        %sub3A_653 = arith.subi %scan3A_373, %add3A_650 : i32
        %min3A_654 = vector.broadcast %sub3A_653 : i32 to vector<16xi32>
        %min3A_655 = arith.minsi %add3A_383, %min3A_654 : vector<16xi32>
        %sub3A_656 = arith.subi %scan3A_372, %add3A_650 : i32
        %max3A_657 = arith.constant 0 : i32
        %max3A_658 = arith.maxsi %sub3A_656, %max3A_657 : i32
        %sub3A_659 = vector.broadcast %max3A_658 : i32 to vector<16xi32>
        %sub3A_660 = arith.subi %min3A_655, %sub3A_659 : vector<16xi32>
        %jit3A_661 = arith.constant 0 : i32
        %jit3A_662 = arith.constant 16 : i32
        %max3A_663 = vector.broadcast %jit3A_661 : i32 to vector<16xi32>
        %max3A_664 = arith.maxsi %max3A_663, %sub3A_660 : vector<16xi32>
        %min3A_665 = vector.broadcast %jit3A_662 : i32 to vector<16xi32>
        %min3A_666 = arith.minsi %min3A_665, %max3A_664 : vector<16xi32>
        %add3A_667 = vector.broadcast %add3A_650 : i32 to vector<16xi32>
        %add3A_668 = arith.addi %add3A_667, %iota3A_380 : vector<16xi32>
        %ge3A_669 = vector.broadcast %scan3A_372 : i32 to vector<16xi32>
        %ge3A_670 = arith.cmpi sge, %add3A_668, %ge3A_669 : vector<16xi32>
        %add3A_671 = vector.broadcast %add3A_650 : i32 to vector<16xi32>
        %add3A_672 = arith.addi %add3A_671, %iota3A_380 : vector<16xi32>
        %lt3A_673 = vector.broadcast %scan3A_373 : i32 to vector<16xi32>
        %lt3A_674 = arith.cmpi slt, %add3A_672, %lt3A_673 : vector<16xi32>
        %and3A_675 = arith.andi %ge3A_670, %lt3A_674 : vector<16xi1>
        %ge3A_676 = vector.broadcast %xor3A_388 : i32 to vector<16xi32>
        %ge3A_677 = arith.cmpi sge, %get3A_652, %ge3A_676 : vector<16xi32>
        %and3A_678 = arith.andi %ge3A_677, %and3A_675 : vector<16xi1>
        %not3A_679 = arith.constant dense<true> : vector<16xi1>
        %not3A_680 = arith.xori %ge3A_677, %not3A_679 : vector<16xi1>
        %and3A_681 = arith.andi %not3A_680, %and3A_675 : vector<16xi1>
        %convert_element_type3A_682 = arith.extui %and3A_678 : vector<16xi1> to vector<16xi32>
        %broadcast_in_dim3A_683 = arith.constant true
        %broadcast_in_dim3A_684 = vector.broadcast %broadcast_in_dim3A_683 : i1 to vector<16xi1>
        %masked_cumsum3A_685 = tpu.scan <sum>, %convert_element_type3A_682 masked %broadcast_in_dim3A_684 : vector<16xi32>, vector<16xi1> -> vector<16xi32>
        %sub3A_686 = arith.constant 1 : i32
        %sub3A_687 = vector.broadcast %sub3A_686 : i32 to vector<16xi32>
        %sub3A_688 = arith.subi %masked_cumsum3A_685, %sub3A_687 : vector<16xi32>
        %add3A_689 = arith.addi %add3A_646, %sub3A_688 : vector<16xi32>
        tpu.vector_store_idx %arg7[%add3A_689], %get3A_652 masked %and3A_678 : memref<32832xi32, #tpu.memory_space<vmem>>[vector<16xi32>], vector<16xi32>, vector<16xi1>
        %sub3A_690 = arith.subi %min3A_666, %masked_cumsum3A_685 : vector<16xi32>
        %sub3A_691 = arith.constant 32767 : i32
        %sub3A_692 = vector.broadcast %sub3A_691 : i32 to vector<16xi32>
        %sub3A_693 = arith.subi %sub3A_692, %add3A_648 : vector<16xi32>
        %sub3A_694 = arith.constant 1 : i32
        %sub3A_695 = vector.broadcast %sub3A_694 : i32 to vector<16xi32>
        %sub3A_696 = arith.subi %sub3A_690, %sub3A_695 : vector<16xi32>
        %sub3A_697 = arith.subi %sub3A_693, %sub3A_696 : vector<16xi32>
        tpu.vector_store_idx %arg7[%sub3A_697], %get3A_652 masked %and3A_681 : memref<32832xi32, #tpu.memory_space<vmem>>[vector<16xi32>], vector<16xi32>, vector<16xi1>
        %all_reduce_population_count3A_698 = tpu.all_reduce %and3A_678 {dim = 0 : i64, kind = #tpu.reduction_kind<sum>} : vector<16xi1> -> vector<16xi32>
        %add3A_699 = arith.addi %add3A_646, %all_reduce_population_count3A_698 : vector<16xi32>
        %all_reduce_population_count3A_700 = tpu.all_reduce %and3A_681 {dim = 0 : i64, kind = #tpu.reduction_kind<sum>} : vector<16xi1> -> vector<16xi32>
        %add3A_701 = arith.addi %add3A_648, %all_reduce_population_count3A_700 : vector<16xi32>
        %add3A_702 = arith.constant 48 : i32
        %add3A_703 = arith.addi %add3A_549, %add3A_702 : i32
        %get3A_704 = arith.index_cast %add3A_703 : i32 to index
        %get3A_705 = tpu.vector_load %arg6[%get3A_704] {strides = array<i32>} : memref<32832xi32, #tpu.memory_space<vmem>>, vector<16xi32>,
        %sub3A_706 = arith.subi %scan3A_373, %add3A_703 : i32
        %min3A_707 = vector.broadcast %sub3A_706 : i32 to vector<16xi32>
        %min3A_708 = arith.minsi %add3A_383, %min3A_707 : vector<16xi32>
        %sub3A_709 = arith.subi %scan3A_372, %add3A_703 : i32
        %max3A_710 = arith.constant 0 : i32
        %max3A_711 = arith.maxsi %sub3A_709, %max3A_710 : i32
        %sub3A_712 = vector.broadcast %max3A_711 : i32 to vector<16xi32>
        %sub3A_713 = arith.subi %min3A_708, %sub3A_712 : vector<16xi32>
        %jit3A_714 = arith.constant 0 : i32
        %jit3A_715 = arith.constant 16 : i32
        %max3A_716 = vector.broadcast %jit3A_714 : i32 to vector<16xi32>
        %max3A_717 = arith.maxsi %max3A_716, %sub3A_713 : vector<16xi32>
        %min3A_718 = vector.broadcast %jit3A_715 : i32 to vector<16xi32>
        %min3A_719 = arith.minsi %min3A_718, %max3A_717 : vector<16xi32>
        %add3A_720 = vector.broadcast %add3A_703 : i32 to vector<16xi32>
        %add3A_721 = arith.addi %add3A_720, %iota3A_380 : vector<16xi32>
        %ge3A_722 = vector.broadcast %scan3A_372 : i32 to vector<16xi32>
        %ge3A_723 = arith.cmpi sge, %add3A_721, %ge3A_722 : vector<16xi32>
        %add3A_724 = vector.broadcast %add3A_703 : i32 to vector<16xi32>
        %add3A_725 = arith.addi %add3A_724, %iota3A_380 : vector<16xi32>
        %lt3A_726 = vector.broadcast %scan3A_373 : i32 to vector<16xi32>
        %lt3A_727 = arith.cmpi slt, %add3A_725, %lt3A_726 : vector<16xi32>
        %and3A_728 = arith.andi %ge3A_723, %lt3A_727 : vector<16xi1>
        %ge3A_729 = vector.broadcast %xor3A_388 : i32 to vector<16xi32>
        %ge3A_730 = arith.cmpi sge, %get3A_705, %ge3A_729 : vector<16xi32>
        %and3A_731 = arith.andi %ge3A_730, %and3A_728 : vector<16xi1>
        %not3A_732 = arith.constant dense<true> : vector<16xi1>
        %not3A_733 = arith.xori %ge3A_730, %not3A_732 : vector<16xi1>
        %and3A_734 = arith.andi %not3A_733, %and3A_728 : vector<16xi1>
        %convert_element_type3A_735 = arith.extui %and3A_731 : vector<16xi1> to vector<16xi32>
        %broadcast_in_dim3A_736 = arith.constant true
        %broadcast_in_dim3A_737 = vector.broadcast %broadcast_in_dim3A_736 : i1 to vector<16xi1>
        %masked_cumsum3A_738 = tpu.scan <sum>, %convert_element_type3A_735 masked %broadcast_in_dim3A_737 : vector<16xi32>, vector<16xi1> -> vector<16xi32>
        %sub3A_739 = arith.constant 1 : i32
        %sub3A_740 = vector.broadcast %sub3A_739 : i32 to vector<16xi32>
        %sub3A_741 = arith.subi %masked_cumsum3A_738, %sub3A_740 : vector<16xi32>
        %add3A_742 = arith.addi %add3A_699, %sub3A_741 : vector<16xi32>
        tpu.vector_store_idx %arg7[%add3A_742], %get3A_705 masked %and3A_731 : memref<32832xi32, #tpu.memory_space<vmem>>[vector<16xi32>], vector<16xi32>, vector<16xi1>
        %sub3A_743 = arith.subi %min3A_719, %masked_cumsum3A_738 : vector<16xi32>
        %sub3A_744 = arith.constant 32767 : i32
        %sub3A_745 = vector.broadcast %sub3A_744 : i32 to vector<16xi32>
        %sub3A_746 = arith.subi %sub3A_745, %add3A_701 : vector<16xi32>
        %sub3A_747 = arith.constant 1 : i32
        %sub3A_748 = vector.broadcast %sub3A_747 : i32 to vector<16xi32>
        %sub3A_749 = arith.subi %sub3A_743, %sub3A_748 : vector<16xi32>
        %sub3A_750 = arith.subi %sub3A_746, %sub3A_749 : vector<16xi32>
        tpu.vector_store_idx %arg7[%sub3A_750], %get3A_705 masked %and3A_734 : memref<32832xi32, #tpu.memory_space<vmem>>[vector<16xi32>], vector<16xi32>, vector<16xi1>
        %all_reduce_population_count3A_751 = tpu.all_reduce %and3A_731 {dim = 0 : i64, kind = #tpu.reduction_kind<sum>} : vector<16xi1> -> vector<16xi32>
        %add3A_752 = arith.addi %add3A_699, %all_reduce_population_count3A_751 : vector<16xi32>
        %all_reduce_population_count3A_753 = tpu.all_reduce %and3A_734 {dim = 0 : i64, kind = #tpu.reduction_kind<sum>} : vector<16xi1> -> vector<16xi32>
        %add3A_754 = arith.addi %add3A_701, %all_reduce_population_count3A_753 : vector<16xi32>
        scf.yield %add3A_752, %add3A_754 : vector<16xi32>, vector<16xi32>
      }
      %while3A_431 = arith.constant 1 : i32
      %while3A_432:2 = scf.for %while3A_544 = %while3A_428 to %while3A_424 step %while3A_431 iter_args(%while3A_545 = %while3A_430#0, %while3A_546 = %while3A_430#1) -> (vector<16xi32>, vector<16xi32>)  : i32 {
        %mul3A_547 = arith.constant 64 : i32
        %mul3A_548 = arith.muli %while3A_544, %mul3A_547 : i32
        %add3A_549 = arith.addi %and3A_392, %mul3A_548 : i32
        %add3A_550 = arith.constant 0 : i32
        %add3A_551 = arith.addi %add3A_549, %add3A_550 : i32
        %get3A = arith.index_cast %add3A_551 : i32 to index
        %get3A_552 = tpu.vector_load %arg6[%get3A] {strides = array<i32>} : memref<32832xi32, #tpu.memory_space<vmem>>, vector<16xi32>,
        %sub3A_553 = arith.subi %scan3A_373, %add3A_551 : i32
        %min3A = vector.broadcast %sub3A_553 : i32 to vector<16xi32>
        %min3A_554 = arith.minsi %add3A_383, %min3A : vector<16xi32>
        %sub3A_555 = arith.subi %scan3A_372, %add3A_551 : i32
        %max3A = arith.constant 0 : i32
        %max3A_556 = arith.maxsi %sub3A_555, %max3A : i32
        %sub3A_557 = vector.broadcast %max3A_556 : i32 to vector<16xi32>
        %sub3A_558 = arith.subi %min3A_554, %sub3A_557 : vector<16xi32>
        %jit3A_559 = arith.constant 0 : i32
        %jit3A_560 = arith.constant 16 : i32
        %max3A_561 = vector.broadcast %jit3A_559 : i32 to vector<16xi32>
        %max3A_562 = arith.maxsi %max3A_561, %sub3A_558 : vector<16xi32>
        %min3A_563 = vector.broadcast %jit3A_560 : i32 to vector<16xi32>
        %min3A_564 = arith.minsi %min3A_563, %max3A_562 : vector<16xi32>
        %add3A_565 = vector.broadcast %add3A_551 : i32 to vector<16xi32>
        %add3A_566 = arith.addi %add3A_565, %iota3A_380 : vector<16xi32>
        %ge3A_567 = vector.broadcast %scan3A_372 : i32 to vector<16xi32>
        %ge3A_568 = arith.cmpi sge, %add3A_566, %ge3A_567 : vector<16xi32>
        %add3A_569 = vector.broadcast %add3A_551 : i32 to vector<16xi32>
        %add3A_570 = arith.addi %add3A_569, %iota3A_380 : vector<16xi32>
        %lt3A = vector.broadcast %scan3A_373 : i32 to vector<16xi32>
        %lt3A_571 = arith.cmpi slt, %add3A_570, %lt3A : vector<16xi32>
        %and3A_572 = arith.andi %ge3A_568, %lt3A_571 : vector<16xi1>
        %ge3A_573 = vector.broadcast %xor3A_388 : i32 to vector<16xi32>
        %ge3A_574 = arith.cmpi sge, %get3A_552, %ge3A_573 : vector<16xi32>
        %and3A_575 = arith.andi %ge3A_574, %and3A_572 : vector<16xi1>
        %not3A_576 = arith.constant dense<true> : vector<16xi1>
        %not3A_577 = arith.xori %ge3A_574, %not3A_576 : vector<16xi1>
        %and3A_578 = arith.andi %not3A_577, %and3A_572 : vector<16xi1>
        %convert_element_type3A = arith.extui %and3A_575 : vector<16xi1> to vector<16xi32>
        %broadcast_in_dim3A_579 = arith.constant true
        %broadcast_in_dim3A_580 = vector.broadcast %broadcast_in_dim3A_579 : i1 to vector<16xi1>
        %masked_cumsum3A = tpu.scan <sum>, %convert_element_type3A masked %broadcast_in_dim3A_580 : vector<16xi32>, vector<16xi1> -> vector<16xi32>
        %sub3A_581 = arith.constant 1 : i32
        %sub3A_582 = vector.broadcast %sub3A_581 : i32 to vector<16xi32>
        %sub3A_583 = arith.subi %masked_cumsum3A, %sub3A_582 : vector<16xi32>
        %add3A_584 = arith.addi %while3A_545, %sub3A_583 : vector<16xi32>
        tpu.vector_store_idx %arg7[%add3A_584], %get3A_552 masked %and3A_575 : memref<32832xi32, #tpu.memory_space<vmem>>[vector<16xi32>], vector<16xi32>, vector<16xi1>
        %sub3A_585 = arith.subi %min3A_564, %masked_cumsum3A : vector<16xi32>
        %sub3A_586 = arith.constant 32767 : i32
        %sub3A_587 = vector.broadcast %sub3A_586 : i32 to vector<16xi32>
        %sub3A_588 = arith.subi %sub3A_587, %while3A_546 : vector<16xi32>
        %sub3A_589 = arith.constant 1 : i32
        %sub3A_590 = vector.broadcast %sub3A_589 : i32 to vector<16xi32>
        %sub3A_591 = arith.subi %sub3A_585, %sub3A_590 : vector<16xi32>
        %sub3A_592 = arith.subi %sub3A_588, %sub3A_591 : vector<16xi32>
        tpu.vector_store_idx %arg7[%sub3A_592], %get3A_552 masked %and3A_578 : memref<32832xi32, #tpu.memory_space<vmem>>[vector<16xi32>], vector<16xi32>, vector<16xi1>
        %all_reduce_population_count3A = tpu.all_reduce %and3A_575 {dim = 0 : i64, kind = #tpu.reduction_kind<sum>} : vector<16xi1> -> vector<16xi32>
        %add3A_593 = arith.addi %while3A_545, %all_reduce_population_count3A : vector<16xi32>
        %all_reduce_population_count3A_594 = tpu.all_reduce %and3A_578 {dim = 0 : i64, kind = #tpu.reduction_kind<sum>} : vector<16xi1> -> vector<16xi32>
        %add3A_595 = arith.addi %while3A_546, %all_reduce_population_count3A_594 : vector<16xi32>
        %add3A_596 = arith.constant 16 : i32
        %add3A_597 = arith.addi %add3A_549, %add3A_596 : i32
        %get3A_598 = arith.index_cast %add3A_597 : i32 to index
        %get3A_599 = tpu.vector_load %arg6[%get3A_598] {strides = array<i32>} : memref<32832xi32, #tpu.memory_space<vmem>>, vector<16xi32>,
        %sub3A_600 = arith.subi %scan3A_373, %add3A_597 : i32
        %min3A_601 = vector.broadcast %sub3A_600 : i32 to vector<16xi32>
        %min3A_602 = arith.minsi %add3A_383, %min3A_601 : vector<16xi32>
        %sub3A_603 = arith.subi %scan3A_372, %add3A_597 : i32
        %max3A_604 = arith.constant 0 : i32
        %max3A_605 = arith.maxsi %sub3A_603, %max3A_604 : i32
        %sub3A_606 = vector.broadcast %max3A_605 : i32 to vector<16xi32>
        %sub3A_607 = arith.subi %min3A_602, %sub3A_606 : vector<16xi32>
        %jit3A_608 = arith.constant 0 : i32
        %jit3A_609 = arith.constant 16 : i32
        %max3A_610 = vector.broadcast %jit3A_608 : i32 to vector<16xi32>
        %max3A_611 = arith.maxsi %max3A_610, %sub3A_607 : vector<16xi32>
        %min3A_612 = vector.broadcast %jit3A_609 : i32 to vector<16xi32>
        %min3A_613 = arith.minsi %min3A_612, %max3A_611 : vector<16xi32>
        %add3A_614 = vector.broadcast %add3A_597 : i32 to vector<16xi32>
        %add3A_615 = arith.addi %add3A_614, %iota3A_380 : vector<16xi32>
        %ge3A_616 = vector.broadcast %scan3A_372 : i32 to vector<16xi32>
        %ge3A_617 = arith.cmpi sge, %add3A_615, %ge3A_616 : vector<16xi32>
        %add3A_618 = vector.broadcast %add3A_597 : i32 to vector<16xi32>
        %add3A_619 = arith.addi %add3A_618, %iota3A_380 : vector<16xi32>
        %lt3A_620 = vector.broadcast %scan3A_373 : i32 to vector<16xi32>
        %lt3A_621 = arith.cmpi slt, %add3A_619, %lt3A_620 : vector<16xi32>
        %and3A_622 = arith.andi %ge3A_617, %lt3A_621 : vector<16xi1>
        %ge3A_623 = vector.broadcast %xor3A_388 : i32 to vector<16xi32>
        %ge3A_624 = arith.cmpi sge, %get3A_599, %ge3A_623 : vector<16xi32>
        %and3A_625 = arith.andi %ge3A_624, %and3A_622 : vector<16xi1>
        %not3A_626 = arith.constant dense<true> : vector<16xi1>
        %not3A_627 = arith.xori %ge3A_624, %not3A_626 : vector<16xi1>
        %and3A_628 = arith.andi %not3A_627, %and3A_622 : vector<16xi1>
        %convert_element_type3A_629 = arith.extui %and3A_625 : vector<16xi1> to vector<16xi32>
        %broadcast_in_dim3A_630 = arith.constant true
        %broadcast_in_dim3A_631 = vector.broadcast %broadcast_in_dim3A_630 : i1 to vector<16xi1>
        %masked_cumsum3A_632 = tpu.scan <sum>, %convert_element_type3A_629 masked %broadcast_in_dim3A_631 : vector<16xi32>, vector<16xi1> -> vector<16xi32>
        %sub3A_633 = arith.constant 1 : i32
        %sub3A_634 = vector.broadcast %sub3A_633 : i32 to vector<16xi32>
        %sub3A_635 = arith.subi %masked_cumsum3A_632, %sub3A_634 : vector<16xi32>
        %add3A_636 = arith.addi %add3A_593, %sub3A_635 : vector<16xi32>
        tpu.vector_store_idx %arg7[%add3A_636], %get3A_599 masked %and3A_625 : memref<32832xi32, #tpu.memory_space<vmem>>[vector<16xi32>], vector<16xi32>, vector<16xi1>
        %sub3A_637 = arith.subi %min3A_613, %masked_cumsum3A_632 : vector<16xi32>
        %sub3A_638 = arith.constant 32767 : i32
        %sub3A_639 = vector.broadcast %sub3A_638 : i32 to vector<16xi32>
        %sub3A_640 = arith.subi %sub3A_639, %add3A_595 : vector<16xi32>
        %sub3A_641 = arith.constant 1 : i32
        %sub3A_642 = vector.broadcast %sub3A_641 : i32 to vector<16xi32>
        %sub3A_643 = arith.subi %sub3A_637, %sub3A_642 : vector<16xi32>
        %sub3A_644 = arith.subi %sub3A_640, %sub3A_643 : vector<16xi32>
        tpu.vector_store_idx %arg7[%sub3A_644], %get3A_599 masked %and3A_628 : memref<32832xi32, #tpu.memory_space<vmem>>[vector<16xi32>], vector<16xi32>, vector<16xi1>
        %all_reduce_population_count3A_645 = tpu.all_reduce %and3A_625 {dim = 0 : i64, kind = #tpu.reduction_kind<sum>} : vector<16xi1> -> vector<16xi32>
        %add3A_646 = arith.addi %add3A_593, %all_reduce_population_count3A_645 : vector<16xi32>
        %all_reduce_population_count3A_647 = tpu.all_reduce %and3A_628 {dim = 0 : i64, kind = #tpu.reduction_kind<sum>} : vector<16xi1> -> vector<16xi32>
        %add3A_648 = arith.addi %add3A_595, %all_reduce_population_count3A_647 : vector<16xi32>
        %add3A_649 = arith.constant 32 : i32
        %add3A_650 = arith.addi %add3A_549, %add3A_649 : i32
        %get3A_651 = arith.index_cast %add3A_650 : i32 to index
        %get3A_652 = tpu.vector_load %arg6[%get3A_651] {strides = array<i32>} : memref<32832xi32, #tpu.memory_space<vmem>>, vector<16xi32>,
        %sub3A_653 = arith.subi %scan3A_373, %add3A_650 : i32
        %min3A_654 = vector.broadcast %sub3A_653 : i32 to vector<16xi32>
        %min3A_655 = arith.minsi %add3A_383, %min3A_654 : vector<16xi32>
        %sub3A_656 = arith.subi %scan3A_372, %add3A_650 : i32
        %max3A_657 = arith.constant 0 : i32
        %max3A_658 = arith.maxsi %sub3A_656, %max3A_657 : i32
        %sub3A_659 = vector.broadcast %max3A_658 : i32 to vector<16xi32>
        %sub3A_660 = arith.subi %min3A_655, %sub3A_659 : vector<16xi32>
        %jit3A_661 = arith.constant 0 : i32
        %jit3A_662 = arith.constant 16 : i32
        %max3A_663 = vector.broadcast %jit3A_661 : i32 to vector<16xi32>
        %max3A_664 = arith.maxsi %max3A_663, %sub3A_660 : vector<16xi32>
        %min3A_665 = vector.broadcast %jit3A_662 : i32 to vector<16xi32>
        %min3A_666 = arith.minsi %min3A_665, %max3A_664 : vector<16xi32>
        %add3A_667 = vector.broadcast %add3A_650 : i32 to vector<16xi32>
        %add3A_668 = arith.addi %add3A_667, %iota3A_380 : vector<16xi32>
        %ge3A_669 = vector.broadcast %scan3A_372 : i32 to vector<16xi32>
        %ge3A_670 = arith.cmpi sge, %add3A_668, %ge3A_669 : vector<16xi32>
        %add3A_671 = vector.broadcast %add3A_650 : i32 to vector<16xi32>
        %add3A_672 = arith.addi %add3A_671, %iota3A_380 : vector<16xi32>
        %lt3A_673 = vector.broadcast %scan3A_373 : i32 to vector<16xi32>
        %lt3A_674 = arith.cmpi slt, %add3A_672, %lt3A_673 : vector<16xi32>
        %and3A_675 = arith.andi %ge3A_670, %lt3A_674 : vector<16xi1>
        %ge3A_676 = vector.broadcast %xor3A_388 : i32 to vector<16xi32>
        %ge3A_677 = arith.cmpi sge, %get3A_652, %ge3A_676 : vector<16xi32>
        %and3A_678 = arith.andi %ge3A_677, %and3A_675 : vector<16xi1>
        %not3A_679 = arith.constant dense<true> : vector<16xi1>
        %not3A_680 = arith.xori %ge3A_677, %not3A_679 : vector<16xi1>
        %and3A_681 = arith.andi %not3A_680, %and3A_675 : vector<16xi1>
        %convert_element_type3A_682 = arith.extui %and3A_678 : vector<16xi1> to vector<16xi32>
        %broadcast_in_dim3A_683 = arith.constant true
        %broadcast_in_dim3A_684 = vector.broadcast %broadcast_in_dim3A_683 : i1 to vector<16xi1>
        %masked_cumsum3A_685 = tpu.scan <sum>, %convert_element_type3A_682 masked %broadcast_in_dim3A_684 : vector<16xi32>, vector<16xi1> -> vector<16xi32>
        %sub3A_686 = arith.constant 1 : i32
        %sub3A_687 = vector.broadcast %sub3A_686 : i32 to vector<16xi32>
        %sub3A_688 = arith.subi %masked_cumsum3A_685, %sub3A_687 : vector<16xi32>
        %add3A_689 = arith.addi %add3A_646, %sub3A_688 : vector<16xi32>
        tpu.vector_store_idx %arg7[%add3A_689], %get3A_652 masked %and3A_678 : memref<32832xi32, #tpu.memory_space<vmem>>[vector<16xi32>], vector<16xi32>, vector<16xi1>
        %sub3A_690 = arith.subi %min3A_666, %masked_cumsum3A_685 : vector<16xi32>
        %sub3A_691 = arith.constant 32767 : i32
        %sub3A_692 = vector.broadcast %sub3A_691 : i32 to vector<16xi32>
        %sub3A_693 = arith.subi %sub3A_692, %add3A_648 : vector<16xi32>
        %sub3A_694 = arith.constant 1 : i32
        %sub3A_695 = vector.broadcast %sub3A_694 : i32 to vector<16xi32>
        %sub3A_696 = arith.subi %sub3A_690, %sub3A_695 : vector<16xi32>
        %sub3A_697 = arith.subi %sub3A_693, %sub3A_696 : vector<16xi32>
        tpu.vector_store_idx %arg7[%sub3A_697], %get3A_652 masked %and3A_681 : memref<32832xi32, #tpu.memory_space<vmem>>[vector<16xi32>], vector<16xi32>, vector<16xi1>
        %all_reduce_population_count3A_698 = tpu.all_reduce %and3A_678 {dim = 0 : i64, kind = #tpu.reduction_kind<sum>} : vector<16xi1> -> vector<16xi32>
        %add3A_699 = arith.addi %add3A_646, %all_reduce_population_count3A_698 : vector<16xi32>
        %all_reduce_population_count3A_700 = tpu.all_reduce %and3A_681 {dim = 0 : i64, kind = #tpu.reduction_kind<sum>} : vector<16xi1> -> vector<16xi32>
        %add3A_701 = arith.addi %add3A_648, %all_reduce_population_count3A_700 : vector<16xi32>
        %add3A_702 = arith.constant 48 : i32
        %add3A_703 = arith.addi %add3A_549, %add3A_702 : i32
        %get3A_704 = arith.index_cast %add3A_703 : i32 to index
        %get3A_705 = tpu.vector_load %arg6[%get3A_704] {strides = array<i32>} : memref<32832xi32, #tpu.memory_space<vmem>>, vector<16xi32>,
        %sub3A_706 = arith.subi %scan3A_373, %add3A_703 : i32
        %min3A_707 = vector.broadcast %sub3A_706 : i32 to vector<16xi32>
        %min3A_708 = arith.minsi %add3A_383, %min3A_707 : vector<16xi32>
        %sub3A_709 = arith.subi %scan3A_372, %add3A_703 : i32
        %max3A_710 = arith.constant 0 : i32
        %max3A_711 = arith.maxsi %sub3A_709, %max3A_710 : i32
        %sub3A_712 = vector.broadcast %max3A_711 : i32 to vector<16xi32>
        %sub3A_713 = arith.subi %min3A_708, %sub3A_712 : vector<16xi32>
        %jit3A_714 = arith.constant 0 : i32
        %jit3A_715 = arith.constant 16 : i32
        %max3A_716 = vector.broadcast %jit3A_714 : i32 to vector<16xi32>
        %max3A_717 = arith.maxsi %max3A_716, %sub3A_713 : vector<16xi32>
        %min3A_718 = vector.broadcast %jit3A_715 : i32 to vector<16xi32>
        %min3A_719 = arith.minsi %min3A_718, %max3A_717 : vector<16xi32>
        %add3A_720 = vector.broadcast %add3A_703 : i32 to vector<16xi32>
        %add3A_721 = arith.addi %add3A_720, %iota3A_380 : vector<16xi32>
        %ge3A_722 = vector.broadcast %scan3A_372 : i32 to vector<16xi32>
        %ge3A_723 = arith.cmpi sge, %add3A_721, %ge3A_722 : vector<16xi32>
        %add3A_724 = vector.broadcast %add3A_703 : i32 to vector<16xi32>
        %add3A_725 = arith.addi %add3A_724, %iota3A_380 : vector<16xi32>
        %lt3A_726 = vector.broadcast %scan3A_373 : i32 to vector<16xi32>
        %lt3A_727 = arith.cmpi slt, %add3A_725, %lt3A_726 : vector<16xi32>
        %and3A_728 = arith.andi %ge3A_723, %lt3A_727 : vector<16xi1>
        %ge3A_729 = vector.broadcast %xor3A_388 : i32 to vector<16xi32>
        %ge3A_730 = arith.cmpi sge, %get3A_705, %ge3A_729 : vector<16xi32>
        %and3A_731 = arith.andi %ge3A_730, %and3A_728 : vector<16xi1>
        %not3A_732 = arith.constant dense<true> : vector<16xi1>
        %not3A_733 = arith.xori %ge3A_730, %not3A_732 : vector<16xi1>
        %and3A_734 = arith.andi %not3A_733, %and3A_728 : vector<16xi1>
        %convert_element_type3A_735 = arith.extui %and3A_731 : vector<16xi1> to vector<16xi32>
        %broadcast_in_dim3A_736 = arith.constant true
        %broadcast_in_dim3A_737 = vector.broadcast %broadcast_in_dim3A_736 : i1 to vector<16xi1>
        %masked_cumsum3A_738 = tpu.scan <sum>, %convert_element_type3A_735 masked %broadcast_in_dim3A_737 : vector<16xi32>, vector<16xi1> -> vector<16xi32>
        %sub3A_739 = arith.constant 1 : i32
        %sub3A_740 = vector.broadcast %sub3A_739 : i32 to vector<16xi32>
        %sub3A_741 = arith.subi %masked_cumsum3A_738, %sub3A_740 : vector<16xi32>
        %add3A_742 = arith.addi %add3A_699, %sub3A_741 : vector<16xi32>
        tpu.vector_store_idx %arg7[%add3A_742], %get3A_705 masked %and3A_731 : memref<32832xi32, #tpu.memory_space<vmem>>[vector<16xi32>], vector<16xi32>, vector<16xi1>
        %sub3A_743 = arith.subi %min3A_719, %masked_cumsum3A_738 : vector<16xi32>
        %sub3A_744 = arith.constant 32767 : i32
        %sub3A_745 = vector.broadcast %sub3A_744 : i32 to vector<16xi32>
        %sub3A_746 = arith.subi %sub3A_745, %add3A_701 : vector<16xi32>
        %sub3A_747 = arith.constant 1 : i32
        %sub3A_748 = vector.broadcast %sub3A_747 : i32 to vector<16xi32>
        %sub3A_749 = arith.subi %sub3A_743, %sub3A_748 : vector<16xi32>
        %sub3A_750 = arith.subi %sub3A_746, %sub3A_749 : vector<16xi32>
        tpu.vector_store_idx %arg7[%sub3A_750], %get3A_705 masked %and3A_734 : memref<32832xi32, #tpu.memory_space<vmem>>[vector<16xi32>], vector<16xi32>, vector<16xi1>
        %all_reduce_population_count3A_751 = tpu.all_reduce %and3A_731 {dim = 0 : i64, kind = #tpu.reduction_kind<sum>} : vector<16xi1> -> vector<16xi32>
        %add3A_752 = arith.addi %add3A_699, %all_reduce_population_count3A_751 : vector<16xi32>
        %all_reduce_population_count3A_753 = tpu.all_reduce %and3A_734 {dim = 0 : i64, kind = #tpu.reduction_kind<sum>} : vector<16xi1> -> vector<16xi32>
        %add3A_754 = arith.addi %add3A_701, %all_reduce_population_count3A_753 : vector<16xi32>
        scf.yield %add3A_752, %add3A_754 : vector<16xi32>, vector<16xi32>
      }
      %reduce_max3A_433 = arith.constant true
      %reduce_max3A_434 = vector.broadcast %reduce_max3A_433 : i1 to vector<16xi1>
      %reduce_max3A_435 = arith.constant -2147483648 : i32
      %reduce_max3A_436 = vector.broadcast %reduce_max3A_435 : i32 to vector<16xi32>
      %reduce_max3A_437 = arith.xori %while3A_432#0, %reduce_max3A_436 : vector<16xi32>
      %reduce_max3A_438 = tpu.scan <max>, %reduce_max3A_437 masked %reduce_max3A_434 : vector<16xi32>, vector<16xi1> -> vector<16xi32>
      %reduce_max3A_439 = arith.xori %reduce_max3A_438, %reduce_max3A_436 : vector<16xi32>
      %reduce_max3A_440 = vector.extract %reduce_max3A_439[15] : i32 from vector<16xi32>
      %reduce_max3A_441 = arith.constant true
      %reduce_max3A_442 = vector.broadcast %reduce_max3A_441 : i1 to vector<16xi1>
      %reduce_max3A_443 = arith.constant -2147483648 : i32
      %reduce_max3A_444 = vector.broadcast %reduce_max3A_443 : i32 to vector<16xi32>
      %reduce_max3A_445 = arith.xori %while3A_432#1, %reduce_max3A_444 : vector<16xi32>
      %reduce_max3A_446 = tpu.scan <max>, %reduce_max3A_445 masked %reduce_max3A_442 : vector<16xi32>, vector<16xi1> -> vector<16xi32>
      %reduce_max3A_447 = arith.xori %reduce_max3A_446, %reduce_max3A_444 : vector<16xi32>
      %reduce_max3A_448 = vector.extract %reduce_max3A_447[15] : i32 from vector<16xi32>
      %add3A_449 = arith.addi %scan3A_375, %reduce_max3A_440 : i32
      %ge3A_450 = arith.constant 2048 : i32
      %ge3A_451 = arith.cmpi sge, %add3A_449, %ge3A_450 : i32
      %select_n3A_452 = arith.select %ge3A_451, %or3A_386, %scan3A_374 : i32
      %add3A_453 = arith.addi %scan3A_375, %reduce_max3A_440 : i32
      %select_n3A_454 = arith.select %ge3A_451, %scan3A_375, %add3A_453 : i32
      %sub3A_455 = arith.constant 32768 : i32
      %sub3A_456 = arith.subi %sub3A_455, %reduce_max3A_448 : i32
      %jit3A_457 = arith.constant 0 : i32
      %select_n3A_458 = arith.select %ge3A_451, %jit3A_457, %sub3A_456 : i32
      %jit3A_459 = arith.constant 32768 : i32
      %select_n3A_460 = arith.select %ge3A_451, %reduce_max3A_440, %jit3A_459 : i32
      %sub3A_461 = arith.constant 1 : i32
      %sub3A_462 = arith.subi %sub3A_379, %sub3A_461 : i32
      %iota3A_463 = tpu.iota {dimensions = array<i32: 0>} : vector<16xi32>
      %add3A_464 = arith.constant 1 : i32
      %add3A_465 = vector.broadcast %add3A_464 : i32 to vector<16xi32>
      %add3A_466 = arith.addi %iota3A_463, %add3A_465 : vector<16xi32>
      %shift_left3A_467 = arith.constant 1 : i32
      %shift_left3A_468 = arith.shli %shift_left3A_467, %sub3A_462 : i32
      %or3A_469 = arith.ori %select_n3A_452, %shift_left3A_468 : i32
      %xor3A_470 = arith.constant -2147483648 : i32
      %xor3A_471 = arith.xori %or3A_469, %xor3A_470 : i32
      %not3A_472 = arith.constant 15 : i32
      %not3A_473 = arith.constant -1 : i32
      %not3A_474 = arith.xori %not3A_472, %not3A_473 : i32
      %and3A_475 = arith.andi %select_n3A_458, %not3A_474 : i32
      %sub3A_476 = arith.subi %select_n3A_460, %and3A_475 : i32
      %add3A_477 = arith.constant 63 : i32
      %add3A_478 = arith.addi %sub3A_476, %add3A_477 : i32
      %jit3A_479 = arith.constant 64 : i32
      %div3A_480 = arith.divsi %add3A_478, %jit3A_479 : i32
      %sign3A_481 = arith.constant 0 : i32
      %sign3A_482 = arith.cmpi sgt, %add3A_478, %sign3A_481 : i32
      %sign3A_483 = arith.extui %sign3A_482 : i1 to i32
      %sign3A_484 = arith.constant 0 : i32
      %sign3A_485 = arith.cmpi slt, %add3A_478, %sign3A_484 : i32
      %sign3A_486 = arith.extui %sign3A_485 : i1 to i32
      %sign3A_487 = arith.subi %sign3A_483, %sign3A_486 : i32
      %sign3A_488 = arith.constant 0 : i32
      %sign3A_489 = arith.cmpi sgt, %jit3A_479, %sign3A_488 : i32
      %sign3A_490 = arith.extui %sign3A_489 : i1 to i32
      %sign3A_491 = arith.constant 0 : i32
      %sign3A_492 = arith.cmpi slt, %jit3A_479, %sign3A_491 : i32
      %sign3A_493 = arith.extui %sign3A_492 : i1 to i32
      %sign3A_494 = arith.subi %sign3A_490, %sign3A_493 : i32
      %ne3A_495 = arith.cmpi ne, %sign3A_487, %sign3A_494 : i32
      %rem3A_496 = arith.remsi %add3A_478, %jit3A_479 : i32
      %ne3A_497 = arith.constant 0 : i32
      %ne3A_498 = arith.cmpi ne, %rem3A_496, %ne3A_497 : i32
      %and3A_499 = arith.andi %ne3A_495, %ne3A_498 : i1
      %sub3A_500 = arith.constant 1 : i32
      %sub3A_501 = arith.subi %div3A_480, %sub3A_500 : i32
      %select_n3A_502 = arith.select %and3A_499, %sub3A_501, %div3A_480 : i32
      %broadcast_in_dim3A_503 = arith.constant 0 : i32
      %broadcast_in_dim3A_504 = vector.broadcast %broadcast_in_dim3A_503 : i32 to vector<16xi32>
      %while3A_505 = arith.constant 0 : i32
      %while3A_506 = arith.subi %select_n3A_502, %while3A_505 : i32
      %while3A_507 = arith.addi %while3A_505, %while3A_506 : i32
      %while3A_508 = arith.constant 1 : i32
      %while3A_509 = arith.divsi %while3A_506, %while3A_508 : i32
      %while3A_510 = arith.muli %while3A_509, %while3A_508 : i32
      %while3A_511 = arith.addi %while3A_505, %while3A_510 : i32
      %while3A_512 = arith.constant 1 : i32
      %while3A_513:2 = scf.for %while3A_544 = %while3A_505 to %while3A_511 step %while3A_512 iter_args(%while3A_545 = %broadcast_in_dim3A_504, %while3A_546 = %broadcast_in_dim3A_504) -> (vector<16xi32>, vector<16xi32>)  : i32 {
        %mul3A_547 = arith.constant 64 : i32
        %mul3A_548 = arith.muli %while3A_544, %mul3A_547 : i32
        %add3A_549 = arith.addi %and3A_475, %mul3A_548 : i32
        %add3A_550 = arith.constant 0 : i32
        %add3A_551 = arith.addi %add3A_549, %add3A_550 : i32
        %get3A = arith.index_cast %add3A_551 : i32 to index
        %get3A_552 = tpu.vector_load %arg7[%get3A] {strides = array<i32>} : memref<32832xi32, #tpu.memory_space<vmem>>, vector<16xi32>,
        %sub3A_553 = arith.subi %select_n3A_460, %add3A_551 : i32
        %min3A = vector.broadcast %sub3A_553 : i32 to vector<16xi32>
        %min3A_554 = arith.minsi %add3A_466, %min3A : vector<16xi32>
        %sub3A_555 = arith.subi %select_n3A_458, %add3A_551 : i32
        %max3A = arith.constant 0 : i32
        %max3A_556 = arith.maxsi %sub3A_555, %max3A : i32
        %sub3A_557 = vector.broadcast %max3A_556 : i32 to vector<16xi32>
        %sub3A_558 = arith.subi %min3A_554, %sub3A_557 : vector<16xi32>
        %jit3A_559 = arith.constant 0 : i32
        %jit3A_560 = arith.constant 16 : i32
        %max3A_561 = vector.broadcast %jit3A_559 : i32 to vector<16xi32>
        %max3A_562 = arith.maxsi %max3A_561, %sub3A_558 : vector<16xi32>
        %min3A_563 = vector.broadcast %jit3A_560 : i32 to vector<16xi32>
        %min3A_564 = arith.minsi %min3A_563, %max3A_562 : vector<16xi32>
        %add3A_565 = vector.broadcast %add3A_551 : i32 to vector<16xi32>
        %add3A_566 = arith.addi %add3A_565, %iota3A_463 : vector<16xi32>
        %ge3A_567 = vector.broadcast %select_n3A_458 : i32 to vector<16xi32>
        %ge3A_568 = arith.cmpi sge, %add3A_566, %ge3A_567 : vector<16xi32>
        %add3A_569 = vector.broadcast %add3A_551 : i32 to vector<16xi32>
        %add3A_570 = arith.addi %add3A_569, %iota3A_463 : vector<16xi32>
        %lt3A = vector.broadcast %select_n3A_460 : i32 to vector<16xi32>
        %lt3A_571 = arith.cmpi slt, %add3A_570, %lt3A : vector<16xi32>
        %and3A_572 = arith.andi %ge3A_568, %lt3A_571 : vector<16xi1>
        %ge3A_573 = vector.broadcast %xor3A_471 : i32 to vector<16xi32>
        %ge3A_574 = arith.cmpi sge, %get3A_552, %ge3A_573 : vector<16xi32>
        %and3A_575 = arith.andi %ge3A_574, %and3A_572 : vector<16xi1>
        %not3A_576 = arith.constant dense<true> : vector<16xi1>
        %not3A_577 = arith.xori %ge3A_574, %not3A_576 : vector<16xi1>
        %and3A_578 = arith.andi %not3A_577, %and3A_572 : vector<16xi1>
        %convert_element_type3A = arith.extui %and3A_575 : vector<16xi1> to vector<16xi32>
        %broadcast_in_dim3A_579 = arith.constant true
        %broadcast_in_dim3A_580 = vector.broadcast %broadcast_in_dim3A_579 : i1 to vector<16xi1>
        %masked_cumsum3A = tpu.scan <sum>, %convert_element_type3A masked %broadcast_in_dim3A_580 : vector<16xi32>, vector<16xi1> -> vector<16xi32>
        %sub3A_581 = arith.constant 1 : i32
        %sub3A_582 = vector.broadcast %sub3A_581 : i32 to vector<16xi32>
        %sub3A_583 = arith.subi %masked_cumsum3A, %sub3A_582 : vector<16xi32>
        %add3A_584 = arith.addi %while3A_545, %sub3A_583 : vector<16xi32>
        tpu.vector_store_idx %arg6[%add3A_584], %get3A_552 masked %and3A_575 : memref<32832xi32, #tpu.memory_space<vmem>>[vector<16xi32>], vector<16xi32>, vector<16xi1>
        %sub3A_585 = arith.subi %min3A_564, %masked_cumsum3A : vector<16xi32>
        %sub3A_586 = arith.constant 32767 : i32
        %sub3A_587 = vector.broadcast %sub3A_586 : i32 to vector<16xi32>
        %sub3A_588 = arith.subi %sub3A_587, %while3A_546 : vector<16xi32>
        %sub3A_589 = arith.constant 1 : i32
        %sub3A_590 = vector.broadcast %sub3A_589 : i32 to vector<16xi32>
        %sub3A_591 = arith.subi %sub3A_585, %sub3A_590 : vector<16xi32>
        %sub3A_592 = arith.subi %sub3A_588, %sub3A_591 : vector<16xi32>
        tpu.vector_store_idx %arg6[%sub3A_592], %get3A_552 masked %and3A_578 : memref<32832xi32, #tpu.memory_space<vmem>>[vector<16xi32>], vector<16xi32>, vector<16xi1>
        %all_reduce_population_count3A = tpu.all_reduce %and3A_575 {dim = 0 : i64, kind = #tpu.reduction_kind<sum>} : vector<16xi1> -> vector<16xi32>
        %add3A_593 = arith.addi %while3A_545, %all_reduce_population_count3A : vector<16xi32>
        %all_reduce_population_count3A_594 = tpu.all_reduce %and3A_578 {dim = 0 : i64, kind = #tpu.reduction_kind<sum>} : vector<16xi1> -> vector<16xi32>
        %add3A_595 = arith.addi %while3A_546, %all_reduce_population_count3A_594 : vector<16xi32>
        %add3A_596 = arith.constant 16 : i32
        %add3A_597 = arith.addi %add3A_549, %add3A_596 : i32
        %get3A_598 = arith.index_cast %add3A_597 : i32 to index
        %get3A_599 = tpu.vector_load %arg7[%get3A_598] {strides = array<i32>} : memref<32832xi32, #tpu.memory_space<vmem>>, vector<16xi32>,
        %sub3A_600 = arith.subi %select_n3A_460, %add3A_597 : i32
        %min3A_601 = vector.broadcast %sub3A_600 : i32 to vector<16xi32>
        %min3A_602 = arith.minsi %add3A_466, %min3A_601 : vector<16xi32>
        %sub3A_603 = arith.subi %select_n3A_458, %add3A_597 : i32
        %max3A_604 = arith.constant 0 : i32
        %max3A_605 = arith.maxsi %sub3A_603, %max3A_604 : i32
        %sub3A_606 = vector.broadcast %max3A_605 : i32 to vector<16xi32>
        %sub3A_607 = arith.subi %min3A_602, %sub3A_606 : vector<16xi32>
        %jit3A_608 = arith.constant 0 : i32
        %jit3A_609 = arith.constant 16 : i32
        %max3A_610 = vector.broadcast %jit3A_608 : i32 to vector<16xi32>
        %max3A_611 = arith.maxsi %max3A_610, %sub3A_607 : vector<16xi32>
        %min3A_612 = vector.broadcast %jit3A_609 : i32 to vector<16xi32>
        %min3A_613 = arith.minsi %min3A_612, %max3A_611 : vector<16xi32>
        %add3A_614 = vector.broadcast %add3A_597 : i32 to vector<16xi32>
        %add3A_615 = arith.addi %add3A_614, %iota3A_463 : vector<16xi32>
        %ge3A_616 = vector.broadcast %select_n3A_458 : i32 to vector<16xi32>
        %ge3A_617 = arith.cmpi sge, %add3A_615, %ge3A_616 : vector<16xi32>
        %add3A_618 = vector.broadcast %add3A_597 : i32 to vector<16xi32>
        %add3A_619 = arith.addi %add3A_618, %iota3A_463 : vector<16xi32>
        %lt3A_620 = vector.broadcast %select_n3A_460 : i32 to vector<16xi32>
        %lt3A_621 = arith.cmpi slt, %add3A_619, %lt3A_620 : vector<16xi32>
        %and3A_622 = arith.andi %ge3A_617, %lt3A_621 : vector<16xi1>
        %ge3A_623 = vector.broadcast %xor3A_471 : i32 to vector<16xi32>
        %ge3A_624 = arith.cmpi sge, %get3A_599, %ge3A_623 : vector<16xi32>
        %and3A_625 = arith.andi %ge3A_624, %and3A_622 : vector<16xi1>
        %not3A_626 = arith.constant dense<true> : vector<16xi1>
        %not3A_627 = arith.xori %ge3A_624, %not3A_626 : vector<16xi1>
        %and3A_628 = arith.andi %not3A_627, %and3A_622 : vector<16xi1>
        %convert_element_type3A_629 = arith.extui %and3A_625 : vector<16xi1> to vector<16xi32>
        %broadcast_in_dim3A_630 = arith.constant true
        %broadcast_in_dim3A_631 = vector.broadcast %broadcast_in_dim3A_630 : i1 to vector<16xi1>
        %masked_cumsum3A_632 = tpu.scan <sum>, %convert_element_type3A_629 masked %broadcast_in_dim3A_631 : vector<16xi32>, vector<16xi1> -> vector<16xi32>
        %sub3A_633 = arith.constant 1 : i32
        %sub3A_634 = vector.broadcast %sub3A_633 : i32 to vector<16xi32>
        %sub3A_635 = arith.subi %masked_cumsum3A_632, %sub3A_634 : vector<16xi32>
        %add3A_636 = arith.addi %add3A_593, %sub3A_635 : vector<16xi32>
        tpu.vector_store_idx %arg6[%add3A_636], %get3A_599 masked %and3A_625 : memref<32832xi32, #tpu.memory_space<vmem>>[vector<16xi32>], vector<16xi32>, vector<16xi1>
        %sub3A_637 = arith.subi %min3A_613, %masked_cumsum3A_632 : vector<16xi32>
        %sub3A_638 = arith.constant 32767 : i32
        %sub3A_639 = vector.broadcast %sub3A_638 : i32 to vector<16xi32>
        %sub3A_640 = arith.subi %sub3A_639, %add3A_595 : vector<16xi32>
        %sub3A_641 = arith.constant 1 : i32
        %sub3A_642 = vector.broadcast %sub3A_641 : i32 to vector<16xi32>
        %sub3A_643 = arith.subi %sub3A_637, %sub3A_642 : vector<16xi32>
        %sub3A_644 = arith.subi %sub3A_640, %sub3A_643 : vector<16xi32>
        tpu.vector_store_idx %arg6[%sub3A_644], %get3A_599 masked %and3A_628 : memref<32832xi32, #tpu.memory_space<vmem>>[vector<16xi32>], vector<16xi32>, vector<16xi1>
        %all_reduce_population_count3A_645 = tpu.all_reduce %and3A_625 {dim = 0 : i64, kind = #tpu.reduction_kind<sum>} : vector<16xi1> -> vector<16xi32>
        %add3A_646 = arith.addi %add3A_593, %all_reduce_population_count3A_645 : vector<16xi32>
        %all_reduce_population_count3A_647 = tpu.all_reduce %and3A_628 {dim = 0 : i64, kind = #tpu.reduction_kind<sum>} : vector<16xi1> -> vector<16xi32>
        %add3A_648 = arith.addi %add3A_595, %all_reduce_population_count3A_647 : vector<16xi32>
        %add3A_649 = arith.constant 32 : i32
        %add3A_650 = arith.addi %add3A_549, %add3A_649 : i32
        %get3A_651 = arith.index_cast %add3A_650 : i32 to index
        %get3A_652 = tpu.vector_load %arg7[%get3A_651] {strides = array<i32>} : memref<32832xi32, #tpu.memory_space<vmem>>, vector<16xi32>,
        %sub3A_653 = arith.subi %select_n3A_460, %add3A_650 : i32
        %min3A_654 = vector.broadcast %sub3A_653 : i32 to vector<16xi32>
        %min3A_655 = arith.minsi %add3A_466, %min3A_654 : vector<16xi32>
        %sub3A_656 = arith.subi %select_n3A_458, %add3A_650 : i32
        %max3A_657 = arith.constant 0 : i32
        %max3A_658 = arith.maxsi %sub3A_656, %max3A_657 : i32
        %sub3A_659 = vector.broadcast %max3A_658 : i32 to vector<16xi32>
        %sub3A_660 = arith.subi %min3A_655, %sub3A_659 : vector<16xi32>
        %jit3A_661 = arith.constant 0 : i32
        %jit3A_662 = arith.constant 16 : i32
        %max3A_663 = vector.broadcast %jit3A_661 : i32 to vector<16xi32>
        %max3A_664 = arith.maxsi %max3A_663, %sub3A_660 : vector<16xi32>
        %min3A_665 = vector.broadcast %jit3A_662 : i32 to vector<16xi32>
        %min3A_666 = arith.minsi %min3A_665, %max3A_664 : vector<16xi32>
        %add3A_667 = vector.broadcast %add3A_650 : i32 to vector<16xi32>
        %add3A_668 = arith.addi %add3A_667, %iota3A_463 : vector<16xi32>
        %ge3A_669 = vector.broadcast %select_n3A_458 : i32 to vector<16xi32>
        %ge3A_670 = arith.cmpi sge, %add3A_668, %ge3A_669 : vector<16xi32>
        %add3A_671 = vector.broadcast %add3A_650 : i32 to vector<16xi32>
        %add3A_672 = arith.addi %add3A_671, %iota3A_463 : vector<16xi32>
        %lt3A_673 = vector.broadcast %select_n3A_460 : i32 to vector<16xi32>
        %lt3A_674 = arith.cmpi slt, %add3A_672, %lt3A_673 : vector<16xi32>
        %and3A_675 = arith.andi %ge3A_670, %lt3A_674 : vector<16xi1>
        %ge3A_676 = vector.broadcast %xor3A_471 : i32 to vector<16xi32>
        %ge3A_677 = arith.cmpi sge, %get3A_652, %ge3A_676 : vector<16xi32>
        %and3A_678 = arith.andi %ge3A_677, %and3A_675 : vector<16xi1>
        %not3A_679 = arith.constant dense<true> : vector<16xi1>
        %not3A_680 = arith.xori %ge3A_677, %not3A_679 : vector<16xi1>
        %and3A_681 = arith.andi %not3A_680, %and3A_675 : vector<16xi1>
        %convert_element_type3A_682 = arith.extui %and3A_678 : vector<16xi1> to vector<16xi32>
        %broadcast_in_dim3A_683 = arith.constant true
        %broadcast_in_dim3A_684 = vector.broadcast %broadcast_in_dim3A_683 : i1 to vector<16xi1>
        %masked_cumsum3A_685 = tpu.scan <sum>, %convert_element_type3A_682 masked %broadcast_in_dim3A_684 : vector<16xi32>, vector<16xi1> -> vector<16xi32>
        %sub3A_686 = arith.constant 1 : i32
        %sub3A_687 = vector.broadcast %sub3A_686 : i32 to vector<16xi32>
        %sub3A_688 = arith.subi %masked_cumsum3A_685, %sub3A_687 : vector<16xi32>
        %add3A_689 = arith.addi %add3A_646, %sub3A_688 : vector<16xi32>
        tpu.vector_store_idx %arg6[%add3A_689], %get3A_652 masked %and3A_678 : memref<32832xi32, #tpu.memory_space<vmem>>[vector<16xi32>], vector<16xi32>, vector<16xi1>
        %sub3A_690 = arith.subi %min3A_666, %masked_cumsum3A_685 : vector<16xi32>
        %sub3A_691 = arith.constant 32767 : i32
        %sub3A_692 = vector.broadcast %sub3A_691 : i32 to vector<16xi32>
        %sub3A_693 = arith.subi %sub3A_692, %add3A_648 : vector<16xi32>
        %sub3A_694 = arith.constant 1 : i32
        %sub3A_695 = vector.broadcast %sub3A_694 : i32 to vector<16xi32>
        %sub3A_696 = arith.subi %sub3A_690, %sub3A_695 : vector<16xi32>
        %sub3A_697 = arith.subi %sub3A_693, %sub3A_696 : vector<16xi32>
        tpu.vector_store_idx %arg6[%sub3A_697], %get3A_652 masked %and3A_681 : memref<32832xi32, #tpu.memory_space<vmem>>[vector<16xi32>], vector<16xi32>, vector<16xi1>
        %all_reduce_population_count3A_698 = tpu.all_reduce %and3A_678 {dim = 0 : i64, kind = #tpu.reduction_kind<sum>} : vector<16xi1> -> vector<16xi32>
        %add3A_699 = arith.addi %add3A_646, %all_reduce_population_count3A_698 : vector<16xi32>
        %all_reduce_population_count3A_700 = tpu.all_reduce %and3A_681 {dim = 0 : i64, kind = #tpu.reduction_kind<sum>} : vector<16xi1> -> vector<16xi32>
        %add3A_701 = arith.addi %add3A_648, %all_reduce_population_count3A_700 : vector<16xi32>
        %add3A_702 = arith.constant 48 : i32
        %add3A_703 = arith.addi %add3A_549, %add3A_702 : i32
        %get3A_704 = arith.index_cast %add3A_703 : i32 to index
        %get3A_705 = tpu.vector_load %arg7[%get3A_704] {strides = array<i32>} : memref<32832xi32, #tpu.memory_space<vmem>>, vector<16xi32>,
        %sub3A_706 = arith.subi %select_n3A_460, %add3A_703 : i32
        %min3A_707 = vector.broadcast %sub3A_706 : i32 to vector<16xi32>
        %min3A_708 = arith.minsi %add3A_466, %min3A_707 : vector<16xi32>
        %sub3A_709 = arith.subi %select_n3A_458, %add3A_703 : i32
        %max3A_710 = arith.constant 0 : i32
        %max3A_711 = arith.maxsi %sub3A_709, %max3A_710 : i32
        %sub3A_712 = vector.broadcast %max3A_711 : i32 to vector<16xi32>
        %sub3A_713 = arith.subi %min3A_708, %sub3A_712 : vector<16xi32>
        %jit3A_714 = arith.constant 0 : i32
        %jit3A_715 = arith.constant 16 : i32
        %max3A_716 = vector.broadcast %jit3A_714 : i32 to vector<16xi32>
        %max3A_717 = arith.maxsi %max3A_716, %sub3A_713 : vector<16xi32>
        %min3A_718 = vector.broadcast %jit3A_715 : i32 to vector<16xi32>
        %min3A_719 = arith.minsi %min3A_718, %max3A_717 : vector<16xi32>
        %add3A_720 = vector.broadcast %add3A_703 : i32 to vector<16xi32>
        %add3A_721 = arith.addi %add3A_720, %iota3A_463 : vector<16xi32>
        %ge3A_722 = vector.broadcast %select_n3A_458 : i32 to vector<16xi32>
        %ge3A_723 = arith.cmpi sge, %add3A_721, %ge3A_722 : vector<16xi32>
        %add3A_724 = vector.broadcast %add3A_703 : i32 to vector<16xi32>
        %add3A_725 = arith.addi %add3A_724, %iota3A_463 : vector<16xi32>
        %lt3A_726 = vector.broadcast %select_n3A_460 : i32 to vector<16xi32>
        %lt3A_727 = arith.cmpi slt, %add3A_725, %lt3A_726 : vector<16xi32>
        %and3A_728 = arith.andi %ge3A_723, %lt3A_727 : vector<16xi1>
        %ge3A_729 = vector.broadcast %xor3A_471 : i32 to vector<16xi32>
        %ge3A_730 = arith.cmpi sge, %get3A_705, %ge3A_729 : vector<16xi32>
        %and3A_731 = arith.andi %ge3A_730, %and3A_728 : vector<16xi1>
        %not3A_732 = arith.constant dense<true> : vector<16xi1>
        %not3A_733 = arith.xori %ge3A_730, %not3A_732 : vector<16xi1>
        %and3A_734 = arith.andi %not3A_733, %and3A_728 : vector<16xi1>
        %convert_element_type3A_735 = arith.extui %and3A_731 : vector<16xi1> to vector<16xi32>
        %broadcast_in_dim3A_736 = arith.constant true
        %broadcast_in_dim3A_737 = vector.broadcast %broadcast_in_dim3A_736 : i1 to vector<16xi1>
        %masked_cumsum3A_738 = tpu.scan <sum>, %convert_element_type3A_735 masked %broadcast_in_dim3A_737 : vector<16xi32>, vector<16xi1> -> vector<16xi32>
        %sub3A_739 = arith.constant 1 : i32
        %sub3A_740 = vector.broadcast %sub3A_739 : i32 to vector<16xi32>
        %sub3A_741 = arith.subi %masked_cumsum3A_738, %sub3A_740 : vector<16xi32>
        %add3A_742 = arith.addi %add3A_699, %sub3A_741 : vector<16xi32>
        tpu.vector_store_idx %arg6[%add3A_742], %get3A_705 masked %and3A_731 : memref<32832xi32, #tpu.memory_space<vmem>>[vector<16xi32>], vector<16xi32>, vector<16xi1>
        %sub3A_743 = arith.subi %min3A_719, %masked_cumsum3A_738 : vector<16xi32>
        %sub3A_744 = arith.constant 32767 : i32
        %sub3A_745 = vector.broadcast %sub3A_744 : i32 to vector<16xi32>
        %sub3A_746 = arith.subi %sub3A_745, %add3A_701 : vector<16xi32>
        %sub3A_747 = arith.constant 1 : i32
        %sub3A_748 = vector.broadcast %sub3A_747 : i32 to vector<16xi32>
        %sub3A_749 = arith.subi %sub3A_743, %sub3A_748 : vector<16xi32>
        %sub3A_750 = arith.subi %sub3A_746, %sub3A_749 : vector<16xi32>
        tpu.vector_store_idx %arg6[%sub3A_750], %get3A_705 masked %and3A_734 : memref<32832xi32, #tpu.memory_space<vmem>>[vector<16xi32>], vector<16xi32>, vector<16xi1>
        %all_reduce_population_count3A_751 = tpu.all_reduce %and3A_731 {dim = 0 : i64, kind = #tpu.reduction_kind<sum>} : vector<16xi1> -> vector<16xi32>
        %add3A_752 = arith.addi %add3A_699, %all_reduce_population_count3A_751 : vector<16xi32>
        %all_reduce_population_count3A_753 = tpu.all_reduce %and3A_734 {dim = 0 : i64, kind = #tpu.reduction_kind<sum>} : vector<16xi1> -> vector<16xi32>
        %add3A_754 = arith.addi %add3A_701, %all_reduce_population_count3A_753 : vector<16xi32>
        scf.yield %add3A_752, %add3A_754 : vector<16xi32>, vector<16xi32>
      }
      %while3A_514 = arith.constant 1 : i32
      %while3A_515:2 = scf.for %while3A_544 = %while3A_511 to %while3A_507 step %while3A_514 iter_args(%while3A_545 = %while3A_513#0, %while3A_546 = %while3A_513#1) -> (vector<16xi32>, vector<16xi32>)  : i32 {
        %mul3A_547 = arith.constant 64 : i32
        %mul3A_548 = arith.muli %while3A_544, %mul3A_547 : i32
        %add3A_549 = arith.addi %and3A_475, %mul3A_548 : i32
        %add3A_550 = arith.constant 0 : i32
        %add3A_551 = arith.addi %add3A_549, %add3A_550 : i32
        %get3A = arith.index_cast %add3A_551 : i32 to index
        %get3A_552 = tpu.vector_load %arg7[%get3A] {strides = array<i32>} : memref<32832xi32, #tpu.memory_space<vmem>>, vector<16xi32>,
        %sub3A_553 = arith.subi %select_n3A_460, %add3A_551 : i32
        %min3A = vector.broadcast %sub3A_553 : i32 to vector<16xi32>
        %min3A_554 = arith.minsi %add3A_466, %min3A : vector<16xi32>
        %sub3A_555 = arith.subi %select_n3A_458, %add3A_551 : i32
        %max3A = arith.constant 0 : i32
        %max3A_556 = arith.maxsi %sub3A_555, %max3A : i32
        %sub3A_557 = vector.broadcast %max3A_556 : i32 to vector<16xi32>
        %sub3A_558 = arith.subi %min3A_554, %sub3A_557 : vector<16xi32>
        %jit3A_559 = arith.constant 0 : i32
        %jit3A_560 = arith.constant 16 : i32
        %max3A_561 = vector.broadcast %jit3A_559 : i32 to vector<16xi32>
        %max3A_562 = arith.maxsi %max3A_561, %sub3A_558 : vector<16xi32>
        %min3A_563 = vector.broadcast %jit3A_560 : i32 to vector<16xi32>
        %min3A_564 = arith.minsi %min3A_563, %max3A_562 : vector<16xi32>
        %add3A_565 = vector.broadcast %add3A_551 : i32 to vector<16xi32>
        %add3A_566 = arith.addi %add3A_565, %iota3A_463 : vector<16xi32>
        %ge3A_567 = vector.broadcast %select_n3A_458 : i32 to vector<16xi32>
        %ge3A_568 = arith.cmpi sge, %add3A_566, %ge3A_567 : vector<16xi32>
        %add3A_569 = vector.broadcast %add3A_551 : i32 to vector<16xi32>
        %add3A_570 = arith.addi %add3A_569, %iota3A_463 : vector<16xi32>
        %lt3A = vector.broadcast %select_n3A_460 : i32 to vector<16xi32>
        %lt3A_571 = arith.cmpi slt, %add3A_570, %lt3A : vector<16xi32>
        %and3A_572 = arith.andi %ge3A_568, %lt3A_571 : vector<16xi1>
        %ge3A_573 = vector.broadcast %xor3A_471 : i32 to vector<16xi32>
        %ge3A_574 = arith.cmpi sge, %get3A_552, %ge3A_573 : vector<16xi32>
        %and3A_575 = arith.andi %ge3A_574, %and3A_572 : vector<16xi1>
        %not3A_576 = arith.constant dense<true> : vector<16xi1>
        %not3A_577 = arith.xori %ge3A_574, %not3A_576 : vector<16xi1>
        %and3A_578 = arith.andi %not3A_577, %and3A_572 : vector<16xi1>
        %convert_element_type3A = arith.extui %and3A_575 : vector<16xi1> to vector<16xi32>
        %broadcast_in_dim3A_579 = arith.constant true
        %broadcast_in_dim3A_580 = vector.broadcast %broadcast_in_dim3A_579 : i1 to vector<16xi1>
        %masked_cumsum3A = tpu.scan <sum>, %convert_element_type3A masked %broadcast_in_dim3A_580 : vector<16xi32>, vector<16xi1> -> vector<16xi32>
        %sub3A_581 = arith.constant 1 : i32
        %sub3A_582 = vector.broadcast %sub3A_581 : i32 to vector<16xi32>
        %sub3A_583 = arith.subi %masked_cumsum3A, %sub3A_582 : vector<16xi32>
        %add3A_584 = arith.addi %while3A_545, %sub3A_583 : vector<16xi32>
        tpu.vector_store_idx %arg6[%add3A_584], %get3A_552 masked %and3A_575 : memref<32832xi32, #tpu.memory_space<vmem>>[vector<16xi32>], vector<16xi32>, vector<16xi1>
        %sub3A_585 = arith.subi %min3A_564, %masked_cumsum3A : vector<16xi32>
        %sub3A_586 = arith.constant 32767 : i32
        %sub3A_587 = vector.broadcast %sub3A_586 : i32 to vector<16xi32>
        %sub3A_588 = arith.subi %sub3A_587, %while3A_546 : vector<16xi32>
        %sub3A_589 = arith.constant 1 : i32
        %sub3A_590 = vector.broadcast %sub3A_589 : i32 to vector<16xi32>
        %sub3A_591 = arith.subi %sub3A_585, %sub3A_590 : vector<16xi32>
        %sub3A_592 = arith.subi %sub3A_588, %sub3A_591 : vector<16xi32>
        tpu.vector_store_idx %arg6[%sub3A_592], %get3A_552 masked %and3A_578 : memref<32832xi32, #tpu.memory_space<vmem>>[vector<16xi32>], vector<16xi32>, vector<16xi1>
        %all_reduce_population_count3A = tpu.all_reduce %and3A_575 {dim = 0 : i64, kind = #tpu.reduction_kind<sum>} : vector<16xi1> -> vector<16xi32>
        %add3A_593 = arith.addi %while3A_545, %all_reduce_population_count3A : vector<16xi32>
        %all_reduce_population_count3A_594 = tpu.all_reduce %and3A_578 {dim = 0 : i64, kind = #tpu.reduction_kind<sum>} : vector<16xi1> -> vector<16xi32>
        %add3A_595 = arith.addi %while3A_546, %all_reduce_population_count3A_594 : vector<16xi32>
        %add3A_596 = arith.constant 16 : i32
        %add3A_597 = arith.addi %add3A_549, %add3A_596 : i32
        %get3A_598 = arith.index_cast %add3A_597 : i32 to index
        %get3A_599 = tpu.vector_load %arg7[%get3A_598] {strides = array<i32>} : memref<32832xi32, #tpu.memory_space<vmem>>, vector<16xi32>,
        %sub3A_600 = arith.subi %select_n3A_460, %add3A_597 : i32
        %min3A_601 = vector.broadcast %sub3A_600 : i32 to vector<16xi32>
        %min3A_602 = arith.minsi %add3A_466, %min3A_601 : vector<16xi32>
        %sub3A_603 = arith.subi %select_n3A_458, %add3A_597 : i32
        %max3A_604 = arith.constant 0 : i32
        %max3A_605 = arith.maxsi %sub3A_603, %max3A_604 : i32
        %sub3A_606 = vector.broadcast %max3A_605 : i32 to vector<16xi32>
        %sub3A_607 = arith.subi %min3A_602, %sub3A_606 : vector<16xi32>
        %jit3A_608 = arith.constant 0 : i32
        %jit3A_609 = arith.constant 16 : i32
        %max3A_610 = vector.broadcast %jit3A_608 : i32 to vector<16xi32>
        %max3A_611 = arith.maxsi %max3A_610, %sub3A_607 : vector<16xi32>
        %min3A_612 = vector.broadcast %jit3A_609 : i32 to vector<16xi32>
        %min3A_613 = arith.minsi %min3A_612, %max3A_611 : vector<16xi32>
        %add3A_614 = vector.broadcast %add3A_597 : i32 to vector<16xi32>
        %add3A_615 = arith.addi %add3A_614, %iota3A_463 : vector<16xi32>
        %ge3A_616 = vector.broadcast %select_n3A_458 : i32 to vector<16xi32>
        %ge3A_617 = arith.cmpi sge, %add3A_615, %ge3A_616 : vector<16xi32>
        %add3A_618 = vector.broadcast %add3A_597 : i32 to vector<16xi32>
        %add3A_619 = arith.addi %add3A_618, %iota3A_463 : vector<16xi32>
        %lt3A_620 = vector.broadcast %select_n3A_460 : i32 to vector<16xi32>
        %lt3A_621 = arith.cmpi slt, %add3A_619, %lt3A_620 : vector<16xi32>
        %and3A_622 = arith.andi %ge3A_617, %lt3A_621 : vector<16xi1>
        %ge3A_623 = vector.broadcast %xor3A_471 : i32 to vector<16xi32>
        %ge3A_624 = arith.cmpi sge, %get3A_599, %ge3A_623 : vector<16xi32>
        %and3A_625 = arith.andi %ge3A_624, %and3A_622 : vector<16xi1>
        %not3A_626 = arith.constant dense<true> : vector<16xi1>
        %not3A_627 = arith.xori %ge3A_624, %not3A_626 : vector<16xi1>
        %and3A_628 = arith.andi %not3A_627, %and3A_622 : vector<16xi1>
        %convert_element_type3A_629 = arith.extui %and3A_625 : vector<16xi1> to vector<16xi32>
        %broadcast_in_dim3A_630 = arith.constant true
        %broadcast_in_dim3A_631 = vector.broadcast %broadcast_in_dim3A_630 : i1 to vector<16xi1>
        %masked_cumsum3A_632 = tpu.scan <sum>, %convert_element_type3A_629 masked %broadcast_in_dim3A_631 : vector<16xi32>, vector<16xi1> -> vector<16xi32>
        %sub3A_633 = arith.constant 1 : i32
        %sub3A_634 = vector.broadcast %sub3A_633 : i32 to vector<16xi32>
        %sub3A_635 = arith.subi %masked_cumsum3A_632, %sub3A_634 : vector<16xi32>
        %add3A_636 = arith.addi %add3A_593, %sub3A_635 : vector<16xi32>
        tpu.vector_store_idx %arg6[%add3A_636], %get3A_599 masked %and3A_625 : memref<32832xi32, #tpu.memory_space<vmem>>[vector<16xi32>], vector<16xi32>, vector<16xi1>
        %sub3A_637 = arith.subi %min3A_613, %masked_cumsum3A_632 : vector<16xi32>
        %sub3A_638 = arith.constant 32767 : i32
        %sub3A_639 = vector.broadcast %sub3A_638 : i32 to vector<16xi32>
        %sub3A_640 = arith.subi %sub3A_639, %add3A_595 : vector<16xi32>
        %sub3A_641 = arith.constant 1 : i32
        %sub3A_642 = vector.broadcast %sub3A_641 : i32 to vector<16xi32>
        %sub3A_643 = arith.subi %sub3A_637, %sub3A_642 : vector<16xi32>
        %sub3A_644 = arith.subi %sub3A_640, %sub3A_643 : vector<16xi32>
        tpu.vector_store_idx %arg6[%sub3A_644], %get3A_599 masked %and3A_628 : memref<32832xi32, #tpu.memory_space<vmem>>[vector<16xi32>], vector<16xi32>, vector<16xi1>
        %all_reduce_population_count3A_645 = tpu.all_reduce %and3A_625 {dim = 0 : i64, kind = #tpu.reduction_kind<sum>} : vector<16xi1> -> vector<16xi32>
        %add3A_646 = arith.addi %add3A_593, %all_reduce_population_count3A_645 : vector<16xi32>
        %all_reduce_population_count3A_647 = tpu.all_reduce %and3A_628 {dim = 0 : i64, kind = #tpu.reduction_kind<sum>} : vector<16xi1> -> vector<16xi32>
        %add3A_648 = arith.addi %add3A_595, %all_reduce_population_count3A_647 : vector<16xi32>
        %add3A_649 = arith.constant 32 : i32
        %add3A_650 = arith.addi %add3A_549, %add3A_649 : i32
        %get3A_651 = arith.index_cast %add3A_650 : i32 to index
        %get3A_652 = tpu.vector_load %arg7[%get3A_651] {strides = array<i32>} : memref<32832xi32, #tpu.memory_space<vmem>>, vector<16xi32>,
        %sub3A_653 = arith.subi %select_n3A_460, %add3A_650 : i32
        %min3A_654 = vector.broadcast %sub3A_653 : i32 to vector<16xi32>
        %min3A_655 = arith.minsi %add3A_466, %min3A_654 : vector<16xi32>
        %sub3A_656 = arith.subi %select_n3A_458, %add3A_650 : i32
        %max3A_657 = arith.constant 0 : i32
        %max3A_658 = arith.maxsi %sub3A_656, %max3A_657 : i32
        %sub3A_659 = vector.broadcast %max3A_658 : i32 to vector<16xi32>
        %sub3A_660 = arith.subi %min3A_655, %sub3A_659 : vector<16xi32>
        %jit3A_661 = arith.constant 0 : i32
        %jit3A_662 = arith.constant 16 : i32
        %max3A_663 = vector.broadcast %jit3A_661 : i32 to vector<16xi32>
        %max3A_664 = arith.maxsi %max3A_663, %sub3A_660 : vector<16xi32>
        %min3A_665 = vector.broadcast %jit3A_662 : i32 to vector<16xi32>
        %min3A_666 = arith.minsi %min3A_665, %max3A_664 : vector<16xi32>
        %add3A_667 = vector.broadcast %add3A_650 : i32 to vector<16xi32>
        %add3A_668 = arith.addi %add3A_667, %iota3A_463 : vector<16xi32>
        %ge3A_669 = vector.broadcast %select_n3A_458 : i32 to vector<16xi32>
        %ge3A_670 = arith.cmpi sge, %add3A_668, %ge3A_669 : vector<16xi32>
        %add3A_671 = vector.broadcast %add3A_650 : i32 to vector<16xi32>
        %add3A_672 = arith.addi %add3A_671, %iota3A_463 : vector<16xi32>
        %lt3A_673 = vector.broadcast %select_n3A_460 : i32 to vector<16xi32>
        %lt3A_674 = arith.cmpi slt, %add3A_672, %lt3A_673 : vector<16xi32>
        %and3A_675 = arith.andi %ge3A_670, %lt3A_674 : vector<16xi1>
        %ge3A_676 = vector.broadcast %xor3A_471 : i32 to vector<16xi32>
        %ge3A_677 = arith.cmpi sge, %get3A_652, %ge3A_676 : vector<16xi32>
        %and3A_678 = arith.andi %ge3A_677, %and3A_675 : vector<16xi1>
        %not3A_679 = arith.constant dense<true> : vector<16xi1>
        %not3A_680 = arith.xori %ge3A_677, %not3A_679 : vector<16xi1>
        %and3A_681 = arith.andi %not3A_680, %and3A_675 : vector<16xi1>
        %convert_element_type3A_682 = arith.extui %and3A_678 : vector<16xi1> to vector<16xi32>
        %broadcast_in_dim3A_683 = arith.constant true
        %broadcast_in_dim3A_684 = vector.broadcast %broadcast_in_dim3A_683 : i1 to vector<16xi1>
        %masked_cumsum3A_685 = tpu.scan <sum>, %convert_element_type3A_682 masked %broadcast_in_dim3A_684 : vector<16xi32>, vector<16xi1> -> vector<16xi32>
        %sub3A_686 = arith.constant 1 : i32
        %sub3A_687 = vector.broadcast %sub3A_686 : i32 to vector<16xi32>
        %sub3A_688 = arith.subi %masked_cumsum3A_685, %sub3A_687 : vector<16xi32>
        %add3A_689 = arith.addi %add3A_646, %sub3A_688 : vector<16xi32>
        tpu.vector_store_idx %arg6[%add3A_689], %get3A_652 masked %and3A_678 : memref<32832xi32, #tpu.memory_space<vmem>>[vector<16xi32>], vector<16xi32>, vector<16xi1>
        %sub3A_690 = arith.subi %min3A_666, %masked_cumsum3A_685 : vector<16xi32>
        %sub3A_691 = arith.constant 32767 : i32
        %sub3A_692 = vector.broadcast %sub3A_691 : i32 to vector<16xi32>
        %sub3A_693 = arith.subi %sub3A_692, %add3A_648 : vector<16xi32>
        %sub3A_694 = arith.constant 1 : i32
        %sub3A_695 = vector.broadcast %sub3A_694 : i32 to vector<16xi32>
        %sub3A_696 = arith.subi %sub3A_690, %sub3A_695 : vector<16xi32>
        %sub3A_697 = arith.subi %sub3A_693, %sub3A_696 : vector<16xi32>
        tpu.vector_store_idx %arg6[%sub3A_697], %get3A_652 masked %and3A_681 : memref<32832xi32, #tpu.memory_space<vmem>>[vector<16xi32>], vector<16xi32>, vector<16xi1>
        %all_reduce_population_count3A_698 = tpu.all_reduce %and3A_678 {dim = 0 : i64, kind = #tpu.reduction_kind<sum>} : vector<16xi1> -> vector<16xi32>
        %add3A_699 = arith.addi %add3A_646, %all_reduce_population_count3A_698 : vector<16xi32>
        %all_reduce_population_count3A_700 = tpu.all_reduce %and3A_681 {dim = 0 : i64, kind = #tpu.reduction_kind<sum>} : vector<16xi1> -> vector<16xi32>
        %add3A_701 = arith.addi %add3A_648, %all_reduce_population_count3A_700 : vector<16xi32>
        %add3A_702 = arith.constant 48 : i32
        %add3A_703 = arith.addi %add3A_549, %add3A_702 : i32
        %get3A_704 = arith.index_cast %add3A_703 : i32 to index
        %get3A_705 = tpu.vector_load %arg7[%get3A_704] {strides = array<i32>} : memref<32832xi32, #tpu.memory_space<vmem>>, vector<16xi32>,
        %sub3A_706 = arith.subi %select_n3A_460, %add3A_703 : i32
        %min3A_707 = vector.broadcast %sub3A_706 : i32 to vector<16xi32>
        %min3A_708 = arith.minsi %add3A_466, %min3A_707 : vector<16xi32>
        %sub3A_709 = arith.subi %select_n3A_458, %add3A_703 : i32
        %max3A_710 = arith.constant 0 : i32
        %max3A_711 = arith.maxsi %sub3A_709, %max3A_710 : i32
        %sub3A_712 = vector.broadcast %max3A_711 : i32 to vector<16xi32>
        %sub3A_713 = arith.subi %min3A_708, %sub3A_712 : vector<16xi32>
        %jit3A_714 = arith.constant 0 : i32
        %jit3A_715 = arith.constant 16 : i32
        %max3A_716 = vector.broadcast %jit3A_714 : i32 to vector<16xi32>
        %max3A_717 = arith.maxsi %max3A_716, %sub3A_713 : vector<16xi32>
        %min3A_718 = vector.broadcast %jit3A_715 : i32 to vector<16xi32>
        %min3A_719 = arith.minsi %min3A_718, %max3A_717 : vector<16xi32>
        %add3A_720 = vector.broadcast %add3A_703 : i32 to vector<16xi32>
        %add3A_721 = arith.addi %add3A_720, %iota3A_463 : vector<16xi32>
        %ge3A_722 = vector.broadcast %select_n3A_458 : i32 to vector<16xi32>
        %ge3A_723 = arith.cmpi sge, %add3A_721, %ge3A_722 : vector<16xi32>
        %add3A_724 = vector.broadcast %add3A_703 : i32 to vector<16xi32>
        %add3A_725 = arith.addi %add3A_724, %iota3A_463 : vector<16xi32>
        %lt3A_726 = vector.broadcast %select_n3A_460 : i32 to vector<16xi32>
        %lt3A_727 = arith.cmpi slt, %add3A_725, %lt3A_726 : vector<16xi32>
        %and3A_728 = arith.andi %ge3A_723, %lt3A_727 : vector<16xi1>
        %ge3A_729 = vector.broadcast %xor3A_471 : i32 to vector<16xi32>
        %ge3A_730 = arith.cmpi sge, %get3A_705, %ge3A_729 : vector<16xi32>
        %and3A_731 = arith.andi %ge3A_730, %and3A_728 : vector<16xi1>
        %not3A_732 = arith.constant dense<true> : vector<16xi1>
        %not3A_733 = arith.xori %ge3A_730, %not3A_732 : vector<16xi1>
        %and3A_734 = arith.andi %not3A_733, %and3A_728 : vector<16xi1>
        %convert_element_type3A_735 = arith.extui %and3A_731 : vector<16xi1> to vector<16xi32>
        %broadcast_in_dim3A_736 = arith.constant true
        %broadcast_in_dim3A_737 = vector.broadcast %broadcast_in_dim3A_736 : i1 to vector<16xi1>
        %masked_cumsum3A_738 = tpu.scan <sum>, %convert_element_type3A_735 masked %broadcast_in_dim3A_737 : vector<16xi32>, vector<16xi1> -> vector<16xi32>
        %sub3A_739 = arith.constant 1 : i32
        %sub3A_740 = vector.broadcast %sub3A_739 : i32 to vector<16xi32>
        %sub3A_741 = arith.subi %masked_cumsum3A_738, %sub3A_740 : vector<16xi32>
        %add3A_742 = arith.addi %add3A_699, %sub3A_741 : vector<16xi32>
        tpu.vector_store_idx %arg6[%add3A_742], %get3A_705 masked %and3A_731 : memref<32832xi32, #tpu.memory_space<vmem>>[vector<16xi32>], vector<16xi32>, vector<16xi1>
        %sub3A_743 = arith.subi %min3A_719, %masked_cumsum3A_738 : vector<16xi32>
        %sub3A_744 = arith.constant 32767 : i32
        %sub3A_745 = vector.broadcast %sub3A_744 : i32 to vector<16xi32>
        %sub3A_746 = arith.subi %sub3A_745, %add3A_701 : vector<16xi32>
        %sub3A_747 = arith.constant 1 : i32
        %sub3A_748 = vector.broadcast %sub3A_747 : i32 to vector<16xi32>
        %sub3A_749 = arith.subi %sub3A_743, %sub3A_748 : vector<16xi32>
        %sub3A_750 = arith.subi %sub3A_746, %sub3A_749 : vector<16xi32>
        tpu.vector_store_idx %arg6[%sub3A_750], %get3A_705 masked %and3A_734 : memref<32832xi32, #tpu.memory_space<vmem>>[vector<16xi32>], vector<16xi32>, vector<16xi1>
        %all_reduce_population_count3A_751 = tpu.all_reduce %and3A_731 {dim = 0 : i64, kind = #tpu.reduction_kind<sum>} : vector<16xi1> -> vector<16xi32>
        %add3A_752 = arith.addi %add3A_699, %all_reduce_population_count3A_751 : vector<16xi32>
        %all_reduce_population_count3A_753 = tpu.all_reduce %and3A_734 {dim = 0 : i64, kind = #tpu.reduction_kind<sum>} : vector<16xi1> -> vector<16xi32>
        %add3A_754 = arith.addi %add3A_701, %all_reduce_population_count3A_753 : vector<16xi32>
        scf.yield %add3A_752, %add3A_754 : vector<16xi32>, vector<16xi32>
      }
      %reduce_max3A_516 = arith.constant true
      %reduce_max3A_517 = vector.broadcast %reduce_max3A_516 : i1 to vector<16xi1>
      %reduce_max3A_518 = arith.constant -2147483648 : i32
      %reduce_max3A_519 = vector.broadcast %reduce_max3A_518 : i32 to vector<16xi32>
      %reduce_max3A_520 = arith.xori %while3A_515#0, %reduce_max3A_519 : vector<16xi32>
      %reduce_max3A_521 = tpu.scan <max>, %reduce_max3A_520 masked %reduce_max3A_517 : vector<16xi32>, vector<16xi1> -> vector<16xi32>
      %reduce_max3A_522 = arith.xori %reduce_max3A_521, %reduce_max3A_519 : vector<16xi32>
      %reduce_max3A_523 = vector.extract %reduce_max3A_522[15] : i32 from vector<16xi32>
      %reduce_max3A_524 = arith.constant true
      %reduce_max3A_525 = vector.broadcast %reduce_max3A_524 : i1 to vector<16xi1>
      %reduce_max3A_526 = arith.constant -2147483648 : i32
      %reduce_max3A_527 = vector.broadcast %reduce_max3A_526 : i32 to vector<16xi32>
      %reduce_max3A_528 = arith.xori %while3A_515#1, %reduce_max3A_527 : vector<16xi32>
      %reduce_max3A_529 = tpu.scan <max>, %reduce_max3A_528 masked %reduce_max3A_525 : vector<16xi32>, vector<16xi1> -> vector<16xi32>
      %reduce_max3A_530 = arith.xori %reduce_max3A_529, %reduce_max3A_527 : vector<16xi32>
      %reduce_max3A_531 = vector.extract %reduce_max3A_530[15] : i32 from vector<16xi32>
      %add3A_532 = arith.addi %select_n3A_454, %reduce_max3A_523 : i32
      %ge3A_533 = arith.constant 2048 : i32
      %ge3A_534 = arith.cmpi sge, %add3A_532, %ge3A_533 : i32
      %select_n3A_535 = arith.select %ge3A_534, %or3A_469, %select_n3A_452 : i32
      %add3A_536 = arith.addi %select_n3A_454, %reduce_max3A_523 : i32
      %select_n3A_537 = arith.select %ge3A_534, %select_n3A_454, %add3A_536 : i32
      %sub3A_538 = arith.constant 32768 : i32
      %sub3A_539 = arith.subi %sub3A_538, %reduce_max3A_531 : i32
      %jit3A_540 = arith.constant 0 : i32
      %select_n3A_541 = arith.select %ge3A_534, %jit3A_540, %sub3A_539 : i32
      %jit3A_542 = arith.constant 32768 : i32
      %select_n3A_543 = arith.select %ge3A_534, %reduce_max3A_523, %jit3A_542 : i32
      scf.yield %select_n3A_541, %select_n3A_543, %select_n3A_535, %select_n3A_537 : i32, i32, i32, i32
    }
    %scan3A_86 = arith.constant 15 : i32
    %iota3A_87 = tpu.iota {dimensions = array<i32: 0>} : vector<16xi32>
    %add3A_88 = arith.constant 1 : i32
    %add3A_89 = vector.broadcast %add3A_88 : i32 to vector<16xi32>
    %add3A_90 = arith.addi %iota3A_87, %add3A_89 : vector<16xi32>
    %shift_left3A_91 = arith.constant 1 : i32
    %shift_left3A_92 = arith.constant 0 : i32
    %shift_left3A_93 = arith.shli %shift_left3A_91, %shift_left3A_92 : i32
    %or3A_94 = arith.ori %scan3A_85#2, %shift_left3A_93 : i32
    %xor3A_95 = arith.constant -2147483648 : i32
    %xor3A_96 = arith.xori %or3A_94, %xor3A_95 : i32
    %not3A_97 = arith.constant 15 : i32
    %not3A_98 = arith.constant -1 : i32
    %not3A_99 = arith.xori %not3A_97, %not3A_98 : i32
    %and3A_100 = arith.andi %scan3A_85#0, %not3A_99 : i32
    %sub3A_101 = arith.subi %scan3A_85#1, %and3A_100 : i32
    %add3A_102 = arith.constant 63 : i32
    %add3A_103 = arith.addi %sub3A_101, %add3A_102 : i32
    %jit3A_104 = arith.constant 64 : i32
    %div3A_105 = arith.divsi %add3A_103, %jit3A_104 : i32
    %sign3A_106 = arith.constant 0 : i32
    %sign3A_107 = arith.cmpi sgt, %add3A_103, %sign3A_106 : i32
    %sign3A_108 = arith.extui %sign3A_107 : i1 to i32
    %sign3A_109 = arith.constant 0 : i32
    %sign3A_110 = arith.cmpi slt, %add3A_103, %sign3A_109 : i32
    %sign3A_111 = arith.extui %sign3A_110 : i1 to i32
    %sign3A_112 = arith.subi %sign3A_108, %sign3A_111 : i32
    %sign3A_113 = arith.constant 0 : i32
    %sign3A_114 = arith.cmpi sgt, %jit3A_104, %sign3A_113 : i32
    %sign3A_115 = arith.extui %sign3A_114 : i1 to i32
    %sign3A_116 = arith.constant 0 : i32
    %sign3A_117 = arith.cmpi slt, %jit3A_104, %sign3A_116 : i32
    %sign3A_118 = arith.extui %sign3A_117 : i1 to i32
    %sign3A_119 = arith.subi %sign3A_115, %sign3A_118 : i32
    %ne3A_120 = arith.cmpi ne, %sign3A_112, %sign3A_119 : i32
    %rem3A_121 = arith.remsi %add3A_103, %jit3A_104 : i32
    %ne3A_122 = arith.constant 0 : i32
    %ne3A_123 = arith.cmpi ne, %rem3A_121, %ne3A_122 : i32
    %and3A_124 = arith.andi %ne3A_120, %ne3A_123 : i1
    %sub3A_125 = arith.constant 1 : i32
    %sub3A_126 = arith.subi %div3A_105, %sub3A_125 : i32
    %select_n3A_127 = arith.select %and3A_124, %sub3A_126, %div3A_105 : i32
    %broadcast_in_dim3A_128 = arith.constant 0 : i32
    %broadcast_in_dim3A_129 = vector.broadcast %broadcast_in_dim3A_128 : i32 to vector<16xi32>
    %while3A_130 = arith.constant 0 : i32
    %while3A_131 = arith.subi %select_n3A_127, %while3A_130 : i32
    %while3A_132 = arith.addi %while3A_130, %while3A_131 : i32
    %while3A_133 = arith.constant 1 : i32
    %while3A_134 = arith.divsi %while3A_131, %while3A_133 : i32
    %while3A_135 = arith.muli %while3A_134, %while3A_133 : i32
    %while3A_136 = arith.addi %while3A_130, %while3A_135 : i32
    %while3A_137 = arith.constant 1 : i32
    %while3A_138:2 = scf.for %while3A_371 = %while3A_130 to %while3A_136 step %while3A_137 iter_args(%while3A_372 = %broadcast_in_dim3A_129, %while3A_373 = %broadcast_in_dim3A_129) -> (vector<16xi32>, vector<16xi32>)  : i32 {
      %mul3A_374 = arith.constant 64 : i32
      %mul3A_375 = arith.muli %while3A_371, %mul3A_374 : i32
      %add3A_376 = arith.addi %and3A_100, %mul3A_375 : i32
      %add3A_377 = arith.constant 0 : i32
      %add3A_378 = arith.addi %add3A_376, %add3A_377 : i32
      %get3A = arith.index_cast %add3A_378 : i32 to index
      %get3A_379 = tpu.vector_load %arg6[%get3A] {strides = array<i32>} : memref<32832xi32, #tpu.memory_space<vmem>>, vector<16xi32>,
      %sub3A_380 = arith.subi %scan3A_85#1, %add3A_378 : i32
      %min3A = vector.broadcast %sub3A_380 : i32 to vector<16xi32>
      %min3A_381 = arith.minsi %add3A_90, %min3A : vector<16xi32>
      %sub3A_382 = arith.subi %scan3A_85#0, %add3A_378 : i32
      %max3A = arith.constant 0 : i32
      %max3A_383 = arith.maxsi %sub3A_382, %max3A : i32
      %sub3A_384 = vector.broadcast %max3A_383 : i32 to vector<16xi32>
      %sub3A_385 = arith.subi %min3A_381, %sub3A_384 : vector<16xi32>
      %jit3A_386 = arith.constant 0 : i32
      %jit3A_387 = arith.constant 16 : i32
      %max3A_388 = vector.broadcast %jit3A_386 : i32 to vector<16xi32>
      %max3A_389 = arith.maxsi %max3A_388, %sub3A_385 : vector<16xi32>
      %min3A_390 = vector.broadcast %jit3A_387 : i32 to vector<16xi32>
      %min3A_391 = arith.minsi %min3A_390, %max3A_389 : vector<16xi32>
      %add3A_392 = vector.broadcast %add3A_378 : i32 to vector<16xi32>
      %add3A_393 = arith.addi %add3A_392, %iota3A_87 : vector<16xi32>
      %ge3A_394 = vector.broadcast %scan3A_85#0 : i32 to vector<16xi32>
      %ge3A_395 = arith.cmpi sge, %add3A_393, %ge3A_394 : vector<16xi32>
      %add3A_396 = vector.broadcast %add3A_378 : i32 to vector<16xi32>
      %add3A_397 = arith.addi %add3A_396, %iota3A_87 : vector<16xi32>
      %lt3A = vector.broadcast %scan3A_85#1 : i32 to vector<16xi32>
      %lt3A_398 = arith.cmpi slt, %add3A_397, %lt3A : vector<16xi32>
      %and3A_399 = arith.andi %ge3A_395, %lt3A_398 : vector<16xi1>
      %ge3A_400 = vector.broadcast %xor3A_96 : i32 to vector<16xi32>
      %ge3A_401 = arith.cmpi sge, %get3A_379, %ge3A_400 : vector<16xi32>
      %and3A_402 = arith.andi %ge3A_401, %and3A_399 : vector<16xi1>
      %not3A_403 = arith.constant dense<true> : vector<16xi1>
      %not3A_404 = arith.xori %ge3A_401, %not3A_403 : vector<16xi1>
      %and3A_405 = arith.andi %not3A_404, %and3A_399 : vector<16xi1>
      %convert_element_type3A = arith.extui %and3A_402 : vector<16xi1> to vector<16xi32>
      %broadcast_in_dim3A_406 = arith.constant true
      %broadcast_in_dim3A_407 = vector.broadcast %broadcast_in_dim3A_406 : i1 to vector<16xi1>
      %masked_cumsum3A = tpu.scan <sum>, %convert_element_type3A masked %broadcast_in_dim3A_407 : vector<16xi32>, vector<16xi1> -> vector<16xi32>
      %sub3A_408 = arith.constant 1 : i32
      %sub3A_409 = vector.broadcast %sub3A_408 : i32 to vector<16xi32>
      %sub3A_410 = arith.subi %masked_cumsum3A, %sub3A_409 : vector<16xi32>
      %add3A_411 = arith.addi %while3A_372, %sub3A_410 : vector<16xi32>
      tpu.vector_store_idx %arg7[%add3A_411], %get3A_379 masked %and3A_402 : memref<32832xi32, #tpu.memory_space<vmem>>[vector<16xi32>], vector<16xi32>, vector<16xi1>
      %sub3A_412 = arith.subi %min3A_391, %masked_cumsum3A : vector<16xi32>
      %sub3A_413 = arith.constant 32767 : i32
      %sub3A_414 = vector.broadcast %sub3A_413 : i32 to vector<16xi32>
      %sub3A_415 = arith.subi %sub3A_414, %while3A_373 : vector<16xi32>
      %sub3A_416 = arith.constant 1 : i32
      %sub3A_417 = vector.broadcast %sub3A_416 : i32 to vector<16xi32>
      %sub3A_418 = arith.subi %sub3A_412, %sub3A_417 : vector<16xi32>
      %sub3A_419 = arith.subi %sub3A_415, %sub3A_418 : vector<16xi32>
      tpu.vector_store_idx %arg7[%sub3A_419], %get3A_379 masked %and3A_405 : memref<32832xi32, #tpu.memory_space<vmem>>[vector<16xi32>], vector<16xi32>, vector<16xi1>
      %all_reduce_population_count3A = tpu.all_reduce %and3A_402 {dim = 0 : i64, kind = #tpu.reduction_kind<sum>} : vector<16xi1> -> vector<16xi32>
      %add3A_420 = arith.addi %while3A_372, %all_reduce_population_count3A : vector<16xi32>
      %all_reduce_population_count3A_421 = tpu.all_reduce %and3A_405 {dim = 0 : i64, kind = #tpu.reduction_kind<sum>} : vector<16xi1> -> vector<16xi32>
      %add3A_422 = arith.addi %while3A_373, %all_reduce_population_count3A_421 : vector<16xi32>
      %add3A_423 = arith.constant 16 : i32
      %add3A_424 = arith.addi %add3A_376, %add3A_423 : i32
      %get3A_425 = arith.index_cast %add3A_424 : i32 to index
      %get3A_426 = tpu.vector_load %arg6[%get3A_425] {strides = array<i32>} : memref<32832xi32, #tpu.memory_space<vmem>>, vector<16xi32>,
      %sub3A_427 = arith.subi %scan3A_85#1, %add3A_424 : i32
      %min3A_428 = vector.broadcast %sub3A_427 : i32 to vector<16xi32>
      %min3A_429 = arith.minsi %add3A_90, %min3A_428 : vector<16xi32>
      %sub3A_430 = arith.subi %scan3A_85#0, %add3A_424 : i32
      %max3A_431 = arith.constant 0 : i32
      %max3A_432 = arith.maxsi %sub3A_430, %max3A_431 : i32
      %sub3A_433 = vector.broadcast %max3A_432 : i32 to vector<16xi32>
      %sub3A_434 = arith.subi %min3A_429, %sub3A_433 : vector<16xi32>
      %jit3A_435 = arith.constant 0 : i32
      %jit3A_436 = arith.constant 16 : i32
      %max3A_437 = vector.broadcast %jit3A_435 : i32 to vector<16xi32>
      %max3A_438 = arith.maxsi %max3A_437, %sub3A_434 : vector<16xi32>
      %min3A_439 = vector.broadcast %jit3A_436 : i32 to vector<16xi32>
      %min3A_440 = arith.minsi %min3A_439, %max3A_438 : vector<16xi32>
      %add3A_441 = vector.broadcast %add3A_424 : i32 to vector<16xi32>
      %add3A_442 = arith.addi %add3A_441, %iota3A_87 : vector<16xi32>
      %ge3A_443 = vector.broadcast %scan3A_85#0 : i32 to vector<16xi32>
      %ge3A_444 = arith.cmpi sge, %add3A_442, %ge3A_443 : vector<16xi32>
      %add3A_445 = vector.broadcast %add3A_424 : i32 to vector<16xi32>
      %add3A_446 = arith.addi %add3A_445, %iota3A_87 : vector<16xi32>
      %lt3A_447 = vector.broadcast %scan3A_85#1 : i32 to vector<16xi32>
      %lt3A_448 = arith.cmpi slt, %add3A_446, %lt3A_447 : vector<16xi32>
      %and3A_449 = arith.andi %ge3A_444, %lt3A_448 : vector<16xi1>
      %ge3A_450 = vector.broadcast %xor3A_96 : i32 to vector<16xi32>
      %ge3A_451 = arith.cmpi sge, %get3A_426, %ge3A_450 : vector<16xi32>
      %and3A_452 = arith.andi %ge3A_451, %and3A_449 : vector<16xi1>
      %not3A_453 = arith.constant dense<true> : vector<16xi1>
      %not3A_454 = arith.xori %ge3A_451, %not3A_453 : vector<16xi1>
      %and3A_455 = arith.andi %not3A_454, %and3A_449 : vector<16xi1>
      %convert_element_type3A_456 = arith.extui %and3A_452 : vector<16xi1> to vector<16xi32>
      %broadcast_in_dim3A_457 = arith.constant true
      %broadcast_in_dim3A_458 = vector.broadcast %broadcast_in_dim3A_457 : i1 to vector<16xi1>
      %masked_cumsum3A_459 = tpu.scan <sum>, %convert_element_type3A_456 masked %broadcast_in_dim3A_458 : vector<16xi32>, vector<16xi1> -> vector<16xi32>
      %sub3A_460 = arith.constant 1 : i32
      %sub3A_461 = vector.broadcast %sub3A_460 : i32 to vector<16xi32>
      %sub3A_462 = arith.subi %masked_cumsum3A_459, %sub3A_461 : vector<16xi32>
      %add3A_463 = arith.addi %add3A_420, %sub3A_462 : vector<16xi32>
      tpu.vector_store_idx %arg7[%add3A_463], %get3A_426 masked %and3A_452 : memref<32832xi32, #tpu.memory_space<vmem>>[vector<16xi32>], vector<16xi32>, vector<16xi1>
      %sub3A_464 = arith.subi %min3A_440, %masked_cumsum3A_459 : vector<16xi32>
      %sub3A_465 = arith.constant 32767 : i32
      %sub3A_466 = vector.broadcast %sub3A_465 : i32 to vector<16xi32>
      %sub3A_467 = arith.subi %sub3A_466, %add3A_422 : vector<16xi32>
      %sub3A_468 = arith.constant 1 : i32
      %sub3A_469 = vector.broadcast %sub3A_468 : i32 to vector<16xi32>
      %sub3A_470 = arith.subi %sub3A_464, %sub3A_469 : vector<16xi32>
      %sub3A_471 = arith.subi %sub3A_467, %sub3A_470 : vector<16xi32>
      tpu.vector_store_idx %arg7[%sub3A_471], %get3A_426 masked %and3A_455 : memref<32832xi32, #tpu.memory_space<vmem>>[vector<16xi32>], vector<16xi32>, vector<16xi1>
      %all_reduce_population_count3A_472 = tpu.all_reduce %and3A_452 {dim = 0 : i64, kind = #tpu.reduction_kind<sum>} : vector<16xi1> -> vector<16xi32>
      %add3A_473 = arith.addi %add3A_420, %all_reduce_population_count3A_472 : vector<16xi32>
      %all_reduce_population_count3A_474 = tpu.all_reduce %and3A_455 {dim = 0 : i64, kind = #tpu.reduction_kind<sum>} : vector<16xi1> -> vector<16xi32>
      %add3A_475 = arith.addi %add3A_422, %all_reduce_population_count3A_474 : vector<16xi32>
      %add3A_476 = arith.constant 32 : i32
      %add3A_477 = arith.addi %add3A_376, %add3A_476 : i32
      %get3A_478 = arith.index_cast %add3A_477 : i32 to index
      %get3A_479 = tpu.vector_load %arg6[%get3A_478] {strides = array<i32>} : memref<32832xi32, #tpu.memory_space<vmem>>, vector<16xi32>,
      %sub3A_480 = arith.subi %scan3A_85#1, %add3A_477 : i32
      %min3A_481 = vector.broadcast %sub3A_480 : i32 to vector<16xi32>
      %min3A_482 = arith.minsi %add3A_90, %min3A_481 : vector<16xi32>
      %sub3A_483 = arith.subi %scan3A_85#0, %add3A_477 : i32
      %max3A_484 = arith.constant 0 : i32
      %max3A_485 = arith.maxsi %sub3A_483, %max3A_484 : i32
      %sub3A_486 = vector.broadcast %max3A_485 : i32 to vector<16xi32>
      %sub3A_487 = arith.subi %min3A_482, %sub3A_486 : vector<16xi32>
      %jit3A_488 = arith.constant 0 : i32
      %jit3A_489 = arith.constant 16 : i32
      %max3A_490 = vector.broadcast %jit3A_488 : i32 to vector<16xi32>
      %max3A_491 = arith.maxsi %max3A_490, %sub3A_487 : vector<16xi32>
      %min3A_492 = vector.broadcast %jit3A_489 : i32 to vector<16xi32>
      %min3A_493 = arith.minsi %min3A_492, %max3A_491 : vector<16xi32>
      %add3A_494 = vector.broadcast %add3A_477 : i32 to vector<16xi32>
      %add3A_495 = arith.addi %add3A_494, %iota3A_87 : vector<16xi32>
      %ge3A_496 = vector.broadcast %scan3A_85#0 : i32 to vector<16xi32>
      %ge3A_497 = arith.cmpi sge, %add3A_495, %ge3A_496 : vector<16xi32>
      %add3A_498 = vector.broadcast %add3A_477 : i32 to vector<16xi32>
      %add3A_499 = arith.addi %add3A_498, %iota3A_87 : vector<16xi32>
      %lt3A_500 = vector.broadcast %scan3A_85#1 : i32 to vector<16xi32>
      %lt3A_501 = arith.cmpi slt, %add3A_499, %lt3A_500 : vector<16xi32>
      %and3A_502 = arith.andi %ge3A_497, %lt3A_501 : vector<16xi1>
      %ge3A_503 = vector.broadcast %xor3A_96 : i32 to vector<16xi32>
      %ge3A_504 = arith.cmpi sge, %get3A_479, %ge3A_503 : vector<16xi32>
      %and3A_505 = arith.andi %ge3A_504, %and3A_502 : vector<16xi1>
      %not3A_506 = arith.constant dense<true> : vector<16xi1>
      %not3A_507 = arith.xori %ge3A_504, %not3A_506 : vector<16xi1>
      %and3A_508 = arith.andi %not3A_507, %and3A_502 : vector<16xi1>
      %convert_element_type3A_509 = arith.extui %and3A_505 : vector<16xi1> to vector<16xi32>
      %broadcast_in_dim3A_510 = arith.constant true
      %broadcast_in_dim3A_511 = vector.broadcast %broadcast_in_dim3A_510 : i1 to vector<16xi1>
      %masked_cumsum3A_512 = tpu.scan <sum>, %convert_element_type3A_509 masked %broadcast_in_dim3A_511 : vector<16xi32>, vector<16xi1> -> vector<16xi32>
      %sub3A_513 = arith.constant 1 : i32
      %sub3A_514 = vector.broadcast %sub3A_513 : i32 to vector<16xi32>
      %sub3A_515 = arith.subi %masked_cumsum3A_512, %sub3A_514 : vector<16xi32>
      %add3A_516 = arith.addi %add3A_473, %sub3A_515 : vector<16xi32>
      tpu.vector_store_idx %arg7[%add3A_516], %get3A_479 masked %and3A_505 : memref<32832xi32, #tpu.memory_space<vmem>>[vector<16xi32>], vector<16xi32>, vector<16xi1>
      %sub3A_517 = arith.subi %min3A_493, %masked_cumsum3A_512 : vector<16xi32>
      %sub3A_518 = arith.constant 32767 : i32
      %sub3A_519 = vector.broadcast %sub3A_518 : i32 to vector<16xi32>
      %sub3A_520 = arith.subi %sub3A_519, %add3A_475 : vector<16xi32>
      %sub3A_521 = arith.constant 1 : i32
      %sub3A_522 = vector.broadcast %sub3A_521 : i32 to vector<16xi32>
      %sub3A_523 = arith.subi %sub3A_517, %sub3A_522 : vector<16xi32>
      %sub3A_524 = arith.subi %sub3A_520, %sub3A_523 : vector<16xi32>
      tpu.vector_store_idx %arg7[%sub3A_524], %get3A_479 masked %and3A_508 : memref<32832xi32, #tpu.memory_space<vmem>>[vector<16xi32>], vector<16xi32>, vector<16xi1>
      %all_reduce_population_count3A_525 = tpu.all_reduce %and3A_505 {dim = 0 : i64, kind = #tpu.reduction_kind<sum>} : vector<16xi1> -> vector<16xi32>
      %add3A_526 = arith.addi %add3A_473, %all_reduce_population_count3A_525 : vector<16xi32>
      %all_reduce_population_count3A_527 = tpu.all_reduce %and3A_508 {dim = 0 : i64, kind = #tpu.reduction_kind<sum>} : vector<16xi1> -> vector<16xi32>
      %add3A_528 = arith.addi %add3A_475, %all_reduce_population_count3A_527 : vector<16xi32>
      %add3A_529 = arith.constant 48 : i32
      %add3A_530 = arith.addi %add3A_376, %add3A_529 : i32
      %get3A_531 = arith.index_cast %add3A_530 : i32 to index
      %get3A_532 = tpu.vector_load %arg6[%get3A_531] {strides = array<i32>} : memref<32832xi32, #tpu.memory_space<vmem>>, vector<16xi32>,
      %sub3A_533 = arith.subi %scan3A_85#1, %add3A_530 : i32
      %min3A_534 = vector.broadcast %sub3A_533 : i32 to vector<16xi32>
      %min3A_535 = arith.minsi %add3A_90, %min3A_534 : vector<16xi32>
      %sub3A_536 = arith.subi %scan3A_85#0, %add3A_530 : i32
      %max3A_537 = arith.constant 0 : i32
      %max3A_538 = arith.maxsi %sub3A_536, %max3A_537 : i32
      %sub3A_539 = vector.broadcast %max3A_538 : i32 to vector<16xi32>
      %sub3A_540 = arith.subi %min3A_535, %sub3A_539 : vector<16xi32>
      %jit3A_541 = arith.constant 0 : i32
      %jit3A_542 = arith.constant 16 : i32
      %max3A_543 = vector.broadcast %jit3A_541 : i32 to vector<16xi32>
      %max3A_544 = arith.maxsi %max3A_543, %sub3A_540 : vector<16xi32>
      %min3A_545 = vector.broadcast %jit3A_542 : i32 to vector<16xi32>
      %min3A_546 = arith.minsi %min3A_545, %max3A_544 : vector<16xi32>
      %add3A_547 = vector.broadcast %add3A_530 : i32 to vector<16xi32>
      %add3A_548 = arith.addi %add3A_547, %iota3A_87 : vector<16xi32>
      %ge3A_549 = vector.broadcast %scan3A_85#0 : i32 to vector<16xi32>
      %ge3A_550 = arith.cmpi sge, %add3A_548, %ge3A_549 : vector<16xi32>
      %add3A_551 = vector.broadcast %add3A_530 : i32 to vector<16xi32>
      %add3A_552 = arith.addi %add3A_551, %iota3A_87 : vector<16xi32>
      %lt3A_553 = vector.broadcast %scan3A_85#1 : i32 to vector<16xi32>
      %lt3A_554 = arith.cmpi slt, %add3A_552, %lt3A_553 : vector<16xi32>
      %and3A_555 = arith.andi %ge3A_550, %lt3A_554 : vector<16xi1>
      %ge3A_556 = vector.broadcast %xor3A_96 : i32 to vector<16xi32>
      %ge3A_557 = arith.cmpi sge, %get3A_532, %ge3A_556 : vector<16xi32>
      %and3A_558 = arith.andi %ge3A_557, %and3A_555 : vector<16xi1>
      %not3A_559 = arith.constant dense<true> : vector<16xi1>
      %not3A_560 = arith.xori %ge3A_557, %not3A_559 : vector<16xi1>
      %and3A_561 = arith.andi %not3A_560, %and3A_555 : vector<16xi1>
      %convert_element_type3A_562 = arith.extui %and3A_558 : vector<16xi1> to vector<16xi32>
      %broadcast_in_dim3A_563 = arith.constant true
      %broadcast_in_dim3A_564 = vector.broadcast %broadcast_in_dim3A_563 : i1 to vector<16xi1>
      %masked_cumsum3A_565 = tpu.scan <sum>, %convert_element_type3A_562 masked %broadcast_in_dim3A_564 : vector<16xi32>, vector<16xi1> -> vector<16xi32>
      %sub3A_566 = arith.constant 1 : i32
      %sub3A_567 = vector.broadcast %sub3A_566 : i32 to vector<16xi32>
      %sub3A_568 = arith.subi %masked_cumsum3A_565, %sub3A_567 : vector<16xi32>
      %add3A_569 = arith.addi %add3A_526, %sub3A_568 : vector<16xi32>
      tpu.vector_store_idx %arg7[%add3A_569], %get3A_532 masked %and3A_558 : memref<32832xi32, #tpu.memory_space<vmem>>[vector<16xi32>], vector<16xi32>, vector<16xi1>
      %sub3A_570 = arith.subi %min3A_546, %masked_cumsum3A_565 : vector<16xi32>
      %sub3A_571 = arith.constant 32767 : i32
      %sub3A_572 = vector.broadcast %sub3A_571 : i32 to vector<16xi32>
      %sub3A_573 = arith.subi %sub3A_572, %add3A_528 : vector<16xi32>
      %sub3A_574 = arith.constant 1 : i32
      %sub3A_575 = vector.broadcast %sub3A_574 : i32 to vector<16xi32>
      %sub3A_576 = arith.subi %sub3A_570, %sub3A_575 : vector<16xi32>
      %sub3A_577 = arith.subi %sub3A_573, %sub3A_576 : vector<16xi32>
      tpu.vector_store_idx %arg7[%sub3A_577], %get3A_532 masked %and3A_561 : memref<32832xi32, #tpu.memory_space<vmem>>[vector<16xi32>], vector<16xi32>, vector<16xi1>
      %all_reduce_population_count3A_578 = tpu.all_reduce %and3A_558 {dim = 0 : i64, kind = #tpu.reduction_kind<sum>} : vector<16xi1> -> vector<16xi32>
      %add3A_579 = arith.addi %add3A_526, %all_reduce_population_count3A_578 : vector<16xi32>
      %all_reduce_population_count3A_580 = tpu.all_reduce %and3A_561 {dim = 0 : i64, kind = #tpu.reduction_kind<sum>} : vector<16xi1> -> vector<16xi32>
      %add3A_581 = arith.addi %add3A_528, %all_reduce_population_count3A_580 : vector<16xi32>
      scf.yield %add3A_579, %add3A_581 : vector<16xi32>, vector<16xi32>
    }
    %while3A_139 = arith.constant 1 : i32
    %while3A_140:2 = scf.for %while3A_371 = %while3A_136 to %while3A_132 step %while3A_139 iter_args(%while3A_372 = %while3A_138#0, %while3A_373 = %while3A_138#1) -> (vector<16xi32>, vector<16xi32>)  : i32 {
      %mul3A_374 = arith.constant 64 : i32
      %mul3A_375 = arith.muli %while3A_371, %mul3A_374 : i32
      %add3A_376 = arith.addi %and3A_100, %mul3A_375 : i32
      %add3A_377 = arith.constant 0 : i32
      %add3A_378 = arith.addi %add3A_376, %add3A_377 : i32
      %get3A = arith.index_cast %add3A_378 : i32 to index
      %get3A_379 = tpu.vector_load %arg6[%get3A] {strides = array<i32>} : memref<32832xi32, #tpu.memory_space<vmem>>, vector<16xi32>,
      %sub3A_380 = arith.subi %scan3A_85#1, %add3A_378 : i32
      %min3A = vector.broadcast %sub3A_380 : i32 to vector<16xi32>
      %min3A_381 = arith.minsi %add3A_90, %min3A : vector<16xi32>
      %sub3A_382 = arith.subi %scan3A_85#0, %add3A_378 : i32
      %max3A = arith.constant 0 : i32
      %max3A_383 = arith.maxsi %sub3A_382, %max3A : i32
      %sub3A_384 = vector.broadcast %max3A_383 : i32 to vector<16xi32>
      %sub3A_385 = arith.subi %min3A_381, %sub3A_384 : vector<16xi32>
      %jit3A_386 = arith.constant 0 : i32
      %jit3A_387 = arith.constant 16 : i32
      %max3A_388 = vector.broadcast %jit3A_386 : i32 to vector<16xi32>
      %max3A_389 = arith.maxsi %max3A_388, %sub3A_385 : vector<16xi32>
      %min3A_390 = vector.broadcast %jit3A_387 : i32 to vector<16xi32>
      %min3A_391 = arith.minsi %min3A_390, %max3A_389 : vector<16xi32>
      %add3A_392 = vector.broadcast %add3A_378 : i32 to vector<16xi32>
      %add3A_393 = arith.addi %add3A_392, %iota3A_87 : vector<16xi32>
      %ge3A_394 = vector.broadcast %scan3A_85#0 : i32 to vector<16xi32>
      %ge3A_395 = arith.cmpi sge, %add3A_393, %ge3A_394 : vector<16xi32>
      %add3A_396 = vector.broadcast %add3A_378 : i32 to vector<16xi32>
      %add3A_397 = arith.addi %add3A_396, %iota3A_87 : vector<16xi32>
      %lt3A = vector.broadcast %scan3A_85#1 : i32 to vector<16xi32>
      %lt3A_398 = arith.cmpi slt, %add3A_397, %lt3A : vector<16xi32>
      %and3A_399 = arith.andi %ge3A_395, %lt3A_398 : vector<16xi1>
      %ge3A_400 = vector.broadcast %xor3A_96 : i32 to vector<16xi32>
      %ge3A_401 = arith.cmpi sge, %get3A_379, %ge3A_400 : vector<16xi32>
      %and3A_402 = arith.andi %ge3A_401, %and3A_399 : vector<16xi1>
      %not3A_403 = arith.constant dense<true> : vector<16xi1>
      %not3A_404 = arith.xori %ge3A_401, %not3A_403 : vector<16xi1>
      %and3A_405 = arith.andi %not3A_404, %and3A_399 : vector<16xi1>
      %convert_element_type3A = arith.extui %and3A_402 : vector<16xi1> to vector<16xi32>
      %broadcast_in_dim3A_406 = arith.constant true
      %broadcast_in_dim3A_407 = vector.broadcast %broadcast_in_dim3A_406 : i1 to vector<16xi1>
      %masked_cumsum3A = tpu.scan <sum>, %convert_element_type3A masked %broadcast_in_dim3A_407 : vector<16xi32>, vector<16xi1> -> vector<16xi32>
      %sub3A_408 = arith.constant 1 : i32
      %sub3A_409 = vector.broadcast %sub3A_408 : i32 to vector<16xi32>
      %sub3A_410 = arith.subi %masked_cumsum3A, %sub3A_409 : vector<16xi32>
      %add3A_411 = arith.addi %while3A_372, %sub3A_410 : vector<16xi32>
      tpu.vector_store_idx %arg7[%add3A_411], %get3A_379 masked %and3A_402 : memref<32832xi32, #tpu.memory_space<vmem>>[vector<16xi32>], vector<16xi32>, vector<16xi1>
      %sub3A_412 = arith.subi %min3A_391, %masked_cumsum3A : vector<16xi32>
      %sub3A_413 = arith.constant 32767 : i32
      %sub3A_414 = vector.broadcast %sub3A_413 : i32 to vector<16xi32>
      %sub3A_415 = arith.subi %sub3A_414, %while3A_373 : vector<16xi32>
      %sub3A_416 = arith.constant 1 : i32
      %sub3A_417 = vector.broadcast %sub3A_416 : i32 to vector<16xi32>
      %sub3A_418 = arith.subi %sub3A_412, %sub3A_417 : vector<16xi32>
      %sub3A_419 = arith.subi %sub3A_415, %sub3A_418 : vector<16xi32>
      tpu.vector_store_idx %arg7[%sub3A_419], %get3A_379 masked %and3A_405 : memref<32832xi32, #tpu.memory_space<vmem>>[vector<16xi32>], vector<16xi32>, vector<16xi1>
      %all_reduce_population_count3A = tpu.all_reduce %and3A_402 {dim = 0 : i64, kind = #tpu.reduction_kind<sum>} : vector<16xi1> -> vector<16xi32>
      %add3A_420 = arith.addi %while3A_372, %all_reduce_population_count3A : vector<16xi32>
      %all_reduce_population_count3A_421 = tpu.all_reduce %and3A_405 {dim = 0 : i64, kind = #tpu.reduction_kind<sum>} : vector<16xi1> -> vector<16xi32>
      %add3A_422 = arith.addi %while3A_373, %all_reduce_population_count3A_421 : vector<16xi32>
      %add3A_423 = arith.constant 16 : i32
      %add3A_424 = arith.addi %add3A_376, %add3A_423 : i32
      %get3A_425 = arith.index_cast %add3A_424 : i32 to index
      %get3A_426 = tpu.vector_load %arg6[%get3A_425] {strides = array<i32>} : memref<32832xi32, #tpu.memory_space<vmem>>, vector<16xi32>,
      %sub3A_427 = arith.subi %scan3A_85#1, %add3A_424 : i32
      %min3A_428 = vector.broadcast %sub3A_427 : i32 to vector<16xi32>
      %min3A_429 = arith.minsi %add3A_90, %min3A_428 : vector<16xi32>
      %sub3A_430 = arith.subi %scan3A_85#0, %add3A_424 : i32
      %max3A_431 = arith.constant 0 : i32
      %max3A_432 = arith.maxsi %sub3A_430, %max3A_431 : i32
      %sub3A_433 = vector.broadcast %max3A_432 : i32 to vector<16xi32>
      %sub3A_434 = arith.subi %min3A_429, %sub3A_433 : vector<16xi32>
      %jit3A_435 = arith.constant 0 : i32
      %jit3A_436 = arith.constant 16 : i32
      %max3A_437 = vector.broadcast %jit3A_435 : i32 to vector<16xi32>
      %max3A_438 = arith.maxsi %max3A_437, %sub3A_434 : vector<16xi32>
      %min3A_439 = vector.broadcast %jit3A_436 : i32 to vector<16xi32>
      %min3A_440 = arith.minsi %min3A_439, %max3A_438 : vector<16xi32>
      %add3A_441 = vector.broadcast %add3A_424 : i32 to vector<16xi32>
      %add3A_442 = arith.addi %add3A_441, %iota3A_87 : vector<16xi32>
      %ge3A_443 = vector.broadcast %scan3A_85#0 : i32 to vector<16xi32>
      %ge3A_444 = arith.cmpi sge, %add3A_442, %ge3A_443 : vector<16xi32>
      %add3A_445 = vector.broadcast %add3A_424 : i32 to vector<16xi32>
      %add3A_446 = arith.addi %add3A_445, %iota3A_87 : vector<16xi32>
      %lt3A_447 = vector.broadcast %scan3A_85#1 : i32 to vector<16xi32>
      %lt3A_448 = arith.cmpi slt, %add3A_446, %lt3A_447 : vector<16xi32>
      %and3A_449 = arith.andi %ge3A_444, %lt3A_448 : vector<16xi1>
      %ge3A_450 = vector.broadcast %xor3A_96 : i32 to vector<16xi32>
      %ge3A_451 = arith.cmpi sge, %get3A_426, %ge3A_450 : vector<16xi32>
      %and3A_452 = arith.andi %ge3A_451, %and3A_449 : vector<16xi1>
      %not3A_453 = arith.constant dense<true> : vector<16xi1>
      %not3A_454 = arith.xori %ge3A_451, %not3A_453 : vector<16xi1>
      %and3A_455 = arith.andi %not3A_454, %and3A_449 : vector<16xi1>
      %convert_element_type3A_456 = arith.extui %and3A_452 : vector<16xi1> to vector<16xi32>
      %broadcast_in_dim3A_457 = arith.constant true
      %broadcast_in_dim3A_458 = vector.broadcast %broadcast_in_dim3A_457 : i1 to vector<16xi1>
      %masked_cumsum3A_459 = tpu.scan <sum>, %convert_element_type3A_456 masked %broadcast_in_dim3A_458 : vector<16xi32>, vector<16xi1> -> vector<16xi32>
      %sub3A_460 = arith.constant 1 : i32
      %sub3A_461 = vector.broadcast %sub3A_460 : i32 to vector<16xi32>
      %sub3A_462 = arith.subi %masked_cumsum3A_459, %sub3A_461 : vector<16xi32>
      %add3A_463 = arith.addi %add3A_420, %sub3A_462 : vector<16xi32>
      tpu.vector_store_idx %arg7[%add3A_463], %get3A_426 masked %and3A_452 : memref<32832xi32, #tpu.memory_space<vmem>>[vector<16xi32>], vector<16xi32>, vector<16xi1>
      %sub3A_464 = arith.subi %min3A_440, %masked_cumsum3A_459 : vector<16xi32>
      %sub3A_465 = arith.constant 32767 : i32
      %sub3A_466 = vector.broadcast %sub3A_465 : i32 to vector<16xi32>
      %sub3A_467 = arith.subi %sub3A_466, %add3A_422 : vector<16xi32>
      %sub3A_468 = arith.constant 1 : i32
      %sub3A_469 = vector.broadcast %sub3A_468 : i32 to vector<16xi32>
      %sub3A_470 = arith.subi %sub3A_464, %sub3A_469 : vector<16xi32>
      %sub3A_471 = arith.subi %sub3A_467, %sub3A_470 : vector<16xi32>
      tpu.vector_store_idx %arg7[%sub3A_471], %get3A_426 masked %and3A_455 : memref<32832xi32, #tpu.memory_space<vmem>>[vector<16xi32>], vector<16xi32>, vector<16xi1>
      %all_reduce_population_count3A_472 = tpu.all_reduce %and3A_452 {dim = 0 : i64, kind = #tpu.reduction_kind<sum>} : vector<16xi1> -> vector<16xi32>
      %add3A_473 = arith.addi %add3A_420, %all_reduce_population_count3A_472 : vector<16xi32>
      %all_reduce_population_count3A_474 = tpu.all_reduce %and3A_455 {dim = 0 : i64, kind = #tpu.reduction_kind<sum>} : vector<16xi1> -> vector<16xi32>
      %add3A_475 = arith.addi %add3A_422, %all_reduce_population_count3A_474 : vector<16xi32>
      %add3A_476 = arith.constant 32 : i32
      %add3A_477 = arith.addi %add3A_376, %add3A_476 : i32
      %get3A_478 = arith.index_cast %add3A_477 : i32 to index
      %get3A_479 = tpu.vector_load %arg6[%get3A_478] {strides = array<i32>} : memref<32832xi32, #tpu.memory_space<vmem>>, vector<16xi32>,
      %sub3A_480 = arith.subi %scan3A_85#1, %add3A_477 : i32
      %min3A_481 = vector.broadcast %sub3A_480 : i32 to vector<16xi32>
      %min3A_482 = arith.minsi %add3A_90, %min3A_481 : vector<16xi32>
      %sub3A_483 = arith.subi %scan3A_85#0, %add3A_477 : i32
      %max3A_484 = arith.constant 0 : i32
      %max3A_485 = arith.maxsi %sub3A_483, %max3A_484 : i32
      %sub3A_486 = vector.broadcast %max3A_485 : i32 to vector<16xi32>
      %sub3A_487 = arith.subi %min3A_482, %sub3A_486 : vector<16xi32>
      %jit3A_488 = arith.constant 0 : i32
      %jit3A_489 = arith.constant 16 : i32
      %max3A_490 = vector.broadcast %jit3A_488 : i32 to vector<16xi32>
      %max3A_491 = arith.maxsi %max3A_490, %sub3A_487 : vector<16xi32>
      %min3A_492 = vector.broadcast %jit3A_489 : i32 to vector<16xi32>
      %min3A_493 = arith.minsi %min3A_492, %max3A_491 : vector<16xi32>
      %add3A_494 = vector.broadcast %add3A_477 : i32 to vector<16xi32>
      %add3A_495 = arith.addi %add3A_494, %iota3A_87 : vector<16xi32>
      %ge3A_496 = vector.broadcast %scan3A_85#0 : i32 to vector<16xi32>
      %ge3A_497 = arith.cmpi sge, %add3A_495, %ge3A_496 : vector<16xi32>
      %add3A_498 = vector.broadcast %add3A_477 : i32 to vector<16xi32>
      %add3A_499 = arith.addi %add3A_498, %iota3A_87 : vector<16xi32>
      %lt3A_500 = vector.broadcast %scan3A_85#1 : i32 to vector<16xi32>
      %lt3A_501 = arith.cmpi slt, %add3A_499, %lt3A_500 : vector<16xi32>
      %and3A_502 = arith.andi %ge3A_497, %lt3A_501 : vector<16xi1>
      %ge3A_503 = vector.broadcast %xor3A_96 : i32 to vector<16xi32>
      %ge3A_504 = arith.cmpi sge, %get3A_479, %ge3A_503 : vector<16xi32>
      %and3A_505 = arith.andi %ge3A_504, %and3A_502 : vector<16xi1>
      %not3A_506 = arith.constant dense<true> : vector<16xi1>
      %not3A_507 = arith.xori %ge3A_504, %not3A_506 : vector<16xi1>
      %and3A_508 = arith.andi %not3A_507, %and3A_502 : vector<16xi1>
      %convert_element_type3A_509 = arith.extui %and3A_505 : vector<16xi1> to vector<16xi32>
      %broadcast_in_dim3A_510 = arith.constant true
      %broadcast_in_dim3A_511 = vector.broadcast %broadcast_in_dim3A_510 : i1 to vector<16xi1>
      %masked_cumsum3A_512 = tpu.scan <sum>, %convert_element_type3A_509 masked %broadcast_in_dim3A_511 : vector<16xi32>, vector<16xi1> -> vector<16xi32>
      %sub3A_513 = arith.constant 1 : i32
      %sub3A_514 = vector.broadcast %sub3A_513 : i32 to vector<16xi32>
      %sub3A_515 = arith.subi %masked_cumsum3A_512, %sub3A_514 : vector<16xi32>
      %add3A_516 = arith.addi %add3A_473, %sub3A_515 : vector<16xi32>
      tpu.vector_store_idx %arg7[%add3A_516], %get3A_479 masked %and3A_505 : memref<32832xi32, #tpu.memory_space<vmem>>[vector<16xi32>], vector<16xi32>, vector<16xi1>
      %sub3A_517 = arith.subi %min3A_493, %masked_cumsum3A_512 : vector<16xi32>
      %sub3A_518 = arith.constant 32767 : i32
      %sub3A_519 = vector.broadcast %sub3A_518 : i32 to vector<16xi32>
      %sub3A_520 = arith.subi %sub3A_519, %add3A_475 : vector<16xi32>
      %sub3A_521 = arith.constant 1 : i32
      %sub3A_522 = vector.broadcast %sub3A_521 : i32 to vector<16xi32>
      %sub3A_523 = arith.subi %sub3A_517, %sub3A_522 : vector<16xi32>
      %sub3A_524 = arith.subi %sub3A_520, %sub3A_523 : vector<16xi32>
      tpu.vector_store_idx %arg7[%sub3A_524], %get3A_479 masked %and3A_508 : memref<32832xi32, #tpu.memory_space<vmem>>[vector<16xi32>], vector<16xi32>, vector<16xi1>
      %all_reduce_population_count3A_525 = tpu.all_reduce %and3A_505 {dim = 0 : i64, kind = #tpu.reduction_kind<sum>} : vector<16xi1> -> vector<16xi32>
      %add3A_526 = arith.addi %add3A_473, %all_reduce_population_count3A_525 : vector<16xi32>
      %all_reduce_population_count3A_527 = tpu.all_reduce %and3A_508 {dim = 0 : i64, kind = #tpu.reduction_kind<sum>} : vector<16xi1> -> vector<16xi32>
      %add3A_528 = arith.addi %add3A_475, %all_reduce_population_count3A_527 : vector<16xi32>
      %add3A_529 = arith.constant 48 : i32
      %add3A_530 = arith.addi %add3A_376, %add3A_529 : i32
      %get3A_531 = arith.index_cast %add3A_530 : i32 to index
      %get3A_532 = tpu.vector_load %arg6[%get3A_531] {strides = array<i32>} : memref<32832xi32, #tpu.memory_space<vmem>>, vector<16xi32>,
      %sub3A_533 = arith.subi %scan3A_85#1, %add3A_530 : i32
      %min3A_534 = vector.broadcast %sub3A_533 : i32 to vector<16xi32>
      %min3A_535 = arith.minsi %add3A_90, %min3A_534 : vector<16xi32>
      %sub3A_536 = arith.subi %scan3A_85#0, %add3A_530 : i32
      %max3A_537 = arith.constant 0 : i32
      %max3A_538 = arith.maxsi %sub3A_536, %max3A_537 : i32
      %sub3A_539 = vector.broadcast %max3A_538 : i32 to vector<16xi32>
      %sub3A_540 = arith.subi %min3A_535, %sub3A_539 : vector<16xi32>
      %jit3A_541 = arith.constant 0 : i32
      %jit3A_542 = arith.constant 16 : i32
      %max3A_543 = vector.broadcast %jit3A_541 : i32 to vector<16xi32>
      %max3A_544 = arith.maxsi %max3A_543, %sub3A_540 : vector<16xi32>
      %min3A_545 = vector.broadcast %jit3A_542 : i32 to vector<16xi32>
      %min3A_546 = arith.minsi %min3A_545, %max3A_544 : vector<16xi32>
      %add3A_547 = vector.broadcast %add3A_530 : i32 to vector<16xi32>
      %add3A_548 = arith.addi %add3A_547, %iota3A_87 : vector<16xi32>
      %ge3A_549 = vector.broadcast %scan3A_85#0 : i32 to vector<16xi32>
      %ge3A_550 = arith.cmpi sge, %add3A_548, %ge3A_549 : vector<16xi32>
      %add3A_551 = vector.broadcast %add3A_530 : i32 to vector<16xi32>
      %add3A_552 = arith.addi %add3A_551, %iota3A_87 : vector<16xi32>
      %lt3A_553 = vector.broadcast %scan3A_85#1 : i32 to vector<16xi32>
      %lt3A_554 = arith.cmpi slt, %add3A_552, %lt3A_553 : vector<16xi32>
      %and3A_555 = arith.andi %ge3A_550, %lt3A_554 : vector<16xi1>
      %ge3A_556 = vector.broadcast %xor3A_96 : i32 to vector<16xi32>
      %ge3A_557 = arith.cmpi sge, %get3A_532, %ge3A_556 : vector<16xi32>
      %and3A_558 = arith.andi %ge3A_557, %and3A_555 : vector<16xi1>
      %not3A_559 = arith.constant dense<true> : vector<16xi1>
      %not3A_560 = arith.xori %ge3A_557, %not3A_559 : vector<16xi1>
      %and3A_561 = arith.andi %not3A_560, %and3A_555 : vector<16xi1>
      %convert_element_type3A_562 = arith.extui %and3A_558 : vector<16xi1> to vector<16xi32>
      %broadcast_in_dim3A_563 = arith.constant true
      %broadcast_in_dim3A_564 = vector.broadcast %broadcast_in_dim3A_563 : i1 to vector<16xi1>
      %masked_cumsum3A_565 = tpu.scan <sum>, %convert_element_type3A_562 masked %broadcast_in_dim3A_564 : vector<16xi32>, vector<16xi1> -> vector<16xi32>
      %sub3A_566 = arith.constant 1 : i32
      %sub3A_567 = vector.broadcast %sub3A_566 : i32 to vector<16xi32>
      %sub3A_568 = arith.subi %masked_cumsum3A_565, %sub3A_567 : vector<16xi32>
      %add3A_569 = arith.addi %add3A_526, %sub3A_568 : vector<16xi32>
      tpu.vector_store_idx %arg7[%add3A_569], %get3A_532 masked %and3A_558 : memref<32832xi32, #tpu.memory_space<vmem>>[vector<16xi32>], vector<16xi32>, vector<16xi1>
      %sub3A_570 = arith.subi %min3A_546, %masked_cumsum3A_565 : vector<16xi32>
      %sub3A_571 = arith.constant 32767 : i32
      %sub3A_572 = vector.broadcast %sub3A_571 : i32 to vector<16xi32>
      %sub3A_573 = arith.subi %sub3A_572, %add3A_528 : vector<16xi32>
      %sub3A_574 = arith.constant 1 : i32
      %sub3A_575 = vector.broadcast %sub3A_574 : i32 to vector<16xi32>
      %sub3A_576 = arith.subi %sub3A_570, %sub3A_575 : vector<16xi32>
      %sub3A_577 = arith.subi %sub3A_573, %sub3A_576 : vector<16xi32>
      tpu.vector_store_idx %arg7[%sub3A_577], %get3A_532 masked %and3A_561 : memref<32832xi32, #tpu.memory_space<vmem>>[vector<16xi32>], vector<16xi32>, vector<16xi1>
      %all_reduce_population_count3A_578 = tpu.all_reduce %and3A_558 {dim = 0 : i64, kind = #tpu.reduction_kind<sum>} : vector<16xi1> -> vector<16xi32>
      %add3A_579 = arith.addi %add3A_526, %all_reduce_population_count3A_578 : vector<16xi32>
      %all_reduce_population_count3A_580 = tpu.all_reduce %and3A_561 {dim = 0 : i64, kind = #tpu.reduction_kind<sum>} : vector<16xi1> -> vector<16xi32>
      %add3A_581 = arith.addi %add3A_528, %all_reduce_population_count3A_580 : vector<16xi32>
      scf.yield %add3A_579, %add3A_581 : vector<16xi32>, vector<16xi32>
    }
    %reduce_max3A_141 = arith.constant true
    %reduce_max3A_142 = vector.broadcast %reduce_max3A_141 : i1 to vector<16xi1>
    %reduce_max3A_143 = arith.constant -2147483648 : i32
    %reduce_max3A_144 = vector.broadcast %reduce_max3A_143 : i32 to vector<16xi32>
    %reduce_max3A_145 = arith.xori %while3A_140#0, %reduce_max3A_144 : vector<16xi32>
    %reduce_max3A_146 = tpu.scan <max>, %reduce_max3A_145 masked %reduce_max3A_142 : vector<16xi32>, vector<16xi1> -> vector<16xi32>
    %reduce_max3A_147 = arith.xori %reduce_max3A_146, %reduce_max3A_144 : vector<16xi32>
    %reduce_max3A_148 = vector.extract %reduce_max3A_147[15] : i32 from vector<16xi32>
    %reduce_max3A_149 = arith.constant true
    %reduce_max3A_150 = vector.broadcast %reduce_max3A_149 : i1 to vector<16xi1>
    %reduce_max3A_151 = arith.constant -2147483648 : i32
    %reduce_max3A_152 = vector.broadcast %reduce_max3A_151 : i32 to vector<16xi32>
    %reduce_max3A_153 = arith.xori %while3A_140#1, %reduce_max3A_152 : vector<16xi32>
    %reduce_max3A_154 = tpu.scan <max>, %reduce_max3A_153 masked %reduce_max3A_150 : vector<16xi32>, vector<16xi1> -> vector<16xi32>
    %reduce_max3A_155 = arith.xori %reduce_max3A_154, %reduce_max3A_152 : vector<16xi32>
    %reduce_max3A_156 = vector.extract %reduce_max3A_155[15] : i32 from vector<16xi32>
    %add3A_157 = arith.addi %scan3A_85#3, %reduce_max3A_148 : i32
    %ge3A_158 = arith.constant 2048 : i32
    %ge3A_159 = arith.cmpi sge, %add3A_157, %ge3A_158 : i32
    %select_n3A_160 = arith.select %ge3A_159, %or3A_94, %scan3A_85#2 : i32
    %add3A_161 = arith.addi %scan3A_85#3, %reduce_max3A_148 : i32
    %select_n3A_162 = arith.select %ge3A_159, %scan3A_85#3, %add3A_161 : i32
    %sub3A_163 = arith.constant 32768 : i32
    %sub3A_164 = arith.subi %sub3A_163, %reduce_max3A_156 : i32
    %jit3A_165 = arith.constant 0 : i32
    %select_n3A_166 = arith.select %ge3A_159, %jit3A_165, %sub3A_164 : i32
    %jit3A_167 = arith.constant 32768 : i32
    %select_n3A_168 = arith.select %ge3A_159, %reduce_max3A_148, %jit3A_167 : i32
    %xor3A_169 = arith.constant -2147483648 : i32
    %xor3A_170 = arith.xori %select_n3A_160, %xor3A_169 : i32
    %eq3A = vector.broadcast %scan3A : i32 to vector<16xi32>
    %eq3A_171 = arith.cmpi eq, %iota3A, %eq3A : vector<16xi32>
    %broadcast_in_dim3A_172 = vector.broadcast %xor3A_170 : i32 to vector<16xi32>
    %select_n3A_173 = arith.select %eq3A_171, %broadcast_in_dim3A_172, %broadcast_in_dim3A_1 : vector<16xi1>, vector<16xi32>
    %scan3A_174 = arith.constant 1 : i32
    %swap3A = arith.constant 0 : index
    %swap3A_175 = tpu.vector_load %arg8[%swap3A] {strides = array<i32>} : memref<16xi32, #tpu.memory_space<vmem>>, vector<16xi32>,
    tpu.vector_store %arg8[%swap3A], %select_n3A_173 {strides = array<i32>} : memref<16xi32, #tpu.memory_space<vmem>>, vector<16xi32>,
    %run_scoped3A = arith.constant 0 : i32
    "tpu.region"() ({
      %run_scoped3A_371 = tpu.sem_alloc : memref<!tpu.dma_semaphore, #tpu.memory_space<semaphore_mem>>
      %dma_start3A = arith.constant 0 : i32
      %dma_start3A_372 = tpu.memref_slice %arg4[%run_scoped3A, %add3A, %dma_start3A] : memref<2x32x16xi32, #tpu.memory_space<hbm>> -> memref<1x1x16xi32, #tpu.memory_space<hbm>>
      %dma_start3A_373 = tpu.memref_squeeze %dma_start3A_372 : memref<1x1x16xi32, #tpu.memory_space<hbm>> -> memref<16xi32, #tpu.memory_space<hbm>>
      %dma_start3A_374 = arith.constant 0 : i32
      %dma_start3A_375 = tpu.memref_slice %arg4[%run_scoped3A, %add3A, %dma_start3A_374] : memref<2x32x16xi32, #tpu.memory_space<hbm>> -> memref<1x1x16xi32, #tpu.memory_space<hbm>>
      %dma_start3A_376 = tpu.memref_squeeze %dma_start3A_375 : memref<1x1x16xi32, #tpu.memory_space<hbm>> -> memref<16xi32, #tpu.memory_space<hbm>>
      tpu.enqueue_dma source(%arg8 : memref<16xi32, #tpu.memory_space<vmem>>) target(%dma_start3A_376 : memref<16xi32, #tpu.memory_space<hbm>>) target_semaphore(%run_scoped3A_371 : memref<!tpu.dma_semaphore, #tpu.memory_space<semaphore_mem>>)
      %dma_wait3A = arith.constant 0 : i32
      %dma_wait3A_377 = tpu.memref_slice %arg4[%run_scoped3A, %add3A, %dma_wait3A] : memref<2x32x16xi32, #tpu.memory_space<hbm>> -> memref<1x1x16xi32, #tpu.memory_space<hbm>>
      %dma_wait3A_378 = tpu.memref_squeeze %dma_wait3A_377 : memref<1x1x16xi32, #tpu.memory_space<hbm>> -> memref<16xi32, #tpu.memory_space<hbm>>
      %dma_wait3A_379 = arith.constant 0 : i32
      %dma_wait3A_380 = tpu.memref_slice %arg4[%run_scoped3A, %add3A, %dma_wait3A_379] : memref<2x32x16xi32, #tpu.memory_space<hbm>> -> memref<1x1x16xi32, #tpu.memory_space<hbm>>
      %dma_wait3A_381 = tpu.memref_squeeze %dma_wait3A_380 : memref<1x1x16xi32, #tpu.memory_space<hbm>> -> memref<16xi32, #tpu.memory_space<hbm>>
      tpu.wait_dma2 semaphore(%run_scoped3A_371 : memref<!tpu.dma_semaphore, #tpu.memory_space<semaphore_mem>>) src(%arg8 : memref<16xi32, #tpu.memory_space<vmem>>) dst(%dma_wait3A_381 : memref<16xi32, #tpu.memory_space<hbm>>)
      tpu.yield
    }) : () -> ()
    %broadcast_in_dim3A_176 = arith.constant 0 : i32
    %broadcast_in_dim3A_177 = vector.broadcast %broadcast_in_dim3A_176 : i32 to vector<16xi32>
    %scan3A_178 = arith.constant 0 : i32
    %mul3A_179 = arith.constant 1 : i32
    %mul3A_180 = arith.muli %add3A, %mul3A_179 : i32
    %add3A_181 = arith.addi %mul3A_180, %scan3A_178 : i32
    "tpu.region"() ({
      %run_scoped3A_371 = tpu.sem_alloc : memref<!tpu.dma_semaphore, #tpu.memory_space<semaphore_mem>>
      %dma_start3A = arith.constant 0 : i32
      %dma_start3A_372 = tpu.memref_slice %arg3[%add3A_181, %dma_start3A] : memref<128x32768xi32, #tpu.memory_space<hbm>> -> memref<1x32768xi32, #tpu.memory_space<hbm>>
      %dma_start3A_373 = tpu.memref_squeeze %dma_start3A_372 : memref<1x32768xi32, #tpu.memory_space<hbm>> -> memref<32768xi32, #tpu.memory_space<hbm>>
      %dma_start3A_374 = arith.constant 0 : i32
      %dma_start3A_375 = tpu.memref_slice %arg3[%add3A_181, %dma_start3A_374] : memref<128x32768xi32, #tpu.memory_space<hbm>> -> memref<1x32768xi32, #tpu.memory_space<hbm>>
      %dma_start3A_376 = tpu.memref_squeeze %dma_start3A_375 : memref<1x32768xi32, #tpu.memory_space<hbm>> -> memref<32768xi32, #tpu.memory_space<hbm>>
      tpu.enqueue_dma source(%dma_start3A_376 : memref<32768xi32, #tpu.memory_space<hbm>>) target(%arg5 : memref<32768xi32, #tpu.memory_space<vmem>>) target_semaphore(%run_scoped3A_371 : memref<!tpu.dma_semaphore, #tpu.memory_space<semaphore_mem>>)
      %dma_wait3A = arith.constant 0 : i32
      %dma_wait3A_377 = tpu.memref_slice %arg3[%add3A_181, %dma_wait3A] : memref<128x32768xi32, #tpu.memory_space<hbm>> -> memref<1x32768xi32, #tpu.memory_space<hbm>>
      %dma_wait3A_378 = tpu.memref_squeeze %dma_wait3A_377 : memref<1x32768xi32, #tpu.memory_space<hbm>> -> memref<32768xi32, #tpu.memory_space<hbm>>
      %dma_wait3A_379 = arith.constant 0 : i32
      %dma_wait3A_380 = tpu.memref_slice %arg3[%add3A_181, %dma_wait3A_379] : memref<128x32768xi32, #tpu.memory_space<hbm>> -> memref<1x32768xi32, #tpu.memory_space<hbm>>
      %dma_wait3A_381 = tpu.memref_squeeze %dma_wait3A_380 : memref<1x32768xi32, #tpu.memory_space<hbm>> -> memref<32768xi32, #tpu.memory_space<hbm>>
      tpu.wait_dma2 semaphore(%run_scoped3A_371 : memref<!tpu.dma_semaphore, #tpu.memory_space<semaphore_mem>>) src(%dma_wait3A_381 : memref<32768xi32, #tpu.memory_space<hbm>>) dst(%arg5 : memref<32768xi32, #tpu.memory_space<vmem>>)
      tpu.yield
    }) : () -> ()
    %iota3A_182 = tpu.iota {dimensions = array<i32: 0>} : vector<16xi32>
    %add3A_183 = arith.constant 1 : i32
    %add3A_184 = vector.broadcast %add3A_183 : i32 to vector<16xi32>
    %add3A_185 = arith.addi %iota3A_182, %add3A_184 : vector<16xi32>
    %shift_left3A_186 = arith.constant 1 : i32
    %shift_left3A_187 = arith.constant 31 : i32
    %shift_left3A_188 = arith.shli %shift_left3A_186, %shift_left3A_187 : i32
    %or3A_189 = arith.constant 0 : i32
    %or3A_190 = arith.ori %or3A_189, %shift_left3A_188 : i32
    %xor3A_191 = arith.constant -2147483648 : i32
    %xor3A_192 = arith.xori %or3A_190, %xor3A_191 : i32
    %not3A_193 = arith.constant 15 : i32
    %not3A_194 = arith.constant -1 : i32
    %not3A_195 = arith.xori %not3A_193, %not3A_194 : i32
    %and3A_196 = arith.constant 0 : i32
    %and3A_197 = arith.andi %and3A_196, %not3A_195 : i32
    %sub3A_198 = arith.constant 32768 : i32
    %sub3A_199 = arith.subi %sub3A_198, %and3A_197 : i32
    %add3A_200 = arith.constant 63 : i32
    %add3A_201 = arith.addi %sub3A_199, %add3A_200 : i32
    %jit3A_202 = arith.constant 64 : i32
    %div3A_203 = arith.divsi %add3A_201, %jit3A_202 : i32
    %sign3A_204 = arith.constant 0 : i32
    %sign3A_205 = arith.cmpi sgt, %add3A_201, %sign3A_204 : i32
    %sign3A_206 = arith.extui %sign3A_205 : i1 to i32
    %sign3A_207 = arith.constant 0 : i32
    %sign3A_208 = arith.cmpi slt, %add3A_201, %sign3A_207 : i32
    %sign3A_209 = arith.extui %sign3A_208 : i1 to i32
    %sign3A_210 = arith.subi %sign3A_206, %sign3A_209 : i32
    %sign3A_211 = arith.constant 0 : i32
    %sign3A_212 = arith.cmpi sgt, %jit3A_202, %sign3A_211 : i32
    %sign3A_213 = arith.extui %sign3A_212 : i1 to i32
    %sign3A_214 = arith.constant 0 : i32
    %sign3A_215 = arith.cmpi slt, %jit3A_202, %sign3A_214 : i32
    %sign3A_216 = arith.extui %sign3A_215 : i1 to i32
    %sign3A_217 = arith.subi %sign3A_213, %sign3A_216 : i32
    %ne3A_218 = arith.cmpi ne, %sign3A_210, %sign3A_217 : i32
    %rem3A_219 = arith.remsi %add3A_201, %jit3A_202 : i32
    %ne3A_220 = arith.constant 0 : i32
    %ne3A_221 = arith.cmpi ne, %rem3A_219, %ne3A_220 : i32
    %and3A_222 = arith.andi %ne3A_218, %ne3A_221 : i1
    %sub3A_223 = arith.constant 1 : i32
    %sub3A_224 = arith.subi %div3A_203, %sub3A_223 : i32
    %select_n3A_225 = arith.select %and3A_222, %sub3A_224, %div3A_203 : i32
    %broadcast_in_dim3A_226 = arith.constant 0 : i32
    %broadcast_in_dim3A_227 = vector.broadcast %broadcast_in_dim3A_226 : i32 to vector<16xi32>
    %while3A_228 = arith.constant 32768 : i32
    %while3A_229 = arith.constant 0 : i32
    %while3A_230 = arith.constant 0 : i32
    %while3A_231 = arith.subi %select_n3A_225, %while3A_230 : i32
    %while3A_232 = arith.addi %while3A_230, %while3A_231 : i32
    %while3A_233 = arith.constant 1 : i32
    %while3A_234 = arith.divsi %while3A_231, %while3A_233 : i32
    %while3A_235 = arith.muli %while3A_234, %while3A_233 : i32
    %while3A_236 = arith.addi %while3A_230, %while3A_235 : i32
    %while3A_237 = arith.constant 1 : i32
    %while3A_238:2 = scf.for %while3A_371 = %while3A_230 to %while3A_236 step %while3A_237 iter_args(%while3A_372 = %broadcast_in_dim3A_227, %while3A_373 = %broadcast_in_dim3A_227) -> (vector<16xi32>, vector<16xi32>)  : i32 {
      %mul3A_374 = arith.constant 64 : i32
      %mul3A_375 = arith.muli %while3A_371, %mul3A_374 : i32
      %add3A_376 = arith.addi %and3A_197, %mul3A_375 : i32
      %add3A_377 = arith.constant 0 : i32
      %add3A_378 = arith.addi %add3A_376, %add3A_377 : i32
      %get3A = arith.index_cast %add3A_378 : i32 to index
      %get3A_379 = tpu.vector_load %arg5[%get3A] {strides = array<i32>} : memref<32768xi32, #tpu.memory_space<vmem>>, vector<16xi32>,
      %shift_right_arithmetic3A = arith.constant 31 : i32
      %shift_right_arithmetic3A_380 = vector.broadcast %shift_right_arithmetic3A : i32 to vector<16xi32>
      %shift_right_arithmetic3A_381 = arith.shrsi %get3A_379, %shift_right_arithmetic3A_380 : vector<16xi32>
      %and3A_382 = arith.constant 2147483647 : i32
      %and3A_383 = vector.broadcast %and3A_382 : i32 to vector<16xi32>
      %and3A_384 = arith.andi %shift_right_arithmetic3A_381, %and3A_383 : vector<16xi32>
      %xor3A_385 = arith.xori %get3A_379, %and3A_384 : vector<16xi32>
      %sub3A_386 = arith.subi %while3A_228, %add3A_378 : i32
      %min3A = vector.broadcast %sub3A_386 : i32 to vector<16xi32>
      %min3A_387 = arith.minsi %add3A_185, %min3A : vector<16xi32>
      %sub3A_388 = arith.subi %while3A_229, %add3A_378 : i32
      %max3A = arith.constant 0 : i32
      %max3A_389 = arith.maxsi %sub3A_388, %max3A : i32
      %sub3A_390 = vector.broadcast %max3A_389 : i32 to vector<16xi32>
      %sub3A_391 = arith.subi %min3A_387, %sub3A_390 : vector<16xi32>
      %jit3A_392 = arith.constant 0 : i32
      %jit3A_393 = arith.constant 16 : i32
      %max3A_394 = vector.broadcast %jit3A_392 : i32 to vector<16xi32>
      %max3A_395 = arith.maxsi %max3A_394, %sub3A_391 : vector<16xi32>
      %min3A_396 = vector.broadcast %jit3A_393 : i32 to vector<16xi32>
      %min3A_397 = arith.minsi %min3A_396, %max3A_395 : vector<16xi32>
      %add3A_398 = vector.broadcast %add3A_378 : i32 to vector<16xi32>
      %add3A_399 = arith.addi %add3A_398, %iota3A_182 : vector<16xi32>
      %ge3A_400 = vector.broadcast %while3A_229 : i32 to vector<16xi32>
      %ge3A_401 = arith.cmpi sge, %add3A_399, %ge3A_400 : vector<16xi32>
      %add3A_402 = vector.broadcast %add3A_378 : i32 to vector<16xi32>
      %add3A_403 = arith.addi %add3A_402, %iota3A_182 : vector<16xi32>
      %lt3A = vector.broadcast %while3A_228 : i32 to vector<16xi32>
      %lt3A_404 = arith.cmpi slt, %add3A_403, %lt3A : vector<16xi32>
      %and3A_405 = arith.andi %ge3A_401, %lt3A_404 : vector<16xi1>
      %ge3A_406 = vector.broadcast %xor3A_192 : i32 to vector<16xi32>
      %ge3A_407 = arith.cmpi sge, %xor3A_385, %ge3A_406 : vector<16xi32>
      %and3A_408 = arith.andi %ge3A_407, %and3A_405 : vector<16xi1>
      %not3A_409 = arith.constant dense<true> : vector<16xi1>
      %not3A_410 = arith.xori %ge3A_407, %not3A_409 : vector<16xi1>
      %and3A_411 = arith.andi %not3A_410, %and3A_405 : vector<16xi1>
      %convert_element_type3A = arith.extui %and3A_408 : vector<16xi1> to vector<16xi32>
      %broadcast_in_dim3A_412 = arith.constant true
      %broadcast_in_dim3A_413 = vector.broadcast %broadcast_in_dim3A_412 : i1 to vector<16xi1>
      %masked_cumsum3A = tpu.scan <sum>, %convert_element_type3A masked %broadcast_in_dim3A_413 : vector<16xi32>, vector<16xi1> -> vector<16xi32>
      %sub3A_414 = arith.constant 1 : i32
      %sub3A_415 = vector.broadcast %sub3A_414 : i32 to vector<16xi32>
      %sub3A_416 = arith.subi %masked_cumsum3A, %sub3A_415 : vector<16xi32>
      %add3A_417 = arith.addi %while3A_372, %sub3A_416 : vector<16xi32>
      tpu.vector_store_idx %arg6[%add3A_417], %xor3A_385 masked %and3A_408 : memref<32832xi32, #tpu.memory_space<vmem>>[vector<16xi32>], vector<16xi32>, vector<16xi1>
      %sub3A_418 = arith.subi %min3A_397, %masked_cumsum3A : vector<16xi32>
      %sub3A_419 = arith.constant 32767 : i32
      %sub3A_420 = vector.broadcast %sub3A_419 : i32 to vector<16xi32>
      %sub3A_421 = arith.subi %sub3A_420, %while3A_373 : vector<16xi32>
      %sub3A_422 = arith.constant 1 : i32
      %sub3A_423 = vector.broadcast %sub3A_422 : i32 to vector<16xi32>
      %sub3A_424 = arith.subi %sub3A_418, %sub3A_423 : vector<16xi32>
      %sub3A_425 = arith.subi %sub3A_421, %sub3A_424 : vector<16xi32>
      tpu.vector_store_idx %arg6[%sub3A_425], %xor3A_385 masked %and3A_411 : memref<32832xi32, #tpu.memory_space<vmem>>[vector<16xi32>], vector<16xi32>, vector<16xi1>
      %all_reduce_population_count3A = tpu.all_reduce %and3A_408 {dim = 0 : i64, kind = #tpu.reduction_kind<sum>} : vector<16xi1> -> vector<16xi32>
      %add3A_426 = arith.addi %while3A_372, %all_reduce_population_count3A : vector<16xi32>
      %all_reduce_population_count3A_427 = tpu.all_reduce %and3A_411 {dim = 0 : i64, kind = #tpu.reduction_kind<sum>} : vector<16xi1> -> vector<16xi32>
      %add3A_428 = arith.addi %while3A_373, %all_reduce_population_count3A_427 : vector<16xi32>
      %add3A_429 = arith.constant 16 : i32
      %add3A_430 = arith.addi %add3A_376, %add3A_429 : i32
      %get3A_431 = arith.index_cast %add3A_430 : i32 to index
      %get3A_432 = tpu.vector_load %arg5[%get3A_431] {strides = array<i32>} : memref<32768xi32, #tpu.memory_space<vmem>>, vector<16xi32>,
      %shift_right_arithmetic3A_433 = arith.constant 31 : i32
      %shift_right_arithmetic3A_434 = vector.broadcast %shift_right_arithmetic3A_433 : i32 to vector<16xi32>
      %shift_right_arithmetic3A_435 = arith.shrsi %get3A_432, %shift_right_arithmetic3A_434 : vector<16xi32>
      %and3A_436 = arith.constant 2147483647 : i32
      %and3A_437 = vector.broadcast %and3A_436 : i32 to vector<16xi32>
      %and3A_438 = arith.andi %shift_right_arithmetic3A_435, %and3A_437 : vector<16xi32>
      %xor3A_439 = arith.xori %get3A_432, %and3A_438 : vector<16xi32>
      %sub3A_440 = arith.subi %while3A_228, %add3A_430 : i32
      %min3A_441 = vector.broadcast %sub3A_440 : i32 to vector<16xi32>
      %min3A_442 = arith.minsi %add3A_185, %min3A_441 : vector<16xi32>
      %sub3A_443 = arith.subi %while3A_229, %add3A_430 : i32
      %max3A_444 = arith.constant 0 : i32
      %max3A_445 = arith.maxsi %sub3A_443, %max3A_444 : i32
      %sub3A_446 = vector.broadcast %max3A_445 : i32 to vector<16xi32>
      %sub3A_447 = arith.subi %min3A_442, %sub3A_446 : vector<16xi32>
      %jit3A_448 = arith.constant 0 : i32
      %jit3A_449 = arith.constant 16 : i32
      %max3A_450 = vector.broadcast %jit3A_448 : i32 to vector<16xi32>
      %max3A_451 = arith.maxsi %max3A_450, %sub3A_447 : vector<16xi32>
      %min3A_452 = vector.broadcast %jit3A_449 : i32 to vector<16xi32>
      %min3A_453 = arith.minsi %min3A_452, %max3A_451 : vector<16xi32>
      %add3A_454 = vector.broadcast %add3A_430 : i32 to vector<16xi32>
      %add3A_455 = arith.addi %add3A_454, %iota3A_182 : vector<16xi32>
      %ge3A_456 = vector.broadcast %while3A_229 : i32 to vector<16xi32>
      %ge3A_457 = arith.cmpi sge, %add3A_455, %ge3A_456 : vector<16xi32>
      %add3A_458 = vector.broadcast %add3A_430 : i32 to vector<16xi32>
      %add3A_459 = arith.addi %add3A_458, %iota3A_182 : vector<16xi32>
      %lt3A_460 = vector.broadcast %while3A_228 : i32 to vector<16xi32>
      %lt3A_461 = arith.cmpi slt, %add3A_459, %lt3A_460 : vector<16xi32>
      %and3A_462 = arith.andi %ge3A_457, %lt3A_461 : vector<16xi1>
      %ge3A_463 = vector.broadcast %xor3A_192 : i32 to vector<16xi32>
      %ge3A_464 = arith.cmpi sge, %xor3A_439, %ge3A_463 : vector<16xi32>
      %and3A_465 = arith.andi %ge3A_464, %and3A_462 : vector<16xi1>
      %not3A_466 = arith.constant dense<true> : vector<16xi1>
      %not3A_467 = arith.xori %ge3A_464, %not3A_466 : vector<16xi1>
      %and3A_468 = arith.andi %not3A_467, %and3A_462 : vector<16xi1>
      %convert_element_type3A_469 = arith.extui %and3A_465 : vector<16xi1> to vector<16xi32>
      %broadcast_in_dim3A_470 = arith.constant true
      %broadcast_in_dim3A_471 = vector.broadcast %broadcast_in_dim3A_470 : i1 to vector<16xi1>
      %masked_cumsum3A_472 = tpu.scan <sum>, %convert_element_type3A_469 masked %broadcast_in_dim3A_471 : vector<16xi32>, vector<16xi1> -> vector<16xi32>
      %sub3A_473 = arith.constant 1 : i32
      %sub3A_474 = vector.broadcast %sub3A_473 : i32 to vector<16xi32>
      %sub3A_475 = arith.subi %masked_cumsum3A_472, %sub3A_474 : vector<16xi32>
      %add3A_476 = arith.addi %add3A_426, %sub3A_475 : vector<16xi32>
      tpu.vector_store_idx %arg6[%add3A_476], %xor3A_439 masked %and3A_465 : memref<32832xi32, #tpu.memory_space<vmem>>[vector<16xi32>], vector<16xi32>, vector<16xi1>
      %sub3A_477 = arith.subi %min3A_453, %masked_cumsum3A_472 : vector<16xi32>
      %sub3A_478 = arith.constant 32767 : i32
      %sub3A_479 = vector.broadcast %sub3A_478 : i32 to vector<16xi32>
      %sub3A_480 = arith.subi %sub3A_479, %add3A_428 : vector<16xi32>
      %sub3A_481 = arith.constant 1 : i32
      %sub3A_482 = vector.broadcast %sub3A_481 : i32 to vector<16xi32>
      %sub3A_483 = arith.subi %sub3A_477, %sub3A_482 : vector<16xi32>
      %sub3A_484 = arith.subi %sub3A_480, %sub3A_483 : vector<16xi32>
      tpu.vector_store_idx %arg6[%sub3A_484], %xor3A_439 masked %and3A_468 : memref<32832xi32, #tpu.memory_space<vmem>>[vector<16xi32>], vector<16xi32>, vector<16xi1>
      %all_reduce_population_count3A_485 = tpu.all_reduce %and3A_465 {dim = 0 : i64, kind = #tpu.reduction_kind<sum>} : vector<16xi1> -> vector<16xi32>
      %add3A_486 = arith.addi %add3A_426, %all_reduce_population_count3A_485 : vector<16xi32>
      %all_reduce_population_count3A_487 = tpu.all_reduce %and3A_468 {dim = 0 : i64, kind = #tpu.reduction_kind<sum>} : vector<16xi1> -> vector<16xi32>
      %add3A_488 = arith.addi %add3A_428, %all_reduce_population_count3A_487 : vector<16xi32>
      %add3A_489 = arith.constant 32 : i32
      %add3A_490 = arith.addi %add3A_376, %add3A_489 : i32
      %get3A_491 = arith.index_cast %add3A_490 : i32 to index
      %get3A_492 = tpu.vector_load %arg5[%get3A_491] {strides = array<i32>} : memref<32768xi32, #tpu.memory_space<vmem>>, vector<16xi32>,
      %shift_right_arithmetic3A_493 = arith.constant 31 : i32
      %shift_right_arithmetic3A_494 = vector.broadcast %shift_right_arithmetic3A_493 : i32 to vector<16xi32>
      %shift_right_arithmetic3A_495 = arith.shrsi %get3A_492, %shift_right_arithmetic3A_494 : vector<16xi32>
      %and3A_496 = arith.constant 2147483647 : i32
      %and3A_497 = vector.broadcast %and3A_496 : i32 to vector<16xi32>
      %and3A_498 = arith.andi %shift_right_arithmetic3A_495, %and3A_497 : vector<16xi32>
      %xor3A_499 = arith.xori %get3A_492, %and3A_498 : vector<16xi32>
      %sub3A_500 = arith.subi %while3A_228, %add3A_490 : i32
      %min3A_501 = vector.broadcast %sub3A_500 : i32 to vector<16xi32>
      %min3A_502 = arith.minsi %add3A_185, %min3A_501 : vector<16xi32>
      %sub3A_503 = arith.subi %while3A_229, %add3A_490 : i32
      %max3A_504 = arith.constant 0 : i32
      %max3A_505 = arith.maxsi %sub3A_503, %max3A_504 : i32
      %sub3A_506 = vector.broadcast %max3A_505 : i32 to vector<16xi32>
      %sub3A_507 = arith.subi %min3A_502, %sub3A_506 : vector<16xi32>
      %jit3A_508 = arith.constant 0 : i32
      %jit3A_509 = arith.constant 16 : i32
      %max3A_510 = vector.broadcast %jit3A_508 : i32 to vector<16xi32>
      %max3A_511 = arith.maxsi %max3A_510, %sub3A_507 : vector<16xi32>
      %min3A_512 = vector.broadcast %jit3A_509 : i32 to vector<16xi32>
      %min3A_513 = arith.minsi %min3A_512, %max3A_511 : vector<16xi32>
      %add3A_514 = vector.broadcast %add3A_490 : i32 to vector<16xi32>
      %add3A_515 = arith.addi %add3A_514, %iota3A_182 : vector<16xi32>
      %ge3A_516 = vector.broadcast %while3A_229 : i32 to vector<16xi32>
      %ge3A_517 = arith.cmpi sge, %add3A_515, %ge3A_516 : vector<16xi32>
      %add3A_518 = vector.broadcast %add3A_490 : i32 to vector<16xi32>
      %add3A_519 = arith.addi %add3A_518, %iota3A_182 : vector<16xi32>
      %lt3A_520 = vector.broadcast %while3A_228 : i32 to vector<16xi32>
      %lt3A_521 = arith.cmpi slt, %add3A_519, %lt3A_520 : vector<16xi32>
      %and3A_522 = arith.andi %ge3A_517, %lt3A_521 : vector<16xi1>
      %ge3A_523 = vector.broadcast %xor3A_192 : i32 to vector<16xi32>
      %ge3A_524 = arith.cmpi sge, %xor3A_499, %ge3A_523 : vector<16xi32>
      %and3A_525 = arith.andi %ge3A_524, %and3A_522 : vector<16xi1>
      %not3A_526 = arith.constant dense<true> : vector<16xi1>
      %not3A_527 = arith.xori %ge3A_524, %not3A_526 : vector<16xi1>
      %and3A_528 = arith.andi %not3A_527, %and3A_522 : vector<16xi1>
      %convert_element_type3A_529 = arith.extui %and3A_525 : vector<16xi1> to vector<16xi32>
      %broadcast_in_dim3A_530 = arith.constant true
      %broadcast_in_dim3A_531 = vector.broadcast %broadcast_in_dim3A_530 : i1 to vector<16xi1>
      %masked_cumsum3A_532 = tpu.scan <sum>, %convert_element_type3A_529 masked %broadcast_in_dim3A_531 : vector<16xi32>, vector<16xi1> -> vector<16xi32>
      %sub3A_533 = arith.constant 1 : i32
      %sub3A_534 = vector.broadcast %sub3A_533 : i32 to vector<16xi32>
      %sub3A_535 = arith.subi %masked_cumsum3A_532, %sub3A_534 : vector<16xi32>
      %add3A_536 = arith.addi %add3A_486, %sub3A_535 : vector<16xi32>
      tpu.vector_store_idx %arg6[%add3A_536], %xor3A_499 masked %and3A_525 : memref<32832xi32, #tpu.memory_space<vmem>>[vector<16xi32>], vector<16xi32>, vector<16xi1>
      %sub3A_537 = arith.subi %min3A_513, %masked_cumsum3A_532 : vector<16xi32>
      %sub3A_538 = arith.constant 32767 : i32
      %sub3A_539 = vector.broadcast %sub3A_538 : i32 to vector<16xi32>
      %sub3A_540 = arith.subi %sub3A_539, %add3A_488 : vector<16xi32>
      %sub3A_541 = arith.constant 1 : i32
      %sub3A_542 = vector.broadcast %sub3A_541 : i32 to vector<16xi32>
      %sub3A_543 = arith.subi %sub3A_537, %sub3A_542 : vector<16xi32>
      %sub3A_544 = arith.subi %sub3A_540, %sub3A_543 : vector<16xi32>
      tpu.vector_store_idx %arg6[%sub3A_544], %xor3A_499 masked %and3A_528 : memref<32832xi32, #tpu.memory_space<vmem>>[vector<16xi32>], vector<16xi32>, vector<16xi1>
      %all_reduce_population_count3A_545 = tpu.all_reduce %and3A_525 {dim = 0 : i64, kind = #tpu.reduction_kind<sum>} : vector<16xi1> -> vector<16xi32>
      %add3A_546 = arith.addi %add3A_486, %all_reduce_population_count3A_545 : vector<16xi32>
      %all_reduce_population_count3A_547 = tpu.all_reduce %and3A_528 {dim = 0 : i64, kind = #tpu.reduction_kind<sum>} : vector<16xi1> -> vector<16xi32>
      %add3A_548 = arith.addi %add3A_488, %all_reduce_population_count3A_547 : vector<16xi32>
      %add3A_549 = arith.constant 48 : i32
      %add3A_550 = arith.addi %add3A_376, %add3A_549 : i32
      %get3A_551 = arith.index_cast %add3A_550 : i32 to index
      %get3A_552 = tpu.vector_load %arg5[%get3A_551] {strides = array<i32>} : memref<32768xi32, #tpu.memory_space<vmem>>, vector<16xi32>,
      %shift_right_arithmetic3A_553 = arith.constant 31 : i32
      %shift_right_arithmetic3A_554 = vector.broadcast %shift_right_arithmetic3A_553 : i32 to vector<16xi32>
      %shift_right_arithmetic3A_555 = arith.shrsi %get3A_552, %shift_right_arithmetic3A_554 : vector<16xi32>
      %and3A_556 = arith.constant 2147483647 : i32
      %and3A_557 = vector.broadcast %and3A_556 : i32 to vector<16xi32>
      %and3A_558 = arith.andi %shift_right_arithmetic3A_555, %and3A_557 : vector<16xi32>
      %xor3A_559 = arith.xori %get3A_552, %and3A_558 : vector<16xi32>
      %sub3A_560 = arith.subi %while3A_228, %add3A_550 : i32
      %min3A_561 = vector.broadcast %sub3A_560 : i32 to vector<16xi32>
      %min3A_562 = arith.minsi %add3A_185, %min3A_561 : vector<16xi32>
      %sub3A_563 = arith.subi %while3A_229, %add3A_550 : i32
      %max3A_564 = arith.constant 0 : i32
      %max3A_565 = arith.maxsi %sub3A_563, %max3A_564 : i32
      %sub3A_566 = vector.broadcast %max3A_565 : i32 to vector<16xi32>
      %sub3A_567 = arith.subi %min3A_562, %sub3A_566 : vector<16xi32>
      %jit3A_568 = arith.constant 0 : i32
      %jit3A_569 = arith.constant 16 : i32
      %max3A_570 = vector.broadcast %jit3A_568 : i32 to vector<16xi32>
      %max3A_571 = arith.maxsi %max3A_570, %sub3A_567 : vector<16xi32>
      %min3A_572 = vector.broadcast %jit3A_569 : i32 to vector<16xi32>
      %min3A_573 = arith.minsi %min3A_572, %max3A_571 : vector<16xi32>
      %add3A_574 = vector.broadcast %add3A_550 : i32 to vector<16xi32>
      %add3A_575 = arith.addi %add3A_574, %iota3A_182 : vector<16xi32>
      %ge3A_576 = vector.broadcast %while3A_229 : i32 to vector<16xi32>
      %ge3A_577 = arith.cmpi sge, %add3A_575, %ge3A_576 : vector<16xi32>
      %add3A_578 = vector.broadcast %add3A_550 : i32 to vector<16xi32>
      %add3A_579 = arith.addi %add3A_578, %iota3A_182 : vector<16xi32>
      %lt3A_580 = vector.broadcast %while3A_228 : i32 to vector<16xi32>
      %lt3A_581 = arith.cmpi slt, %add3A_579, %lt3A_580 : vector<16xi32>
      %and3A_582 = arith.andi %ge3A_577, %lt3A_581 : vector<16xi1>
      %ge3A_583 = vector.broadcast %xor3A_192 : i32 to vector<16xi32>
      %ge3A_584 = arith.cmpi sge, %xor3A_559, %ge3A_583 : vector<16xi32>
      %and3A_585 = arith.andi %ge3A_584, %and3A_582 : vector<16xi1>
      %not3A_586 = arith.constant dense<true> : vector<16xi1>
      %not3A_587 = arith.xori %ge3A_584, %not3A_586 : vector<16xi1>
      %and3A_588 = arith.andi %not3A_587, %and3A_582 : vector<16xi1>
      %convert_element_type3A_589 = arith.extui %and3A_585 : vector<16xi1> to vector<16xi32>
      %broadcast_in_dim3A_590 = arith.constant true
      %broadcast_in_dim3A_591 = vector.broadcast %broadcast_in_dim3A_590 : i1 to vector<16xi1>
      %masked_cumsum3A_592 = tpu.scan <sum>, %convert_element_type3A_589 masked %broadcast_in_dim3A_591 : vector<16xi32>, vector<16xi1> -> vector<16xi32>
      %sub3A_593 = arith.constant 1 : i32
      %sub3A_594 = vector.broadcast %sub3A_593 : i32 to vector<16xi32>
      %sub3A_595 = arith.subi %masked_cumsum3A_592, %sub3A_594 : vector<16xi32>
      %add3A_596 = arith.addi %add3A_546, %sub3A_595 : vector<16xi32>
      tpu.vector_store_idx %arg6[%add3A_596], %xor3A_559 masked %and3A_585 : memref<32832xi32, #tpu.memory_space<vmem>>[vector<16xi32>], vector<16xi32>, vector<16xi1>
      %sub3A_597 = arith.subi %min3A_573, %masked_cumsum3A_592 : vector<16xi32>
      %sub3A_598 = arith.constant 32767 : i32
      %sub3A_599 = vector.broadcast %sub3A_598 : i32 to vector<16xi32>
      %sub3A_600 = arith.subi %sub3A_599, %add3A_548 : vector<16xi32>
      %sub3A_601 = arith.constant 1 : i32
      %sub3A_602 = vector.broadcast %sub3A_601 : i32 to vector<16xi32>
      %sub3A_603 = arith.subi %sub3A_597, %sub3A_602 : vector<16xi32>
      %sub3A_604 = arith.subi %sub3A_600, %sub3A_603 : vector<16xi32>
      tpu.vector_store_idx %arg6[%sub3A_604], %xor3A_559 masked %and3A_588 : memref<32832xi32, #tpu.memory_space<vmem>>[vector<16xi32>], vector<16xi32>, vector<16xi1>
      %all_reduce_population_count3A_605 = tpu.all_reduce %and3A_585 {dim = 0 : i64, kind = #tpu.reduction_kind<sum>} : vector<16xi1> -> vector<16xi32>
      %add3A_606 = arith.addi %add3A_546, %all_reduce_population_count3A_605 : vector<16xi32>
      %all_reduce_population_count3A_607 = tpu.all_reduce %and3A_588 {dim = 0 : i64, kind = #tpu.reduction_kind<sum>} : vector<16xi1> -> vector<16xi32>
      %add3A_608 = arith.addi %add3A_548, %all_reduce_population_count3A_607 : vector<16xi32>
      scf.yield %add3A_606, %add3A_608 : vector<16xi32>, vector<16xi32>
    }
    %while3A_239 = arith.constant 1 : i32
    %while3A_240:2 = scf.for %while3A_371 = %while3A_236 to %while3A_232 step %while3A_239 iter_args(%while3A_372 = %while3A_238#0, %while3A_373 = %while3A_238#1) -> (vector<16xi32>, vector<16xi32>)  : i32 {
      %mul3A_374 = arith.constant 64 : i32
      %mul3A_375 = arith.muli %while3A_371, %mul3A_374 : i32
      %add3A_376 = arith.addi %and3A_197, %mul3A_375 : i32
      %add3A_377 = arith.constant 0 : i32
      %add3A_378 = arith.addi %add3A_376, %add3A_377 : i32
      %get3A = arith.index_cast %add3A_378 : i32 to index
      %get3A_379 = tpu.vector_load %arg5[%get3A] {strides = array<i32>} : memref<32768xi32, #tpu.memory_space<vmem>>, vector<16xi32>,
      %shift_right_arithmetic3A = arith.constant 31 : i32
      %shift_right_arithmetic3A_380 = vector.broadcast %shift_right_arithmetic3A : i32 to vector<16xi32>
      %shift_right_arithmetic3A_381 = arith.shrsi %get3A_379, %shift_right_arithmetic3A_380 : vector<16xi32>
      %and3A_382 = arith.constant 2147483647 : i32
      %and3A_383 = vector.broadcast %and3A_382 : i32 to vector<16xi32>
      %and3A_384 = arith.andi %shift_right_arithmetic3A_381, %and3A_383 : vector<16xi32>
      %xor3A_385 = arith.xori %get3A_379, %and3A_384 : vector<16xi32>
      %sub3A_386 = arith.subi %while3A_228, %add3A_378 : i32
      %min3A = vector.broadcast %sub3A_386 : i32 to vector<16xi32>
      %min3A_387 = arith.minsi %add3A_185, %min3A : vector<16xi32>
      %sub3A_388 = arith.subi %while3A_229, %add3A_378 : i32
      %max3A = arith.constant 0 : i32
      %max3A_389 = arith.maxsi %sub3A_388, %max3A : i32
      %sub3A_390 = vector.broadcast %max3A_389 : i32 to vector<16xi32>
      %sub3A_391 = arith.subi %min3A_387, %sub3A_390 : vector<16xi32>
      %jit3A_392 = arith.constant 0 : i32
      %jit3A_393 = arith.constant 16 : i32
      %max3A_394 = vector.broadcast %jit3A_392 : i32 to vector<16xi32>
      %max3A_395 = arith.maxsi %max3A_394, %sub3A_391 : vector<16xi32>
      %min3A_396 = vector.broadcast %jit3A_393 : i32 to vector<16xi32>
      %min3A_397 = arith.minsi %min3A_396, %max3A_395 : vector<16xi32>
      %add3A_398 = vector.broadcast %add3A_378 : i32 to vector<16xi32>
      %add3A_399 = arith.addi %add3A_398, %iota3A_182 : vector<16xi32>
      %ge3A_400 = vector.broadcast %while3A_229 : i32 to vector<16xi32>
      %ge3A_401 = arith.cmpi sge, %add3A_399, %ge3A_400 : vector<16xi32>
      %add3A_402 = vector.broadcast %add3A_378 : i32 to vector<16xi32>
      %add3A_403 = arith.addi %add3A_402, %iota3A_182 : vector<16xi32>
      %lt3A = vector.broadcast %while3A_228 : i32 to vector<16xi32>
      %lt3A_404 = arith.cmpi slt, %add3A_403, %lt3A : vector<16xi32>
      %and3A_405 = arith.andi %ge3A_401, %lt3A_404 : vector<16xi1>
      %ge3A_406 = vector.broadcast %xor3A_192 : i32 to vector<16xi32>
      %ge3A_407 = arith.cmpi sge, %xor3A_385, %ge3A_406 : vector<16xi32>
      %and3A_408 = arith.andi %ge3A_407, %and3A_405 : vector<16xi1>
      %not3A_409 = arith.constant dense<true> : vector<16xi1>
      %not3A_410 = arith.xori %ge3A_407, %not3A_409 : vector<16xi1>
      %and3A_411 = arith.andi %not3A_410, %and3A_405 : vector<16xi1>
      %convert_element_type3A = arith.extui %and3A_408 : vector<16xi1> to vector<16xi32>
      %broadcast_in_dim3A_412 = arith.constant true
      %broadcast_in_dim3A_413 = vector.broadcast %broadcast_in_dim3A_412 : i1 to vector<16xi1>
      %masked_cumsum3A = tpu.scan <sum>, %convert_element_type3A masked %broadcast_in_dim3A_413 : vector<16xi32>, vector<16xi1> -> vector<16xi32>
      %sub3A_414 = arith.constant 1 : i32
      %sub3A_415 = vector.broadcast %sub3A_414 : i32 to vector<16xi32>
      %sub3A_416 = arith.subi %masked_cumsum3A, %sub3A_415 : vector<16xi32>
      %add3A_417 = arith.addi %while3A_372, %sub3A_416 : vector<16xi32>
      tpu.vector_store_idx %arg6[%add3A_417], %xor3A_385 masked %and3A_408 : memref<32832xi32, #tpu.memory_space<vmem>>[vector<16xi32>], vector<16xi32>, vector<16xi1>
      %sub3A_418 = arith.subi %min3A_397, %masked_cumsum3A : vector<16xi32>
      %sub3A_419 = arith.constant 32767 : i32
      %sub3A_420 = vector.broadcast %sub3A_419 : i32 to vector<16xi32>
      %sub3A_421 = arith.subi %sub3A_420, %while3A_373 : vector<16xi32>
      %sub3A_422 = arith.constant 1 : i32
      %sub3A_423 = vector.broadcast %sub3A_422 : i32 to vector<16xi32>
      %sub3A_424 = arith.subi %sub3A_418, %sub3A_423 : vector<16xi32>
      %sub3A_425 = arith.subi %sub3A_421, %sub3A_424 : vector<16xi32>
      tpu.vector_store_idx %arg6[%sub3A_425], %xor3A_385 masked %and3A_411 : memref<32832xi32, #tpu.memory_space<vmem>>[vector<16xi32>], vector<16xi32>, vector<16xi1>
      %all_reduce_population_count3A = tpu.all_reduce %and3A_408 {dim = 0 : i64, kind = #tpu.reduction_kind<sum>} : vector<16xi1> -> vector<16xi32>
      %add3A_426 = arith.addi %while3A_372, %all_reduce_population_count3A : vector<16xi32>
      %all_reduce_population_count3A_427 = tpu.all_reduce %and3A_411 {dim = 0 : i64, kind = #tpu.reduction_kind<sum>} : vector<16xi1> -> vector<16xi32>
      %add3A_428 = arith.addi %while3A_373, %all_reduce_population_count3A_427 : vector<16xi32>
      %add3A_429 = arith.constant 16 : i32
      %add3A_430 = arith.addi %add3A_376, %add3A_429 : i32
      %get3A_431 = arith.index_cast %add3A_430 : i32 to index
      %get3A_432 = tpu.vector_load %arg5[%get3A_431] {strides = array<i32>} : memref<32768xi32, #tpu.memory_space<vmem>>, vector<16xi32>,
      %shift_right_arithmetic3A_433 = arith.constant 31 : i32
      %shift_right_arithmetic3A_434 = vector.broadcast %shift_right_arithmetic3A_433 : i32 to vector<16xi32>
      %shift_right_arithmetic3A_435 = arith.shrsi %get3A_432, %shift_right_arithmetic3A_434 : vector<16xi32>
      %and3A_436 = arith.constant 2147483647 : i32
      %and3A_437 = vector.broadcast %and3A_436 : i32 to vector<16xi32>
      %and3A_438 = arith.andi %shift_right_arithmetic3A_435, %and3A_437 : vector<16xi32>
      %xor3A_439 = arith.xori %get3A_432, %and3A_438 : vector<16xi32>
      %sub3A_440 = arith.subi %while3A_228, %add3A_430 : i32
      %min3A_441 = vector.broadcast %sub3A_440 : i32 to vector<16xi32>
      %min3A_442 = arith.minsi %add3A_185, %min3A_441 : vector<16xi32>
      %sub3A_443 = arith.subi %while3A_229, %add3A_430 : i32
      %max3A_444 = arith.constant 0 : i32
      %max3A_445 = arith.maxsi %sub3A_443, %max3A_444 : i32
      %sub3A_446 = vector.broadcast %max3A_445 : i32 to vector<16xi32>
      %sub3A_447 = arith.subi %min3A_442, %sub3A_446 : vector<16xi32>
      %jit3A_448 = arith.constant 0 : i32
      %jit3A_449 = arith.constant 16 : i32
      %max3A_450 = vector.broadcast %jit3A_448 : i32 to vector<16xi32>
      %max3A_451 = arith.maxsi %max3A_450, %sub3A_447 : vector<16xi32>
      %min3A_452 = vector.broadcast %jit3A_449 : i32 to vector<16xi32>
      %min3A_453 = arith.minsi %min3A_452, %max3A_451 : vector<16xi32>
      %add3A_454 = vector.broadcast %add3A_430 : i32 to vector<16xi32>
      %add3A_455 = arith.addi %add3A_454, %iota3A_182 : vector<16xi32>
      %ge3A_456 = vector.broadcast %while3A_229 : i32 to vector<16xi32>
      %ge3A_457 = arith.cmpi sge, %add3A_455, %ge3A_456 : vector<16xi32>
      %add3A_458 = vector.broadcast %add3A_430 : i32 to vector<16xi32>
      %add3A_459 = arith.addi %add3A_458, %iota3A_182 : vector<16xi32>
      %lt3A_460 = vector.broadcast %while3A_228 : i32 to vector<16xi32>
      %lt3A_461 = arith.cmpi slt, %add3A_459, %lt3A_460 : vector<16xi32>
      %and3A_462 = arith.andi %ge3A_457, %lt3A_461 : vector<16xi1>
      %ge3A_463 = vector.broadcast %xor3A_192 : i32 to vector<16xi32>
      %ge3A_464 = arith.cmpi sge, %xor3A_439, %ge3A_463 : vector<16xi32>
      %and3A_465 = arith.andi %ge3A_464, %and3A_462 : vector<16xi1>
      %not3A_466 = arith.constant dense<true> : vector<16xi1>
      %not3A_467 = arith.xori %ge3A_464, %not3A_466 : vector<16xi1>
      %and3A_468 = arith.andi %not3A_467, %and3A_462 : vector<16xi1>
      %convert_element_type3A_469 = arith.extui %and3A_465 : vector<16xi1> to vector<16xi32>
      %broadcast_in_dim3A_470 = arith.constant true
      %broadcast_in_dim3A_471 = vector.broadcast %broadcast_in_dim3A_470 : i1 to vector<16xi1>
      %masked_cumsum3A_472 = tpu.scan <sum>, %convert_element_type3A_469 masked %broadcast_in_dim3A_471 : vector<16xi32>, vector<16xi1> -> vector<16xi32>
      %sub3A_473 = arith.constant 1 : i32
      %sub3A_474 = vector.broadcast %sub3A_473 : i32 to vector<16xi32>
      %sub3A_475 = arith.subi %masked_cumsum3A_472, %sub3A_474 : vector<16xi32>
      %add3A_476 = arith.addi %add3A_426, %sub3A_475 : vector<16xi32>
      tpu.vector_store_idx %arg6[%add3A_476], %xor3A_439 masked %and3A_465 : memref<32832xi32, #tpu.memory_space<vmem>>[vector<16xi32>], vector<16xi32>, vector<16xi1>
      %sub3A_477 = arith.subi %min3A_453, %masked_cumsum3A_472 : vector<16xi32>
      %sub3A_478 = arith.constant 32767 : i32
      %sub3A_479 = vector.broadcast %sub3A_478 : i32 to vector<16xi32>
      %sub3A_480 = arith.subi %sub3A_479, %add3A_428 : vector<16xi32>
      %sub3A_481 = arith.constant 1 : i32
      %sub3A_482 = vector.broadcast %sub3A_481 : i32 to vector<16xi32>
      %sub3A_483 = arith.subi %sub3A_477, %sub3A_482 : vector<16xi32>
      %sub3A_484 = arith.subi %sub3A_480, %sub3A_483 : vector<16xi32>
      tpu.vector_store_idx %arg6[%sub3A_484], %xor3A_439 masked %and3A_468 : memref<32832xi32, #tpu.memory_space<vmem>>[vector<16xi32>], vector<16xi32>, vector<16xi1>
      %all_reduce_population_count3A_485 = tpu.all_reduce %and3A_465 {dim = 0 : i64, kind = #tpu.reduction_kind<sum>} : vector<16xi1> -> vector<16xi32>
      %add3A_486 = arith.addi %add3A_426, %all_reduce_population_count3A_485 : vector<16xi32>
      %all_reduce_population_count3A_487 = tpu.all_reduce %and3A_468 {dim = 0 : i64, kind = #tpu.reduction_kind<sum>} : vector<16xi1> -> vector<16xi32>
      %add3A_488 = arith.addi %add3A_428, %all_reduce_population_count3A_487 : vector<16xi32>
      %add3A_489 = arith.constant 32 : i32
      %add3A_490 = arith.addi %add3A_376, %add3A_489 : i32
      %get3A_491 = arith.index_cast %add3A_490 : i32 to index
      %get3A_492 = tpu.vector_load %arg5[%get3A_491] {strides = array<i32>} : memref<32768xi32, #tpu.memory_space<vmem>>, vector<16xi32>,
      %shift_right_arithmetic3A_493 = arith.constant 31 : i32
      %shift_right_arithmetic3A_494 = vector.broadcast %shift_right_arithmetic3A_493 : i32 to vector<16xi32>
      %shift_right_arithmetic3A_495 = arith.shrsi %get3A_492, %shift_right_arithmetic3A_494 : vector<16xi32>
      %and3A_496 = arith.constant 2147483647 : i32
      %and3A_497 = vector.broadcast %and3A_496 : i32 to vector<16xi32>
      %and3A_498 = arith.andi %shift_right_arithmetic3A_495, %and3A_497 : vector<16xi32>
      %xor3A_499 = arith.xori %get3A_492, %and3A_498 : vector<16xi32>
      %sub3A_500 = arith.subi %while3A_228, %add3A_490 : i32
      %min3A_501 = vector.broadcast %sub3A_500 : i32 to vector<16xi32>
      %min3A_502 = arith.minsi %add3A_185, %min3A_501 : vector<16xi32>
      %sub3A_503 = arith.subi %while3A_229, %add3A_490 : i32
      %max3A_504 = arith.constant 0 : i32
      %max3A_505 = arith.maxsi %sub3A_503, %max3A_504 : i32
      %sub3A_506 = vector.broadcast %max3A_505 : i32 to vector<16xi32>
      %sub3A_507 = arith.subi %min3A_502, %sub3A_506 : vector<16xi32>
      %jit3A_508 = arith.constant 0 : i32
      %jit3A_509 = arith.constant 16 : i32
      %max3A_510 = vector.broadcast %jit3A_508 : i32 to vector<16xi32>
      %max3A_511 = arith.maxsi %max3A_510, %sub3A_507 : vector<16xi32>
      %min3A_512 = vector.broadcast %jit3A_509 : i32 to vector<16xi32>
      %min3A_513 = arith.minsi %min3A_512, %max3A_511 : vector<16xi32>
      %add3A_514 = vector.broadcast %add3A_490 : i32 to vector<16xi32>
      %add3A_515 = arith.addi %add3A_514, %iota3A_182 : vector<16xi32>
      %ge3A_516 = vector.broadcast %while3A_229 : i32 to vector<16xi32>
      %ge3A_517 = arith.cmpi sge, %add3A_515, %ge3A_516 : vector<16xi32>
      %add3A_518 = vector.broadcast %add3A_490 : i32 to vector<16xi32>
      %add3A_519 = arith.addi %add3A_518, %iota3A_182 : vector<16xi32>
      %lt3A_520 = vector.broadcast %while3A_228 : i32 to vector<16xi32>
      %lt3A_521 = arith.cmpi slt, %add3A_519, %lt3A_520 : vector<16xi32>
      %and3A_522 = arith.andi %ge3A_517, %lt3A_521 : vector<16xi1>
      %ge3A_523 = vector.broadcast %xor3A_192 : i32 to vector<16xi32>
      %ge3A_524 = arith.cmpi sge, %xor3A_499, %ge3A_523 : vector<16xi32>
      %and3A_525 = arith.andi %ge3A_524, %and3A_522 : vector<16xi1>
      %not3A_526 = arith.constant dense<true> : vector<16xi1>
      %not3A_527 = arith.xori %ge3A_524, %not3A_526 : vector<16xi1>
      %and3A_528 = arith.andi %not3A_527, %and3A_522 : vector<16xi1>
      %convert_element_type3A_529 = arith.extui %and3A_525 : vector<16xi1> to vector<16xi32>
      %broadcast_in_dim3A_530 = arith.constant true
      %broadcast_in_dim3A_531 = vector.broadcast %broadcast_in_dim3A_530 : i1 to vector<16xi1>
      %masked_cumsum3A_532 = tpu.scan <sum>, %convert_element_type3A_529 masked %broadcast_in_dim3A_531 : vector<16xi32>, vector<16xi1> -> vector<16xi32>
      %sub3A_533 = arith.constant 1 : i32
      %sub3A_534 = vector.broadcast %sub3A_533 : i32 to vector<16xi32>
      %sub3A_535 = arith.subi %masked_cumsum3A_532, %sub3A_534 : vector<16xi32>
      %add3A_536 = arith.addi %add3A_486, %sub3A_535 : vector<16xi32>
      tpu.vector_store_idx %arg6[%add3A_536], %xor3A_499 masked %and3A_525 : memref<32832xi32, #tpu.memory_space<vmem>>[vector<16xi32>], vector<16xi32>, vector<16xi1>
      %sub3A_537 = arith.subi %min3A_513, %masked_cumsum3A_532 : vector<16xi32>
      %sub3A_538 = arith.constant 32767 : i32
      %sub3A_539 = vector.broadcast %sub3A_538 : i32 to vector<16xi32>
      %sub3A_540 = arith.subi %sub3A_539, %add3A_488 : vector<16xi32>
      %sub3A_541 = arith.constant 1 : i32
      %sub3A_542 = vector.broadcast %sub3A_541 : i32 to vector<16xi32>
      %sub3A_543 = arith.subi %sub3A_537, %sub3A_542 : vector<16xi32>
      %sub3A_544 = arith.subi %sub3A_540, %sub3A_543 : vector<16xi32>
      tpu.vector_store_idx %arg6[%sub3A_544], %xor3A_499 masked %and3A_528 : memref<32832xi32, #tpu.memory_space<vmem>>[vector<16xi32>], vector<16xi32>, vector<16xi1>
      %all_reduce_population_count3A_545 = tpu.all_reduce %and3A_525 {dim = 0 : i64, kind = #tpu.reduction_kind<sum>} : vector<16xi1> -> vector<16xi32>
      %add3A_546 = arith.addi %add3A_486, %all_reduce_population_count3A_545 : vector<16xi32>
      %all_reduce_population_count3A_547 = tpu.all_reduce %and3A_528 {dim = 0 : i64, kind = #tpu.reduction_kind<sum>} : vector<16xi1> -> vector<16xi32>
      %add3A_548 = arith.addi %add3A_488, %all_reduce_population_count3A_547 : vector<16xi32>
      %add3A_549 = arith.constant 48 : i32
      %add3A_550 = arith.addi %add3A_376, %add3A_549 : i32
      %get3A_551 = arith.index_cast %add3A_550 : i32 to index
      %get3A_552 = tpu.vector_load %arg5[%get3A_551] {strides = array<i32>} : memref<32768xi32, #tpu.memory_space<vmem>>, vector<16xi32>,
      %shift_right_arithmetic3A_553 = arith.constant 31 : i32
      %shift_right_arithmetic3A_554 = vector.broadcast %shift_right_arithmetic3A_553 : i32 to vector<16xi32>
      %shift_right_arithmetic3A_555 = arith.shrsi %get3A_552, %shift_right_arithmetic3A_554 : vector<16xi32>
      %and3A_556 = arith.constant 2147483647 : i32
      %and3A_557 = vector.broadcast %and3A_556 : i32 to vector<16xi32>
      %and3A_558 = arith.andi %shift_right_arithmetic3A_555, %and3A_557 : vector<16xi32>
      %xor3A_559 = arith.xori %get3A_552, %and3A_558 : vector<16xi32>
      %sub3A_560 = arith.subi %while3A_228, %add3A_550 : i32
      %min3A_561 = vector.broadcast %sub3A_560 : i32 to vector<16xi32>
      %min3A_562 = arith.minsi %add3A_185, %min3A_561 : vector<16xi32>
      %sub3A_563 = arith.subi %while3A_229, %add3A_550 : i32
      %max3A_564 = arith.constant 0 : i32
      %max3A_565 = arith.maxsi %sub3A_563, %max3A_564 : i32
      %sub3A_566 = vector.broadcast %max3A_565 : i32 to vector<16xi32>
      %sub3A_567 = arith.subi %min3A_562, %sub3A_566 : vector<16xi32>
      %jit3A_568 = arith.constant 0 : i32
      %jit3A_569 = arith.constant 16 : i32
      %max3A_570 = vector.broadcast %jit3A_568 : i32 to vector<16xi32>
      %max3A_571 = arith.maxsi %max3A_570, %sub3A_567 : vector<16xi32>
      %min3A_572 = vector.broadcast %jit3A_569 : i32 to vector<16xi32>
      %min3A_573 = arith.minsi %min3A_572, %max3A_571 : vector<16xi32>
      %add3A_574 = vector.broadcast %add3A_550 : i32 to vector<16xi32>
      %add3A_575 = arith.addi %add3A_574, %iota3A_182 : vector<16xi32>
      %ge3A_576 = vector.broadcast %while3A_229 : i32 to vector<16xi32>
      %ge3A_577 = arith.cmpi sge, %add3A_575, %ge3A_576 : vector<16xi32>
      %add3A_578 = vector.broadcast %add3A_550 : i32 to vector<16xi32>
      %add3A_579 = arith.addi %add3A_578, %iota3A_182 : vector<16xi32>
      %lt3A_580 = vector.broadcast %while3A_228 : i32 to vector<16xi32>
      %lt3A_581 = arith.cmpi slt, %add3A_579, %lt3A_580 : vector<16xi32>
      %and3A_582 = arith.andi %ge3A_577, %lt3A_581 : vector<16xi1>
      %ge3A_583 = vector.broadcast %xor3A_192 : i32 to vector<16xi32>
      %ge3A_584 = arith.cmpi sge, %xor3A_559, %ge3A_583 : vector<16xi32>
      %and3A_585 = arith.andi %ge3A_584, %and3A_582 : vector<16xi1>
      %not3A_586 = arith.constant dense<true> : vector<16xi1>
      %not3A_587 = arith.xori %ge3A_584, %not3A_586 : vector<16xi1>
      %and3A_588 = arith.andi %not3A_587, %and3A_582 : vector<16xi1>
      %convert_element_type3A_589 = arith.extui %and3A_585 : vector<16xi1> to vector<16xi32>
      %broadcast_in_dim3A_590 = arith.constant true
      %broadcast_in_dim3A_591 = vector.broadcast %broadcast_in_dim3A_590 : i1 to vector<16xi1>
      %masked_cumsum3A_592 = tpu.scan <sum>, %convert_element_type3A_589 masked %broadcast_in_dim3A_591 : vector<16xi32>, vector<16xi1> -> vector<16xi32>
      %sub3A_593 = arith.constant 1 : i32
      %sub3A_594 = vector.broadcast %sub3A_593 : i32 to vector<16xi32>
      %sub3A_595 = arith.subi %masked_cumsum3A_592, %sub3A_594 : vector<16xi32>
      %add3A_596 = arith.addi %add3A_546, %sub3A_595 : vector<16xi32>
      tpu.vector_store_idx %arg6[%add3A_596], %xor3A_559 masked %and3A_585 : memref<32832xi32, #tpu.memory_space<vmem>>[vector<16xi32>], vector<16xi32>, vector<16xi1>
      %sub3A_597 = arith.subi %min3A_573, %masked_cumsum3A_592 : vector<16xi32>
      %sub3A_598 = arith.constant 32767 : i32
      %sub3A_599 = vector.broadcast %sub3A_598 : i32 to vector<16xi32>
      %sub3A_600 = arith.subi %sub3A_599, %add3A_548 : vector<16xi32>
      %sub3A_601 = arith.constant 1 : i32
      %sub3A_602 = vector.broadcast %sub3A_601 : i32 to vector<16xi32>
      %sub3A_603 = arith.subi %sub3A_597, %sub3A_602 : vector<16xi32>
      %sub3A_604 = arith.subi %sub3A_600, %sub3A_603 : vector<16xi32>
      tpu.vector_store_idx %arg6[%sub3A_604], %xor3A_559 masked %and3A_588 : memref<32832xi32, #tpu.memory_space<vmem>>[vector<16xi32>], vector<16xi32>, vector<16xi1>
      %all_reduce_population_count3A_605 = tpu.all_reduce %and3A_585 {dim = 0 : i64, kind = #tpu.reduction_kind<sum>} : vector<16xi1> -> vector<16xi32>
      %add3A_606 = arith.addi %add3A_546, %all_reduce_population_count3A_605 : vector<16xi32>
      %all_reduce_population_count3A_607 = tpu.all_reduce %and3A_588 {dim = 0 : i64, kind = #tpu.reduction_kind<sum>} : vector<16xi1> -> vector<16xi32>
      %add3A_608 = arith.addi %add3A_548, %all_reduce_population_count3A_607 : vector<16xi32>
      scf.yield %add3A_606, %add3A_608 : vector<16xi32>, vector<16xi32>
    }
    %reduce_max3A_241 = arith.constant true
    %reduce_max3A_242 = vector.broadcast %reduce_max3A_241 : i1 to vector<16xi1>
    %reduce_max3A_243 = arith.constant -2147483648 : i32
    %reduce_max3A_244 = vector.broadcast %reduce_max3A_243 : i32 to vector<16xi32>
    %reduce_max3A_245 = arith.xori %while3A_240#0, %reduce_max3A_244 : vector<16xi32>
    %reduce_max3A_246 = tpu.scan <max>, %reduce_max3A_245 masked %reduce_max3A_242 : vector<16xi32>, vector<16xi1> -> vector<16xi32>
    %reduce_max3A_247 = arith.xori %reduce_max3A_246, %reduce_max3A_244 : vector<16xi32>
    %reduce_max3A_248 = vector.extract %reduce_max3A_247[15] : i32 from vector<16xi32>
    %reduce_max3A_249 = arith.constant true
    %reduce_max3A_250 = vector.broadcast %reduce_max3A_249 : i1 to vector<16xi1>
    %reduce_max3A_251 = arith.constant -2147483648 : i32
    %reduce_max3A_252 = vector.broadcast %reduce_max3A_251 : i32 to vector<16xi32>
    %reduce_max3A_253 = arith.xori %while3A_240#1, %reduce_max3A_252 : vector<16xi32>
    %reduce_max3A_254 = tpu.scan <max>, %reduce_max3A_253 masked %reduce_max3A_250 : vector<16xi32>, vector<16xi1> -> vector<16xi32>
    %reduce_max3A_255 = arith.xori %reduce_max3A_254, %reduce_max3A_252 : vector<16xi32>
    %reduce_max3A_256 = vector.extract %reduce_max3A_255[15] : i32 from vector<16xi32>
    %add3A_257 = arith.constant 0 : i32
    %add3A_258 = arith.addi %add3A_257, %reduce_max3A_248 : i32
    %ge3A_259 = arith.constant 2048 : i32
    %ge3A_260 = arith.cmpi sge, %add3A_258, %ge3A_259 : i32
    %jit3A_261 = arith.constant 0 : i32
    %select_n3A_262 = arith.select %ge3A_260, %or3A_190, %jit3A_261 : i32
    %add3A_263 = arith.constant 0 : i32
    %add3A_264 = arith.addi %add3A_263, %reduce_max3A_248 : i32
    %jit3A_265 = arith.constant 0 : i32
    %select_n3A_266 = arith.select %ge3A_260, %jit3A_265, %add3A_264 : i32
    %sub3A_267 = arith.constant 32768 : i32
    %sub3A_268 = arith.subi %sub3A_267, %reduce_max3A_256 : i32
    %jit3A_269 = arith.constant 0 : i32
    %select_n3A_270 = arith.select %ge3A_260, %jit3A_269, %sub3A_268 : i32
    %jit3A_271 = arith.constant 32768 : i32
    %select_n3A_272 = arith.select %ge3A_260, %reduce_max3A_248, %jit3A_271 : i32
    %scan3A_273 = arith.constant 0 : i32
    %scan3A_274 = arith.constant 15 : i32
    %scan3A_275 = arith.addi %scan3A_273, %scan3A_274 : i32
    %scan3A_276 = arith.constant 1 : i32
    %scan3A_277:4 = scf.for %scan3A_371 = %scan3A_273 to %scan3A_275 step %scan3A_276 iter_args(%scan3A_372 = %select_n3A_270, %scan3A_373 = %select_n3A_272, %scan3A_374 = %select_n3A_262, %scan3A_375 = %select_n3A_266) -> (i32, i32, i32, i32)  : i32 {
      %mul3A_376 = arith.constant 2 : i32
      %mul3A_377 = arith.muli %mul3A_376, %scan3A_371 : i32
      %sub3A_378 = arith.constant 30 : i32
      %sub3A_379 = arith.subi %sub3A_378, %mul3A_377 : i32
      %iota3A_380 = tpu.iota {dimensions = array<i32: 0>} : vector<16xi32>
      %add3A_381 = arith.constant 1 : i32
      %add3A_382 = vector.broadcast %add3A_381 : i32 to vector<16xi32>
      %add3A_383 = arith.addi %iota3A_380, %add3A_382 : vector<16xi32>
      %shift_left3A_384 = arith.constant 1 : i32
      %shift_left3A_385 = arith.shli %shift_left3A_384, %sub3A_379 : i32
      %or3A_386 = arith.ori %scan3A_374, %shift_left3A_385 : i32
      %xor3A_387 = arith.constant -2147483648 : i32
      %xor3A_388 = arith.xori %or3A_386, %xor3A_387 : i32
      %not3A_389 = arith.constant 15 : i32
      %not3A_390 = arith.constant -1 : i32
      %not3A_391 = arith.xori %not3A_389, %not3A_390 : i32
      %and3A_392 = arith.andi %scan3A_372, %not3A_391 : i32
      %sub3A_393 = arith.subi %scan3A_373, %and3A_392 : i32
      %add3A_394 = arith.constant 63 : i32
      %add3A_395 = arith.addi %sub3A_393, %add3A_394 : i32
      %jit3A_396 = arith.constant 64 : i32
      %div3A_397 = arith.divsi %add3A_395, %jit3A_396 : i32
      %sign3A_398 = arith.constant 0 : i32
      %sign3A_399 = arith.cmpi sgt, %add3A_395, %sign3A_398 : i32
      %sign3A_400 = arith.extui %sign3A_399 : i1 to i32
      %sign3A_401 = arith.constant 0 : i32
      %sign3A_402 = arith.cmpi slt, %add3A_395, %sign3A_401 : i32
      %sign3A_403 = arith.extui %sign3A_402 : i1 to i32
      %sign3A_404 = arith.subi %sign3A_400, %sign3A_403 : i32
      %sign3A_405 = arith.constant 0 : i32
      %sign3A_406 = arith.cmpi sgt, %jit3A_396, %sign3A_405 : i32
      %sign3A_407 = arith.extui %sign3A_406 : i1 to i32
      %sign3A_408 = arith.constant 0 : i32
      %sign3A_409 = arith.cmpi slt, %jit3A_396, %sign3A_408 : i32
      %sign3A_410 = arith.extui %sign3A_409 : i1 to i32
      %sign3A_411 = arith.subi %sign3A_407, %sign3A_410 : i32
      %ne3A_412 = arith.cmpi ne, %sign3A_404, %sign3A_411 : i32
      %rem3A_413 = arith.remsi %add3A_395, %jit3A_396 : i32
      %ne3A_414 = arith.constant 0 : i32
      %ne3A_415 = arith.cmpi ne, %rem3A_413, %ne3A_414 : i32
      %and3A_416 = arith.andi %ne3A_412, %ne3A_415 : i1
      %sub3A_417 = arith.constant 1 : i32
      %sub3A_418 = arith.subi %div3A_397, %sub3A_417 : i32
      %select_n3A_419 = arith.select %and3A_416, %sub3A_418, %div3A_397 : i32
      %broadcast_in_dim3A_420 = arith.constant 0 : i32
      %broadcast_in_dim3A_421 = vector.broadcast %broadcast_in_dim3A_420 : i32 to vector<16xi32>
      %while3A_422 = arith.constant 0 : i32
      %while3A_423 = arith.subi %select_n3A_419, %while3A_422 : i32
      %while3A_424 = arith.addi %while3A_422, %while3A_423 : i32
      %while3A_425 = arith.constant 1 : i32
      %while3A_426 = arith.divsi %while3A_423, %while3A_425 : i32
      %while3A_427 = arith.muli %while3A_426, %while3A_425 : i32
      %while3A_428 = arith.addi %while3A_422, %while3A_427 : i32
      %while3A_429 = arith.constant 1 : i32
      %while3A_430:2 = scf.for %while3A_544 = %while3A_422 to %while3A_428 step %while3A_429 iter_args(%while3A_545 = %broadcast_in_dim3A_421, %while3A_546 = %broadcast_in_dim3A_421) -> (vector<16xi32>, vector<16xi32>)  : i32 {
        %mul3A_547 = arith.constant 64 : i32
        %mul3A_548 = arith.muli %while3A_544, %mul3A_547 : i32
        %add3A_549 = arith.addi %and3A_392, %mul3A_548 : i32
        %add3A_550 = arith.constant 0 : i32
        %add3A_551 = arith.addi %add3A_549, %add3A_550 : i32
        %get3A = arith.index_cast %add3A_551 : i32 to index
        %get3A_552 = tpu.vector_load %arg6[%get3A] {strides = array<i32>} : memref<32832xi32, #tpu.memory_space<vmem>>, vector<16xi32>,
        %sub3A_553 = arith.subi %scan3A_373, %add3A_551 : i32
        %min3A = vector.broadcast %sub3A_553 : i32 to vector<16xi32>
        %min3A_554 = arith.minsi %add3A_383, %min3A : vector<16xi32>
        %sub3A_555 = arith.subi %scan3A_372, %add3A_551 : i32
        %max3A = arith.constant 0 : i32
        %max3A_556 = arith.maxsi %sub3A_555, %max3A : i32
        %sub3A_557 = vector.broadcast %max3A_556 : i32 to vector<16xi32>
        %sub3A_558 = arith.subi %min3A_554, %sub3A_557 : vector<16xi32>
        %jit3A_559 = arith.constant 0 : i32
        %jit3A_560 = arith.constant 16 : i32
        %max3A_561 = vector.broadcast %jit3A_559 : i32 to vector<16xi32>
        %max3A_562 = arith.maxsi %max3A_561, %sub3A_558 : vector<16xi32>
        %min3A_563 = vector.broadcast %jit3A_560 : i32 to vector<16xi32>
        %min3A_564 = arith.minsi %min3A_563, %max3A_562 : vector<16xi32>
        %add3A_565 = vector.broadcast %add3A_551 : i32 to vector<16xi32>
        %add3A_566 = arith.addi %add3A_565, %iota3A_380 : vector<16xi32>
        %ge3A_567 = vector.broadcast %scan3A_372 : i32 to vector<16xi32>
        %ge3A_568 = arith.cmpi sge, %add3A_566, %ge3A_567 : vector<16xi32>
        %add3A_569 = vector.broadcast %add3A_551 : i32 to vector<16xi32>
        %add3A_570 = arith.addi %add3A_569, %iota3A_380 : vector<16xi32>
        %lt3A = vector.broadcast %scan3A_373 : i32 to vector<16xi32>
        %lt3A_571 = arith.cmpi slt, %add3A_570, %lt3A : vector<16xi32>
        %and3A_572 = arith.andi %ge3A_568, %lt3A_571 : vector<16xi1>
        %ge3A_573 = vector.broadcast %xor3A_388 : i32 to vector<16xi32>
        %ge3A_574 = arith.cmpi sge, %get3A_552, %ge3A_573 : vector<16xi32>
        %and3A_575 = arith.andi %ge3A_574, %and3A_572 : vector<16xi1>
        %not3A_576 = arith.constant dense<true> : vector<16xi1>
        %not3A_577 = arith.xori %ge3A_574, %not3A_576 : vector<16xi1>
        %and3A_578 = arith.andi %not3A_577, %and3A_572 : vector<16xi1>
        %convert_element_type3A = arith.extui %and3A_575 : vector<16xi1> to vector<16xi32>
        %broadcast_in_dim3A_579 = arith.constant true
        %broadcast_in_dim3A_580 = vector.broadcast %broadcast_in_dim3A_579 : i1 to vector<16xi1>
        %masked_cumsum3A = tpu.scan <sum>, %convert_element_type3A masked %broadcast_in_dim3A_580 : vector<16xi32>, vector<16xi1> -> vector<16xi32>
        %sub3A_581 = arith.constant 1 : i32
        %sub3A_582 = vector.broadcast %sub3A_581 : i32 to vector<16xi32>
        %sub3A_583 = arith.subi %masked_cumsum3A, %sub3A_582 : vector<16xi32>
        %add3A_584 = arith.addi %while3A_545, %sub3A_583 : vector<16xi32>
        tpu.vector_store_idx %arg7[%add3A_584], %get3A_552 masked %and3A_575 : memref<32832xi32, #tpu.memory_space<vmem>>[vector<16xi32>], vector<16xi32>, vector<16xi1>
        %sub3A_585 = arith.subi %min3A_564, %masked_cumsum3A : vector<16xi32>
        %sub3A_586 = arith.constant 32767 : i32
        %sub3A_587 = vector.broadcast %sub3A_586 : i32 to vector<16xi32>
        %sub3A_588 = arith.subi %sub3A_587, %while3A_546 : vector<16xi32>
        %sub3A_589 = arith.constant 1 : i32
        %sub3A_590 = vector.broadcast %sub3A_589 : i32 to vector<16xi32>
        %sub3A_591 = arith.subi %sub3A_585, %sub3A_590 : vector<16xi32>
        %sub3A_592 = arith.subi %sub3A_588, %sub3A_591 : vector<16xi32>
        tpu.vector_store_idx %arg7[%sub3A_592], %get3A_552 masked %and3A_578 : memref<32832xi32, #tpu.memory_space<vmem>>[vector<16xi32>], vector<16xi32>, vector<16xi1>
        %all_reduce_population_count3A = tpu.all_reduce %and3A_575 {dim = 0 : i64, kind = #tpu.reduction_kind<sum>} : vector<16xi1> -> vector<16xi32>
        %add3A_593 = arith.addi %while3A_545, %all_reduce_population_count3A : vector<16xi32>
        %all_reduce_population_count3A_594 = tpu.all_reduce %and3A_578 {dim = 0 : i64, kind = #tpu.reduction_kind<sum>} : vector<16xi1> -> vector<16xi32>
        %add3A_595 = arith.addi %while3A_546, %all_reduce_population_count3A_594 : vector<16xi32>
        %add3A_596 = arith.constant 16 : i32
        %add3A_597 = arith.addi %add3A_549, %add3A_596 : i32
        %get3A_598 = arith.index_cast %add3A_597 : i32 to index
        %get3A_599 = tpu.vector_load %arg6[%get3A_598] {strides = array<i32>} : memref<32832xi32, #tpu.memory_space<vmem>>, vector<16xi32>,
        %sub3A_600 = arith.subi %scan3A_373, %add3A_597 : i32
        %min3A_601 = vector.broadcast %sub3A_600 : i32 to vector<16xi32>
        %min3A_602 = arith.minsi %add3A_383, %min3A_601 : vector<16xi32>
        %sub3A_603 = arith.subi %scan3A_372, %add3A_597 : i32
        %max3A_604 = arith.constant 0 : i32
        %max3A_605 = arith.maxsi %sub3A_603, %max3A_604 : i32
        %sub3A_606 = vector.broadcast %max3A_605 : i32 to vector<16xi32>
        %sub3A_607 = arith.subi %min3A_602, %sub3A_606 : vector<16xi32>
        %jit3A_608 = arith.constant 0 : i32
        %jit3A_609 = arith.constant 16 : i32
        %max3A_610 = vector.broadcast %jit3A_608 : i32 to vector<16xi32>
        %max3A_611 = arith.maxsi %max3A_610, %sub3A_607 : vector<16xi32>
        %min3A_612 = vector.broadcast %jit3A_609 : i32 to vector<16xi32>
        %min3A_613 = arith.minsi %min3A_612, %max3A_611 : vector<16xi32>
        %add3A_614 = vector.broadcast %add3A_597 : i32 to vector<16xi32>
        %add3A_615 = arith.addi %add3A_614, %iota3A_380 : vector<16xi32>
        %ge3A_616 = vector.broadcast %scan3A_372 : i32 to vector<16xi32>
        %ge3A_617 = arith.cmpi sge, %add3A_615, %ge3A_616 : vector<16xi32>
        %add3A_618 = vector.broadcast %add3A_597 : i32 to vector<16xi32>
        %add3A_619 = arith.addi %add3A_618, %iota3A_380 : vector<16xi32>
        %lt3A_620 = vector.broadcast %scan3A_373 : i32 to vector<16xi32>
        %lt3A_621 = arith.cmpi slt, %add3A_619, %lt3A_620 : vector<16xi32>
        %and3A_622 = arith.andi %ge3A_617, %lt3A_621 : vector<16xi1>
        %ge3A_623 = vector.broadcast %xor3A_388 : i32 to vector<16xi32>
        %ge3A_624 = arith.cmpi sge, %get3A_599, %ge3A_623 : vector<16xi32>
        %and3A_625 = arith.andi %ge3A_624, %and3A_622 : vector<16xi1>
        %not3A_626 = arith.constant dense<true> : vector<16xi1>
        %not3A_627 = arith.xori %ge3A_624, %not3A_626 : vector<16xi1>
        %and3A_628 = arith.andi %not3A_627, %and3A_622 : vector<16xi1>
        %convert_element_type3A_629 = arith.extui %and3A_625 : vector<16xi1> to vector<16xi32>
        %broadcast_in_dim3A_630 = arith.constant true
        %broadcast_in_dim3A_631 = vector.broadcast %broadcast_in_dim3A_630 : i1 to vector<16xi1>
        %masked_cumsum3A_632 = tpu.scan <sum>, %convert_element_type3A_629 masked %broadcast_in_dim3A_631 : vector<16xi32>, vector<16xi1> -> vector<16xi32>
        %sub3A_633 = arith.constant 1 : i32
        %sub3A_634 = vector.broadcast %sub3A_633 : i32 to vector<16xi32>
        %sub3A_635 = arith.subi %masked_cumsum3A_632, %sub3A_634 : vector<16xi32>
        %add3A_636 = arith.addi %add3A_593, %sub3A_635 : vector<16xi32>
        tpu.vector_store_idx %arg7[%add3A_636], %get3A_599 masked %and3A_625 : memref<32832xi32, #tpu.memory_space<vmem>>[vector<16xi32>], vector<16xi32>, vector<16xi1>
        %sub3A_637 = arith.subi %min3A_613, %masked_cumsum3A_632 : vector<16xi32>
        %sub3A_638 = arith.constant 32767 : i32
        %sub3A_639 = vector.broadcast %sub3A_638 : i32 to vector<16xi32>
        %sub3A_640 = arith.subi %sub3A_639, %add3A_595 : vector<16xi32>
        %sub3A_641 = arith.constant 1 : i32
        %sub3A_642 = vector.broadcast %sub3A_641 : i32 to vector<16xi32>
        %sub3A_643 = arith.subi %sub3A_637, %sub3A_642 : vector<16xi32>
        %sub3A_644 = arith.subi %sub3A_640, %sub3A_643 : vector<16xi32>
        tpu.vector_store_idx %arg7[%sub3A_644], %get3A_599 masked %and3A_628 : memref<32832xi32, #tpu.memory_space<vmem>>[vector<16xi32>], vector<16xi32>, vector<16xi1>
        %all_reduce_population_count3A_645 = tpu.all_reduce %and3A_625 {dim = 0 : i64, kind = #tpu.reduction_kind<sum>} : vector<16xi1> -> vector<16xi32>
        %add3A_646 = arith.addi %add3A_593, %all_reduce_population_count3A_645 : vector<16xi32>
        %all_reduce_population_count3A_647 = tpu.all_reduce %and3A_628 {dim = 0 : i64, kind = #tpu.reduction_kind<sum>} : vector<16xi1> -> vector<16xi32>
        %add3A_648 = arith.addi %add3A_595, %all_reduce_population_count3A_647 : vector<16xi32>
        %add3A_649 = arith.constant 32 : i32
        %add3A_650 = arith.addi %add3A_549, %add3A_649 : i32
        %get3A_651 = arith.index_cast %add3A_650 : i32 to index
        %get3A_652 = tpu.vector_load %arg6[%get3A_651] {strides = array<i32>} : memref<32832xi32, #tpu.memory_space<vmem>>, vector<16xi32>,
        %sub3A_653 = arith.subi %scan3A_373, %add3A_650 : i32
        %min3A_654 = vector.broadcast %sub3A_653 : i32 to vector<16xi32>
        %min3A_655 = arith.minsi %add3A_383, %min3A_654 : vector<16xi32>
        %sub3A_656 = arith.subi %scan3A_372, %add3A_650 : i32
        %max3A_657 = arith.constant 0 : i32
        %max3A_658 = arith.maxsi %sub3A_656, %max3A_657 : i32
        %sub3A_659 = vector.broadcast %max3A_658 : i32 to vector<16xi32>
        %sub3A_660 = arith.subi %min3A_655, %sub3A_659 : vector<16xi32>
        %jit3A_661 = arith.constant 0 : i32
        %jit3A_662 = arith.constant 16 : i32
        %max3A_663 = vector.broadcast %jit3A_661 : i32 to vector<16xi32>
        %max3A_664 = arith.maxsi %max3A_663, %sub3A_660 : vector<16xi32>
        %min3A_665 = vector.broadcast %jit3A_662 : i32 to vector<16xi32>
        %min3A_666 = arith.minsi %min3A_665, %max3A_664 : vector<16xi32>
        %add3A_667 = vector.broadcast %add3A_650 : i32 to vector<16xi32>
        %add3A_668 = arith.addi %add3A_667, %iota3A_380 : vector<16xi32>
        %ge3A_669 = vector.broadcast %scan3A_372 : i32 to vector<16xi32>
        %ge3A_670 = arith.cmpi sge, %add3A_668, %ge3A_669 : vector<16xi32>
        %add3A_671 = vector.broadcast %add3A_650 : i32 to vector<16xi32>
        %add3A_672 = arith.addi %add3A_671, %iota3A_380 : vector<16xi32>
        %lt3A_673 = vector.broadcast %scan3A_373 : i32 to vector<16xi32>
        %lt3A_674 = arith.cmpi slt, %add3A_672, %lt3A_673 : vector<16xi32>
        %and3A_675 = arith.andi %ge3A_670, %lt3A_674 : vector<16xi1>
        %ge3A_676 = vector.broadcast %xor3A_388 : i32 to vector<16xi32>
        %ge3A_677 = arith.cmpi sge, %get3A_652, %ge3A_676 : vector<16xi32>
        %and3A_678 = arith.andi %ge3A_677, %and3A_675 : vector<16xi1>
        %not3A_679 = arith.constant dense<true> : vector<16xi1>
        %not3A_680 = arith.xori %ge3A_677, %not3A_679 : vector<16xi1>
        %and3A_681 = arith.andi %not3A_680, %and3A_675 : vector<16xi1>
        %convert_element_type3A_682 = arith.extui %and3A_678 : vector<16xi1> to vector<16xi32>
        %broadcast_in_dim3A_683 = arith.constant true
        %broadcast_in_dim3A_684 = vector.broadcast %broadcast_in_dim3A_683 : i1 to vector<16xi1>
        %masked_cumsum3A_685 = tpu.scan <sum>, %convert_element_type3A_682 masked %broadcast_in_dim3A_684 : vector<16xi32>, vector<16xi1> -> vector<16xi32>
        %sub3A_686 = arith.constant 1 : i32
        %sub3A_687 = vector.broadcast %sub3A_686 : i32 to vector<16xi32>
        %sub3A_688 = arith.subi %masked_cumsum3A_685, %sub3A_687 : vector<16xi32>
        %add3A_689 = arith.addi %add3A_646, %sub3A_688 : vector<16xi32>
        tpu.vector_store_idx %arg7[%add3A_689], %get3A_652 masked %and3A_678 : memref<32832xi32, #tpu.memory_space<vmem>>[vector<16xi32>], vector<16xi32>, vector<16xi1>
        %sub3A_690 = arith.subi %min3A_666, %masked_cumsum3A_685 : vector<16xi32>
        %sub3A_691 = arith.constant 32767 : i32
        %sub3A_692 = vector.broadcast %sub3A_691 : i32 to vector<16xi32>
        %sub3A_693 = arith.subi %sub3A_692, %add3A_648 : vector<16xi32>
        %sub3A_694 = arith.constant 1 : i32
        %sub3A_695 = vector.broadcast %sub3A_694 : i32 to vector<16xi32>
        %sub3A_696 = arith.subi %sub3A_690, %sub3A_695 : vector<16xi32>
        %sub3A_697 = arith.subi %sub3A_693, %sub3A_696 : vector<16xi32>
        tpu.vector_store_idx %arg7[%sub3A_697], %get3A_652 masked %and3A_681 : memref<32832xi32, #tpu.memory_space<vmem>>[vector<16xi32>], vector<16xi32>, vector<16xi1>
        %all_reduce_population_count3A_698 = tpu.all_reduce %and3A_678 {dim = 0 : i64, kind = #tpu.reduction_kind<sum>} : vector<16xi1> -> vector<16xi32>
        %add3A_699 = arith.addi %add3A_646, %all_reduce_population_count3A_698 : vector<16xi32>
        %all_reduce_population_count3A_700 = tpu.all_reduce %and3A_681 {dim = 0 : i64, kind = #tpu.reduction_kind<sum>} : vector<16xi1> -> vector<16xi32>
        %add3A_701 = arith.addi %add3A_648, %all_reduce_population_count3A_700 : vector<16xi32>
        %add3A_702 = arith.constant 48 : i32
        %add3A_703 = arith.addi %add3A_549, %add3A_702 : i32
        %get3A_704 = arith.index_cast %add3A_703 : i32 to index
        %get3A_705 = tpu.vector_load %arg6[%get3A_704] {strides = array<i32>} : memref<32832xi32, #tpu.memory_space<vmem>>, vector<16xi32>,
        %sub3A_706 = arith.subi %scan3A_373, %add3A_703 : i32
        %min3A_707 = vector.broadcast %sub3A_706 : i32 to vector<16xi32>
        %min3A_708 = arith.minsi %add3A_383, %min3A_707 : vector<16xi32>
        %sub3A_709 = arith.subi %scan3A_372, %add3A_703 : i32
        %max3A_710 = arith.constant 0 : i32
        %max3A_711 = arith.maxsi %sub3A_709, %max3A_710 : i32
        %sub3A_712 = vector.broadcast %max3A_711 : i32 to vector<16xi32>
        %sub3A_713 = arith.subi %min3A_708, %sub3A_712 : vector<16xi32>
        %jit3A_714 = arith.constant 0 : i32
        %jit3A_715 = arith.constant 16 : i32
        %max3A_716 = vector.broadcast %jit3A_714 : i32 to vector<16xi32>
        %max3A_717 = arith.maxsi %max3A_716, %sub3A_713 : vector<16xi32>
        %min3A_718 = vector.broadcast %jit3A_715 : i32 to vector<16xi32>
        %min3A_719 = arith.minsi %min3A_718, %max3A_717 : vector<16xi32>
        %add3A_720 = vector.broadcast %add3A_703 : i32 to vector<16xi32>
        %add3A_721 = arith.addi %add3A_720, %iota3A_380 : vector<16xi32>
        %ge3A_722 = vector.broadcast %scan3A_372 : i32 to vector<16xi32>
        %ge3A_723 = arith.cmpi sge, %add3A_721, %ge3A_722 : vector<16xi32>
        %add3A_724 = vector.broadcast %add3A_703 : i32 to vector<16xi32>
        %add3A_725 = arith.addi %add3A_724, %iota3A_380 : vector<16xi32>
        %lt3A_726 = vector.broadcast %scan3A_373 : i32 to vector<16xi32>
        %lt3A_727 = arith.cmpi slt, %add3A_725, %lt3A_726 : vector<16xi32>
        %and3A_728 = arith.andi %ge3A_723, %lt3A_727 : vector<16xi1>
        %ge3A_729 = vector.broadcast %xor3A_388 : i32 to vector<16xi32>
        %ge3A_730 = arith.cmpi sge, %get3A_705, %ge3A_729 : vector<16xi32>
        %and3A_731 = arith.andi %ge3A_730, %and3A_728 : vector<16xi1>
        %not3A_732 = arith.constant dense<true> : vector<16xi1>
        %not3A_733 = arith.xori %ge3A_730, %not3A_732 : vector<16xi1>
        %and3A_734 = arith.andi %not3A_733, %and3A_728 : vector<16xi1>
        %convert_element_type3A_735 = arith.extui %and3A_731 : vector<16xi1> to vector<16xi32>
        %broadcast_in_dim3A_736 = arith.constant true
        %broadcast_in_dim3A_737 = vector.broadcast %broadcast_in_dim3A_736 : i1 to vector<16xi1>
        %masked_cumsum3A_738 = tpu.scan <sum>, %convert_element_type3A_735 masked %broadcast_in_dim3A_737 : vector<16xi32>, vector<16xi1> -> vector<16xi32>
        %sub3A_739 = arith.constant 1 : i32
        %sub3A_740 = vector.broadcast %sub3A_739 : i32 to vector<16xi32>
        %sub3A_741 = arith.subi %masked_cumsum3A_738, %sub3A_740 : vector<16xi32>
        %add3A_742 = arith.addi %add3A_699, %sub3A_741 : vector<16xi32>
        tpu.vector_store_idx %arg7[%add3A_742], %get3A_705 masked %and3A_731 : memref<32832xi32, #tpu.memory_space<vmem>>[vector<16xi32>], vector<16xi32>, vector<16xi1>
        %sub3A_743 = arith.subi %min3A_719, %masked_cumsum3A_738 : vector<16xi32>
        %sub3A_744 = arith.constant 32767 : i32
        %sub3A_745 = vector.broadcast %sub3A_744 : i32 to vector<16xi32>
        %sub3A_746 = arith.subi %sub3A_745, %add3A_701 : vector<16xi32>
        %sub3A_747 = arith.constant 1 : i32
        %sub3A_748 = vector.broadcast %sub3A_747 : i32 to vector<16xi32>
        %sub3A_749 = arith.subi %sub3A_743, %sub3A_748 : vector<16xi32>
        %sub3A_750 = arith.subi %sub3A_746, %sub3A_749 : vector<16xi32>
        tpu.vector_store_idx %arg7[%sub3A_750], %get3A_705 masked %and3A_734 : memref<32832xi32, #tpu.memory_space<vmem>>[vector<16xi32>], vector<16xi32>, vector<16xi1>
        %all_reduce_population_count3A_751 = tpu.all_reduce %and3A_731 {dim = 0 : i64, kind = #tpu.reduction_kind<sum>} : vector<16xi1> -> vector<16xi32>
        %add3A_752 = arith.addi %add3A_699, %all_reduce_population_count3A_751 : vector<16xi32>
        %all_reduce_population_count3A_753 = tpu.all_reduce %and3A_734 {dim = 0 : i64, kind = #tpu.reduction_kind<sum>} : vector<16xi1> -> vector<16xi32>
        %add3A_754 = arith.addi %add3A_701, %all_reduce_population_count3A_753 : vector<16xi32>
        scf.yield %add3A_752, %add3A_754 : vector<16xi32>, vector<16xi32>
      }
      %while3A_431 = arith.constant 1 : i32
      %while3A_432:2 = scf.for %while3A_544 = %while3A_428 to %while3A_424 step %while3A_431 iter_args(%while3A_545 = %while3A_430#0, %while3A_546 = %while3A_430#1) -> (vector<16xi32>, vector<16xi32>)  : i32 {
        %mul3A_547 = arith.constant 64 : i32
        %mul3A_548 = arith.muli %while3A_544, %mul3A_547 : i32
        %add3A_549 = arith.addi %and3A_392, %mul3A_548 : i32
        %add3A_550 = arith.constant 0 : i32
        %add3A_551 = arith.addi %add3A_549, %add3A_550 : i32
        %get3A = arith.index_cast %add3A_551 : i32 to index
        %get3A_552 = tpu.vector_load %arg6[%get3A] {strides = array<i32>} : memref<32832xi32, #tpu.memory_space<vmem>>, vector<16xi32>,
        %sub3A_553 = arith.subi %scan3A_373, %add3A_551 : i32
        %min3A = vector.broadcast %sub3A_553 : i32 to vector<16xi32>
        %min3A_554 = arith.minsi %add3A_383, %min3A : vector<16xi32>
        %sub3A_555 = arith.subi %scan3A_372, %add3A_551 : i32
        %max3A = arith.constant 0 : i32
        %max3A_556 = arith.maxsi %sub3A_555, %max3A : i32
        %sub3A_557 = vector.broadcast %max3A_556 : i32 to vector<16xi32>
        %sub3A_558 = arith.subi %min3A_554, %sub3A_557 : vector<16xi32>
        %jit3A_559 = arith.constant 0 : i32
        %jit3A_560 = arith.constant 16 : i32
        %max3A_561 = vector.broadcast %jit3A_559 : i32 to vector<16xi32>
        %max3A_562 = arith.maxsi %max3A_561, %sub3A_558 : vector<16xi32>
        %min3A_563 = vector.broadcast %jit3A_560 : i32 to vector<16xi32>
        %min3A_564 = arith.minsi %min3A_563, %max3A_562 : vector<16xi32>
        %add3A_565 = vector.broadcast %add3A_551 : i32 to vector<16xi32>
        %add3A_566 = arith.addi %add3A_565, %iota3A_380 : vector<16xi32>
        %ge3A_567 = vector.broadcast %scan3A_372 : i32 to vector<16xi32>
        %ge3A_568 = arith.cmpi sge, %add3A_566, %ge3A_567 : vector<16xi32>
        %add3A_569 = vector.broadcast %add3A_551 : i32 to vector<16xi32>
        %add3A_570 = arith.addi %add3A_569, %iota3A_380 : vector<16xi32>
        %lt3A = vector.broadcast %scan3A_373 : i32 to vector<16xi32>
        %lt3A_571 = arith.cmpi slt, %add3A_570, %lt3A : vector<16xi32>
        %and3A_572 = arith.andi %ge3A_568, %lt3A_571 : vector<16xi1>
        %ge3A_573 = vector.broadcast %xor3A_388 : i32 to vector<16xi32>
        %ge3A_574 = arith.cmpi sge, %get3A_552, %ge3A_573 : vector<16xi32>
        %and3A_575 = arith.andi %ge3A_574, %and3A_572 : vector<16xi1>
        %not3A_576 = arith.constant dense<true> : vector<16xi1>
        %not3A_577 = arith.xori %ge3A_574, %not3A_576 : vector<16xi1>
        %and3A_578 = arith.andi %not3A_577, %and3A_572 : vector<16xi1>
        %convert_element_type3A = arith.extui %and3A_575 : vector<16xi1> to vector<16xi32>
        %broadcast_in_dim3A_579 = arith.constant true
        %broadcast_in_dim3A_580 = vector.broadcast %broadcast_in_dim3A_579 : i1 to vector<16xi1>
        %masked_cumsum3A = tpu.scan <sum>, %convert_element_type3A masked %broadcast_in_dim3A_580 : vector<16xi32>, vector<16xi1> -> vector<16xi32>
        %sub3A_581 = arith.constant 1 : i32
        %sub3A_582 = vector.broadcast %sub3A_581 : i32 to vector<16xi32>
        %sub3A_583 = arith.subi %masked_cumsum3A, %sub3A_582 : vector<16xi32>
        %add3A_584 = arith.addi %while3A_545, %sub3A_583 : vector<16xi32>
        tpu.vector_store_idx %arg7[%add3A_584], %get3A_552 masked %and3A_575 : memref<32832xi32, #tpu.memory_space<vmem>>[vector<16xi32>], vector<16xi32>, vector<16xi1>
        %sub3A_585 = arith.subi %min3A_564, %masked_cumsum3A : vector<16xi32>
        %sub3A_586 = arith.constant 32767 : i32
        %sub3A_587 = vector.broadcast %sub3A_586 : i32 to vector<16xi32>
        %sub3A_588 = arith.subi %sub3A_587, %while3A_546 : vector<16xi32>
        %sub3A_589 = arith.constant 1 : i32
        %sub3A_590 = vector.broadcast %sub3A_589 : i32 to vector<16xi32>
        %sub3A_591 = arith.subi %sub3A_585, %sub3A_590 : vector<16xi32>
        %sub3A_592 = arith.subi %sub3A_588, %sub3A_591 : vector<16xi32>
        tpu.vector_store_idx %arg7[%sub3A_592], %get3A_552 masked %and3A_578 : memref<32832xi32, #tpu.memory_space<vmem>>[vector<16xi32>], vector<16xi32>, vector<16xi1>
        %all_reduce_population_count3A = tpu.all_reduce %and3A_575 {dim = 0 : i64, kind = #tpu.reduction_kind<sum>} : vector<16xi1> -> vector<16xi32>
        %add3A_593 = arith.addi %while3A_545, %all_reduce_population_count3A : vector<16xi32>
        %all_reduce_population_count3A_594 = tpu.all_reduce %and3A_578 {dim = 0 : i64, kind = #tpu.reduction_kind<sum>} : vector<16xi1> -> vector<16xi32>
        %add3A_595 = arith.addi %while3A_546, %all_reduce_population_count3A_594 : vector<16xi32>
        %add3A_596 = arith.constant 16 : i32
        %add3A_597 = arith.addi %add3A_549, %add3A_596 : i32
        %get3A_598 = arith.index_cast %add3A_597 : i32 to index
        %get3A_599 = tpu.vector_load %arg6[%get3A_598] {strides = array<i32>} : memref<32832xi32, #tpu.memory_space<vmem>>, vector<16xi32>,
        %sub3A_600 = arith.subi %scan3A_373, %add3A_597 : i32
        %min3A_601 = vector.broadcast %sub3A_600 : i32 to vector<16xi32>
        %min3A_602 = arith.minsi %add3A_383, %min3A_601 : vector<16xi32>
        %sub3A_603 = arith.subi %scan3A_372, %add3A_597 : i32
        %max3A_604 = arith.constant 0 : i32
        %max3A_605 = arith.maxsi %sub3A_603, %max3A_604 : i32
        %sub3A_606 = vector.broadcast %max3A_605 : i32 to vector<16xi32>
        %sub3A_607 = arith.subi %min3A_602, %sub3A_606 : vector<16xi32>
        %jit3A_608 = arith.constant 0 : i32
        %jit3A_609 = arith.constant 16 : i32
        %max3A_610 = vector.broadcast %jit3A_608 : i32 to vector<16xi32>
        %max3A_611 = arith.maxsi %max3A_610, %sub3A_607 : vector<16xi32>
        %min3A_612 = vector.broadcast %jit3A_609 : i32 to vector<16xi32>
        %min3A_613 = arith.minsi %min3A_612, %max3A_611 : vector<16xi32>
        %add3A_614 = vector.broadcast %add3A_597 : i32 to vector<16xi32>
        %add3A_615 = arith.addi %add3A_614, %iota3A_380 : vector<16xi32>
        %ge3A_616 = vector.broadcast %scan3A_372 : i32 to vector<16xi32>
        %ge3A_617 = arith.cmpi sge, %add3A_615, %ge3A_616 : vector<16xi32>
        %add3A_618 = vector.broadcast %add3A_597 : i32 to vector<16xi32>
        %add3A_619 = arith.addi %add3A_618, %iota3A_380 : vector<16xi32>
        %lt3A_620 = vector.broadcast %scan3A_373 : i32 to vector<16xi32>
        %lt3A_621 = arith.cmpi slt, %add3A_619, %lt3A_620 : vector<16xi32>
        %and3A_622 = arith.andi %ge3A_617, %lt3A_621 : vector<16xi1>
        %ge3A_623 = vector.broadcast %xor3A_388 : i32 to vector<16xi32>
        %ge3A_624 = arith.cmpi sge, %get3A_599, %ge3A_623 : vector<16xi32>
        %and3A_625 = arith.andi %ge3A_624, %and3A_622 : vector<16xi1>
        %not3A_626 = arith.constant dense<true> : vector<16xi1>
        %not3A_627 = arith.xori %ge3A_624, %not3A_626 : vector<16xi1>
        %and3A_628 = arith.andi %not3A_627, %and3A_622 : vector<16xi1>
        %convert_element_type3A_629 = arith.extui %and3A_625 : vector<16xi1> to vector<16xi32>
        %broadcast_in_dim3A_630 = arith.constant true
        %broadcast_in_dim3A_631 = vector.broadcast %broadcast_in_dim3A_630 : i1 to vector<16xi1>
        %masked_cumsum3A_632 = tpu.scan <sum>, %convert_element_type3A_629 masked %broadcast_in_dim3A_631 : vector<16xi32>, vector<16xi1> -> vector<16xi32>
        %sub3A_633 = arith.constant 1 : i32
        %sub3A_634 = vector.broadcast %sub3A_633 : i32 to vector<16xi32>
        %sub3A_635 = arith.subi %masked_cumsum3A_632, %sub3A_634 : vector<16xi32>
        %add3A_636 = arith.addi %add3A_593, %sub3A_635 : vector<16xi32>
        tpu.vector_store_idx %arg7[%add3A_636], %get3A_599 masked %and3A_625 : memref<32832xi32, #tpu.memory_space<vmem>>[vector<16xi32>], vector<16xi32>, vector<16xi1>
        %sub3A_637 = arith.subi %min3A_613, %masked_cumsum3A_632 : vector<16xi32>
        %sub3A_638 = arith.constant 32767 : i32
        %sub3A_639 = vector.broadcast %sub3A_638 : i32 to vector<16xi32>
        %sub3A_640 = arith.subi %sub3A_639, %add3A_595 : vector<16xi32>
        %sub3A_641 = arith.constant 1 : i32
        %sub3A_642 = vector.broadcast %sub3A_641 : i32 to vector<16xi32>
        %sub3A_643 = arith.subi %sub3A_637, %sub3A_642 : vector<16xi32>
        %sub3A_644 = arith.subi %sub3A_640, %sub3A_643 : vector<16xi32>
        tpu.vector_store_idx %arg7[%sub3A_644], %get3A_599 masked %and3A_628 : memref<32832xi32, #tpu.memory_space<vmem>>[vector<16xi32>], vector<16xi32>, vector<16xi1>
        %all_reduce_population_count3A_645 = tpu.all_reduce %and3A_625 {dim = 0 : i64, kind = #tpu.reduction_kind<sum>} : vector<16xi1> -> vector<16xi32>
        %add3A_646 = arith.addi %add3A_593, %all_reduce_population_count3A_645 : vector<16xi32>
        %all_reduce_population_count3A_647 = tpu.all_reduce %and3A_628 {dim = 0 : i64, kind = #tpu.reduction_kind<sum>} : vector<16xi1> -> vector<16xi32>
        %add3A_648 = arith.addi %add3A_595, %all_reduce_population_count3A_647 : vector<16xi32>
        %add3A_649 = arith.constant 32 : i32
        %add3A_650 = arith.addi %add3A_549, %add3A_649 : i32
        %get3A_651 = arith.index_cast %add3A_650 : i32 to index
        %get3A_652 = tpu.vector_load %arg6[%get3A_651] {strides = array<i32>} : memref<32832xi32, #tpu.memory_space<vmem>>, vector<16xi32>,
        %sub3A_653 = arith.subi %scan3A_373, %add3A_650 : i32
        %min3A_654 = vector.broadcast %sub3A_653 : i32 to vector<16xi32>
        %min3A_655 = arith.minsi %add3A_383, %min3A_654 : vector<16xi32>
        %sub3A_656 = arith.subi %scan3A_372, %add3A_650 : i32
        %max3A_657 = arith.constant 0 : i32
        %max3A_658 = arith.maxsi %sub3A_656, %max3A_657 : i32
        %sub3A_659 = vector.broadcast %max3A_658 : i32 to vector<16xi32>
        %sub3A_660 = arith.subi %min3A_655, %sub3A_659 : vector<16xi32>
        %jit3A_661 = arith.constant 0 : i32
        %jit3A_662 = arith.constant 16 : i32
        %max3A_663 = vector.broadcast %jit3A_661 : i32 to vector<16xi32>
        %max3A_664 = arith.maxsi %max3A_663, %sub3A_660 : vector<16xi32>
        %min3A_665 = vector.broadcast %jit3A_662 : i32 to vector<16xi32>
        %min3A_666 = arith.minsi %min3A_665, %max3A_664 : vector<16xi32>
        %add3A_667 = vector.broadcast %add3A_650 : i32 to vector<16xi32>
        %add3A_668 = arith.addi %add3A_667, %iota3A_380 : vector<16xi32>
        %ge3A_669 = vector.broadcast %scan3A_372 : i32 to vector<16xi32>
        %ge3A_670 = arith.cmpi sge, %add3A_668, %ge3A_669 : vector<16xi32>
        %add3A_671 = vector.broadcast %add3A_650 : i32 to vector<16xi32>
        %add3A_672 = arith.addi %add3A_671, %iota3A_380 : vector<16xi32>
        %lt3A_673 = vector.broadcast %scan3A_373 : i32 to vector<16xi32>
        %lt3A_674 = arith.cmpi slt, %add3A_672, %lt3A_673 : vector<16xi32>
        %and3A_675 = arith.andi %ge3A_670, %lt3A_674 : vector<16xi1>
        %ge3A_676 = vector.broadcast %xor3A_388 : i32 to vector<16xi32>
        %ge3A_677 = arith.cmpi sge, %get3A_652, %ge3A_676 : vector<16xi32>
        %and3A_678 = arith.andi %ge3A_677, %and3A_675 : vector<16xi1>
        %not3A_679 = arith.constant dense<true> : vector<16xi1>
        %not3A_680 = arith.xori %ge3A_677, %not3A_679 : vector<16xi1>
        %and3A_681 = arith.andi %not3A_680, %and3A_675 : vector<16xi1>
        %convert_element_type3A_682 = arith.extui %and3A_678 : vector<16xi1> to vector<16xi32>
        %broadcast_in_dim3A_683 = arith.constant true
        %broadcast_in_dim3A_684 = vector.broadcast %broadcast_in_dim3A_683 : i1 to vector<16xi1>
        %masked_cumsum3A_685 = tpu.scan <sum>, %convert_element_type3A_682 masked %broadcast_in_dim3A_684 : vector<16xi32>, vector<16xi1> -> vector<16xi32>
        %sub3A_686 = arith.constant 1 : i32
        %sub3A_687 = vector.broadcast %sub3A_686 : i32 to vector<16xi32>
        %sub3A_688 = arith.subi %masked_cumsum3A_685, %sub3A_687 : vector<16xi32>
        %add3A_689 = arith.addi %add3A_646, %sub3A_688 : vector<16xi32>
        tpu.vector_store_idx %arg7[%add3A_689], %get3A_652 masked %and3A_678 : memref<32832xi32, #tpu.memory_space<vmem>>[vector<16xi32>], vector<16xi32>, vector<16xi1>
        %sub3A_690 = arith.subi %min3A_666, %masked_cumsum3A_685 : vector<16xi32>
        %sub3A_691 = arith.constant 32767 : i32
        %sub3A_692 = vector.broadcast %sub3A_691 : i32 to vector<16xi32>
        %sub3A_693 = arith.subi %sub3A_692, %add3A_648 : vector<16xi32>
        %sub3A_694 = arith.constant 1 : i32
        %sub3A_695 = vector.broadcast %sub3A_694 : i32 to vector<16xi32>
        %sub3A_696 = arith.subi %sub3A_690, %sub3A_695 : vector<16xi32>
        %sub3A_697 = arith.subi %sub3A_693, %sub3A_696 : vector<16xi32>
        tpu.vector_store_idx %arg7[%sub3A_697], %get3A_652 masked %and3A_681 : memref<32832xi32, #tpu.memory_space<vmem>>[vector<16xi32>], vector<16xi32>, vector<16xi1>
        %all_reduce_population_count3A_698 = tpu.all_reduce %and3A_678 {dim = 0 : i64, kind = #tpu.reduction_kind<sum>} : vector<16xi1> -> vector<16xi32>
        %add3A_699 = arith.addi %add3A_646, %all_reduce_population_count3A_698 : vector<16xi32>
        %all_reduce_population_count3A_700 = tpu.all_reduce %and3A_681 {dim = 0 : i64, kind = #tpu.reduction_kind<sum>} : vector<16xi1> -> vector<16xi32>
        %add3A_701 = arith.addi %add3A_648, %all_reduce_population_count3A_700 : vector<16xi32>
        %add3A_702 = arith.constant 48 : i32
        %add3A_703 = arith.addi %add3A_549, %add3A_702 : i32
        %get3A_704 = arith.index_cast %add3A_703 : i32 to index
        %get3A_705 = tpu.vector_load %arg6[%get3A_704] {strides = array<i32>} : memref<32832xi32, #tpu.memory_space<vmem>>, vector<16xi32>,
        %sub3A_706 = arith.subi %scan3A_373, %add3A_703 : i32
        %min3A_707 = vector.broadcast %sub3A_706 : i32 to vector<16xi32>
        %min3A_708 = arith.minsi %add3A_383, %min3A_707 : vector<16xi32>
        %sub3A_709 = arith.subi %scan3A_372, %add3A_703 : i32
        %max3A_710 = arith.constant 0 : i32
        %max3A_711 = arith.maxsi %sub3A_709, %max3A_710 : i32
        %sub3A_712 = vector.broadcast %max3A_711 : i32 to vector<16xi32>
        %sub3A_713 = arith.subi %min3A_708, %sub3A_712 : vector<16xi32>
        %jit3A_714 = arith.constant 0 : i32
        %jit3A_715 = arith.constant 16 : i32
        %max3A_716 = vector.broadcast %jit3A_714 : i32 to vector<16xi32>
        %max3A_717 = arith.maxsi %max3A_716, %sub3A_713 : vector<16xi32>
        %min3A_718 = vector.broadcast %jit3A_715 : i32 to vector<16xi32>
        %min3A_719 = arith.minsi %min3A_718, %max3A_717 : vector<16xi32>
        %add3A_720 = vector.broadcast %add3A_703 : i32 to vector<16xi32>
        %add3A_721 = arith.addi %add3A_720, %iota3A_380 : vector<16xi32>
        %ge3A_722 = vector.broadcast %scan3A_372 : i32 to vector<16xi32>
        %ge3A_723 = arith.cmpi sge, %add3A_721, %ge3A_722 : vector<16xi32>
        %add3A_724 = vector.broadcast %add3A_703 : i32 to vector<16xi32>
        %add3A_725 = arith.addi %add3A_724, %iota3A_380 : vector<16xi32>
        %lt3A_726 = vector.broadcast %scan3A_373 : i32 to vector<16xi32>
        %lt3A_727 = arith.cmpi slt, %add3A_725, %lt3A_726 : vector<16xi32>
        %and3A_728 = arith.andi %ge3A_723, %lt3A_727 : vector<16xi1>
        %ge3A_729 = vector.broadcast %xor3A_388 : i32 to vector<16xi32>
        %ge3A_730 = arith.cmpi sge, %get3A_705, %ge3A_729 : vector<16xi32>
        %and3A_731 = arith.andi %ge3A_730, %and3A_728 : vector<16xi1>
        %not3A_732 = arith.constant dense<true> : vector<16xi1>
        %not3A_733 = arith.xori %ge3A_730, %not3A_732 : vector<16xi1>
        %and3A_734 = arith.andi %not3A_733, %and3A_728 : vector<16xi1>
        %convert_element_type3A_735 = arith.extui %and3A_731 : vector<16xi1> to vector<16xi32>
        %broadcast_in_dim3A_736 = arith.constant true
        %broadcast_in_dim3A_737 = vector.broadcast %broadcast_in_dim3A_736 : i1 to vector<16xi1>
        %masked_cumsum3A_738 = tpu.scan <sum>, %convert_element_type3A_735 masked %broadcast_in_dim3A_737 : vector<16xi32>, vector<16xi1> -> vector<16xi32>
        %sub3A_739 = arith.constant 1 : i32
        %sub3A_740 = vector.broadcast %sub3A_739 : i32 to vector<16xi32>
        %sub3A_741 = arith.subi %masked_cumsum3A_738, %sub3A_740 : vector<16xi32>
        %add3A_742 = arith.addi %add3A_699, %sub3A_741 : vector<16xi32>
        tpu.vector_store_idx %arg7[%add3A_742], %get3A_705 masked %and3A_731 : memref<32832xi32, #tpu.memory_space<vmem>>[vector<16xi32>], vector<16xi32>, vector<16xi1>
        %sub3A_743 = arith.subi %min3A_719, %masked_cumsum3A_738 : vector<16xi32>
        %sub3A_744 = arith.constant 32767 : i32
        %sub3A_745 = vector.broadcast %sub3A_744 : i32 to vector<16xi32>
        %sub3A_746 = arith.subi %sub3A_745, %add3A_701 : vector<16xi32>
        %sub3A_747 = arith.constant 1 : i32
        %sub3A_748 = vector.broadcast %sub3A_747 : i32 to vector<16xi32>
        %sub3A_749 = arith.subi %sub3A_743, %sub3A_748 : vector<16xi32>
        %sub3A_750 = arith.subi %sub3A_746, %sub3A_749 : vector<16xi32>
        tpu.vector_store_idx %arg7[%sub3A_750], %get3A_705 masked %and3A_734 : memref<32832xi32, #tpu.memory_space<vmem>>[vector<16xi32>], vector<16xi32>, vector<16xi1>
        %all_reduce_population_count3A_751 = tpu.all_reduce %and3A_731 {dim = 0 : i64, kind = #tpu.reduction_kind<sum>} : vector<16xi1> -> vector<16xi32>
        %add3A_752 = arith.addi %add3A_699, %all_reduce_population_count3A_751 : vector<16xi32>
        %all_reduce_population_count3A_753 = tpu.all_reduce %and3A_734 {dim = 0 : i64, kind = #tpu.reduction_kind<sum>} : vector<16xi1> -> vector<16xi32>
        %add3A_754 = arith.addi %add3A_701, %all_reduce_population_count3A_753 : vector<16xi32>
        scf.yield %add3A_752, %add3A_754 : vector<16xi32>, vector<16xi32>
      }
      %reduce_max3A_433 = arith.constant true
      %reduce_max3A_434 = vector.broadcast %reduce_max3A_433 : i1 to vector<16xi1>
      %reduce_max3A_435 = arith.constant -2147483648 : i32
      %reduce_max3A_436 = vector.broadcast %reduce_max3A_435 : i32 to vector<16xi32>
      %reduce_max3A_437 = arith.xori %while3A_432#0, %reduce_max3A_436 : vector<16xi32>
      %reduce_max3A_438 = tpu.scan <max>, %reduce_max3A_437 masked %reduce_max3A_434 : vector<16xi32>, vector<16xi1> -> vector<16xi32>
      %reduce_max3A_439 = arith.xori %reduce_max3A_438, %reduce_max3A_436 : vector<16xi32>
      %reduce_max3A_440 = vector.extract %reduce_max3A_439[15] : i32 from vector<16xi32>
      %reduce_max3A_441 = arith.constant true
      %reduce_max3A_442 = vector.broadcast %reduce_max3A_441 : i1 to vector<16xi1>
      %reduce_max3A_443 = arith.constant -2147483648 : i32
      %reduce_max3A_444 = vector.broadcast %reduce_max3A_443 : i32 to vector<16xi32>
      %reduce_max3A_445 = arith.xori %while3A_432#1, %reduce_max3A_444 : vector<16xi32>
      %reduce_max3A_446 = tpu.scan <max>, %reduce_max3A_445 masked %reduce_max3A_442 : vector<16xi32>, vector<16xi1> -> vector<16xi32>
      %reduce_max3A_447 = arith.xori %reduce_max3A_446, %reduce_max3A_444 : vector<16xi32>
      %reduce_max3A_448 = vector.extract %reduce_max3A_447[15] : i32 from vector<16xi32>
      %add3A_449 = arith.addi %scan3A_375, %reduce_max3A_440 : i32
      %ge3A_450 = arith.constant 2048 : i32
      %ge3A_451 = arith.cmpi sge, %add3A_449, %ge3A_450 : i32
      %select_n3A_452 = arith.select %ge3A_451, %or3A_386, %scan3A_374 : i32
      %add3A_453 = arith.addi %scan3A_375, %reduce_max3A_440 : i32
      %select_n3A_454 = arith.select %ge3A_451, %scan3A_375, %add3A_453 : i32
      %sub3A_455 = arith.constant 32768 : i32
      %sub3A_456 = arith.subi %sub3A_455, %reduce_max3A_448 : i32
      %jit3A_457 = arith.constant 0 : i32
      %select_n3A_458 = arith.select %ge3A_451, %jit3A_457, %sub3A_456 : i32
      %jit3A_459 = arith.constant 32768 : i32
      %select_n3A_460 = arith.select %ge3A_451, %reduce_max3A_440, %jit3A_459 : i32
      %sub3A_461 = arith.constant 1 : i32
      %sub3A_462 = arith.subi %sub3A_379, %sub3A_461 : i32
      %iota3A_463 = tpu.iota {dimensions = array<i32: 0>} : vector<16xi32>
      %add3A_464 = arith.constant 1 : i32
      %add3A_465 = vector.broadcast %add3A_464 : i32 to vector<16xi32>
      %add3A_466 = arith.addi %iota3A_463, %add3A_465 : vector<16xi32>
      %shift_left3A_467 = arith.constant 1 : i32
      %shift_left3A_468 = arith.shli %shift_left3A_467, %sub3A_462 : i32
      %or3A_469 = arith.ori %select_n3A_452, %shift_left3A_468 : i32
      %xor3A_470 = arith.constant -2147483648 : i32
      %xor3A_471 = arith.xori %or3A_469, %xor3A_470 : i32
      %not3A_472 = arith.constant 15 : i32
      %not3A_473 = arith.constant -1 : i32
      %not3A_474 = arith.xori %not3A_472, %not3A_473 : i32
      %and3A_475 = arith.andi %select_n3A_458, %not3A_474 : i32
      %sub3A_476 = arith.subi %select_n3A_460, %and3A_475 : i32
      %add3A_477 = arith.constant 63 : i32
      %add3A_478 = arith.addi %sub3A_476, %add3A_477 : i32
      %jit3A_479 = arith.constant 64 : i32
      %div3A_480 = arith.divsi %add3A_478, %jit3A_479 : i32
      %sign3A_481 = arith.constant 0 : i32
      %sign3A_482 = arith.cmpi sgt, %add3A_478, %sign3A_481 : i32
      %sign3A_483 = arith.extui %sign3A_482 : i1 to i32
      %sign3A_484 = arith.constant 0 : i32
      %sign3A_485 = arith.cmpi slt, %add3A_478, %sign3A_484 : i32
      %sign3A_486 = arith.extui %sign3A_485 : i1 to i32
      %sign3A_487 = arith.subi %sign3A_483, %sign3A_486 : i32
      %sign3A_488 = arith.constant 0 : i32
      %sign3A_489 = arith.cmpi sgt, %jit3A_479, %sign3A_488 : i32
      %sign3A_490 = arith.extui %sign3A_489 : i1 to i32
      %sign3A_491 = arith.constant 0 : i32
      %sign3A_492 = arith.cmpi slt, %jit3A_479, %sign3A_491 : i32
      %sign3A_493 = arith.extui %sign3A_492 : i1 to i32
      %sign3A_494 = arith.subi %sign3A_490, %sign3A_493 : i32
      %ne3A_495 = arith.cmpi ne, %sign3A_487, %sign3A_494 : i32
      %rem3A_496 = arith.remsi %add3A_478, %jit3A_479 : i32
      %ne3A_497 = arith.constant 0 : i32
      %ne3A_498 = arith.cmpi ne, %rem3A_496, %ne3A_497 : i32
      %and3A_499 = arith.andi %ne3A_495, %ne3A_498 : i1
      %sub3A_500 = arith.constant 1 : i32
      %sub3A_501 = arith.subi %div3A_480, %sub3A_500 : i32
      %select_n3A_502 = arith.select %and3A_499, %sub3A_501, %div3A_480 : i32
      %broadcast_in_dim3A_503 = arith.constant 0 : i32
      %broadcast_in_dim3A_504 = vector.broadcast %broadcast_in_dim3A_503 : i32 to vector<16xi32>
      %while3A_505 = arith.constant 0 : i32
      %while3A_506 = arith.subi %select_n3A_502, %while3A_505 : i32
      %while3A_507 = arith.addi %while3A_505, %while3A_506 : i32
      %while3A_508 = arith.constant 1 : i32
      %while3A_509 = arith.divsi %while3A_506, %while3A_508 : i32
      %while3A_510 = arith.muli %while3A_509, %while3A_508 : i32
      %while3A_511 = arith.addi %while3A_505, %while3A_510 : i32
      %while3A_512 = arith.constant 1 : i32
      %while3A_513:2 = scf.for %while3A_544 = %while3A_505 to %while3A_511 step %while3A_512 iter_args(%while3A_545 = %broadcast_in_dim3A_504, %while3A_546 = %broadcast_in_dim3A_504) -> (vector<16xi32>, vector<16xi32>)  : i32 {
        %mul3A_547 = arith.constant 64 : i32
        %mul3A_548 = arith.muli %while3A_544, %mul3A_547 : i32
        %add3A_549 = arith.addi %and3A_475, %mul3A_548 : i32
        %add3A_550 = arith.constant 0 : i32
        %add3A_551 = arith.addi %add3A_549, %add3A_550 : i32
        %get3A = arith.index_cast %add3A_551 : i32 to index
        %get3A_552 = tpu.vector_load %arg7[%get3A] {strides = array<i32>} : memref<32832xi32, #tpu.memory_space<vmem>>, vector<16xi32>,
        %sub3A_553 = arith.subi %select_n3A_460, %add3A_551 : i32
        %min3A = vector.broadcast %sub3A_553 : i32 to vector<16xi32>
        %min3A_554 = arith.minsi %add3A_466, %min3A : vector<16xi32>
        %sub3A_555 = arith.subi %select_n3A_458, %add3A_551 : i32
        %max3A = arith.constant 0 : i32
        %max3A_556 = arith.maxsi %sub3A_555, %max3A : i32
        %sub3A_557 = vector.broadcast %max3A_556 : i32 to vector<16xi32>
        %sub3A_558 = arith.subi %min3A_554, %sub3A_557 : vector<16xi32>
        %jit3A_559 = arith.constant 0 : i32
        %jit3A_560 = arith.constant 16 : i32
        %max3A_561 = vector.broadcast %jit3A_559 : i32 to vector<16xi32>
        %max3A_562 = arith.maxsi %max3A_561, %sub3A_558 : vector<16xi32>
        %min3A_563 = vector.broadcast %jit3A_560 : i32 to vector<16xi32>
        %min3A_564 = arith.minsi %min3A_563, %max3A_562 : vector<16xi32>
        %add3A_565 = vector.broadcast %add3A_551 : i32 to vector<16xi32>
        %add3A_566 = arith.addi %add3A_565, %iota3A_463 : vector<16xi32>
        %ge3A_567 = vector.broadcast %select_n3A_458 : i32 to vector<16xi32>
        %ge3A_568 = arith.cmpi sge, %add3A_566, %ge3A_567 : vector<16xi32>
        %add3A_569 = vector.broadcast %add3A_551 : i32 to vector<16xi32>
        %add3A_570 = arith.addi %add3A_569, %iota3A_463 : vector<16xi32>
        %lt3A = vector.broadcast %select_n3A_460 : i32 to vector<16xi32>
        %lt3A_571 = arith.cmpi slt, %add3A_570, %lt3A : vector<16xi32>
        %and3A_572 = arith.andi %ge3A_568, %lt3A_571 : vector<16xi1>
        %ge3A_573 = vector.broadcast %xor3A_471 : i32 to vector<16xi32>
        %ge3A_574 = arith.cmpi sge, %get3A_552, %ge3A_573 : vector<16xi32>
        %and3A_575 = arith.andi %ge3A_574, %and3A_572 : vector<16xi1>
        %not3A_576 = arith.constant dense<true> : vector<16xi1>
        %not3A_577 = arith.xori %ge3A_574, %not3A_576 : vector<16xi1>
        %and3A_578 = arith.andi %not3A_577, %and3A_572 : vector<16xi1>
        %convert_element_type3A = arith.extui %and3A_575 : vector<16xi1> to vector<16xi32>
        %broadcast_in_dim3A_579 = arith.constant true
        %broadcast_in_dim3A_580 = vector.broadcast %broadcast_in_dim3A_579 : i1 to vector<16xi1>
        %masked_cumsum3A = tpu.scan <sum>, %convert_element_type3A masked %broadcast_in_dim3A_580 : vector<16xi32>, vector<16xi1> -> vector<16xi32>
        %sub3A_581 = arith.constant 1 : i32
        %sub3A_582 = vector.broadcast %sub3A_581 : i32 to vector<16xi32>
        %sub3A_583 = arith.subi %masked_cumsum3A, %sub3A_582 : vector<16xi32>
        %add3A_584 = arith.addi %while3A_545, %sub3A_583 : vector<16xi32>
        tpu.vector_store_idx %arg6[%add3A_584], %get3A_552 masked %and3A_575 : memref<32832xi32, #tpu.memory_space<vmem>>[vector<16xi32>], vector<16xi32>, vector<16xi1>
        %sub3A_585 = arith.subi %min3A_564, %masked_cumsum3A : vector<16xi32>
        %sub3A_586 = arith.constant 32767 : i32
        %sub3A_587 = vector.broadcast %sub3A_586 : i32 to vector<16xi32>
        %sub3A_588 = arith.subi %sub3A_587, %while3A_546 : vector<16xi32>
        %sub3A_589 = arith.constant 1 : i32
        %sub3A_590 = vector.broadcast %sub3A_589 : i32 to vector<16xi32>
        %sub3A_591 = arith.subi %sub3A_585, %sub3A_590 : vector<16xi32>
        %sub3A_592 = arith.subi %sub3A_588, %sub3A_591 : vector<16xi32>
        tpu.vector_store_idx %arg6[%sub3A_592], %get3A_552 masked %and3A_578 : memref<32832xi32, #tpu.memory_space<vmem>>[vector<16xi32>], vector<16xi32>, vector<16xi1>
        %all_reduce_population_count3A = tpu.all_reduce %and3A_575 {dim = 0 : i64, kind = #tpu.reduction_kind<sum>} : vector<16xi1> -> vector<16xi32>
        %add3A_593 = arith.addi %while3A_545, %all_reduce_population_count3A : vector<16xi32>
        %all_reduce_population_count3A_594 = tpu.all_reduce %and3A_578 {dim = 0 : i64, kind = #tpu.reduction_kind<sum>} : vector<16xi1> -> vector<16xi32>
        %add3A_595 = arith.addi %while3A_546, %all_reduce_population_count3A_594 : vector<16xi32>
        %add3A_596 = arith.constant 16 : i32
        %add3A_597 = arith.addi %add3A_549, %add3A_596 : i32
        %get3A_598 = arith.index_cast %add3A_597 : i32 to index
        %get3A_599 = tpu.vector_load %arg7[%get3A_598] {strides = array<i32>} : memref<32832xi32, #tpu.memory_space<vmem>>, vector<16xi32>,
        %sub3A_600 = arith.subi %select_n3A_460, %add3A_597 : i32
        %min3A_601 = vector.broadcast %sub3A_600 : i32 to vector<16xi32>
        %min3A_602 = arith.minsi %add3A_466, %min3A_601 : vector<16xi32>
        %sub3A_603 = arith.subi %select_n3A_458, %add3A_597 : i32
        %max3A_604 = arith.constant 0 : i32
        %max3A_605 = arith.maxsi %sub3A_603, %max3A_604 : i32
        %sub3A_606 = vector.broadcast %max3A_605 : i32 to vector<16xi32>
        %sub3A_607 = arith.subi %min3A_602, %sub3A_606 : vector<16xi32>
        %jit3A_608 = arith.constant 0 : i32
        %jit3A_609 = arith.constant 16 : i32
        %max3A_610 = vector.broadcast %jit3A_608 : i32 to vector<16xi32>
        %max3A_611 = arith.maxsi %max3A_610, %sub3A_607 : vector<16xi32>
        %min3A_612 = vector.broadcast %jit3A_609 : i32 to vector<16xi32>
        %min3A_613 = arith.minsi %min3A_612, %max3A_611 : vector<16xi32>
        %add3A_614 = vector.broadcast %add3A_597 : i32 to vector<16xi32>
        %add3A_615 = arith.addi %add3A_614, %iota3A_463 : vector<16xi32>
        %ge3A_616 = vector.broadcast %select_n3A_458 : i32 to vector<16xi32>
        %ge3A_617 = arith.cmpi sge, %add3A_615, %ge3A_616 : vector<16xi32>
        %add3A_618 = vector.broadcast %add3A_597 : i32 to vector<16xi32>
        %add3A_619 = arith.addi %add3A_618, %iota3A_463 : vector<16xi32>
        %lt3A_620 = vector.broadcast %select_n3A_460 : i32 to vector<16xi32>
        %lt3A_621 = arith.cmpi slt, %add3A_619, %lt3A_620 : vector<16xi32>
        %and3A_622 = arith.andi %ge3A_617, %lt3A_621 : vector<16xi1>
        %ge3A_623 = vector.broadcast %xor3A_471 : i32 to vector<16xi32>
        %ge3A_624 = arith.cmpi sge, %get3A_599, %ge3A_623 : vector<16xi32>
        %and3A_625 = arith.andi %ge3A_624, %and3A_622 : vector<16xi1>
        %not3A_626 = arith.constant dense<true> : vector<16xi1>
        %not3A_627 = arith.xori %ge3A_624, %not3A_626 : vector<16xi1>
        %and3A_628 = arith.andi %not3A_627, %and3A_622 : vector<16xi1>
        %convert_element_type3A_629 = arith.extui %and3A_625 : vector<16xi1> to vector<16xi32>
        %broadcast_in_dim3A_630 = arith.constant true
        %broadcast_in_dim3A_631 = vector.broadcast %broadcast_in_dim3A_630 : i1 to vector<16xi1>
        %masked_cumsum3A_632 = tpu.scan <sum>, %convert_element_type3A_629 masked %broadcast_in_dim3A_631 : vector<16xi32>, vector<16xi1> -> vector<16xi32>
        %sub3A_633 = arith.constant 1 : i32
        %sub3A_634 = vector.broadcast %sub3A_633 : i32 to vector<16xi32>
        %sub3A_635 = arith.subi %masked_cumsum3A_632, %sub3A_634 : vector<16xi32>
        %add3A_636 = arith.addi %add3A_593, %sub3A_635 : vector<16xi32>
        tpu.vector_store_idx %arg6[%add3A_636], %get3A_599 masked %and3A_625 : memref<32832xi32, #tpu.memory_space<vmem>>[vector<16xi32>], vector<16xi32>, vector<16xi1>
        %sub3A_637 = arith.subi %min3A_613, %masked_cumsum3A_632 : vector<16xi32>
        %sub3A_638 = arith.constant 32767 : i32
        %sub3A_639 = vector.broadcast %sub3A_638 : i32 to vector<16xi32>
        %sub3A_640 = arith.subi %sub3A_639, %add3A_595 : vector<16xi32>
        %sub3A_641 = arith.constant 1 : i32
        %sub3A_642 = vector.broadcast %sub3A_641 : i32 to vector<16xi32>
        %sub3A_643 = arith.subi %sub3A_637, %sub3A_642 : vector<16xi32>
        %sub3A_644 = arith.subi %sub3A_640, %sub3A_643 : vector<16xi32>
        tpu.vector_store_idx %arg6[%sub3A_644], %get3A_599 masked %and3A_628 : memref<32832xi32, #tpu.memory_space<vmem>>[vector<16xi32>], vector<16xi32>, vector<16xi1>
        %all_reduce_population_count3A_645 = tpu.all_reduce %and3A_625 {dim = 0 : i64, kind = #tpu.reduction_kind<sum>} : vector<16xi1> -> vector<16xi32>
        %add3A_646 = arith.addi %add3A_593, %all_reduce_population_count3A_645 : vector<16xi32>
        %all_reduce_population_count3A_647 = tpu.all_reduce %and3A_628 {dim = 0 : i64, kind = #tpu.reduction_kind<sum>} : vector<16xi1> -> vector<16xi32>
        %add3A_648 = arith.addi %add3A_595, %all_reduce_population_count3A_647 : vector<16xi32>
        %add3A_649 = arith.constant 32 : i32
        %add3A_650 = arith.addi %add3A_549, %add3A_649 : i32
        %get3A_651 = arith.index_cast %add3A_650 : i32 to index
        %get3A_652 = tpu.vector_load %arg7[%get3A_651] {strides = array<i32>} : memref<32832xi32, #tpu.memory_space<vmem>>, vector<16xi32>,
        %sub3A_653 = arith.subi %select_n3A_460, %add3A_650 : i32
        %min3A_654 = vector.broadcast %sub3A_653 : i32 to vector<16xi32>
        %min3A_655 = arith.minsi %add3A_466, %min3A_654 : vector<16xi32>
        %sub3A_656 = arith.subi %select_n3A_458, %add3A_650 : i32
        %max3A_657 = arith.constant 0 : i32
        %max3A_658 = arith.maxsi %sub3A_656, %max3A_657 : i32
        %sub3A_659 = vector.broadcast %max3A_658 : i32 to vector<16xi32>
        %sub3A_660 = arith.subi %min3A_655, %sub3A_659 : vector<16xi32>
        %jit3A_661 = arith.constant 0 : i32
        %jit3A_662 = arith.constant 16 : i32
        %max3A_663 = vector.broadcast %jit3A_661 : i32 to vector<16xi32>
        %max3A_664 = arith.maxsi %max3A_663, %sub3A_660 : vector<16xi32>
        %min3A_665 = vector.broadcast %jit3A_662 : i32 to vector<16xi32>
        %min3A_666 = arith.minsi %min3A_665, %max3A_664 : vector<16xi32>
        %add3A_667 = vector.broadcast %add3A_650 : i32 to vector<16xi32>
        %add3A_668 = arith.addi %add3A_667, %iota3A_463 : vector<16xi32>
        %ge3A_669 = vector.broadcast %select_n3A_458 : i32 to vector<16xi32>
        %ge3A_670 = arith.cmpi sge, %add3A_668, %ge3A_669 : vector<16xi32>
        %add3A_671 = vector.broadcast %add3A_650 : i32 to vector<16xi32>
        %add3A_672 = arith.addi %add3A_671, %iota3A_463 : vector<16xi32>
        %lt3A_673 = vector.broadcast %select_n3A_460 : i32 to vector<16xi32>
        %lt3A_674 = arith.cmpi slt, %add3A_672, %lt3A_673 : vector<16xi32>
        %and3A_675 = arith.andi %ge3A_670, %lt3A_674 : vector<16xi1>
        %ge3A_676 = vector.broadcast %xor3A_471 : i32 to vector<16xi32>
        %ge3A_677 = arith.cmpi sge, %get3A_652, %ge3A_676 : vector<16xi32>
        %and3A_678 = arith.andi %ge3A_677, %and3A_675 : vector<16xi1>
        %not3A_679 = arith.constant dense<true> : vector<16xi1>
        %not3A_680 = arith.xori %ge3A_677, %not3A_679 : vector<16xi1>
        %and3A_681 = arith.andi %not3A_680, %and3A_675 : vector<16xi1>
        %convert_element_type3A_682 = arith.extui %and3A_678 : vector<16xi1> to vector<16xi32>
        %broadcast_in_dim3A_683 = arith.constant true
        %broadcast_in_dim3A_684 = vector.broadcast %broadcast_in_dim3A_683 : i1 to vector<16xi1>
        %masked_cumsum3A_685 = tpu.scan <sum>, %convert_element_type3A_682 masked %broadcast_in_dim3A_684 : vector<16xi32>, vector<16xi1> -> vector<16xi32>
        %sub3A_686 = arith.constant 1 : i32
        %sub3A_687 = vector.broadcast %sub3A_686 : i32 to vector<16xi32>
        %sub3A_688 = arith.subi %masked_cumsum3A_685, %sub3A_687 : vector<16xi32>
        %add3A_689 = arith.addi %add3A_646, %sub3A_688 : vector<16xi32>
        tpu.vector_store_idx %arg6[%add3A_689], %get3A_652 masked %and3A_678 : memref<32832xi32, #tpu.memory_space<vmem>>[vector<16xi32>], vector<16xi32>, vector<16xi1>
        %sub3A_690 = arith.subi %min3A_666, %masked_cumsum3A_685 : vector<16xi32>
        %sub3A_691 = arith.constant 32767 : i32
        %sub3A_692 = vector.broadcast %sub3A_691 : i32 to vector<16xi32>
        %sub3A_693 = arith.subi %sub3A_692, %add3A_648 : vector<16xi32>
        %sub3A_694 = arith.constant 1 : i32
        %sub3A_695 = vector.broadcast %sub3A_694 : i32 to vector<16xi32>
        %sub3A_696 = arith.subi %sub3A_690, %sub3A_695 : vector<16xi32>
        %sub3A_697 = arith.subi %sub3A_693, %sub3A_696 : vector<16xi32>
        tpu.vector_store_idx %arg6[%sub3A_697], %get3A_652 masked %and3A_681 : memref<32832xi32, #tpu.memory_space<vmem>>[vector<16xi32>], vector<16xi32>, vector<16xi1>
        %all_reduce_population_count3A_698 = tpu.all_reduce %and3A_678 {dim = 0 : i64, kind = #tpu.reduction_kind<sum>} : vector<16xi1> -> vector<16xi32>
        %add3A_699 = arith.addi %add3A_646, %all_reduce_population_count3A_698 : vector<16xi32>
        %all_reduce_population_count3A_700 = tpu.all_reduce %and3A_681 {dim = 0 : i64, kind = #tpu.reduction_kind<sum>} : vector<16xi1> -> vector<16xi32>
        %add3A_701 = arith.addi %add3A_648, %all_reduce_population_count3A_700 : vector<16xi32>
        %add3A_702 = arith.constant 48 : i32
        %add3A_703 = arith.addi %add3A_549, %add3A_702 : i32
        %get3A_704 = arith.index_cast %add3A_703 : i32 to index
        %get3A_705 = tpu.vector_load %arg7[%get3A_704] {strides = array<i32>} : memref<32832xi32, #tpu.memory_space<vmem>>, vector<16xi32>,
        %sub3A_706 = arith.subi %select_n3A_460, %add3A_703 : i32
        %min3A_707 = vector.broadcast %sub3A_706 : i32 to vector<16xi32>
        %min3A_708 = arith.minsi %add3A_466, %min3A_707 : vector<16xi32>
        %sub3A_709 = arith.subi %select_n3A_458, %add3A_703 : i32
        %max3A_710 = arith.constant 0 : i32
        %max3A_711 = arith.maxsi %sub3A_709, %max3A_710 : i32
        %sub3A_712 = vector.broadcast %max3A_711 : i32 to vector<16xi32>
        %sub3A_713 = arith.subi %min3A_708, %sub3A_712 : vector<16xi32>
        %jit3A_714 = arith.constant 0 : i32
        %jit3A_715 = arith.constant 16 : i32
        %max3A_716 = vector.broadcast %jit3A_714 : i32 to vector<16xi32>
        %max3A_717 = arith.maxsi %max3A_716, %sub3A_713 : vector<16xi32>
        %min3A_718 = vector.broadcast %jit3A_715 : i32 to vector<16xi32>
        %min3A_719 = arith.minsi %min3A_718, %max3A_717 : vector<16xi32>
        %add3A_720 = vector.broadcast %add3A_703 : i32 to vector<16xi32>
        %add3A_721 = arith.addi %add3A_720, %iota3A_463 : vector<16xi32>
        %ge3A_722 = vector.broadcast %select_n3A_458 : i32 to vector<16xi32>
        %ge3A_723 = arith.cmpi sge, %add3A_721, %ge3A_722 : vector<16xi32>
        %add3A_724 = vector.broadcast %add3A_703 : i32 to vector<16xi32>
        %add3A_725 = arith.addi %add3A_724, %iota3A_463 : vector<16xi32>
        %lt3A_726 = vector.broadcast %select_n3A_460 : i32 to vector<16xi32>
        %lt3A_727 = arith.cmpi slt, %add3A_725, %lt3A_726 : vector<16xi32>
        %and3A_728 = arith.andi %ge3A_723, %lt3A_727 : vector<16xi1>
        %ge3A_729 = vector.broadcast %xor3A_471 : i32 to vector<16xi32>
        %ge3A_730 = arith.cmpi sge, %get3A_705, %ge3A_729 : vector<16xi32>
        %and3A_731 = arith.andi %ge3A_730, %and3A_728 : vector<16xi1>
        %not3A_732 = arith.constant dense<true> : vector<16xi1>
        %not3A_733 = arith.xori %ge3A_730, %not3A_732 : vector<16xi1>
        %and3A_734 = arith.andi %not3A_733, %and3A_728 : vector<16xi1>
        %convert_element_type3A_735 = arith.extui %and3A_731 : vector<16xi1> to vector<16xi32>
        %broadcast_in_dim3A_736 = arith.constant true
        %broadcast_in_dim3A_737 = vector.broadcast %broadcast_in_dim3A_736 : i1 to vector<16xi1>
        %masked_cumsum3A_738 = tpu.scan <sum>, %convert_element_type3A_735 masked %broadcast_in_dim3A_737 : vector<16xi32>, vector<16xi1> -> vector<16xi32>
        %sub3A_739 = arith.constant 1 : i32
        %sub3A_740 = vector.broadcast %sub3A_739 : i32 to vector<16xi32>
        %sub3A_741 = arith.subi %masked_cumsum3A_738, %sub3A_740 : vector<16xi32>
        %add3A_742 = arith.addi %add3A_699, %sub3A_741 : vector<16xi32>
        tpu.vector_store_idx %arg6[%add3A_742], %get3A_705 masked %and3A_731 : memref<32832xi32, #tpu.memory_space<vmem>>[vector<16xi32>], vector<16xi32>, vector<16xi1>
        %sub3A_743 = arith.subi %min3A_719, %masked_cumsum3A_738 : vector<16xi32>
        %sub3A_744 = arith.constant 32767 : i32
        %sub3A_745 = vector.broadcast %sub3A_744 : i32 to vector<16xi32>
        %sub3A_746 = arith.subi %sub3A_745, %add3A_701 : vector<16xi32>
        %sub3A_747 = arith.constant 1 : i32
        %sub3A_748 = vector.broadcast %sub3A_747 : i32 to vector<16xi32>
        %sub3A_749 = arith.subi %sub3A_743, %sub3A_748 : vector<16xi32>
        %sub3A_750 = arith.subi %sub3A_746, %sub3A_749 : vector<16xi32>
        tpu.vector_store_idx %arg6[%sub3A_750], %get3A_705 masked %and3A_734 : memref<32832xi32, #tpu.memory_space<vmem>>[vector<16xi32>], vector<16xi32>, vector<16xi1>
        %all_reduce_population_count3A_751 = tpu.all_reduce %and3A_731 {dim = 0 : i64, kind = #tpu.reduction_kind<sum>} : vector<16xi1> -> vector<16xi32>
        %add3A_752 = arith.addi %add3A_699, %all_reduce_population_count3A_751 : vector<16xi32>
        %all_reduce_population_count3A_753 = tpu.all_reduce %and3A_734 {dim = 0 : i64, kind = #tpu.reduction_kind<sum>} : vector<16xi1> -> vector<16xi32>
        %add3A_754 = arith.addi %add3A_701, %all_reduce_population_count3A_753 : vector<16xi32>
        scf.yield %add3A_752, %add3A_754 : vector<16xi32>, vector<16xi32>
      }
      %while3A_514 = arith.constant 1 : i32
      %while3A_515:2 = scf.for %while3A_544 = %while3A_511 to %while3A_507 step %while3A_514 iter_args(%while3A_545 = %while3A_513#0, %while3A_546 = %while3A_513#1) -> (vector<16xi32>, vector<16xi32>)  : i32 {
        %mul3A_547 = arith.constant 64 : i32
        %mul3A_548 = arith.muli %while3A_544, %mul3A_547 : i32
        %add3A_549 = arith.addi %and3A_475, %mul3A_548 : i32
        %add3A_550 = arith.constant 0 : i32
        %add3A_551 = arith.addi %add3A_549, %add3A_550 : i32
        %get3A = arith.index_cast %add3A_551 : i32 to index
        %get3A_552 = tpu.vector_load %arg7[%get3A] {strides = array<i32>} : memref<32832xi32, #tpu.memory_space<vmem>>, vector<16xi32>,
        %sub3A_553 = arith.subi %select_n3A_460, %add3A_551 : i32
        %min3A = vector.broadcast %sub3A_553 : i32 to vector<16xi32>
        %min3A_554 = arith.minsi %add3A_466, %min3A : vector<16xi32>
        %sub3A_555 = arith.subi %select_n3A_458, %add3A_551 : i32
        %max3A = arith.constant 0 : i32
        %max3A_556 = arith.maxsi %sub3A_555, %max3A : i32
        %sub3A_557 = vector.broadcast %max3A_556 : i32 to vector<16xi32>
        %sub3A_558 = arith.subi %min3A_554, %sub3A_557 : vector<16xi32>
        %jit3A_559 = arith.constant 0 : i32
        %jit3A_560 = arith.constant 16 : i32
        %max3A_561 = vector.broadcast %jit3A_559 : i32 to vector<16xi32>
        %max3A_562 = arith.maxsi %max3A_561, %sub3A_558 : vector<16xi32>
        %min3A_563 = vector.broadcast %jit3A_560 : i32 to vector<16xi32>
        %min3A_564 = arith.minsi %min3A_563, %max3A_562 : vector<16xi32>
        %add3A_565 = vector.broadcast %add3A_551 : i32 to vector<16xi32>
        %add3A_566 = arith.addi %add3A_565, %iota3A_463 : vector<16xi32>
        %ge3A_567 = vector.broadcast %select_n3A_458 : i32 to vector<16xi32>
        %ge3A_568 = arith.cmpi sge, %add3A_566, %ge3A_567 : vector<16xi32>
        %add3A_569 = vector.broadcast %add3A_551 : i32 to vector<16xi32>
        %add3A_570 = arith.addi %add3A_569, %iota3A_463 : vector<16xi32>
        %lt3A = vector.broadcast %select_n3A_460 : i32 to vector<16xi32>
        %lt3A_571 = arith.cmpi slt, %add3A_570, %lt3A : vector<16xi32>
        %and3A_572 = arith.andi %ge3A_568, %lt3A_571 : vector<16xi1>
        %ge3A_573 = vector.broadcast %xor3A_471 : i32 to vector<16xi32>
        %ge3A_574 = arith.cmpi sge, %get3A_552, %ge3A_573 : vector<16xi32>
        %and3A_575 = arith.andi %ge3A_574, %and3A_572 : vector<16xi1>
        %not3A_576 = arith.constant dense<true> : vector<16xi1>
        %not3A_577 = arith.xori %ge3A_574, %not3A_576 : vector<16xi1>
        %and3A_578 = arith.andi %not3A_577, %and3A_572 : vector<16xi1>
        %convert_element_type3A = arith.extui %and3A_575 : vector<16xi1> to vector<16xi32>
        %broadcast_in_dim3A_579 = arith.constant true
        %broadcast_in_dim3A_580 = vector.broadcast %broadcast_in_dim3A_579 : i1 to vector<16xi1>
        %masked_cumsum3A = tpu.scan <sum>, %convert_element_type3A masked %broadcast_in_dim3A_580 : vector<16xi32>, vector<16xi1> -> vector<16xi32>
        %sub3A_581 = arith.constant 1 : i32
        %sub3A_582 = vector.broadcast %sub3A_581 : i32 to vector<16xi32>
        %sub3A_583 = arith.subi %masked_cumsum3A, %sub3A_582 : vector<16xi32>
        %add3A_584 = arith.addi %while3A_545, %sub3A_583 : vector<16xi32>
        tpu.vector_store_idx %arg6[%add3A_584], %get3A_552 masked %and3A_575 : memref<32832xi32, #tpu.memory_space<vmem>>[vector<16xi32>], vector<16xi32>, vector<16xi1>
        %sub3A_585 = arith.subi %min3A_564, %masked_cumsum3A : vector<16xi32>
        %sub3A_586 = arith.constant 32767 : i32
        %sub3A_587 = vector.broadcast %sub3A_586 : i32 to vector<16xi32>
        %sub3A_588 = arith.subi %sub3A_587, %while3A_546 : vector<16xi32>
        %sub3A_589 = arith.constant 1 : i32
        %sub3A_590 = vector.broadcast %sub3A_589 : i32 to vector<16xi32>
        %sub3A_591 = arith.subi %sub3A_585, %sub3A_590 : vector<16xi32>
        %sub3A_592 = arith.subi %sub3A_588, %sub3A_591 : vector<16xi32>
        tpu.vector_store_idx %arg6[%sub3A_592], %get3A_552 masked %and3A_578 : memref<32832xi32, #tpu.memory_space<vmem>>[vector<16xi32>], vector<16xi32>, vector<16xi1>
        %all_reduce_population_count3A = tpu.all_reduce %and3A_575 {dim = 0 : i64, kind = #tpu.reduction_kind<sum>} : vector<16xi1> -> vector<16xi32>
        %add3A_593 = arith.addi %while3A_545, %all_reduce_population_count3A : vector<16xi32>
        %all_reduce_population_count3A_594 = tpu.all_reduce %and3A_578 {dim = 0 : i64, kind = #tpu.reduction_kind<sum>} : vector<16xi1> -> vector<16xi32>
        %add3A_595 = arith.addi %while3A_546, %all_reduce_population_count3A_594 : vector<16xi32>
        %add3A_596 = arith.constant 16 : i32
        %add3A_597 = arith.addi %add3A_549, %add3A_596 : i32
        %get3A_598 = arith.index_cast %add3A_597 : i32 to index
        %get3A_599 = tpu.vector_load %arg7[%get3A_598] {strides = array<i32>} : memref<32832xi32, #tpu.memory_space<vmem>>, vector<16xi32>,
        %sub3A_600 = arith.subi %select_n3A_460, %add3A_597 : i32
        %min3A_601 = vector.broadcast %sub3A_600 : i32 to vector<16xi32>
        %min3A_602 = arith.minsi %add3A_466, %min3A_601 : vector<16xi32>
        %sub3A_603 = arith.subi %select_n3A_458, %add3A_597 : i32
        %max3A_604 = arith.constant 0 : i32
        %max3A_605 = arith.maxsi %sub3A_603, %max3A_604 : i32
        %sub3A_606 = vector.broadcast %max3A_605 : i32 to vector<16xi32>
        %sub3A_607 = arith.subi %min3A_602, %sub3A_606 : vector<16xi32>
        %jit3A_608 = arith.constant 0 : i32
        %jit3A_609 = arith.constant 16 : i32
        %max3A_610 = vector.broadcast %jit3A_608 : i32 to vector<16xi32>
        %max3A_611 = arith.maxsi %max3A_610, %sub3A_607 : vector<16xi32>
        %min3A_612 = vector.broadcast %jit3A_609 : i32 to vector<16xi32>
        %min3A_613 = arith.minsi %min3A_612, %max3A_611 : vector<16xi32>
        %add3A_614 = vector.broadcast %add3A_597 : i32 to vector<16xi32>
        %add3A_615 = arith.addi %add3A_614, %iota3A_463 : vector<16xi32>
        %ge3A_616 = vector.broadcast %select_n3A_458 : i32 to vector<16xi32>
        %ge3A_617 = arith.cmpi sge, %add3A_615, %ge3A_616 : vector<16xi32>
        %add3A_618 = vector.broadcast %add3A_597 : i32 to vector<16xi32>
        %add3A_619 = arith.addi %add3A_618, %iota3A_463 : vector<16xi32>
        %lt3A_620 = vector.broadcast %select_n3A_460 : i32 to vector<16xi32>
        %lt3A_621 = arith.cmpi slt, %add3A_619, %lt3A_620 : vector<16xi32>
        %and3A_622 = arith.andi %ge3A_617, %lt3A_621 : vector<16xi1>
        %ge3A_623 = vector.broadcast %xor3A_471 : i32 to vector<16xi32>
        %ge3A_624 = arith.cmpi sge, %get3A_599, %ge3A_623 : vector<16xi32>
        %and3A_625 = arith.andi %ge3A_624, %and3A_622 : vector<16xi1>
        %not3A_626 = arith.constant dense<true> : vector<16xi1>
        %not3A_627 = arith.xori %ge3A_624, %not3A_626 : vector<16xi1>
        %and3A_628 = arith.andi %not3A_627, %and3A_622 : vector<16xi1>
        %convert_element_type3A_629 = arith.extui %and3A_625 : vector<16xi1> to vector<16xi32>
        %broadcast_in_dim3A_630 = arith.constant true
        %broadcast_in_dim3A_631 = vector.broadcast %broadcast_in_dim3A_630 : i1 to vector<16xi1>
        %masked_cumsum3A_632 = tpu.scan <sum>, %convert_element_type3A_629 masked %broadcast_in_dim3A_631 : vector<16xi32>, vector<16xi1> -> vector<16xi32>
        %sub3A_633 = arith.constant 1 : i32
        %sub3A_634 = vector.broadcast %sub3A_633 : i32 to vector<16xi32>
        %sub3A_635 = arith.subi %masked_cumsum3A_632, %sub3A_634 : vector<16xi32>
        %add3A_636 = arith.addi %add3A_593, %sub3A_635 : vector<16xi32>
        tpu.vector_store_idx %arg6[%add3A_636], %get3A_599 masked %and3A_625 : memref<32832xi32, #tpu.memory_space<vmem>>[vector<16xi32>], vector<16xi32>, vector<16xi1>
        %sub3A_637 = arith.subi %min3A_613, %masked_cumsum3A_632 : vector<16xi32>
        %sub3A_638 = arith.constant 32767 : i32
        %sub3A_639 = vector.broadcast %sub3A_638 : i32 to vector<16xi32>
        %sub3A_640 = arith.subi %sub3A_639, %add3A_595 : vector<16xi32>
        %sub3A_641 = arith.constant 1 : i32
        %sub3A_642 = vector.broadcast %sub3A_641 : i32 to vector<16xi32>
        %sub3A_643 = arith.subi %sub3A_637, %sub3A_642 : vector<16xi32>
        %sub3A_644 = arith.subi %sub3A_640, %sub3A_643 : vector<16xi32>
        tpu.vector_store_idx %arg6[%sub3A_644], %get3A_599 masked %and3A_628 : memref<32832xi32, #tpu.memory_space<vmem>>[vector<16xi32>], vector<16xi32>, vector<16xi1>
        %all_reduce_population_count3A_645 = tpu.all_reduce %and3A_625 {dim = 0 : i64, kind = #tpu.reduction_kind<sum>} : vector<16xi1> -> vector<16xi32>
        %add3A_646 = arith.addi %add3A_593, %all_reduce_population_count3A_645 : vector<16xi32>
        %all_reduce_population_count3A_647 = tpu.all_reduce %and3A_628 {dim = 0 : i64, kind = #tpu.reduction_kind<sum>} : vector<16xi1> -> vector<16xi32>
        %add3A_648 = arith.addi %add3A_595, %all_reduce_population_count3A_647 : vector<16xi32>
        %add3A_649 = arith.constant 32 : i32
        %add3A_650 = arith.addi %add3A_549, %add3A_649 : i32
        %get3A_651 = arith.index_cast %add3A_650 : i32 to index
        %get3A_652 = tpu.vector_load %arg7[%get3A_651] {strides = array<i32>} : memref<32832xi32, #tpu.memory_space<vmem>>, vector<16xi32>,
        %sub3A_653 = arith.subi %select_n3A_460, %add3A_650 : i32
        %min3A_654 = vector.broadcast %sub3A_653 : i32 to vector<16xi32>
        %min3A_655 = arith.minsi %add3A_466, %min3A_654 : vector<16xi32>
        %sub3A_656 = arith.subi %select_n3A_458, %add3A_650 : i32
        %max3A_657 = arith.constant 0 : i32
        %max3A_658 = arith.maxsi %sub3A_656, %max3A_657 : i32
        %sub3A_659 = vector.broadcast %max3A_658 : i32 to vector<16xi32>
        %sub3A_660 = arith.subi %min3A_655, %sub3A_659 : vector<16xi32>
        %jit3A_661 = arith.constant 0 : i32
        %jit3A_662 = arith.constant 16 : i32
        %max3A_663 = vector.broadcast %jit3A_661 : i32 to vector<16xi32>
        %max3A_664 = arith.maxsi %max3A_663, %sub3A_660 : vector<16xi32>
        %min3A_665 = vector.broadcast %jit3A_662 : i32 to vector<16xi32>
        %min3A_666 = arith.minsi %min3A_665, %max3A_664 : vector<16xi32>
        %add3A_667 = vector.broadcast %add3A_650 : i32 to vector<16xi32>
        %add3A_668 = arith.addi %add3A_667, %iota3A_463 : vector<16xi32>
        %ge3A_669 = vector.broadcast %select_n3A_458 : i32 to vector<16xi32>
        %ge3A_670 = arith.cmpi sge, %add3A_668, %ge3A_669 : vector<16xi32>
        %add3A_671 = vector.broadcast %add3A_650 : i32 to vector<16xi32>
        %add3A_672 = arith.addi %add3A_671, %iota3A_463 : vector<16xi32>
        %lt3A_673 = vector.broadcast %select_n3A_460 : i32 to vector<16xi32>
        %lt3A_674 = arith.cmpi slt, %add3A_672, %lt3A_673 : vector<16xi32>
        %and3A_675 = arith.andi %ge3A_670, %lt3A_674 : vector<16xi1>
        %ge3A_676 = vector.broadcast %xor3A_471 : i32 to vector<16xi32>
        %ge3A_677 = arith.cmpi sge, %get3A_652, %ge3A_676 : vector<16xi32>
        %and3A_678 = arith.andi %ge3A_677, %and3A_675 : vector<16xi1>
        %not3A_679 = arith.constant dense<true> : vector<16xi1>
        %not3A_680 = arith.xori %ge3A_677, %not3A_679 : vector<16xi1>
        %and3A_681 = arith.andi %not3A_680, %and3A_675 : vector<16xi1>
        %convert_element_type3A_682 = arith.extui %and3A_678 : vector<16xi1> to vector<16xi32>
        %broadcast_in_dim3A_683 = arith.constant true
        %broadcast_in_dim3A_684 = vector.broadcast %broadcast_in_dim3A_683 : i1 to vector<16xi1>
        %masked_cumsum3A_685 = tpu.scan <sum>, %convert_element_type3A_682 masked %broadcast_in_dim3A_684 : vector<16xi32>, vector<16xi1> -> vector<16xi32>
        %sub3A_686 = arith.constant 1 : i32
        %sub3A_687 = vector.broadcast %sub3A_686 : i32 to vector<16xi32>
        %sub3A_688 = arith.subi %masked_cumsum3A_685, %sub3A_687 : vector<16xi32>
        %add3A_689 = arith.addi %add3A_646, %sub3A_688 : vector<16xi32>
        tpu.vector_store_idx %arg6[%add3A_689], %get3A_652 masked %and3A_678 : memref<32832xi32, #tpu.memory_space<vmem>>[vector<16xi32>], vector<16xi32>, vector<16xi1>
        %sub3A_690 = arith.subi %min3A_666, %masked_cumsum3A_685 : vector<16xi32>
        %sub3A_691 = arith.constant 32767 : i32
        %sub3A_692 = vector.broadcast %sub3A_691 : i32 to vector<16xi32>
        %sub3A_693 = arith.subi %sub3A_692, %add3A_648 : vector<16xi32>
        %sub3A_694 = arith.constant 1 : i32
        %sub3A_695 = vector.broadcast %sub3A_694 : i32 to vector<16xi32>
        %sub3A_696 = arith.subi %sub3A_690, %sub3A_695 : vector<16xi32>
        %sub3A_697 = arith.subi %sub3A_693, %sub3A_696 : vector<16xi32>
        tpu.vector_store_idx %arg6[%sub3A_697], %get3A_652 masked %and3A_681 : memref<32832xi32, #tpu.memory_space<vmem>>[vector<16xi32>], vector<16xi32>, vector<16xi1>
        %all_reduce_population_count3A_698 = tpu.all_reduce %and3A_678 {dim = 0 : i64, kind = #tpu.reduction_kind<sum>} : vector<16xi1> -> vector<16xi32>
        %add3A_699 = arith.addi %add3A_646, %all_reduce_population_count3A_698 : vector<16xi32>
        %all_reduce_population_count3A_700 = tpu.all_reduce %and3A_681 {dim = 0 : i64, kind = #tpu.reduction_kind<sum>} : vector<16xi1> -> vector<16xi32>
        %add3A_701 = arith.addi %add3A_648, %all_reduce_population_count3A_700 : vector<16xi32>
        %add3A_702 = arith.constant 48 : i32
        %add3A_703 = arith.addi %add3A_549, %add3A_702 : i32
        %get3A_704 = arith.index_cast %add3A_703 : i32 to index
        %get3A_705 = tpu.vector_load %arg7[%get3A_704] {strides = array<i32>} : memref<32832xi32, #tpu.memory_space<vmem>>, vector<16xi32>,
        %sub3A_706 = arith.subi %select_n3A_460, %add3A_703 : i32
        %min3A_707 = vector.broadcast %sub3A_706 : i32 to vector<16xi32>
        %min3A_708 = arith.minsi %add3A_466, %min3A_707 : vector<16xi32>
        %sub3A_709 = arith.subi %select_n3A_458, %add3A_703 : i32
        %max3A_710 = arith.constant 0 : i32
        %max3A_711 = arith.maxsi %sub3A_709, %max3A_710 : i32
        %sub3A_712 = vector.broadcast %max3A_711 : i32 to vector<16xi32>
        %sub3A_713 = arith.subi %min3A_708, %sub3A_712 : vector<16xi32>
        %jit3A_714 = arith.constant 0 : i32
        %jit3A_715 = arith.constant 16 : i32
        %max3A_716 = vector.broadcast %jit3A_714 : i32 to vector<16xi32>
        %max3A_717 = arith.maxsi %max3A_716, %sub3A_713 : vector<16xi32>
        %min3A_718 = vector.broadcast %jit3A_715 : i32 to vector<16xi32>
        %min3A_719 = arith.minsi %min3A_718, %max3A_717 : vector<16xi32>
        %add3A_720 = vector.broadcast %add3A_703 : i32 to vector<16xi32>
        %add3A_721 = arith.addi %add3A_720, %iota3A_463 : vector<16xi32>
        %ge3A_722 = vector.broadcast %select_n3A_458 : i32 to vector<16xi32>
        %ge3A_723 = arith.cmpi sge, %add3A_721, %ge3A_722 : vector<16xi32>
        %add3A_724 = vector.broadcast %add3A_703 : i32 to vector<16xi32>
        %add3A_725 = arith.addi %add3A_724, %iota3A_463 : vector<16xi32>
        %lt3A_726 = vector.broadcast %select_n3A_460 : i32 to vector<16xi32>
        %lt3A_727 = arith.cmpi slt, %add3A_725, %lt3A_726 : vector<16xi32>
        %and3A_728 = arith.andi %ge3A_723, %lt3A_727 : vector<16xi1>
        %ge3A_729 = vector.broadcast %xor3A_471 : i32 to vector<16xi32>
        %ge3A_730 = arith.cmpi sge, %get3A_705, %ge3A_729 : vector<16xi32>
        %and3A_731 = arith.andi %ge3A_730, %and3A_728 : vector<16xi1>
        %not3A_732 = arith.constant dense<true> : vector<16xi1>
        %not3A_733 = arith.xori %ge3A_730, %not3A_732 : vector<16xi1>
        %and3A_734 = arith.andi %not3A_733, %and3A_728 : vector<16xi1>
        %convert_element_type3A_735 = arith.extui %and3A_731 : vector<16xi1> to vector<16xi32>
        %broadcast_in_dim3A_736 = arith.constant true
        %broadcast_in_dim3A_737 = vector.broadcast %broadcast_in_dim3A_736 : i1 to vector<16xi1>
        %masked_cumsum3A_738 = tpu.scan <sum>, %convert_element_type3A_735 masked %broadcast_in_dim3A_737 : vector<16xi32>, vector<16xi1> -> vector<16xi32>
        %sub3A_739 = arith.constant 1 : i32
        %sub3A_740 = vector.broadcast %sub3A_739 : i32 to vector<16xi32>
        %sub3A_741 = arith.subi %masked_cumsum3A_738, %sub3A_740 : vector<16xi32>
        %add3A_742 = arith.addi %add3A_699, %sub3A_741 : vector<16xi32>
        tpu.vector_store_idx %arg6[%add3A_742], %get3A_705 masked %and3A_731 : memref<32832xi32, #tpu.memory_space<vmem>>[vector<16xi32>], vector<16xi32>, vector<16xi1>
        %sub3A_743 = arith.subi %min3A_719, %masked_cumsum3A_738 : vector<16xi32>
        %sub3A_744 = arith.constant 32767 : i32
        %sub3A_745 = vector.broadcast %sub3A_744 : i32 to vector<16xi32>
        %sub3A_746 = arith.subi %sub3A_745, %add3A_701 : vector<16xi32>
        %sub3A_747 = arith.constant 1 : i32
        %sub3A_748 = vector.broadcast %sub3A_747 : i32 to vector<16xi32>
        %sub3A_749 = arith.subi %sub3A_743, %sub3A_748 : vector<16xi32>
        %sub3A_750 = arith.subi %sub3A_746, %sub3A_749 : vector<16xi32>
        tpu.vector_store_idx %arg6[%sub3A_750], %get3A_705 masked %and3A_734 : memref<32832xi32, #tpu.memory_space<vmem>>[vector<16xi32>], vector<16xi32>, vector<16xi1>
        %all_reduce_population_count3A_751 = tpu.all_reduce %and3A_731 {dim = 0 : i64, kind = #tpu.reduction_kind<sum>} : vector<16xi1> -> vector<16xi32>
        %add3A_752 = arith.addi %add3A_699, %all_reduce_population_count3A_751 : vector<16xi32>
        %all_reduce_population_count3A_753 = tpu.all_reduce %and3A_734 {dim = 0 : i64, kind = #tpu.reduction_kind<sum>} : vector<16xi1> -> vector<16xi32>
        %add3A_754 = arith.addi %add3A_701, %all_reduce_population_count3A_753 : vector<16xi32>
        scf.yield %add3A_752, %add3A_754 : vector<16xi32>, vector<16xi32>
      }
      %reduce_max3A_516 = arith.constant true
      %reduce_max3A_517 = vector.broadcast %reduce_max3A_516 : i1 to vector<16xi1>
      %reduce_max3A_518 = arith.constant -2147483648 : i32
      %reduce_max3A_519 = vector.broadcast %reduce_max3A_518 : i32 to vector<16xi32>
      %reduce_max3A_520 = arith.xori %while3A_515#0, %reduce_max3A_519 : vector<16xi32>
      %reduce_max3A_521 = tpu.scan <max>, %reduce_max3A_520 masked %reduce_max3A_517 : vector<16xi32>, vector<16xi1> -> vector<16xi32>
      %reduce_max3A_522 = arith.xori %reduce_max3A_521, %reduce_max3A_519 : vector<16xi32>
      %reduce_max3A_523 = vector.extract %reduce_max3A_522[15] : i32 from vector<16xi32>
      %reduce_max3A_524 = arith.constant true
      %reduce_max3A_525 = vector.broadcast %reduce_max3A_524 : i1 to vector<16xi1>
      %reduce_max3A_526 = arith.constant -2147483648 : i32
      %reduce_max3A_527 = vector.broadcast %reduce_max3A_526 : i32 to vector<16xi32>
      %reduce_max3A_528 = arith.xori %while3A_515#1, %reduce_max3A_527 : vector<16xi32>
      %reduce_max3A_529 = tpu.scan <max>, %reduce_max3A_528 masked %reduce_max3A_525 : vector<16xi32>, vector<16xi1> -> vector<16xi32>
      %reduce_max3A_530 = arith.xori %reduce_max3A_529, %reduce_max3A_527 : vector<16xi32>
      %reduce_max3A_531 = vector.extract %reduce_max3A_530[15] : i32 from vector<16xi32>
      %add3A_532 = arith.addi %select_n3A_454, %reduce_max3A_523 : i32
      %ge3A_533 = arith.constant 2048 : i32
      %ge3A_534 = arith.cmpi sge, %add3A_532, %ge3A_533 : i32
      %select_n3A_535 = arith.select %ge3A_534, %or3A_469, %select_n3A_452 : i32
      %add3A_536 = arith.addi %select_n3A_454, %reduce_max3A_523 : i32
      %select_n3A_537 = arith.select %ge3A_534, %select_n3A_454, %add3A_536 : i32
      %sub3A_538 = arith.constant 32768 : i32
      %sub3A_539 = arith.subi %sub3A_538, %reduce_max3A_531 : i32
      %jit3A_540 = arith.constant 0 : i32
      %select_n3A_541 = arith.select %ge3A_534, %jit3A_540, %sub3A_539 : i32
      %jit3A_542 = arith.constant 32768 : i32
      %select_n3A_543 = arith.select %ge3A_534, %reduce_max3A_523, %jit3A_542 : i32
      scf.yield %select_n3A_541, %select_n3A_543, %select_n3A_535, %select_n3A_537 : i32, i32, i32, i32
    }
    %scan3A_278 = arith.constant 15 : i32
    %iota3A_279 = tpu.iota {dimensions = array<i32: 0>} : vector<16xi32>
    %add3A_280 = arith.constant 1 : i32
    %add3A_281 = vector.broadcast %add3A_280 : i32 to vector<16xi32>
    %add3A_282 = arith.addi %iota3A_279, %add3A_281 : vector<16xi32>
    %shift_left3A_283 = arith.constant 1 : i32
    %shift_left3A_284 = arith.constant 0 : i32
    %shift_left3A_285 = arith.shli %shift_left3A_283, %shift_left3A_284 : i32
    %or3A_286 = arith.ori %scan3A_277#2, %shift_left3A_285 : i32
    %xor3A_287 = arith.constant -2147483648 : i32
    %xor3A_288 = arith.xori %or3A_286, %xor3A_287 : i32
    %not3A_289 = arith.constant 15 : i32
    %not3A_290 = arith.constant -1 : i32
    %not3A_291 = arith.xori %not3A_289, %not3A_290 : i32
    %and3A_292 = arith.andi %scan3A_277#0, %not3A_291 : i32
    %sub3A_293 = arith.subi %scan3A_277#1, %and3A_292 : i32
    %add3A_294 = arith.constant 63 : i32
    %add3A_295 = arith.addi %sub3A_293, %add3A_294 : i32
    %jit3A_296 = arith.constant 64 : i32
    %div3A_297 = arith.divsi %add3A_295, %jit3A_296 : i32
    %sign3A_298 = arith.constant 0 : i32
    %sign3A_299 = arith.cmpi sgt, %add3A_295, %sign3A_298 : i32
    %sign3A_300 = arith.extui %sign3A_299 : i1 to i32
    %sign3A_301 = arith.constant 0 : i32
    %sign3A_302 = arith.cmpi slt, %add3A_295, %sign3A_301 : i32
    %sign3A_303 = arith.extui %sign3A_302 : i1 to i32
    %sign3A_304 = arith.subi %sign3A_300, %sign3A_303 : i32
    %sign3A_305 = arith.constant 0 : i32
    %sign3A_306 = arith.cmpi sgt, %jit3A_296, %sign3A_305 : i32
    %sign3A_307 = arith.extui %sign3A_306 : i1 to i32
    %sign3A_308 = arith.constant 0 : i32
    %sign3A_309 = arith.cmpi slt, %jit3A_296, %sign3A_308 : i32
    %sign3A_310 = arith.extui %sign3A_309 : i1 to i32
    %sign3A_311 = arith.subi %sign3A_307, %sign3A_310 : i32
    %ne3A_312 = arith.cmpi ne, %sign3A_304, %sign3A_311 : i32
    %rem3A_313 = arith.remsi %add3A_295, %jit3A_296 : i32
    %ne3A_314 = arith.constant 0 : i32
    %ne3A_315 = arith.cmpi ne, %rem3A_313, %ne3A_314 : i32
    %and3A_316 = arith.andi %ne3A_312, %ne3A_315 : i1
    %sub3A_317 = arith.constant 1 : i32
    %sub3A_318 = arith.subi %div3A_297, %sub3A_317 : i32
    %select_n3A_319 = arith.select %and3A_316, %sub3A_318, %div3A_297 : i32
    %broadcast_in_dim3A_320 = arith.constant 0 : i32
    %broadcast_in_dim3A_321 = vector.broadcast %broadcast_in_dim3A_320 : i32 to vector<16xi32>
    %while3A_322 = arith.constant 0 : i32
    %while3A_323 = arith.subi %select_n3A_319, %while3A_322 : i32
    %while3A_324 = arith.addi %while3A_322, %while3A_323 : i32
    %while3A_325 = arith.constant 1 : i32
    %while3A_326 = arith.divsi %while3A_323, %while3A_325 : i32
    %while3A_327 = arith.muli %while3A_326, %while3A_325 : i32
    %while3A_328 = arith.addi %while3A_322, %while3A_327 : i32
    %while3A_329 = arith.constant 1 : i32
    %while3A_330:2 = scf.for %while3A_371 = %while3A_322 to %while3A_328 step %while3A_329 iter_args(%while3A_372 = %broadcast_in_dim3A_321, %while3A_373 = %broadcast_in_dim3A_321) -> (vector<16xi32>, vector<16xi32>)  : i32 {
      %mul3A_374 = arith.constant 64 : i32
      %mul3A_375 = arith.muli %while3A_371, %mul3A_374 : i32
      %add3A_376 = arith.addi %and3A_292, %mul3A_375 : i32
      %add3A_377 = arith.constant 0 : i32
      %add3A_378 = arith.addi %add3A_376, %add3A_377 : i32
      %get3A = arith.index_cast %add3A_378 : i32 to index
      %get3A_379 = tpu.vector_load %arg6[%get3A] {strides = array<i32>} : memref<32832xi32, #tpu.memory_space<vmem>>, vector<16xi32>,
      %sub3A_380 = arith.subi %scan3A_277#1, %add3A_378 : i32
      %min3A = vector.broadcast %sub3A_380 : i32 to vector<16xi32>
      %min3A_381 = arith.minsi %add3A_282, %min3A : vector<16xi32>
      %sub3A_382 = arith.subi %scan3A_277#0, %add3A_378 : i32
      %max3A = arith.constant 0 : i32
      %max3A_383 = arith.maxsi %sub3A_382, %max3A : i32
      %sub3A_384 = vector.broadcast %max3A_383 : i32 to vector<16xi32>
      %sub3A_385 = arith.subi %min3A_381, %sub3A_384 : vector<16xi32>
      %jit3A_386 = arith.constant 0 : i32
      %jit3A_387 = arith.constant 16 : i32
      %max3A_388 = vector.broadcast %jit3A_386 : i32 to vector<16xi32>
      %max3A_389 = arith.maxsi %max3A_388, %sub3A_385 : vector<16xi32>
      %min3A_390 = vector.broadcast %jit3A_387 : i32 to vector<16xi32>
      %min3A_391 = arith.minsi %min3A_390, %max3A_389 : vector<16xi32>
      %add3A_392 = vector.broadcast %add3A_378 : i32 to vector<16xi32>
      %add3A_393 = arith.addi %add3A_392, %iota3A_279 : vector<16xi32>
      %ge3A_394 = vector.broadcast %scan3A_277#0 : i32 to vector<16xi32>
      %ge3A_395 = arith.cmpi sge, %add3A_393, %ge3A_394 : vector<16xi32>
      %add3A_396 = vector.broadcast %add3A_378 : i32 to vector<16xi32>
      %add3A_397 = arith.addi %add3A_396, %iota3A_279 : vector<16xi32>
      %lt3A = vector.broadcast %scan3A_277#1 : i32 to vector<16xi32>
      %lt3A_398 = arith.cmpi slt, %add3A_397, %lt3A : vector<16xi32>
      %and3A_399 = arith.andi %ge3A_395, %lt3A_398 : vector<16xi1>
      %ge3A_400 = vector.broadcast %xor3A_288 : i32 to vector<16xi32>
      %ge3A_401 = arith.cmpi sge, %get3A_379, %ge3A_400 : vector<16xi32>
      %and3A_402 = arith.andi %ge3A_401, %and3A_399 : vector<16xi1>
      %not3A_403 = arith.constant dense<true> : vector<16xi1>
      %not3A_404 = arith.xori %ge3A_401, %not3A_403 : vector<16xi1>
      %and3A_405 = arith.andi %not3A_404, %and3A_399 : vector<16xi1>
      %convert_element_type3A = arith.extui %and3A_402 : vector<16xi1> to vector<16xi32>
      %broadcast_in_dim3A_406 = arith.constant true
      %broadcast_in_dim3A_407 = vector.broadcast %broadcast_in_dim3A_406 : i1 to vector<16xi1>
      %masked_cumsum3A = tpu.scan <sum>, %convert_element_type3A masked %broadcast_in_dim3A_407 : vector<16xi32>, vector<16xi1> -> vector<16xi32>
      %sub3A_408 = arith.constant 1 : i32
      %sub3A_409 = vector.broadcast %sub3A_408 : i32 to vector<16xi32>
      %sub3A_410 = arith.subi %masked_cumsum3A, %sub3A_409 : vector<16xi32>
      %add3A_411 = arith.addi %while3A_372, %sub3A_410 : vector<16xi32>
      tpu.vector_store_idx %arg7[%add3A_411], %get3A_379 masked %and3A_402 : memref<32832xi32, #tpu.memory_space<vmem>>[vector<16xi32>], vector<16xi32>, vector<16xi1>
      %sub3A_412 = arith.subi %min3A_391, %masked_cumsum3A : vector<16xi32>
      %sub3A_413 = arith.constant 32767 : i32
      %sub3A_414 = vector.broadcast %sub3A_413 : i32 to vector<16xi32>
      %sub3A_415 = arith.subi %sub3A_414, %while3A_373 : vector<16xi32>
      %sub3A_416 = arith.constant 1 : i32
      %sub3A_417 = vector.broadcast %sub3A_416 : i32 to vector<16xi32>
      %sub3A_418 = arith.subi %sub3A_412, %sub3A_417 : vector<16xi32>
      %sub3A_419 = arith.subi %sub3A_415, %sub3A_418 : vector<16xi32>
      tpu.vector_store_idx %arg7[%sub3A_419], %get3A_379 masked %and3A_405 : memref<32832xi32, #tpu.memory_space<vmem>>[vector<16xi32>], vector<16xi32>, vector<16xi1>
      %all_reduce_population_count3A = tpu.all_reduce %and3A_402 {dim = 0 : i64, kind = #tpu.reduction_kind<sum>} : vector<16xi1> -> vector<16xi32>
      %add3A_420 = arith.addi %while3A_372, %all_reduce_population_count3A : vector<16xi32>
      %all_reduce_population_count3A_421 = tpu.all_reduce %and3A_405 {dim = 0 : i64, kind = #tpu.reduction_kind<sum>} : vector<16xi1> -> vector<16xi32>
      %add3A_422 = arith.addi %while3A_373, %all_reduce_population_count3A_421 : vector<16xi32>
      %add3A_423 = arith.constant 16 : i32
      %add3A_424 = arith.addi %add3A_376, %add3A_423 : i32
      %get3A_425 = arith.index_cast %add3A_424 : i32 to index
      %get3A_426 = tpu.vector_load %arg6[%get3A_425] {strides = array<i32>} : memref<32832xi32, #tpu.memory_space<vmem>>, vector<16xi32>,
      %sub3A_427 = arith.subi %scan3A_277#1, %add3A_424 : i32
      %min3A_428 = vector.broadcast %sub3A_427 : i32 to vector<16xi32>
      %min3A_429 = arith.minsi %add3A_282, %min3A_428 : vector<16xi32>
      %sub3A_430 = arith.subi %scan3A_277#0, %add3A_424 : i32
      %max3A_431 = arith.constant 0 : i32
      %max3A_432 = arith.maxsi %sub3A_430, %max3A_431 : i32
      %sub3A_433 = vector.broadcast %max3A_432 : i32 to vector<16xi32>
      %sub3A_434 = arith.subi %min3A_429, %sub3A_433 : vector<16xi32>
      %jit3A_435 = arith.constant 0 : i32
      %jit3A_436 = arith.constant 16 : i32
      %max3A_437 = vector.broadcast %jit3A_435 : i32 to vector<16xi32>
      %max3A_438 = arith.maxsi %max3A_437, %sub3A_434 : vector<16xi32>
      %min3A_439 = vector.broadcast %jit3A_436 : i32 to vector<16xi32>
      %min3A_440 = arith.minsi %min3A_439, %max3A_438 : vector<16xi32>
      %add3A_441 = vector.broadcast %add3A_424 : i32 to vector<16xi32>
      %add3A_442 = arith.addi %add3A_441, %iota3A_279 : vector<16xi32>
      %ge3A_443 = vector.broadcast %scan3A_277#0 : i32 to vector<16xi32>
      %ge3A_444 = arith.cmpi sge, %add3A_442, %ge3A_443 : vector<16xi32>
      %add3A_445 = vector.broadcast %add3A_424 : i32 to vector<16xi32>
      %add3A_446 = arith.addi %add3A_445, %iota3A_279 : vector<16xi32>
      %lt3A_447 = vector.broadcast %scan3A_277#1 : i32 to vector<16xi32>
      %lt3A_448 = arith.cmpi slt, %add3A_446, %lt3A_447 : vector<16xi32>
      %and3A_449 = arith.andi %ge3A_444, %lt3A_448 : vector<16xi1>
      %ge3A_450 = vector.broadcast %xor3A_288 : i32 to vector<16xi32>
      %ge3A_451 = arith.cmpi sge, %get3A_426, %ge3A_450 : vector<16xi32>
      %and3A_452 = arith.andi %ge3A_451, %and3A_449 : vector<16xi1>
      %not3A_453 = arith.constant dense<true> : vector<16xi1>
      %not3A_454 = arith.xori %ge3A_451, %not3A_453 : vector<16xi1>
      %and3A_455 = arith.andi %not3A_454, %and3A_449 : vector<16xi1>
      %convert_element_type3A_456 = arith.extui %and3A_452 : vector<16xi1> to vector<16xi32>
      %broadcast_in_dim3A_457 = arith.constant true
      %broadcast_in_dim3A_458 = vector.broadcast %broadcast_in_dim3A_457 : i1 to vector<16xi1>
      %masked_cumsum3A_459 = tpu.scan <sum>, %convert_element_type3A_456 masked %broadcast_in_dim3A_458 : vector<16xi32>, vector<16xi1> -> vector<16xi32>
      %sub3A_460 = arith.constant 1 : i32
      %sub3A_461 = vector.broadcast %sub3A_460 : i32 to vector<16xi32>
      %sub3A_462 = arith.subi %masked_cumsum3A_459, %sub3A_461 : vector<16xi32>
      %add3A_463 = arith.addi %add3A_420, %sub3A_462 : vector<16xi32>
      tpu.vector_store_idx %arg7[%add3A_463], %get3A_426 masked %and3A_452 : memref<32832xi32, #tpu.memory_space<vmem>>[vector<16xi32>], vector<16xi32>, vector<16xi1>
      %sub3A_464 = arith.subi %min3A_440, %masked_cumsum3A_459 : vector<16xi32>
      %sub3A_465 = arith.constant 32767 : i32
      %sub3A_466 = vector.broadcast %sub3A_465 : i32 to vector<16xi32>
      %sub3A_467 = arith.subi %sub3A_466, %add3A_422 : vector<16xi32>
      %sub3A_468 = arith.constant 1 : i32
      %sub3A_469 = vector.broadcast %sub3A_468 : i32 to vector<16xi32>
      %sub3A_470 = arith.subi %sub3A_464, %sub3A_469 : vector<16xi32>
      %sub3A_471 = arith.subi %sub3A_467, %sub3A_470 : vector<16xi32>
      tpu.vector_store_idx %arg7[%sub3A_471], %get3A_426 masked %and3A_455 : memref<32832xi32, #tpu.memory_space<vmem>>[vector<16xi32>], vector<16xi32>, vector<16xi1>
      %all_reduce_population_count3A_472 = tpu.all_reduce %and3A_452 {dim = 0 : i64, kind = #tpu.reduction_kind<sum>} : vector<16xi1> -> vector<16xi32>
      %add3A_473 = arith.addi %add3A_420, %all_reduce_population_count3A_472 : vector<16xi32>
      %all_reduce_population_count3A_474 = tpu.all_reduce %and3A_455 {dim = 0 : i64, kind = #tpu.reduction_kind<sum>} : vector<16xi1> -> vector<16xi32>
      %add3A_475 = arith.addi %add3A_422, %all_reduce_population_count3A_474 : vector<16xi32>
      %add3A_476 = arith.constant 32 : i32
      %add3A_477 = arith.addi %add3A_376, %add3A_476 : i32
      %get3A_478 = arith.index_cast %add3A_477 : i32 to index
      %get3A_479 = tpu.vector_load %arg6[%get3A_478] {strides = array<i32>} : memref<32832xi32, #tpu.memory_space<vmem>>, vector<16xi32>,
      %sub3A_480 = arith.subi %scan3A_277#1, %add3A_477 : i32
      %min3A_481 = vector.broadcast %sub3A_480 : i32 to vector<16xi32>
      %min3A_482 = arith.minsi %add3A_282, %min3A_481 : vector<16xi32>
      %sub3A_483 = arith.subi %scan3A_277#0, %add3A_477 : i32
      %max3A_484 = arith.constant 0 : i32
      %max3A_485 = arith.maxsi %sub3A_483, %max3A_484 : i32
      %sub3A_486 = vector.broadcast %max3A_485 : i32 to vector<16xi32>
      %sub3A_487 = arith.subi %min3A_482, %sub3A_486 : vector<16xi32>
      %jit3A_488 = arith.constant 0 : i32
      %jit3A_489 = arith.constant 16 : i32
      %max3A_490 = vector.broadcast %jit3A_488 : i32 to vector<16xi32>
      %max3A_491 = arith.maxsi %max3A_490, %sub3A_487 : vector<16xi32>
      %min3A_492 = vector.broadcast %jit3A_489 : i32 to vector<16xi32>
      %min3A_493 = arith.minsi %min3A_492, %max3A_491 : vector<16xi32>
      %add3A_494 = vector.broadcast %add3A_477 : i32 to vector<16xi32>
      %add3A_495 = arith.addi %add3A_494, %iota3A_279 : vector<16xi32>
      %ge3A_496 = vector.broadcast %scan3A_277#0 : i32 to vector<16xi32>
      %ge3A_497 = arith.cmpi sge, %add3A_495, %ge3A_496 : vector<16xi32>
      %add3A_498 = vector.broadcast %add3A_477 : i32 to vector<16xi32>
      %add3A_499 = arith.addi %add3A_498, %iota3A_279 : vector<16xi32>
      %lt3A_500 = vector.broadcast %scan3A_277#1 : i32 to vector<16xi32>
      %lt3A_501 = arith.cmpi slt, %add3A_499, %lt3A_500 : vector<16xi32>
      %and3A_502 = arith.andi %ge3A_497, %lt3A_501 : vector<16xi1>
      %ge3A_503 = vector.broadcast %xor3A_288 : i32 to vector<16xi32>
      %ge3A_504 = arith.cmpi sge, %get3A_479, %ge3A_503 : vector<16xi32>
      %and3A_505 = arith.andi %ge3A_504, %and3A_502 : vector<16xi1>
      %not3A_506 = arith.constant dense<true> : vector<16xi1>
      %not3A_507 = arith.xori %ge3A_504, %not3A_506 : vector<16xi1>
      %and3A_508 = arith.andi %not3A_507, %and3A_502 : vector<16xi1>
      %convert_element_type3A_509 = arith.extui %and3A_505 : vector<16xi1> to vector<16xi32>
      %broadcast_in_dim3A_510 = arith.constant true
      %broadcast_in_dim3A_511 = vector.broadcast %broadcast_in_dim3A_510 : i1 to vector<16xi1>
      %masked_cumsum3A_512 = tpu.scan <sum>, %convert_element_type3A_509 masked %broadcast_in_dim3A_511 : vector<16xi32>, vector<16xi1> -> vector<16xi32>
      %sub3A_513 = arith.constant 1 : i32
      %sub3A_514 = vector.broadcast %sub3A_513 : i32 to vector<16xi32>
      %sub3A_515 = arith.subi %masked_cumsum3A_512, %sub3A_514 : vector<16xi32>
      %add3A_516 = arith.addi %add3A_473, %sub3A_515 : vector<16xi32>
      tpu.vector_store_idx %arg7[%add3A_516], %get3A_479 masked %and3A_505 : memref<32832xi32, #tpu.memory_space<vmem>>[vector<16xi32>], vector<16xi32>, vector<16xi1>
      %sub3A_517 = arith.subi %min3A_493, %masked_cumsum3A_512 : vector<16xi32>
      %sub3A_518 = arith.constant 32767 : i32
      %sub3A_519 = vector.broadcast %sub3A_518 : i32 to vector<16xi32>
      %sub3A_520 = arith.subi %sub3A_519, %add3A_475 : vector<16xi32>
      %sub3A_521 = arith.constant 1 : i32
      %sub3A_522 = vector.broadcast %sub3A_521 : i32 to vector<16xi32>
      %sub3A_523 = arith.subi %sub3A_517, %sub3A_522 : vector<16xi32>
      %sub3A_524 = arith.subi %sub3A_520, %sub3A_523 : vector<16xi32>
      tpu.vector_store_idx %arg7[%sub3A_524], %get3A_479 masked %and3A_508 : memref<32832xi32, #tpu.memory_space<vmem>>[vector<16xi32>], vector<16xi32>, vector<16xi1>
      %all_reduce_population_count3A_525 = tpu.all_reduce %and3A_505 {dim = 0 : i64, kind = #tpu.reduction_kind<sum>} : vector<16xi1> -> vector<16xi32>
      %add3A_526 = arith.addi %add3A_473, %all_reduce_population_count3A_525 : vector<16xi32>
      %all_reduce_population_count3A_527 = tpu.all_reduce %and3A_508 {dim = 0 : i64, kind = #tpu.reduction_kind<sum>} : vector<16xi1> -> vector<16xi32>
      %add3A_528 = arith.addi %add3A_475, %all_reduce_population_count3A_527 : vector<16xi32>
      %add3A_529 = arith.constant 48 : i32
      %add3A_530 = arith.addi %add3A_376, %add3A_529 : i32
      %get3A_531 = arith.index_cast %add3A_530 : i32 to index
      %get3A_532 = tpu.vector_load %arg6[%get3A_531] {strides = array<i32>} : memref<32832xi32, #tpu.memory_space<vmem>>, vector<16xi32>,
      %sub3A_533 = arith.subi %scan3A_277#1, %add3A_530 : i32
      %min3A_534 = vector.broadcast %sub3A_533 : i32 to vector<16xi32>
      %min3A_535 = arith.minsi %add3A_282, %min3A_534 : vector<16xi32>
      %sub3A_536 = arith.subi %scan3A_277#0, %add3A_530 : i32
      %max3A_537 = arith.constant 0 : i32
      %max3A_538 = arith.maxsi %sub3A_536, %max3A_537 : i32
      %sub3A_539 = vector.broadcast %max3A_538 : i32 to vector<16xi32>
      %sub3A_540 = arith.subi %min3A_535, %sub3A_539 : vector<16xi32>
      %jit3A_541 = arith.constant 0 : i32
      %jit3A_542 = arith.constant 16 : i32
      %max3A_543 = vector.broadcast %jit3A_541 : i32 to vector<16xi32>
      %max3A_544 = arith.maxsi %max3A_543, %sub3A_540 : vector<16xi32>
      %min3A_545 = vector.broadcast %jit3A_542 : i32 to vector<16xi32>
      %min3A_546 = arith.minsi %min3A_545, %max3A_544 : vector<16xi32>
      %add3A_547 = vector.broadcast %add3A_530 : i32 to vector<16xi32>
      %add3A_548 = arith.addi %add3A_547, %iota3A_279 : vector<16xi32>
      %ge3A_549 = vector.broadcast %scan3A_277#0 : i32 to vector<16xi32>
      %ge3A_550 = arith.cmpi sge, %add3A_548, %ge3A_549 : vector<16xi32>
      %add3A_551 = vector.broadcast %add3A_530 : i32 to vector<16xi32>
      %add3A_552 = arith.addi %add3A_551, %iota3A_279 : vector<16xi32>
      %lt3A_553 = vector.broadcast %scan3A_277#1 : i32 to vector<16xi32>
      %lt3A_554 = arith.cmpi slt, %add3A_552, %lt3A_553 : vector<16xi32>
      %and3A_555 = arith.andi %ge3A_550, %lt3A_554 : vector<16xi1>
      %ge3A_556 = vector.broadcast %xor3A_288 : i32 to vector<16xi32>
      %ge3A_557 = arith.cmpi sge, %get3A_532, %ge3A_556 : vector<16xi32>
      %and3A_558 = arith.andi %ge3A_557, %and3A_555 : vector<16xi1>
      %not3A_559 = arith.constant dense<true> : vector<16xi1>
      %not3A_560 = arith.xori %ge3A_557, %not3A_559 : vector<16xi1>
      %and3A_561 = arith.andi %not3A_560, %and3A_555 : vector<16xi1>
      %convert_element_type3A_562 = arith.extui %and3A_558 : vector<16xi1> to vector<16xi32>
      %broadcast_in_dim3A_563 = arith.constant true
      %broadcast_in_dim3A_564 = vector.broadcast %broadcast_in_dim3A_563 : i1 to vector<16xi1>
      %masked_cumsum3A_565 = tpu.scan <sum>, %convert_element_type3A_562 masked %broadcast_in_dim3A_564 : vector<16xi32>, vector<16xi1> -> vector<16xi32>
      %sub3A_566 = arith.constant 1 : i32
      %sub3A_567 = vector.broadcast %sub3A_566 : i32 to vector<16xi32>
      %sub3A_568 = arith.subi %masked_cumsum3A_565, %sub3A_567 : vector<16xi32>
      %add3A_569 = arith.addi %add3A_526, %sub3A_568 : vector<16xi32>
      tpu.vector_store_idx %arg7[%add3A_569], %get3A_532 masked %and3A_558 : memref<32832xi32, #tpu.memory_space<vmem>>[vector<16xi32>], vector<16xi32>, vector<16xi1>
      %sub3A_570 = arith.subi %min3A_546, %masked_cumsum3A_565 : vector<16xi32>
      %sub3A_571 = arith.constant 32767 : i32
      %sub3A_572 = vector.broadcast %sub3A_571 : i32 to vector<16xi32>
      %sub3A_573 = arith.subi %sub3A_572, %add3A_528 : vector<16xi32>
      %sub3A_574 = arith.constant 1 : i32
      %sub3A_575 = vector.broadcast %sub3A_574 : i32 to vector<16xi32>
      %sub3A_576 = arith.subi %sub3A_570, %sub3A_575 : vector<16xi32>
      %sub3A_577 = arith.subi %sub3A_573, %sub3A_576 : vector<16xi32>
      tpu.vector_store_idx %arg7[%sub3A_577], %get3A_532 masked %and3A_561 : memref<32832xi32, #tpu.memory_space<vmem>>[vector<16xi32>], vector<16xi32>, vector<16xi1>
      %all_reduce_population_count3A_578 = tpu.all_reduce %and3A_558 {dim = 0 : i64, kind = #tpu.reduction_kind<sum>} : vector<16xi1> -> vector<16xi32>
      %add3A_579 = arith.addi %add3A_526, %all_reduce_population_count3A_578 : vector<16xi32>
      %all_reduce_population_count3A_580 = tpu.all_reduce %and3A_561 {dim = 0 : i64, kind = #tpu.reduction_kind<sum>} : vector<16xi1> -> vector<16xi32>
      %add3A_581 = arith.addi %add3A_528, %all_reduce_population_count3A_580 : vector<16xi32>
      scf.yield %add3A_579, %add3A_581 : vector<16xi32>, vector<16xi32>
    }
    %while3A_331 = arith.constant 1 : i32
    %while3A_332:2 = scf.for %while3A_371 = %while3A_328 to %while3A_324 step %while3A_331 iter_args(%while3A_372 = %while3A_330#0, %while3A_373 = %while3A_330#1) -> (vector<16xi32>, vector<16xi32>)  : i32 {
      %mul3A_374 = arith.constant 64 : i32
      %mul3A_375 = arith.muli %while3A_371, %mul3A_374 : i32
      %add3A_376 = arith.addi %and3A_292, %mul3A_375 : i32
      %add3A_377 = arith.constant 0 : i32
      %add3A_378 = arith.addi %add3A_376, %add3A_377 : i32
      %get3A = arith.index_cast %add3A_378 : i32 to index
      %get3A_379 = tpu.vector_load %arg6[%get3A] {strides = array<i32>} : memref<32832xi32, #tpu.memory_space<vmem>>, vector<16xi32>,
      %sub3A_380 = arith.subi %scan3A_277#1, %add3A_378 : i32
      %min3A = vector.broadcast %sub3A_380 : i32 to vector<16xi32>
      %min3A_381 = arith.minsi %add3A_282, %min3A : vector<16xi32>
      %sub3A_382 = arith.subi %scan3A_277#0, %add3A_378 : i32
      %max3A = arith.constant 0 : i32
      %max3A_383 = arith.maxsi %sub3A_382, %max3A : i32
      %sub3A_384 = vector.broadcast %max3A_383 : i32 to vector<16xi32>
      %sub3A_385 = arith.subi %min3A_381, %sub3A_384 : vector<16xi32>
      %jit3A_386 = arith.constant 0 : i32
      %jit3A_387 = arith.constant 16 : i32
      %max3A_388 = vector.broadcast %jit3A_386 : i32 to vector<16xi32>
      %max3A_389 = arith.maxsi %max3A_388, %sub3A_385 : vector<16xi32>
      %min3A_390 = vector.broadcast %jit3A_387 : i32 to vector<16xi32>
      %min3A_391 = arith.minsi %min3A_390, %max3A_389 : vector<16xi32>
      %add3A_392 = vector.broadcast %add3A_378 : i32 to vector<16xi32>
      %add3A_393 = arith.addi %add3A_392, %iota3A_279 : vector<16xi32>
      %ge3A_394 = vector.broadcast %scan3A_277#0 : i32 to vector<16xi32>
      %ge3A_395 = arith.cmpi sge, %add3A_393, %ge3A_394 : vector<16xi32>
      %add3A_396 = vector.broadcast %add3A_378 : i32 to vector<16xi32>
      %add3A_397 = arith.addi %add3A_396, %iota3A_279 : vector<16xi32>
      %lt3A = vector.broadcast %scan3A_277#1 : i32 to vector<16xi32>
      %lt3A_398 = arith.cmpi slt, %add3A_397, %lt3A : vector<16xi32>
      %and3A_399 = arith.andi %ge3A_395, %lt3A_398 : vector<16xi1>
      %ge3A_400 = vector.broadcast %xor3A_288 : i32 to vector<16xi32>
      %ge3A_401 = arith.cmpi sge, %get3A_379, %ge3A_400 : vector<16xi32>
      %and3A_402 = arith.andi %ge3A_401, %and3A_399 : vector<16xi1>
      %not3A_403 = arith.constant dense<true> : vector<16xi1>
      %not3A_404 = arith.xori %ge3A_401, %not3A_403 : vector<16xi1>
      %and3A_405 = arith.andi %not3A_404, %and3A_399 : vector<16xi1>
      %convert_element_type3A = arith.extui %and3A_402 : vector<16xi1> to vector<16xi32>
      %broadcast_in_dim3A_406 = arith.constant true
      %broadcast_in_dim3A_407 = vector.broadcast %broadcast_in_dim3A_406 : i1 to vector<16xi1>
      %masked_cumsum3A = tpu.scan <sum>, %convert_element_type3A masked %broadcast_in_dim3A_407 : vector<16xi32>, vector<16xi1> -> vector<16xi32>
      %sub3A_408 = arith.constant 1 : i32
      %sub3A_409 = vector.broadcast %sub3A_408 : i32 to vector<16xi32>
      %sub3A_410 = arith.subi %masked_cumsum3A, %sub3A_409 : vector<16xi32>
      %add3A_411 = arith.addi %while3A_372, %sub3A_410 : vector<16xi32>
      tpu.vector_store_idx %arg7[%add3A_411], %get3A_379 masked %and3A_402 : memref<32832xi32, #tpu.memory_space<vmem>>[vector<16xi32>], vector<16xi32>, vector<16xi1>
      %sub3A_412 = arith.subi %min3A_391, %masked_cumsum3A : vector<16xi32>
      %sub3A_413 = arith.constant 32767 : i32
      %sub3A_414 = vector.broadcast %sub3A_413 : i32 to vector<16xi32>
      %sub3A_415 = arith.subi %sub3A_414, %while3A_373 : vector<16xi32>
      %sub3A_416 = arith.constant 1 : i32
      %sub3A_417 = vector.broadcast %sub3A_416 : i32 to vector<16xi32>
      %sub3A_418 = arith.subi %sub3A_412, %sub3A_417 : vector<16xi32>
      %sub3A_419 = arith.subi %sub3A_415, %sub3A_418 : vector<16xi32>
      tpu.vector_store_idx %arg7[%sub3A_419], %get3A_379 masked %and3A_405 : memref<32832xi32, #tpu.memory_space<vmem>>[vector<16xi32>], vector<16xi32>, vector<16xi1>
      %all_reduce_population_count3A = tpu.all_reduce %and3A_402 {dim = 0 : i64, kind = #tpu.reduction_kind<sum>} : vector<16xi1> -> vector<16xi32>
      %add3A_420 = arith.addi %while3A_372, %all_reduce_population_count3A : vector<16xi32>
      %all_reduce_population_count3A_421 = tpu.all_reduce %and3A_405 {dim = 0 : i64, kind = #tpu.reduction_kind<sum>} : vector<16xi1> -> vector<16xi32>
      %add3A_422 = arith.addi %while3A_373, %all_reduce_population_count3A_421 : vector<16xi32>
      %add3A_423 = arith.constant 16 : i32
      %add3A_424 = arith.addi %add3A_376, %add3A_423 : i32
      %get3A_425 = arith.index_cast %add3A_424 : i32 to index
      %get3A_426 = tpu.vector_load %arg6[%get3A_425] {strides = array<i32>} : memref<32832xi32, #tpu.memory_space<vmem>>, vector<16xi32>,
      %sub3A_427 = arith.subi %scan3A_277#1, %add3A_424 : i32
      %min3A_428 = vector.broadcast %sub3A_427 : i32 to vector<16xi32>
      %min3A_429 = arith.minsi %add3A_282, %min3A_428 : vector<16xi32>
      %sub3A_430 = arith.subi %scan3A_277#0, %add3A_424 : i32
      %max3A_431 = arith.constant 0 : i32
      %max3A_432 = arith.maxsi %sub3A_430, %max3A_431 : i32
      %sub3A_433 = vector.broadcast %max3A_432 : i32 to vector<16xi32>
      %sub3A_434 = arith.subi %min3A_429, %sub3A_433 : vector<16xi32>
      %jit3A_435 = arith.constant 0 : i32
      %jit3A_436 = arith.constant 16 : i32
      %max3A_437 = vector.broadcast %jit3A_435 : i32 to vector<16xi32>
      %max3A_438 = arith.maxsi %max3A_437, %sub3A_434 : vector<16xi32>
      %min3A_439 = vector.broadcast %jit3A_436 : i32 to vector<16xi32>
      %min3A_440 = arith.minsi %min3A_439, %max3A_438 : vector<16xi32>
      %add3A_441 = vector.broadcast %add3A_424 : i32 to vector<16xi32>
      %add3A_442 = arith.addi %add3A_441, %iota3A_279 : vector<16xi32>
      %ge3A_443 = vector.broadcast %scan3A_277#0 : i32 to vector<16xi32>
      %ge3A_444 = arith.cmpi sge, %add3A_442, %ge3A_443 : vector<16xi32>
      %add3A_445 = vector.broadcast %add3A_424 : i32 to vector<16xi32>
      %add3A_446 = arith.addi %add3A_445, %iota3A_279 : vector<16xi32>
      %lt3A_447 = vector.broadcast %scan3A_277#1 : i32 to vector<16xi32>
      %lt3A_448 = arith.cmpi slt, %add3A_446, %lt3A_447 : vector<16xi32>
      %and3A_449 = arith.andi %ge3A_444, %lt3A_448 : vector<16xi1>
      %ge3A_450 = vector.broadcast %xor3A_288 : i32 to vector<16xi32>
      %ge3A_451 = arith.cmpi sge, %get3A_426, %ge3A_450 : vector<16xi32>
      %and3A_452 = arith.andi %ge3A_451, %and3A_449 : vector<16xi1>
      %not3A_453 = arith.constant dense<true> : vector<16xi1>
      %not3A_454 = arith.xori %ge3A_451, %not3A_453 : vector<16xi1>
      %and3A_455 = arith.andi %not3A_454, %and3A_449 : vector<16xi1>
      %convert_element_type3A_456 = arith.extui %and3A_452 : vector<16xi1> to vector<16xi32>
      %broadcast_in_dim3A_457 = arith.constant true
      %broadcast_in_dim3A_458 = vector.broadcast %broadcast_in_dim3A_457 : i1 to vector<16xi1>
      %masked_cumsum3A_459 = tpu.scan <sum>, %convert_element_type3A_456 masked %broadcast_in_dim3A_458 : vector<16xi32>, vector<16xi1> -> vector<16xi32>
      %sub3A_460 = arith.constant 1 : i32
      %sub3A_461 = vector.broadcast %sub3A_460 : i32 to vector<16xi32>
      %sub3A_462 = arith.subi %masked_cumsum3A_459, %sub3A_461 : vector<16xi32>
      %add3A_463 = arith.addi %add3A_420, %sub3A_462 : vector<16xi32>
      tpu.vector_store_idx %arg7[%add3A_463], %get3A_426 masked %and3A_452 : memref<32832xi32, #tpu.memory_space<vmem>>[vector<16xi32>], vector<16xi32>, vector<16xi1>
      %sub3A_464 = arith.subi %min3A_440, %masked_cumsum3A_459 : vector<16xi32>
      %sub3A_465 = arith.constant 32767 : i32
      %sub3A_466 = vector.broadcast %sub3A_465 : i32 to vector<16xi32>
      %sub3A_467 = arith.subi %sub3A_466, %add3A_422 : vector<16xi32>
      %sub3A_468 = arith.constant 1 : i32
      %sub3A_469 = vector.broadcast %sub3A_468 : i32 to vector<16xi32>
      %sub3A_470 = arith.subi %sub3A_464, %sub3A_469 : vector<16xi32>
      %sub3A_471 = arith.subi %sub3A_467, %sub3A_470 : vector<16xi32>
      tpu.vector_store_idx %arg7[%sub3A_471], %get3A_426 masked %and3A_455 : memref<32832xi32, #tpu.memory_space<vmem>>[vector<16xi32>], vector<16xi32>, vector<16xi1>
      %all_reduce_population_count3A_472 = tpu.all_reduce %and3A_452 {dim = 0 : i64, kind = #tpu.reduction_kind<sum>} : vector<16xi1> -> vector<16xi32>
      %add3A_473 = arith.addi %add3A_420, %all_reduce_population_count3A_472 : vector<16xi32>
      %all_reduce_population_count3A_474 = tpu.all_reduce %and3A_455 {dim = 0 : i64, kind = #tpu.reduction_kind<sum>} : vector<16xi1> -> vector<16xi32>
      %add3A_475 = arith.addi %add3A_422, %all_reduce_population_count3A_474 : vector<16xi32>
      %add3A_476 = arith.constant 32 : i32
      %add3A_477 = arith.addi %add3A_376, %add3A_476 : i32
      %get3A_478 = arith.index_cast %add3A_477 : i32 to index
      %get3A_479 = tpu.vector_load %arg6[%get3A_478] {strides = array<i32>} : memref<32832xi32, #tpu.memory_space<vmem>>, vector<16xi32>,
      %sub3A_480 = arith.subi %scan3A_277#1, %add3A_477 : i32
      %min3A_481 = vector.broadcast %sub3A_480 : i32 to vector<16xi32>
      %min3A_482 = arith.minsi %add3A_282, %min3A_481 : vector<16xi32>
      %sub3A_483 = arith.subi %scan3A_277#0, %add3A_477 : i32
      %max3A_484 = arith.constant 0 : i32
      %max3A_485 = arith.maxsi %sub3A_483, %max3A_484 : i32
      %sub3A_486 = vector.broadcast %max3A_485 : i32 to vector<16xi32>
      %sub3A_487 = arith.subi %min3A_482, %sub3A_486 : vector<16xi32>
      %jit3A_488 = arith.constant 0 : i32
      %jit3A_489 = arith.constant 16 : i32
      %max3A_490 = vector.broadcast %jit3A_488 : i32 to vector<16xi32>
      %max3A_491 = arith.maxsi %max3A_490, %sub3A_487 : vector<16xi32>
      %min3A_492 = vector.broadcast %jit3A_489 : i32 to vector<16xi32>
      %min3A_493 = arith.minsi %min3A_492, %max3A_491 : vector<16xi32>
      %add3A_494 = vector.broadcast %add3A_477 : i32 to vector<16xi32>
      %add3A_495 = arith.addi %add3A_494, %iota3A_279 : vector<16xi32>
      %ge3A_496 = vector.broadcast %scan3A_277#0 : i32 to vector<16xi32>
      %ge3A_497 = arith.cmpi sge, %add3A_495, %ge3A_496 : vector<16xi32>
      %add3A_498 = vector.broadcast %add3A_477 : i32 to vector<16xi32>
      %add3A_499 = arith.addi %add3A_498, %iota3A_279 : vector<16xi32>
      %lt3A_500 = vector.broadcast %scan3A_277#1 : i32 to vector<16xi32>
      %lt3A_501 = arith.cmpi slt, %add3A_499, %lt3A_500 : vector<16xi32>
      %and3A_502 = arith.andi %ge3A_497, %lt3A_501 : vector<16xi1>
      %ge3A_503 = vector.broadcast %xor3A_288 : i32 to vector<16xi32>
      %ge3A_504 = arith.cmpi sge, %get3A_479, %ge3A_503 : vector<16xi32>
      %and3A_505 = arith.andi %ge3A_504, %and3A_502 : vector<16xi1>
      %not3A_506 = arith.constant dense<true> : vector<16xi1>
      %not3A_507 = arith.xori %ge3A_504, %not3A_506 : vector<16xi1>
      %and3A_508 = arith.andi %not3A_507, %and3A_502 : vector<16xi1>
      %convert_element_type3A_509 = arith.extui %and3A_505 : vector<16xi1> to vector<16xi32>
      %broadcast_in_dim3A_510 = arith.constant true
      %broadcast_in_dim3A_511 = vector.broadcast %broadcast_in_dim3A_510 : i1 to vector<16xi1>
      %masked_cumsum3A_512 = tpu.scan <sum>, %convert_element_type3A_509 masked %broadcast_in_dim3A_511 : vector<16xi32>, vector<16xi1> -> vector<16xi32>
      %sub3A_513 = arith.constant 1 : i32
      %sub3A_514 = vector.broadcast %sub3A_513 : i32 to vector<16xi32>
      %sub3A_515 = arith.subi %masked_cumsum3A_512, %sub3A_514 : vector<16xi32>
      %add3A_516 = arith.addi %add3A_473, %sub3A_515 : vector<16xi32>
      tpu.vector_store_idx %arg7[%add3A_516], %get3A_479 masked %and3A_505 : memref<32832xi32, #tpu.memory_space<vmem>>[vector<16xi32>], vector<16xi32>, vector<16xi1>
      %sub3A_517 = arith.subi %min3A_493, %masked_cumsum3A_512 : vector<16xi32>
      %sub3A_518 = arith.constant 32767 : i32
      %sub3A_519 = vector.broadcast %sub3A_518 : i32 to vector<16xi32>
      %sub3A_520 = arith.subi %sub3A_519, %add3A_475 : vector<16xi32>
      %sub3A_521 = arith.constant 1 : i32
      %sub3A_522 = vector.broadcast %sub3A_521 : i32 to vector<16xi32>
      %sub3A_523 = arith.subi %sub3A_517, %sub3A_522 : vector<16xi32>
      %sub3A_524 = arith.subi %sub3A_520, %sub3A_523 : vector<16xi32>
      tpu.vector_store_idx %arg7[%sub3A_524], %get3A_479 masked %and3A_508 : memref<32832xi32, #tpu.memory_space<vmem>>[vector<16xi32>], vector<16xi32>, vector<16xi1>
      %all_reduce_population_count3A_525 = tpu.all_reduce %and3A_505 {dim = 0 : i64, kind = #tpu.reduction_kind<sum>} : vector<16xi1> -> vector<16xi32>
      %add3A_526 = arith.addi %add3A_473, %all_reduce_population_count3A_525 : vector<16xi32>
      %all_reduce_population_count3A_527 = tpu.all_reduce %and3A_508 {dim = 0 : i64, kind = #tpu.reduction_kind<sum>} : vector<16xi1> -> vector<16xi32>
      %add3A_528 = arith.addi %add3A_475, %all_reduce_population_count3A_527 : vector<16xi32>
      %add3A_529 = arith.constant 48 : i32
      %add3A_530 = arith.addi %add3A_376, %add3A_529 : i32
      %get3A_531 = arith.index_cast %add3A_530 : i32 to index
      %get3A_532 = tpu.vector_load %arg6[%get3A_531] {strides = array<i32>} : memref<32832xi32, #tpu.memory_space<vmem>>, vector<16xi32>,
      %sub3A_533 = arith.subi %scan3A_277#1, %add3A_530 : i32
      %min3A_534 = vector.broadcast %sub3A_533 : i32 to vector<16xi32>
      %min3A_535 = arith.minsi %add3A_282, %min3A_534 : vector<16xi32>
      %sub3A_536 = arith.subi %scan3A_277#0, %add3A_530 : i32
      %max3A_537 = arith.constant 0 : i32
      %max3A_538 = arith.maxsi %sub3A_536, %max3A_537 : i32
      %sub3A_539 = vector.broadcast %max3A_538 : i32 to vector<16xi32>
      %sub3A_540 = arith.subi %min3A_535, %sub3A_539 : vector<16xi32>
      %jit3A_541 = arith.constant 0 : i32
      %jit3A_542 = arith.constant 16 : i32
      %max3A_543 = vector.broadcast %jit3A_541 : i32 to vector<16xi32>
      %max3A_544 = arith.maxsi %max3A_543, %sub3A_540 : vector<16xi32>
      %min3A_545 = vector.broadcast %jit3A_542 : i32 to vector<16xi32>
      %min3A_546 = arith.minsi %min3A_545, %max3A_544 : vector<16xi32>
      %add3A_547 = vector.broadcast %add3A_530 : i32 to vector<16xi32>
      %add3A_548 = arith.addi %add3A_547, %iota3A_279 : vector<16xi32>
      %ge3A_549 = vector.broadcast %scan3A_277#0 : i32 to vector<16xi32>
      %ge3A_550 = arith.cmpi sge, %add3A_548, %ge3A_549 : vector<16xi32>
      %add3A_551 = vector.broadcast %add3A_530 : i32 to vector<16xi32>
      %add3A_552 = arith.addi %add3A_551, %iota3A_279 : vector<16xi32>
      %lt3A_553 = vector.broadcast %scan3A_277#1 : i32 to vector<16xi32>
      %lt3A_554 = arith.cmpi slt, %add3A_552, %lt3A_553 : vector<16xi32>
      %and3A_555 = arith.andi %ge3A_550, %lt3A_554 : vector<16xi1>
      %ge3A_556 = vector.broadcast %xor3A_288 : i32 to vector<16xi32>
      %ge3A_557 = arith.cmpi sge, %get3A_532, %ge3A_556 : vector<16xi32>
      %and3A_558 = arith.andi %ge3A_557, %and3A_555 : vector<16xi1>
      %not3A_559 = arith.constant dense<true> : vector<16xi1>
      %not3A_560 = arith.xori %ge3A_557, %not3A_559 : vector<16xi1>
      %and3A_561 = arith.andi %not3A_560, %and3A_555 : vector<16xi1>
      %convert_element_type3A_562 = arith.extui %and3A_558 : vector<16xi1> to vector<16xi32>
      %broadcast_in_dim3A_563 = arith.constant true
      %broadcast_in_dim3A_564 = vector.broadcast %broadcast_in_dim3A_563 : i1 to vector<16xi1>
      %masked_cumsum3A_565 = tpu.scan <sum>, %convert_element_type3A_562 masked %broadcast_in_dim3A_564 : vector<16xi32>, vector<16xi1> -> vector<16xi32>
      %sub3A_566 = arith.constant 1 : i32
      %sub3A_567 = vector.broadcast %sub3A_566 : i32 to vector<16xi32>
      %sub3A_568 = arith.subi %masked_cumsum3A_565, %sub3A_567 : vector<16xi32>
      %add3A_569 = arith.addi %add3A_526, %sub3A_568 : vector<16xi32>
      tpu.vector_store_idx %arg7[%add3A_569], %get3A_532 masked %and3A_558 : memref<32832xi32, #tpu.memory_space<vmem>>[vector<16xi32>], vector<16xi32>, vector<16xi1>
      %sub3A_570 = arith.subi %min3A_546, %masked_cumsum3A_565 : vector<16xi32>
      %sub3A_571 = arith.constant 32767 : i32
      %sub3A_572 = vector.broadcast %sub3A_571 : i32 to vector<16xi32>
      %sub3A_573 = arith.subi %sub3A_572, %add3A_528 : vector<16xi32>
      %sub3A_574 = arith.constant 1 : i32
      %sub3A_575 = vector.broadcast %sub3A_574 : i32 to vector<16xi32>
      %sub3A_576 = arith.subi %sub3A_570, %sub3A_575 : vector<16xi32>
      %sub3A_577 = arith.subi %sub3A_573, %sub3A_576 : vector<16xi32>
      tpu.vector_store_idx %arg7[%sub3A_577], %get3A_532 masked %and3A_561 : memref<32832xi32, #tpu.memory_space<vmem>>[vector<16xi32>], vector<16xi32>, vector<16xi1>
      %all_reduce_population_count3A_578 = tpu.all_reduce %and3A_558 {dim = 0 : i64, kind = #tpu.reduction_kind<sum>} : vector<16xi1> -> vector<16xi32>
      %add3A_579 = arith.addi %add3A_526, %all_reduce_population_count3A_578 : vector<16xi32>
      %all_reduce_population_count3A_580 = tpu.all_reduce %and3A_561 {dim = 0 : i64, kind = #tpu.reduction_kind<sum>} : vector<16xi1> -> vector<16xi32>
      %add3A_581 = arith.addi %add3A_528, %all_reduce_population_count3A_580 : vector<16xi32>
      scf.yield %add3A_579, %add3A_581 : vector<16xi32>, vector<16xi32>
    }
    %reduce_max3A_333 = arith.constant true
    %reduce_max3A_334 = vector.broadcast %reduce_max3A_333 : i1 to vector<16xi1>
    %reduce_max3A_335 = arith.constant -2147483648 : i32
    %reduce_max3A_336 = vector.broadcast %reduce_max3A_335 : i32 to vector<16xi32>
    %reduce_max3A_337 = arith.xori %while3A_332#0, %reduce_max3A_336 : vector<16xi32>
    %reduce_max3A_338 = tpu.scan <max>, %reduce_max3A_337 masked %reduce_max3A_334 : vector<16xi32>, vector<16xi1> -> vector<16xi32>
    %reduce_max3A_339 = arith.xori %reduce_max3A_338, %reduce_max3A_336 : vector<16xi32>
    %reduce_max3A_340 = vector.extract %reduce_max3A_339[15] : i32 from vector<16xi32>
    %reduce_max3A_341 = arith.constant true
    %reduce_max3A_342 = vector.broadcast %reduce_max3A_341 : i1 to vector<16xi1>
    %reduce_max3A_343 = arith.constant -2147483648 : i32
    %reduce_max3A_344 = vector.broadcast %reduce_max3A_343 : i32 to vector<16xi32>
    %reduce_max3A_345 = arith.xori %while3A_332#1, %reduce_max3A_344 : vector<16xi32>
    %reduce_max3A_346 = tpu.scan <max>, %reduce_max3A_345 masked %reduce_max3A_342 : vector<16xi32>, vector<16xi1> -> vector<16xi32>
    %reduce_max3A_347 = arith.xori %reduce_max3A_346, %reduce_max3A_344 : vector<16xi32>
    %reduce_max3A_348 = vector.extract %reduce_max3A_347[15] : i32 from vector<16xi32>
    %add3A_349 = arith.addi %scan3A_277#3, %reduce_max3A_340 : i32
    %ge3A_350 = arith.constant 2048 : i32
    %ge3A_351 = arith.cmpi sge, %add3A_349, %ge3A_350 : i32
    %select_n3A_352 = arith.select %ge3A_351, %or3A_286, %scan3A_277#2 : i32
    %add3A_353 = arith.addi %scan3A_277#3, %reduce_max3A_340 : i32
    %select_n3A_354 = arith.select %ge3A_351, %scan3A_277#3, %add3A_353 : i32
    %sub3A_355 = arith.constant 32768 : i32
    %sub3A_356 = arith.subi %sub3A_355, %reduce_max3A_348 : i32
    %jit3A_357 = arith.constant 0 : i32
    %select_n3A_358 = arith.select %ge3A_351, %jit3A_357, %sub3A_356 : i32
    %jit3A_359 = arith.constant 32768 : i32
    %select_n3A_360 = arith.select %ge3A_351, %reduce_max3A_340, %jit3A_359 : i32
    %xor3A_361 = arith.constant -2147483648 : i32
    %xor3A_362 = arith.xori %select_n3A_352, %xor3A_361 : i32
    %eq3A_363 = vector.broadcast %scan3A_178 : i32 to vector<16xi32>
    %eq3A_364 = arith.cmpi eq, %iota3A, %eq3A_363 : vector<16xi32>
    %broadcast_in_dim3A_365 = vector.broadcast %xor3A_362 : i32 to vector<16xi32>
    %select_n3A_366 = arith.select %eq3A_364, %broadcast_in_dim3A_365, %broadcast_in_dim3A_177 : vector<16xi1>, vector<16xi32>
    %scan3A_367 = arith.constant 1 : i32
    %swap3A_368 = arith.constant 0 : index
    %swap3A_369 = tpu.vector_load %arg8[%swap3A_368] {strides = array<i32>} : memref<16xi32, #tpu.memory_space<vmem>>, vector<16xi32>,
    tpu.vector_store %arg8[%swap3A_368], %select_n3A_366 {strides = array<i32>} : memref<16xi32, #tpu.memory_space<vmem>>, vector<16xi32>,
    %run_scoped3A_370 = arith.constant 1 : i32
    "tpu.region"() ({
      %run_scoped3A_371 = tpu.sem_alloc : memref<!tpu.dma_semaphore, #tpu.memory_space<semaphore_mem>>
      %dma_start3A = arith.constant 0 : i32
      %dma_start3A_372 = tpu.memref_slice %arg4[%run_scoped3A_370, %add3A, %dma_start3A] : memref<2x32x16xi32, #tpu.memory_space<hbm>> -> memref<1x1x16xi32, #tpu.memory_space<hbm>>
      %dma_start3A_373 = tpu.memref_squeeze %dma_start3A_372 : memref<1x1x16xi32, #tpu.memory_space<hbm>> -> memref<16xi32, #tpu.memory_space<hbm>>
      %dma_start3A_374 = arith.constant 0 : i32
      %dma_start3A_375 = tpu.memref_slice %arg4[%run_scoped3A_370, %add3A, %dma_start3A_374] : memref<2x32x16xi32, #tpu.memory_space<hbm>> -> memref<1x1x16xi32, #tpu.memory_space<hbm>>
      %dma_start3A_376 = tpu.memref_squeeze %dma_start3A_375 : memref<1x1x16xi32, #tpu.memory_space<hbm>> -> memref<16xi32, #tpu.memory_space<hbm>>
      tpu.enqueue_dma source(%arg8 : memref<16xi32, #tpu.memory_space<vmem>>) target(%dma_start3A_376 : memref<16xi32, #tpu.memory_space<hbm>>) target_semaphore(%run_scoped3A_371 : memref<!tpu.dma_semaphore, #tpu.memory_space<semaphore_mem>>)
      %dma_wait3A = arith.constant 0 : i32
      %dma_wait3A_377 = tpu.memref_slice %arg4[%run_scoped3A_370, %add3A, %dma_wait3A] : memref<2x32x16xi32, #tpu.memory_space<hbm>> -> memref<1x1x16xi32, #tpu.memory_space<hbm>>
      %dma_wait3A_378 = tpu.memref_squeeze %dma_wait3A_377 : memref<1x1x16xi32, #tpu.memory_space<hbm>> -> memref<16xi32, #tpu.memory_space<hbm>>
      %dma_wait3A_379 = arith.constant 0 : i32
      %dma_wait3A_380 = tpu.memref_slice %arg4[%run_scoped3A_370, %add3A, %dma_wait3A_379] : memref<2x32x16xi32, #tpu.memory_space<hbm>> -> memref<1x1x16xi32, #tpu.memory_space<hbm>>
      %dma_wait3A_381 = tpu.memref_squeeze %dma_wait3A_380 : memref<1x1x16xi32, #tpu.memory_space<hbm>> -> memref<16xi32, #tpu.memory_space<hbm>>
      tpu.wait_dma2 semaphore(%run_scoped3A_371 : memref<!tpu.dma_semaphore, #tpu.memory_space<semaphore_mem>>) src(%arg8 : memref<16xi32, #tpu.memory_space<vmem>>) dst(%dma_wait3A_381 : memref<16xi32, #tpu.memory_space<hbm>>)
      tpu.yield
    }) : () -> ()
    return
  }
}

module attributes {stable_mosaic.version = 14 : i64} {
  func.func @_tc_main_body(%arg0: i32, %arg1: memref<32x32768xf32, #tpu.memory_space<vmem>>, %arg2: memref<32x32768xf32, #tpu.memory_space<vmem>>, %arg3: memref<32x1xf32, #tpu.memory_space<vmem>>, %arg4: memref<32x1xf32, #tpu.memory_space<vmem>>, %arg5: memref<32x1xf32, #tpu.memory_space<vmem>>, %arg6: memref<32x1xf32, #tpu.memory_space<vmem>>, %arg7: memref<32x1xf32, #tpu.memory_space<vmem>>, %arg8: memref<32x1xf32, #tpu.memory_space<vmem>>, %arg9: memref<32x1xf32, #tpu.memory_space<vmem>>) attributes {dimension_semantics = [#tpu.dimension_semantics<arbitrary>], iteration_bounds = array<i64: 3>, scalar_prefetch = 0 : i64, scratch_operands = 0 : i64, tpu.core_type = #tpu.core_type<tc>, window_params = [{transform_indices = @transform_0, window_bounds = array<i64: 32, 32768>}, {transform_indices = @transform_1, window_bounds = array<i64: 32, 32768>}, {transform_indices = @transform_2, window_bounds = array<i64: 32, 1>}, {transform_indices = @transform_3, window_bounds = array<i64: 32, 1>}, {transform_indices = @transform_4, window_bounds = array<i64: 32, 1>}, {transform_indices = @transform_5, window_bounds = array<i64: 32, 1>}, {transform_indices = @transform_6, window_bounds = array<i64: 32, 1>}, {transform_indices = @transform_7, window_bounds = array<i64: 32, 1>}, {transform_indices = @transform_8, window_bounds = array<i64: 32, 1>}]} {
    %get3A = arith.constant 0 : index
    %get3A_0 = arith.constant 0 : index
    %get3A_1 = vector.load %arg1[%get3A, %get3A_0] : memref<32x32768xf32, #tpu.memory_space<vmem>>, vector<32x32768xf32>
    %get3A_2 = arith.constant 0 : index
    %get3A_3 = arith.constant 0 : index
    %get3A_4 = vector.load %arg2[%get3A_2, %get3A_3] : memref<32x32768xf32, #tpu.memory_space<vmem>>, vector<32x32768xf32>
    %logistic3A = arith.negf %get3A_1 : vector<32x32768xf32>
    %logistic3A_5 = math.exp %logistic3A : vector<32x32768xf32>
    %logistic3A_6 = arith.constant 1.000000e+00 : f32
    %logistic3A_7 = vector.broadcast %logistic3A_6 : f32 to vector<32x32768xf32>
    %logistic3A_8 = arith.addf %logistic3A_7, %logistic3A_5 : vector<32x32768xf32>
    %logistic3A_9 = arith.divf %logistic3A_7, %logistic3A_8 : vector<32x32768xf32>
    %min3A = arith.constant 0.000000e+00 : f32
    %min3A_10 = vector.broadcast %min3A : f32 to vector<32x32768xf32>
    %min3A_11 = arith.minimumf %get3A_4, %min3A_10 : vector<32x32768xf32>
    %abs3A = math.absf %get3A_4 : vector<32x32768xf32>
    %neg3A = arith.constant 0.000000e+00 : f32
    %neg3A_12 = vector.broadcast %neg3A : f32 to vector<32x32768xf32>
    %neg3A_13 = arith.subf %neg3A_12, %abs3A : vector<32x32768xf32>
    %exp3A = math.exp %neg3A_13 : vector<32x32768xf32>
    %log1p3A = math.log1p %exp3A : vector<32x32768xf32>
    %sub3A = arith.subf %min3A_11, %log1p3A : vector<32x32768xf32>
    %mul3A = arith.mulf %logistic3A_9, %sub3A : vector<32x32768xf32>
    %reduce_sum3A = arith.constant dense<0.000000e+00> : vector<32xf32>
    %reduce_sum3A_14 = vector.multi_reduction <add>, %mul3A, %reduce_sum3A [1] : vector<32x32768xf32> to vector<32xf32>
    %broadcast_in_dim3A = vector.shape_cast %reduce_sum3A_14 : vector<32xf32> to vector<32x1xf32>
    %swap3A = arith.constant 0 : index
    %swap3A_15 = arith.constant 0 : index
    %swap3A_16 = vector.load %arg3[%swap3A, %swap3A_15] : memref<32x1xf32, #tpu.memory_space<vmem>>, vector<32x1xf32>
    tpu.vector_store %arg3[%swap3A, %swap3A_15], %broadcast_in_dim3A {strides = array<i32>} : memref<32x1xf32, #tpu.memory_space<vmem>>, vector<32x1xf32>,
    %bitcast_convert_type3A = tpu.bitcast %get3A_1 : vector<32x32768xf32> -> vector<32x32768xi32>
    %shift_right_arithmetic3A = arith.constant 31 : i32
    %shift_right_arithmetic3A_17 = vector.broadcast %shift_right_arithmetic3A : i32 to vector<32x32768xi32>
    %shift_right_arithmetic3A_18 = arith.shrsi %bitcast_convert_type3A, %shift_right_arithmetic3A_17 : vector<32x32768xi32>
    %and3A = arith.constant 2147483647 : i32
    %and3A_19 = vector.broadcast %and3A : i32 to vector<32x32768xi32>
    %and3A_20 = arith.andi %shift_right_arithmetic3A_18, %and3A_19 : vector<32x32768xi32>
    %xor3A = arith.xori %bitcast_convert_type3A, %and3A_20 : vector<32x32768xi32>
    %bitcast_convert_type3A_21 = tpu.bitcast %get3A_4 : vector<32x32768xf32> -> vector<32x32768xi32>
    %shift_right_arithmetic3A_22 = arith.constant 31 : i32
    %shift_right_arithmetic3A_23 = vector.broadcast %shift_right_arithmetic3A_22 : i32 to vector<32x32768xi32>
    %shift_right_arithmetic3A_24 = arith.shrsi %bitcast_convert_type3A_21, %shift_right_arithmetic3A_23 : vector<32x32768xi32>
    %and3A_25 = arith.constant 2147483647 : i32
    %and3A_26 = vector.broadcast %and3A_25 : i32 to vector<32x32768xi32>
    %and3A_27 = arith.andi %shift_right_arithmetic3A_24, %and3A_26 : vector<32x32768xi32>
    %xor3A_28 = arith.xori %bitcast_convert_type3A_21, %and3A_27 : vector<32x32768xi32>
    %broadcast_in_dim3A_29 = arith.constant 0 : i32
    %broadcast_in_dim3A_30 = vector.broadcast %broadcast_in_dim3A_29 : i32 to vector<32x1xi32>
    %scan3A = arith.constant -2147483648 : i32
    %scan3A_31 = arith.constant 0 : i32
    %scan3A_32 = arith.constant 32 : i32
    %scan3A_33 = arith.addi %scan3A_31, %scan3A_32 : i32
    %scan3A_34 = arith.constant 1 : i32
    %scan3A_35:2 = scf.for %scan3A_99 = %scan3A_31 to %scan3A_33 step %scan3A_34 iter_args(%scan3A_100 = %broadcast_in_dim3A_30, %scan3A_101 = %broadcast_in_dim3A_30) -> (vector<32x1xi32>, vector<32x1xi32>)  : i32 {
      %sub3A_102 = arith.constant 31 : i32
      %sub3A_103 = arith.subi %sub3A_102, %scan3A_99 : i32
      %shift_left3A = arith.constant 1 : i32
      %shift_left3A_104 = arith.shli %shift_left3A, %sub3A_103 : i32
      %or3A = vector.broadcast %shift_left3A_104 : i32 to vector<32x1xi32>
      %or3A_105 = arith.ori %scan3A_100, %or3A : vector<32x1xi32>
      %xor3A_106 = vector.broadcast %scan3A : i32 to vector<32x1xi32>
      %xor3A_107 = arith.xori %or3A_105, %xor3A_106 : vector<32x1xi32>
      %or3A_108 = vector.broadcast %shift_left3A_104 : i32 to vector<32x1xi32>
      %or3A_109 = arith.ori %scan3A_101, %or3A_108 : vector<32x1xi32>
      %xor3A_110 = vector.broadcast %scan3A : i32 to vector<32x1xi32>
      %xor3A_111 = arith.xori %or3A_109, %xor3A_110 : vector<32x1xi32>
      %ge3A = vector.broadcast %xor3A_107 : vector<32x1xi32> to vector<32x32768xi32>
      %ge3A_112 = arith.cmpi sge, %xor3A, %ge3A : vector<32x32768xi32>
      %convert_element_type3A_113 = arith.extui %ge3A_112 : vector<32x32768xi1> to vector<32x32768xi32>
      %reduce_sum3A_114 = arith.constant dense<0> : vector<32xi32>
      %reduce_sum3A_115 = vector.multi_reduction <add>, %convert_element_type3A_113, %reduce_sum3A_114 [1] : vector<32x32768xi32> to vector<32xi32>
      %broadcast_in_dim3A_116 = vector.shape_cast %reduce_sum3A_115 : vector<32xi32> to vector<32x1xi32>
      %ge3A_117 = vector.broadcast %xor3A_111 : vector<32x1xi32> to vector<32x32768xi32>
      %ge3A_118 = arith.cmpi sge, %xor3A_28, %ge3A_117 : vector<32x32768xi32>
      %convert_element_type3A_119 = arith.extui %ge3A_118 : vector<32x32768xi1> to vector<32x32768xi32>
      %reduce_sum3A_120 = arith.constant dense<0> : vector<32xi32>
      %reduce_sum3A_121 = vector.multi_reduction <add>, %convert_element_type3A_119, %reduce_sum3A_120 [1] : vector<32x32768xi32> to vector<32xi32>
      %broadcast_in_dim3A_122 = vector.shape_cast %reduce_sum3A_121 : vector<32xi32> to vector<32x1xi32>
      %ge3A_123 = arith.constant 2048 : i32
      %ge3A_124 = vector.broadcast %ge3A_123 : i32 to vector<32x1xi32>
      %ge3A_125 = arith.cmpi sge, %broadcast_in_dim3A_116, %ge3A_124 : vector<32x1xi32>
      %or3A_126 = vector.broadcast %shift_left3A_104 : i32 to vector<32x1xi32>
      %or3A_127 = arith.ori %scan3A_100, %or3A_126 : vector<32x1xi32>
      %select_n3A_128 = arith.select %ge3A_125, %or3A_127, %scan3A_100 : vector<32x1xi1>, vector<32x1xi32>
      %ge3A_129 = arith.constant 2048 : i32
      %ge3A_130 = vector.broadcast %ge3A_129 : i32 to vector<32x1xi32>
      %ge3A_131 = arith.cmpi sge, %broadcast_in_dim3A_122, %ge3A_130 : vector<32x1xi32>
      %or3A_132 = vector.broadcast %shift_left3A_104 : i32 to vector<32x1xi32>
      %or3A_133 = arith.ori %scan3A_101, %or3A_132 : vector<32x1xi32>
      %select_n3A_134 = arith.select %ge3A_131, %or3A_133, %scan3A_101 : vector<32x1xi1>, vector<32x1xi32>
      scf.yield %select_n3A_128, %select_n3A_134 : vector<32x1xi32>, vector<32x1xi32>
    }
    %scan3A_36 = arith.constant 32 : i32
    %xor3A_37 = arith.constant -2147483648 : i32
    %xor3A_38 = vector.broadcast %xor3A_37 : i32 to vector<32x1xi32>
    %xor3A_39 = arith.xori %scan3A_35#0, %xor3A_38 : vector<32x1xi32>
    %gt3A = vector.broadcast %xor3A_39 : vector<32x1xi32> to vector<32x32768xi32>
    %gt3A_40 = arith.cmpi sgt, %xor3A, %gt3A : vector<32x32768xi32>
    %convert_element_type3A = arith.extui %gt3A_40 : vector<32x32768xi1> to vector<32x32768xi32>
    %convert_element_type3A_41 = arith.sitofp %convert_element_type3A : vector<32x32768xi32> to vector<32x32768xf32>
    %reduce_sum3A_42 = arith.constant dense<0.000000e+00> : vector<32xf32>
    %reduce_sum3A_43 = vector.multi_reduction <add>, %convert_element_type3A_41, %reduce_sum3A_42 [1] : vector<32x32768xf32> to vector<32xf32>
    %broadcast_in_dim3A_44 = vector.shape_cast %reduce_sum3A_43 : vector<32xf32> to vector<32x1xf32>
    %jit3A = arith.constant 0.000000e+00 : f32
    %broadcast_in_dim3A_45 = vector.broadcast %jit3A : f32 to vector<32x32768xf32>
    %select_n3A = arith.select %gt3A_40, %get3A_1, %broadcast_in_dim3A_45 : vector<32x32768xi1>, vector<32x32768xf32>
    %reduce_sum3A_46 = arith.constant dense<0.000000e+00> : vector<32xf32>
    %reduce_sum3A_47 = vector.multi_reduction <add>, %select_n3A, %reduce_sum3A_46 [1] : vector<32x32768xf32> to vector<32xf32>
    %broadcast_in_dim3A_48 = vector.shape_cast %reduce_sum3A_47 : vector<32xf32> to vector<32x1xf32>
    %shift_right_arithmetic3A_49 = arith.constant 31 : i32
    %shift_right_arithmetic3A_50 = vector.broadcast %shift_right_arithmetic3A_49 : i32 to vector<32x1xi32>
    %shift_right_arithmetic3A_51 = arith.shrsi %xor3A_39, %shift_right_arithmetic3A_50 : vector<32x1xi32>
    %and3A_52 = arith.constant 2147483647 : i32
    %and3A_53 = vector.broadcast %and3A_52 : i32 to vector<32x1xi32>
    %and3A_54 = arith.andi %shift_right_arithmetic3A_51, %and3A_53 : vector<32x1xi32>
    %xor3A_55 = arith.xori %xor3A_39, %and3A_54 : vector<32x1xi32>
    %bitcast_convert_type3A_56 = tpu.bitcast %xor3A_55 : vector<32x1xi32> -> vector<32x1xf32>
    %swap3A_57 = arith.constant 0 : index
    %swap3A_58 = arith.constant 0 : index
    %swap3A_59 = vector.load %arg4[%swap3A_57, %swap3A_58] : memref<32x1xf32, #tpu.memory_space<vmem>>, vector<32x1xf32>
    tpu.vector_store %arg4[%swap3A_57, %swap3A_58], %broadcast_in_dim3A_48 {strides = array<i32>} : memref<32x1xf32, #tpu.memory_space<vmem>>, vector<32x1xf32>,
    %swap3A_60 = arith.constant 0 : index
    %swap3A_61 = arith.constant 0 : index
    %swap3A_62 = vector.load %arg5[%swap3A_60, %swap3A_61] : memref<32x1xf32, #tpu.memory_space<vmem>>, vector<32x1xf32>
    tpu.vector_store %arg5[%swap3A_60, %swap3A_61], %broadcast_in_dim3A_44 {strides = array<i32>} : memref<32x1xf32, #tpu.memory_space<vmem>>, vector<32x1xf32>,
    %swap3A_63 = arith.constant 0 : index
    %swap3A_64 = arith.constant 0 : index
    %swap3A_65 = vector.load %arg6[%swap3A_63, %swap3A_64] : memref<32x1xf32, #tpu.memory_space<vmem>>, vector<32x1xf32>
    tpu.vector_store %arg6[%swap3A_63, %swap3A_64], %bitcast_convert_type3A_56 {strides = array<i32>} : memref<32x1xf32, #tpu.memory_space<vmem>>, vector<32x1xf32>,
    %xor3A_66 = arith.constant -2147483648 : i32
    %xor3A_67 = vector.broadcast %xor3A_66 : i32 to vector<32x1xi32>
    %xor3A_68 = arith.xori %scan3A_35#1, %xor3A_67 : vector<32x1xi32>
    %gt3A_69 = vector.broadcast %xor3A_68 : vector<32x1xi32> to vector<32x32768xi32>
    %gt3A_70 = arith.cmpi sgt, %xor3A_28, %gt3A_69 : vector<32x32768xi32>
    %convert_element_type3A_71 = arith.extui %gt3A_70 : vector<32x32768xi1> to vector<32x32768xi32>
    %convert_element_type3A_72 = arith.sitofp %convert_element_type3A_71 : vector<32x32768xi32> to vector<32x32768xf32>
    %reduce_sum3A_73 = arith.constant dense<0.000000e+00> : vector<32xf32>
    %reduce_sum3A_74 = vector.multi_reduction <add>, %convert_element_type3A_72, %reduce_sum3A_73 [1] : vector<32x32768xf32> to vector<32xf32>
    %broadcast_in_dim3A_75 = vector.shape_cast %reduce_sum3A_74 : vector<32xf32> to vector<32x1xf32>
    %jit3A_76 = arith.constant 0.000000e+00 : f32
    %broadcast_in_dim3A_77 = vector.broadcast %jit3A_76 : f32 to vector<32x32768xf32>
    %select_n3A_78 = arith.select %gt3A_70, %get3A_4, %broadcast_in_dim3A_77 : vector<32x32768xi1>, vector<32x32768xf32>
    %reduce_sum3A_79 = arith.constant dense<0.000000e+00> : vector<32xf32>
    %reduce_sum3A_80 = vector.multi_reduction <add>, %select_n3A_78, %reduce_sum3A_79 [1] : vector<32x32768xf32> to vector<32xf32>
    %broadcast_in_dim3A_81 = vector.shape_cast %reduce_sum3A_80 : vector<32xf32> to vector<32x1xf32>
    %shift_right_arithmetic3A_82 = arith.constant 31 : i32
    %shift_right_arithmetic3A_83 = vector.broadcast %shift_right_arithmetic3A_82 : i32 to vector<32x1xi32>
    %shift_right_arithmetic3A_84 = arith.shrsi %xor3A_68, %shift_right_arithmetic3A_83 : vector<32x1xi32>
    %and3A_85 = arith.constant 2147483647 : i32
    %and3A_86 = vector.broadcast %and3A_85 : i32 to vector<32x1xi32>
    %and3A_87 = arith.andi %shift_right_arithmetic3A_84, %and3A_86 : vector<32x1xi32>
    %xor3A_88 = arith.xori %xor3A_68, %and3A_87 : vector<32x1xi32>
    %bitcast_convert_type3A_89 = tpu.bitcast %xor3A_88 : vector<32x1xi32> -> vector<32x1xf32>
    %swap3A_90 = arith.constant 0 : index
    %swap3A_91 = arith.constant 0 : index
    %swap3A_92 = vector.load %arg7[%swap3A_90, %swap3A_91] : memref<32x1xf32, #tpu.memory_space<vmem>>, vector<32x1xf32>
    tpu.vector_store %arg7[%swap3A_90, %swap3A_91], %broadcast_in_dim3A_81 {strides = array<i32>} : memref<32x1xf32, #tpu.memory_space<vmem>>, vector<32x1xf32>,
    %swap3A_93 = arith.constant 0 : index
    %swap3A_94 = arith.constant 0 : index
    %swap3A_95 = vector.load %arg8[%swap3A_93, %swap3A_94] : memref<32x1xf32, #tpu.memory_space<vmem>>, vector<32x1xf32>
    tpu.vector_store %arg8[%swap3A_93, %swap3A_94], %broadcast_in_dim3A_75 {strides = array<i32>} : memref<32x1xf32, #tpu.memory_space<vmem>>, vector<32x1xf32>,
    %swap3A_96 = arith.constant 0 : index
    %swap3A_97 = arith.constant 0 : index
    %swap3A_98 = vector.load %arg9[%swap3A_96, %swap3A_97] : memref<32x1xf32, #tpu.memory_space<vmem>>, vector<32x1xf32>
    tpu.vector_store %arg9[%swap3A_96, %swap3A_97], %bitcast_convert_type3A_89 {strides = array<i32>} : memref<32x1xf32, #tpu.memory_space<vmem>>, vector<32x1xf32>,
    return
  }
  func.func @transform_0(%arg0: i32) -> (i32, i32) {
    %add3A = arith.constant 1 : i32
    %add3A_0 = arith.addi %arg0, %add3A : i32
    %c0_i32 = arith.constant 0 : i32
    %c0_i32_1 = arith.constant 0 : i32
    return %add3A_0, %c0_i32 : i32, i32
  }
  func.func @transform_1(%arg0: i32) -> (i32, i32) {
    %add3A = arith.constant 1 : i32
    %add3A_0 = arith.addi %arg0, %add3A : i32
    %c0_i32 = arith.constant 0 : i32
    %c0_i32_1 = arith.constant 0 : i32
    return %add3A_0, %c0_i32 : i32, i32
  }
  func.func @transform_2(%arg0: i32) -> (i32, i32) {
    %c0_i32 = arith.constant 0 : i32
    %c0_i32_0 = arith.constant 0 : i32
    return %arg0, %c0_i32 : i32, i32
  }
  func.func @transform_3(%arg0: i32) -> (i32, i32) {
    %c0_i32 = arith.constant 0 : i32
    %c0_i32_0 = arith.constant 0 : i32
    return %arg0, %c0_i32 : i32, i32
  }
  func.func @transform_4(%arg0: i32) -> (i32, i32) {
    %c0_i32 = arith.constant 0 : i32
    %c0_i32_0 = arith.constant 0 : i32
    return %arg0, %c0_i32 : i32, i32
  }
  func.func @transform_5(%arg0: i32) -> (i32, i32) {
    %c0_i32 = arith.constant 0 : i32
    %c0_i32_0 = arith.constant 0 : i32
    return %arg0, %c0_i32 : i32, i32
  }
  func.func @transform_6(%arg0: i32) -> (i32, i32) {
    %c0_i32 = arith.constant 0 : i32
    %c0_i32_0 = arith.constant 0 : i32
    return %arg0, %c0_i32 : i32, i32
  }
  func.func @transform_7(%arg0: i32) -> (i32, i32) {
    %c0_i32 = arith.constant 0 : i32
    %c0_i32_0 = arith.constant 0 : i32
    return %arg0, %c0_i32 : i32, i32
  }
  func.func @transform_8(%arg0: i32) -> (i32, i32) {
    %c0_i32 = arith.constant 0 : i32
    %c0_i32_0 = arith.constant 0 : i32
    return %arg0, %c0_i32 : i32, i32
  }
}

module attributes {stable_mosaic.version = 14 : i64} {
  func.func @_tc_fixup_body(%arg0: i32, %arg1: memref<16x32768xf32, #tpu.memory_space<vmem>>, %arg2: memref<16x32768xf32, #tpu.memory_space<vmem>>, %arg3: memref<16x1xf32, #tpu.memory_space<vmem>>, %arg4: memref<16x1xf32, #tpu.memory_space<vmem>>, %arg5: memref<16x1xf32, #tpu.memory_space<vmem>>, %arg6: memref<16x1xf32, #tpu.memory_space<vmem>>, %arg7: memref<16x1xf32, #tpu.memory_space<vmem>>, %arg8: memref<16x1xf32, #tpu.memory_space<vmem>>, %arg9: memref<16x1xf32, #tpu.memory_space<vmem>>) attributes {dimension_semantics = [#tpu.dimension_semantics<arbitrary>], iteration_bounds = array<i64: 2>, scalar_prefetch = 0 : i64, scratch_operands = 0 : i64, tpu.core_type = #tpu.core_type<tc>, window_params = [{transform_indices = @transform_0, window_bounds = array<i64: 16, 32768>}, {transform_indices = @transform_1, window_bounds = array<i64: 16, 32768>}, {transform_indices = @transform_2, window_bounds = array<i64: 16, 1>}, {transform_indices = @transform_3, window_bounds = array<i64: 16, 1>}, {transform_indices = @transform_4, window_bounds = array<i64: 16, 1>}, {transform_indices = @transform_5, window_bounds = array<i64: 16, 1>}, {transform_indices = @transform_6, window_bounds = array<i64: 16, 1>}, {transform_indices = @transform_7, window_bounds = array<i64: 16, 1>}, {transform_indices = @transform_8, window_bounds = array<i64: 16, 1>}]} {
    %get3A = arith.constant 0 : index
    %get3A_0 = arith.constant 0 : index
    %get3A_1 = vector.load %arg1[%get3A, %get3A_0] : memref<16x32768xf32, #tpu.memory_space<vmem>>, vector<16x32768xf32>
    %get3A_2 = arith.constant 0 : index
    %get3A_3 = arith.constant 0 : index
    %get3A_4 = vector.load %arg2[%get3A_2, %get3A_3] : memref<16x32768xf32, #tpu.memory_space<vmem>>, vector<16x32768xf32>
    %logistic3A = arith.negf %get3A_1 : vector<16x32768xf32>
    %logistic3A_5 = math.exp %logistic3A : vector<16x32768xf32>
    %logistic3A_6 = arith.constant 1.000000e+00 : f32
    %logistic3A_7 = vector.broadcast %logistic3A_6 : f32 to vector<16x32768xf32>
    %logistic3A_8 = arith.addf %logistic3A_7, %logistic3A_5 : vector<16x32768xf32>
    %logistic3A_9 = arith.divf %logistic3A_7, %logistic3A_8 : vector<16x32768xf32>
    %min3A = arith.constant 0.000000e+00 : f32
    %min3A_10 = vector.broadcast %min3A : f32 to vector<16x32768xf32>
    %min3A_11 = arith.minimumf %get3A_4, %min3A_10 : vector<16x32768xf32>
    %abs3A = math.absf %get3A_4 : vector<16x32768xf32>
    %neg3A = arith.constant 0.000000e+00 : f32
    %neg3A_12 = vector.broadcast %neg3A : f32 to vector<16x32768xf32>
    %neg3A_13 = arith.subf %neg3A_12, %abs3A : vector<16x32768xf32>
    %exp3A = math.exp %neg3A_13 : vector<16x32768xf32>
    %log1p3A = math.log1p %exp3A : vector<16x32768xf32>
    %sub3A = arith.subf %min3A_11, %log1p3A : vector<16x32768xf32>
    %mul3A = arith.mulf %logistic3A_9, %sub3A : vector<16x32768xf32>
    %reduce_sum3A = arith.constant dense<0.000000e+00> : vector<16xf32>
    %reduce_sum3A_14 = vector.multi_reduction <add>, %mul3A, %reduce_sum3A [1] : vector<16x32768xf32> to vector<16xf32>
    %broadcast_in_dim3A = vector.shape_cast %reduce_sum3A_14 : vector<16xf32> to vector<16x1xf32>
    %swap3A = arith.constant 0 : index
    %swap3A_15 = arith.constant 0 : index
    %swap3A_16 = vector.load %arg5[%swap3A, %swap3A_15] : memref<16x1xf32, #tpu.memory_space<vmem>>, vector<16x1xf32>
    tpu.vector_store %arg5[%swap3A, %swap3A_15], %broadcast_in_dim3A {strides = array<i32>} : memref<16x1xf32, #tpu.memory_space<vmem>>, vector<16x1xf32>,
    %get3A_17 = arith.constant 0 : index
    %get3A_18 = arith.constant 0 : index
    %get3A_19 = vector.load %arg3[%get3A_17, %get3A_18] : memref<16x1xf32, #tpu.memory_space<vmem>>, vector<16x1xf32>
    %gt3A = vector.broadcast %get3A_19 : vector<16x1xf32> to vector<16x32768xf32>
    %gt3A_20 = arith.cmpf ogt, %get3A_1, %gt3A : vector<16x32768xf32>
    %jit3A = arith.constant 0.000000e+00 : f32
    %broadcast_in_dim3A_21 = vector.broadcast %jit3A : f32 to vector<16x32768xf32>
    %select_n3A = arith.select %gt3A_20, %get3A_1, %broadcast_in_dim3A_21 : vector<16x32768xi1>, vector<16x32768xf32>
    %reduce_sum3A_22 = arith.constant dense<0.000000e+00> : vector<16xf32>
    %reduce_sum3A_23 = vector.multi_reduction <add>, %select_n3A, %reduce_sum3A_22 [1] : vector<16x32768xf32> to vector<16xf32>
    %broadcast_in_dim3A_24 = vector.shape_cast %reduce_sum3A_23 : vector<16xf32> to vector<16x1xf32>
    %swap3A_25 = arith.constant 0 : index
    %swap3A_26 = arith.constant 0 : index
    %swap3A_27 = vector.load %arg6[%swap3A_25, %swap3A_26] : memref<16x1xf32, #tpu.memory_space<vmem>>, vector<16x1xf32>
    tpu.vector_store %arg6[%swap3A_25, %swap3A_26], %broadcast_in_dim3A_24 {strides = array<i32>} : memref<16x1xf32, #tpu.memory_space<vmem>>, vector<16x1xf32>,
    %convert_element_type3A = arith.extui %gt3A_20 : vector<16x32768xi1> to vector<16x32768xi32>
    %convert_element_type3A_28 = arith.sitofp %convert_element_type3A : vector<16x32768xi32> to vector<16x32768xf32>
    %reduce_sum3A_29 = arith.constant dense<0.000000e+00> : vector<16xf32>
    %reduce_sum3A_30 = vector.multi_reduction <add>, %convert_element_type3A_28, %reduce_sum3A_29 [1] : vector<16x32768xf32> to vector<16xf32>
    %broadcast_in_dim3A_31 = vector.shape_cast %reduce_sum3A_30 : vector<16xf32> to vector<16x1xf32>
    %swap3A_32 = arith.constant 0 : index
    %swap3A_33 = arith.constant 0 : index
    %swap3A_34 = vector.load %arg7[%swap3A_32, %swap3A_33] : memref<16x1xf32, #tpu.memory_space<vmem>>, vector<16x1xf32>
    tpu.vector_store %arg7[%swap3A_32, %swap3A_33], %broadcast_in_dim3A_31 {strides = array<i32>} : memref<16x1xf32, #tpu.memory_space<vmem>>, vector<16x1xf32>,
    %get3A_35 = arith.constant 0 : index
    %get3A_36 = arith.constant 0 : index
    %get3A_37 = vector.load %arg4[%get3A_35, %get3A_36] : memref<16x1xf32, #tpu.memory_space<vmem>>, vector<16x1xf32>
    %gt3A_38 = vector.broadcast %get3A_37 : vector<16x1xf32> to vector<16x32768xf32>
    %gt3A_39 = arith.cmpf ogt, %get3A_4, %gt3A_38 : vector<16x32768xf32>
    %jit3A_40 = arith.constant 0.000000e+00 : f32
    %broadcast_in_dim3A_41 = vector.broadcast %jit3A_40 : f32 to vector<16x32768xf32>
    %select_n3A_42 = arith.select %gt3A_39, %get3A_4, %broadcast_in_dim3A_41 : vector<16x32768xi1>, vector<16x32768xf32>
    %reduce_sum3A_43 = arith.constant dense<0.000000e+00> : vector<16xf32>
    %reduce_sum3A_44 = vector.multi_reduction <add>, %select_n3A_42, %reduce_sum3A_43 [1] : vector<16x32768xf32> to vector<16xf32>
    %broadcast_in_dim3A_45 = vector.shape_cast %reduce_sum3A_44 : vector<16xf32> to vector<16x1xf32>
    %swap3A_46 = arith.constant 0 : index
    %swap3A_47 = arith.constant 0 : index
    %swap3A_48 = vector.load %arg8[%swap3A_46, %swap3A_47] : memref<16x1xf32, #tpu.memory_space<vmem>>, vector<16x1xf32>
    tpu.vector_store %arg8[%swap3A_46, %swap3A_47], %broadcast_in_dim3A_45 {strides = array<i32>} : memref<16x1xf32, #tpu.memory_space<vmem>>, vector<16x1xf32>,
    %convert_element_type3A_49 = arith.extui %gt3A_39 : vector<16x32768xi1> to vector<16x32768xi32>
    %convert_element_type3A_50 = arith.sitofp %convert_element_type3A_49 : vector<16x32768xi32> to vector<16x32768xf32>
    %reduce_sum3A_51 = arith.constant dense<0.000000e+00> : vector<16xf32>
    %reduce_sum3A_52 = vector.multi_reduction <add>, %convert_element_type3A_50, %reduce_sum3A_51 [1] : vector<16x32768xf32> to vector<16xf32>
    %broadcast_in_dim3A_53 = vector.shape_cast %reduce_sum3A_52 : vector<16xf32> to vector<16x1xf32>
    %swap3A_54 = arith.constant 0 : index
    %swap3A_55 = arith.constant 0 : index
    %swap3A_56 = vector.load %arg9[%swap3A_54, %swap3A_55] : memref<16x1xf32, #tpu.memory_space<vmem>>, vector<16x1xf32>
    tpu.vector_store %arg9[%swap3A_54, %swap3A_55], %broadcast_in_dim3A_53 {strides = array<i32>} : memref<16x1xf32, #tpu.memory_space<vmem>>, vector<16x1xf32>,
    return
  }
  func.func @transform_0(%arg0: i32) -> (i32, i32) {
    %c0_i32 = arith.constant 0 : i32
    %c0_i32_0 = arith.constant 0 : i32
    return %arg0, %c0_i32 : i32, i32
  }
  func.func @transform_1(%arg0: i32) -> (i32, i32) {
    %c0_i32 = arith.constant 0 : i32
    %c0_i32_0 = arith.constant 0 : i32
    return %arg0, %c0_i32 : i32, i32
  }
  func.func @transform_2(%arg0: i32) -> (i32, i32) {
    %c0_i32 = arith.constant 0 : i32
    %c0_i32_0 = arith.constant 0 : i32
    return %arg0, %c0_i32 : i32, i32
  }
  func.func @transform_3(%arg0: i32) -> (i32, i32) {
    %c0_i32 = arith.constant 0 : i32
    %c0_i32_0 = arith.constant 0 : i32
    return %arg0, %c0_i32 : i32, i32
  }
  func.func @transform_4(%arg0: i32) -> (i32, i32) {
    %c0_i32 = arith.constant 0 : i32
    %c0_i32_0 = arith.constant 0 : i32
    return %arg0, %c0_i32 : i32, i32
  }
  func.func @transform_5(%arg0: i32) -> (i32, i32) {
    %c0_i32 = arith.constant 0 : i32
    %c0_i32_0 = arith.constant 0 : i32
    return %arg0, %c0_i32 : i32, i32
  }
  func.func @transform_6(%arg0: i32) -> (i32, i32) {
    %c0_i32 = arith.constant 0 : i32
    %c0_i32_0 = arith.constant 0 : i32
    return %arg0, %c0_i32 : i32, i32
  }
  func.func @transform_7(%arg0: i32) -> (i32, i32) {
    %c0_i32 = arith.constant 0 : i32
    %c0_i32_0 = arith.constant 0 : i32
    return %arg0, %c0_i32 : i32, i32
  }
  func.func @transform_8(%arg0: i32) -> (i32, i32) {
    %c0_i32 = arith.constant 0 : i32
    %c0_i32_0 = arith.constant 0 : i32
    return %arg0, %c0_i32 : i32, i32
  }
}

module attributes {stable_mosaic.version = 14 : i64} {
  func.func @_finish_body(%arg0: memref<1x128xf32, #tpu.memory_space<vmem>>, %arg1: memref<1x128xf32, #tpu.memory_space<vmem>>, %arg2: memref<1x128xf32, #tpu.memory_space<vmem>>, %arg3: memref<1x128xf32, #tpu.memory_space<vmem>>, %arg4: memref<1x128xf32, #tpu.memory_space<vmem>>, %arg5: memref<1x128xf32, #tpu.memory_space<vmem>>, %arg6: memref<1x128xf32, #tpu.memory_space<vmem>>, %arg7: memref<1x128xf32, #tpu.memory_space<vmem>>, %arg8: memref<1xf32, #tpu.memory_space<smem>>, %arg9: memref<1xf32, #tpu.memory_space<smem>>, %arg10: memref<1xf32, #tpu.memory_space<smem>>, %arg11: memref<1xf32, #tpu.memory_space<smem>>) attributes {dimension_semantics = [], scalar_prefetch = 0 : i64, scratch_operands = 0 : i64, tpu.core_type = #tpu.core_type<tc>} {
    %get3A = arith.constant 0 : index
    %get3A_0 = arith.constant 0 : index
    %get3A_1 = vector.load %arg7[%get3A, %get3A_0] : memref<1x128xf32, #tpu.memory_space<vmem>>, vector<1x128xf32>
    %get3A_2 = arith.constant 0 : index
    %get3A_3 = arith.constant 0 : index
    %get3A_4 = vector.load %arg0[%get3A_2, %get3A_3] : memref<1x128xf32, #tpu.memory_space<vmem>>, vector<1x128xf32>
    %get3A_5 = arith.constant 0 : index
    %get3A_6 = arith.constant 0 : index
    %get3A_7 = vector.load %arg1[%get3A_5, %get3A_6] : memref<1x128xf32, #tpu.memory_space<vmem>>, vector<1x128xf32>
    %get3A_8 = arith.constant 0 : index
    %get3A_9 = arith.constant 0 : index
    %get3A_10 = vector.load %arg2[%get3A_8, %get3A_9] : memref<1x128xf32, #tpu.memory_space<vmem>>, vector<1x128xf32>
    %sub3A = arith.constant 2.048000e+03 : f32
    %sub3A_11 = vector.broadcast %sub3A : f32 to vector<1x128xf32>
    %sub3A_12 = arith.subf %sub3A_11, %get3A_7 : vector<1x128xf32>
    %mul3A = arith.mulf %sub3A_12, %get3A_10 : vector<1x128xf32>
    %add3A = arith.addf %get3A_4, %mul3A : vector<1x128xf32>
    %mul3A_13 = arith.constant 4.8828125E-4 : f32
    %mul3A_14 = vector.broadcast %mul3A_13 : f32 to vector<1x128xf32>
    %mul3A_15 = arith.mulf %add3A, %mul3A_14 : vector<1x128xf32>
    %max3A = arith.constant 0.000000e+00 : f32
    %max3A_16 = vector.broadcast %max3A : f32 to vector<1x128xf32>
    %max3A_17 = arith.maximumf %mul3A_15, %max3A_16 : vector<1x128xf32>
    %mul3A_18 = arith.mulf %mul3A_15, %get3A_1 : vector<1x128xf32>
    %sub3A_19 = arith.subf %max3A_17, %mul3A_18 : vector<1x128xf32>
    %abs3A = math.absf %mul3A_15 : vector<1x128xf32>
    %neg3A = arith.constant 0.000000e+00 : f32
    %neg3A_20 = vector.broadcast %neg3A : f32 to vector<1x128xf32>
    %neg3A_21 = arith.subf %neg3A_20, %abs3A : vector<1x128xf32>
    %exp3A = math.exp %neg3A_21 : vector<1x128xf32>
    %log1p3A = math.log1p %exp3A : vector<1x128xf32>
    %add3A_22 = arith.addf %sub3A_19, %log1p3A : vector<1x128xf32>
    %reduce_sum3A = vector.shape_cast %add3A_22 : vector<1x128xf32> to vector<1x1x128xf32>
    %reduce_sum3A_23 = arith.constant dense<0.000000e+00> : vector<1xf32>
    %reduce_sum3A_24 = vector.multi_reduction <add>, %reduce_sum3A, %reduce_sum3A_23 [1, 2] : vector<1x1x128xf32> to vector<1xf32>
    %reduce_sum3A_25 = vector.shape_cast %reduce_sum3A_24 : vector<1xf32> to vector<1x1x1xf32>
    %reduce_sum3A_26 = vector.extract %reduce_sum3A_25[0, 0, 0] : f32 from vector<1x1x1xf32>
    %div3A = arith.constant 1.280000e+02 : f32
    %div3A_27 = arith.divf %reduce_sum3A_26, %div3A : f32
    %get3A_28 = arith.constant 0 : index
    %get3A_29 = arith.constant 0 : index
    %get3A_30 = vector.load %arg3[%get3A_28, %get3A_29] : memref<1x128xf32, #tpu.memory_space<vmem>>, vector<1x128xf32>
    %get3A_31 = arith.constant 0 : index
    %get3A_32 = arith.constant 0 : index
    %get3A_33 = vector.load %arg4[%get3A_31, %get3A_32] : memref<1x128xf32, #tpu.memory_space<vmem>>, vector<1x128xf32>
    %get3A_34 = arith.constant 0 : index
    %get3A_35 = arith.constant 0 : index
    %get3A_36 = vector.load %arg5[%get3A_34, %get3A_35] : memref<1x128xf32, #tpu.memory_space<vmem>>, vector<1x128xf32>
    %sub3A_37 = arith.constant 2.048000e+03 : f32
    %sub3A_38 = vector.broadcast %sub3A_37 : f32 to vector<1x128xf32>
    %sub3A_39 = arith.subf %sub3A_38, %get3A_33 : vector<1x128xf32>
    %mul3A_40 = arith.mulf %sub3A_39, %get3A_36 : vector<1x128xf32>
    %add3A_41 = arith.addf %get3A_30, %mul3A_40 : vector<1x128xf32>
    %mul3A_42 = arith.constant 4.8828125E-4 : f32
    %mul3A_43 = vector.broadcast %mul3A_42 : f32 to vector<1x128xf32>
    %mul3A_44 = arith.mulf %add3A_41, %mul3A_43 : vector<1x128xf32>
    %max3A_45 = arith.constant 0.000000e+00 : f32
    %max3A_46 = vector.broadcast %max3A_45 : f32 to vector<1x128xf32>
    %max3A_47 = arith.maximumf %mul3A_44, %max3A_46 : vector<1x128xf32>
    %mul3A_48 = arith.mulf %mul3A_44, %get3A_1 : vector<1x128xf32>
    %sub3A_49 = arith.subf %max3A_47, %mul3A_48 : vector<1x128xf32>
    %abs3A_50 = math.absf %mul3A_44 : vector<1x128xf32>
    %neg3A_51 = arith.constant 0.000000e+00 : f32
    %neg3A_52 = vector.broadcast %neg3A_51 : f32 to vector<1x128xf32>
    %neg3A_53 = arith.subf %neg3A_52, %abs3A_50 : vector<1x128xf32>
    %exp3A_54 = math.exp %neg3A_53 : vector<1x128xf32>
    %log1p3A_55 = math.log1p %exp3A_54 : vector<1x128xf32>
    %add3A_56 = arith.addf %sub3A_49, %log1p3A_55 : vector<1x128xf32>
    %reduce_sum3A_57 = vector.shape_cast %add3A_56 : vector<1x128xf32> to vector<1x1x128xf32>
    %reduce_sum3A_58 = arith.constant dense<0.000000e+00> : vector<1xf32>
    %reduce_sum3A_59 = vector.multi_reduction <add>, %reduce_sum3A_57, %reduce_sum3A_58 [1, 2] : vector<1x1x128xf32> to vector<1xf32>
    %reduce_sum3A_60 = vector.shape_cast %reduce_sum3A_59 : vector<1xf32> to vector<1x1x1xf32>
    %reduce_sum3A_61 = vector.extract %reduce_sum3A_60[0, 0, 0] : f32 from vector<1x1x1xf32>
    %div3A_62 = arith.constant 1.280000e+02 : f32
    %div3A_63 = arith.divf %reduce_sum3A_61, %div3A_62 : f32
    %get3A_64 = arith.constant 0 : index
    %get3A_65 = arith.constant 0 : index
    %get3A_66 = vector.load %arg6[%get3A_64, %get3A_65] : memref<1x128xf32, #tpu.memory_space<vmem>>, vector<1x128xf32>
    %reduce_sum3A_67 = vector.shape_cast %get3A_66 : vector<1x128xf32> to vector<1x1x128xf32>
    %reduce_sum3A_68 = arith.constant dense<0.000000e+00> : vector<1xf32>
    %reduce_sum3A_69 = vector.multi_reduction <add>, %reduce_sum3A_67, %reduce_sum3A_68 [1, 2] : vector<1x1x128xf32> to vector<1xf32>
    %reduce_sum3A_70 = vector.shape_cast %reduce_sum3A_69 : vector<1xf32> to vector<1x1x1xf32>
    %reduce_sum3A_71 = vector.extract %reduce_sum3A_70[0, 0, 0] : f32 from vector<1x1x1xf32>
    %neg3A_72 = arith.constant 0.000000e+00 : f32
    %neg3A_73 = arith.subf %neg3A_72, %reduce_sum3A_71 : f32
    %mul3A_74 = arith.constant 7.812500e-03 : f32
    %mul3A_75 = arith.mulf %neg3A_73, %mul3A_74 : f32
    %mul3A_76 = arith.constant 5.000000e+00 : f32
    %mul3A_77 = arith.mulf %mul3A_76, %mul3A_75 : f32
    %add3A_78 = arith.addf %mul3A_77, %div3A_63 : f32
    %add3A_79 = arith.addf %add3A_78, %div3A_27 : f32
    %swap3A = arith.constant 0 : index
    %swap3A_80 = memref.load %arg8[%swap3A] : memref<1xf32, #tpu.memory_space<smem>>
    memref.store %add3A_79, %arg8[%swap3A] : memref<1xf32, #tpu.memory_space<smem>>
    %swap3A_81 = arith.constant 0 : index
    %swap3A_82 = memref.load %arg9[%swap3A_81] : memref<1xf32, #tpu.memory_space<smem>>
    memref.store %mul3A_75, %arg9[%swap3A_81] : memref<1xf32, #tpu.memory_space<smem>>
    %swap3A_83 = arith.constant 0 : index
    %swap3A_84 = memref.load %arg10[%swap3A_83] : memref<1xf32, #tpu.memory_space<smem>>
    memref.store %div3A_27, %arg10[%swap3A_83] : memref<1xf32, #tpu.memory_space<smem>>
    %swap3A_85 = arith.constant 0 : index
    %swap3A_86 = memref.load %arg11[%swap3A_85] : memref<1xf32, #tpu.memory_space<smem>>
    memref.store %div3A_63, %arg11[%swap3A_85] : memref<1xf32, #tpu.memory_space<smem>>
    return
  }
}

</mosaic_0001>

<sc_bundles>
// kernel: kernel.6.cloned.1.call-start
scs
__scs_entry_jumppad:
0x0: {  	(pc) =	sbr.rel $0x88, $3  }
0x1: {  	(tag) =	ssettag $0x0;
	lr =	simm.s32 $0x1  }
0x2: {  	[smem:$0x3F9E] =	sst lr;
	_ =	strace $0xD0000000  }
0x3: {  	_ = 	snop  }
0x4: {  	_ = 	snop  }
0x5: {  	_ = 	snop  }
0x6: {  	_ = 	snop  }
0x7: {  	_ = 	snop  }
__scs_overlays_trampoline_lowered:
0x8: {  	[smem:$0x3FAD] =	sst s0  }
0x9: {  	[smem:$0x3FAE] =	sst s1  }
0xa: {  	[smem:$0x3FAF] =	sst s2  }
0xb: {  	[smem:$0x3FB0] =	sst s3  }
0xc: {  	[smem:$0x3FB1] =	sst s4  }
0xd: {  	[smem:$0x3FB2] =	sst s5  }
0xe: {  	[smem:$0x3FB3] =	sst s6  }
0xf: {  	[smem:$0x3FB4] =	sst s7  }
0x10: {  	[smem:$0x3FB5] =	sst s8  }
0x11: {  	[smem:$0x3FB6] =	sst s9;
	s0 =	simm.s32 @!p0 $0x0  }
0x12: {  	s1 =	sld [smem:$0x3F9C];
	s0 =	simm.s32 @p0 $0x1  }
0x13: {  	[smem:$0x3FB7] =	sst s0;
	s0 =	simm.s32 @!p1 $0x0  }
0x14: {  	s2 =	sld [smem:$0x3F9B];
	s0 =	simm.s32 @p1 $0x1  }
0x15: {  	[smem:$0x3FB8] =	sst s0;
	s0 =	simm.s32 @!p2 $0x0  }
0x16: {  	s3 =	sld [smem:$0x3FDB];
	s0 =	simm.s32 @p2 $0x1  }
0x17: {  	s4 =	simm.s32 $0x1BF5;
	[smem:$0x3FBA] =	sst s0  }
0x18: {  	s0 =	sld [smem:$0x3F9D];
	_ =	swait.ge [sflag:s4], $0x0  }
0x19: {  	s7 =	sld [smem:$0x3F9E]  }
0x1a: {  	s8 =	sadd.s32 $0xFFFFE003, lr  }
0x1b: {  	s9 =	sadd.s32 $0xFFFFFEF7, lr;
	s5 =	simm.s32 $0xFFFFFFFF;
	p2 =	slt.u32 s8, $0xFFFFF086  }
0x1c: {  	p1 =	slt.u32 s9, $0xF7A;
	s5 =	simm.s32 @!p2 $0x0  }
0x1d: {  	s5 =	simm.s32 @p1 $0x1;
	p0 =	seq.s32 s7, s2  }
0x1e: {  	s7 =	smul.u32 @!p0 $0xF7A, s2;
	p2 =	seq.s32 @!p0 s5, $0x0  }
0x1f: {  	s9 =	smul.u32 $0xF7A, s1;
	s8 =	simm.s32 @!p0 $0x1BF5;
	p2 =	por !p2, p0  }
0x20: {  	[sflag:s8] =	ssyncset.s32 @!p0 $0xFFFFF086;
	s6 =	sadd.s32 @!p0 s3, s7;
	s7 =	simm.s32 @!p0 $0x108  }
0x21: {  	s3 =	sadd.s32 s3, s9;
	s6 =	sadd.s32 @!p0 $0x88, s6;
	s7 =	simm.s32 @p2 $0x1082  }
0x22: {  	[simem:s7], [sflag:s8] =	dma.local @!p0 [hbm:s6], $0xF7A  }
0x23: {  	s9 =	sor.u32 $0xD0000000, s2;
	s6 =	simm.s32 $0x108;
	_ =	swait.ge @!p0 [sflag:s8], $0x0  }
0x24: {  	s3 =	sadd.s32 $0x88, s3;
	s6 =	simm.s32 @!p1 $0x1082;
	[sflag:s4] =	ssyncset.s32 $0xFFFFF086  }
0x25: {  	[simem:s6], [sflag:s4] =	dma.local [hbm:s3], $0xF7A  }
0x26: {  	[smem:$0x3F9E] =	sst s1;
	(tag) =	ssettag s2;
	_ =	strace s9  }
0x27: {  	s1 =	sld [smem:$0x3FAE]  }
0x28: {  	s2 =	sld [smem:$0x3FAF]  }
0x29: {  	s4 =	sld [smem:$0x3FB1]  }
0x2a: {  	p0 =	seq.s32 s5, $0x0;
	s5 =	sld [smem:$0x3FB2]  }
0x2b: {  	s6 =	sld [smem:$0x3FB3]  }
0x2c: {  	s7 =	sld [smem:$0x3FB4]  }
0x2d: {  	s3 =	simm.s32 $0x108;
	s8 =	sld [smem:$0x3FB5]  }
0x2e: {  	s3 =	simm.s32 @!p0 $0x1082;
	s9 =	sld [smem:$0x3FB6]  }
0x2f: {  	lr =	sadd.s32 s0, s3;
	s0 =	sld [smem:$0x3FAD]  }
0x30: {  	s3 =	sld [smem:$0x3FB0]  }
0x31: {  	[smem:$0x3FB9] =	sst s10  }
0x32: {  	s10 =	sld [smem:$0x3FB7];
	_ =	sdelay $0x3  }
0x33: {  	p0 =	seq.s32 s10, $0x1;
	s10 =	sld [smem:$0x3FB9];
	_ =	sdelay $0x3  }
0x34: {  	[smem:$0x3FB9] =	sst s10  }
0x35: {  	s10 =	sld [smem:$0x3FB8];
	_ =	sdelay $0x3  }
0x36: {  	p1 =	seq.s32 s10, $0x1;
	s10 =	sld [smem:$0x3FB9];
	_ =	sdelay $0x3  }
0x37: {  	[smem:$0x3FB9] =	sst s10  }
0x38: {  	s10 =	sld [smem:$0x3FBA]  }
0x39: {  	_ = 	snop;
	(pc) =	sbr.ind lr, $3  }
0x3a: {  	_ = 	snop  }
0x3b: {  	_ = 	snop  }
0x3c: {  	p2 =	seq.s32 s10, $0x1;
	s10 =	sld [smem:$0x3FB9]  }
0x3d: {  	_ =	shalt  }
0x3e: {  	_ =	shalt  }
0x3f: {  	_ =	shalt  }
0x40: {  	_ =	shalt  }
0x41: {  	_ =	shalt  }
0x42: {  	_ =	shalt  }
0x43: {  	_ =	shalt  }
0x44: {  	_ =	shalt  }
0x45: {  	_ =	shalt  }
0x46: {  	_ =	shalt  }
0x47: {  	_ =	shalt  }
0x48: {  	_ =	shalt  }
0x49: {  	_ =	shalt  }
0x4a: {  	_ =	shalt  }
0x4b: {  	_ =	shalt  }
0x4c: {  	_ =	shalt  }
0x4d: {  	_ =	shalt  }
0x4e: {  	_ =	shalt  }
0x4f: {  	_ =	shalt  }
0x50: {  	_ =	shalt  }
0x51: {  	_ =	shalt  }
0x52: {  	_ =	shalt  }
0x53: {  	_ =	shalt  }
0x54: {  	_ =	shalt  }
0x55: {  	_ =	shalt  }
0x56: {  	_ =	shalt  }
0x57: {  	_ =	shalt  }
0x58: {  	_ =	shalt  }
0x59: {  	_ =	shalt  }
0x5a: {  	_ =	shalt  }
0x5b: {  	_ =	shalt  }
0x5c: {  	_ =	shalt  }
0x5d: {  	_ =	shalt  }
0x5e: {  	_ =	shalt  }
0x5f: {  	_ =	shalt  }
0x60: {  	_ =	shalt  }
0x61: {  	_ =	shalt  }
0x62: {  	_ =	shalt  }
0x63: {  	_ =	shalt  }
0x64: {  	_ =	shalt  }
0x65: {  	_ =	shalt  }
0x66: {  	_ =	shalt  }
0x67: {  	_ =	shalt  }
0x68: {  	_ =	shalt  }
0x69: {  	_ =	shalt  }
0x6a: {  	_ =	shalt  }
0x6b: {  	_ =	shalt  }
0x6c: {  	_ =	shalt  }
0x6d: {  	_ =	shalt  }
0x6e: {  	_ =	shalt  }
0x6f: {  	_ =	shalt  }
0x70: {  	_ =	shalt  }
0x71: {  	_ =	shalt  }
0x72: {  	_ =	shalt  }
0x73: {  	_ =	shalt  }
0x74: {  	_ =	shalt  }
0x75: {  	_ =	shalt  }
0x76: {  	_ =	shalt  }
0x77: {  	_ =	shalt  }
0x78: {  	_ =	shalt  }
0x79: {  	_ =	shalt  }
0x7a: {  	_ =	shalt  }
0x7b: {  	_ =	shalt  }
0x7c: {  	_ =	shalt  }
0x7d: {  	_ =	shalt  }
0x7e: {  	_ =	shalt  }
0x7f: {  	_ =	shalt  }
0x80: {  	_ =	shalt  }
0x81: {  	_ =	shalt  }
0x82: {  	_ =	shalt  }
0x83: {  	_ =	shalt  }
0x84: {  	_ =	shalt  }
0x85: {  	_ =	shalt  }
0x86: {  	_ =	shalt  }
0x87: {  	_ =	shalt  }
.Lfunc_end0:
.L_simem_size_0:
called_computation_lowered:
.L_overlay_start_0:
0x88: {  	s2 =	sld [smem:$0x3FD9]  }
0x89: {  	s3 =	sld [smem:$0x3FFE];
	_ =	sdelay $0x1  }
0x8a: {  	s1 =	srdreg.scid  }
0x8b: {  	s0 =	sand.u32 $0x1, s1  }
0x8c: {  	s16 =	sshll.u32 s0, $0xA;
	s2 =	sadd.s32 s3, s2  }
0x8d: {  	s2 =	sadd.s32 s2, s16  }
0x8e: {  	[smem:$0x3FC5] =	sst s2  }
0x8f: {  	_ = 	snop  }
0x90: {  	(tm) =	ssettm $0x1  }
0x91: {  	s17 =	sld [smem:$0x3FFB];
	_ =	sdelay $0x3  }
0x92: {  	_ =	strace s17  }
0x93: {  	s2 =	sld [smem:$0x3FFC];
	_ =	sdelay $0x3  }
0x94: {  	_ =	strace s2  }
0x95: {  	s2 =	sld [smem:$0x3FFD];
	_ =	sdelay $0x3  }
0x96: {  	_ =	strace s2  }
0x97: {  	_ =	strace $0x8FFFFFFF  }
0x98: {  	s18 =	sld [smem:$0x3FDB];
	_ =	sdelay $0x1  }
0x99: {  	s19 =	simm.s32 $_scs_section_size  }
0x9a: {  	s4 =	simm.s32 $_size__tile_overlayer_lowered;
	s5 =	simm.s32 $_tile_overlayer_lowered  }
0x9b: {  	s22 =	simm.s32 $0x1BFF;
	s21 =	sshll.u32 s5, $0x1;
	s2 =	sadd.s32 s19, s18  }
0x9c: {  	s6 =	simm.s32 $0x0;
	s20 =	sshll.u32 s4, $0x1;
	s4 =	sadd.s32 s21, s2  }
0x9d: {  	[timem:s6], [sflag:s22] =	dma.local [hbm:s4], s20  }
0x9e: {  	_ =	swait.ge [sflag:s22], s20  }
0x9f: {  	s3 =	ssub.s32 $0x0, s20;
	[sflag:s22] =	ssyncset.done $0x0  }
0xa0: {  	[sflag:s22] =	ssyncadd.s32 s3;
	_ =	sdelay $0x1  }
0xa1: {  	s23 =	simm.s32 $0x1B8B  }
0xa2: {  	_ =	swait.ge [sflag:s23], $0x1  }
0xa3: {  	[sflag:s23] =	ssyncset.done $0x0  }
0xa4: {  	s25 =	simm.s32 $0x1B8E;
	s24 =	sld [smem:$0x3FFE];
	[sflag:s23] =	ssyncadd.s32 $0xFFFFFFFF  }
0xa5: {  	s26 =	simm.s32 $execute0_lowered;
	[smem:$0x3FD2] =	sst s25  }
0xa6: {  	s4 =	sshll.u32 s26, $0x1;
	_ =	strace $0x80000046;
	[dreg:$0x1] =	wrdreg $0xFFFFFFFF  }
0xa7: {  	s28 =	simm.s32 $_size_execute0_lowered;
	s2 =	sadd.s32 s2, s4;
	[dreg:$0x0] =	wrdreg $0x0  }
0xa8: {  	s4 =	sshll.u32 s28, $0x1;
	[dreg:$0x2] =	wrdreg s2  }
0xa9: {  	[dreg:$0x3] =	wrdreg s4  }
0xaa: {  	[dreg:$0x4] =	wrdreg $0xC0  }
0xab: {  	_ =	task [dreg:s6], $0x5FFFF  }
0xac: {  	[dreg:$0x1] =	wrdreg $0xFFFFFFFF  }
0xad: {  	[dreg:$0x0] =	wrdreg $0x60  }
0xae: {  	[dreg:$0x2] =	wrdreg s24  }
0xaf: {  	[dreg:$0x3] =	wrdreg $0x9  }
0xb0: {  	_ =	task.clear_ibuf [dreg:s6], $0x4FFFF;
	_ =	strace $0x90000046  }
0xb1: {  	s29 =	simm.s32 $0x9;
	_ =	strace $0x80000048  }
0xb2: {  	_ =	swait.ge [sflag:s29], $0x1  }
0xb3: {  	[sflag:s29] =	ssyncadd.s32 $0xFFFFFFFF  }
0xb4: {  	_ =	strace $0x90000048  }
0xb5: {  	_ =	sfence  }
0xb6: {  	s30 =	sld [smem:$0x0];
	_ =	sdelay $0x2  }
0xb7: {  	s31 =	sshll.u32 s1, $0xD;
	s1 =	sshrl.u32 s1, $0x2  }
0xb8: {  	s3 =	sand.u32 $0x4000, s31;
	s1 =	sadd.s32 s1, s30  }
0xb9: {  	s0 =	sor.u32 s3, s0;
	s1 =	sshll.u32 s1, $0x11  }
0xba: {  	s0 =	sor.u32 s1, s0  }
0xbb: {  	s0 =	sadd.s32 $0x8F2B, s0  }
0xbc: {  	[sflag:s0] =	ssyncadd.remote.s32 $0x1  }
0xbd: {  	_ =	sfence.sel $0xFFFF  }
0xbe: {  	[dreg:$0x0] =	wrdreg $0xFFFFFFFF;
	(pc) =	sbr.abs _section_cstart, $3  }
0xbf: {  	[dreg:$0x1] =	wrdreg $0xFFFFFFFF  }
0xc0: {  	_ =	task.clear_ibuf [dreg:s6], $0x2FFFF;
	_ =	strace $0x9FFFFFFF  }
0xc1: {  	(tm) =	ssettm $0x7FFFFFFF  }
tec
execute0_lowered:
.L_overlay_start_1:
0x0: {  	(tag) =	ssettag $0x1  }
0x1: {  	s0 =	srdreg.scid  }
0x2: {  	s4 =	rddreg [dreg:$0x0];
	s1 =	stileid.u32  }
0x3: {  	s10 =	simm.s32 $0x1;
	s11 =	simm.s32 $0x8000;
	s12 =	simm.s32 $0x40000000  }
0x4: {  	s13 =	simm.s32 $0x10080;
	s14 =	simm.s32 $0x20000000;
	s15 =	simm.s32 $0x18100  }
0x5: {  	s16 =	simm.s32 $0x0;
	s3 =	sand.u32 $0x1, s0;
	s6 =	sshll.u32 s1, $0x7  }
0x6: {  	s31 =	sadd.s32 $0x100E00, s4;
	s2 =	sshll.u32 s3, $0x4;
	s6 =	sand.u32 $0x380, s6  }
0x7: {  	s3 =	ssub.s32 $0x2, s3;
	s5 =	sor.u32 s1, s2;
	s2 =	simm.s32 $0x0  }
0x8: {  	s8 =	sshrl.u32 s3, $0x1;
	s5 =	sshrl.u32 s5, $0x3;
	[smem:$0x7FF] =	sst s2  }
0x9: {  	s8 =	ssub.s32 s3, s8;
	s7 =	sshll.u32 s5, $0x12;
	s5 =	sshll.u32 s5, $0xA  }
.Ltmp0:
0xa: {  	s7 =	sor.u32 s6, s7;
	s5 =	sor.u32 s6, s5;
	(pc) =	sbr.rel .LBB2_1-.Ltmp0, $4  }
0xb: {  	_ =	strace $0x80000047;
	s7 =	sshrl.u32 s7, $0x3;
	s5 =	sshrl.u32 s5, $0x3  }
0xc: {  	s7 =	sadd.s32 s7, s4;
	s4 =	sadd.s32 s31, s5;
	s9 =	sor.u32 $0x200, s5  }
0xd: {  	v0 =	vlaneseq.u32;
	s3 =	sadd.s32 $0xE00, s7;
	s5 =	sadd.s32 $0x80E00, s7;
	s6 =	sadd.s32 s31, s9  }
0xe: {  	v2 =	vimm.s32 $0x0;
	vm0 =	vcmask $0x300;
	v1 =	vadd.s32 $0x1, v0;
	s7 =	smax.u32 s8, $0x1;
	s8 =	simm.s32 $0x80;
	s9 =	simm.s32 $0x400  }
.LBB2_31:
0xf: {  	v3 =	vimm.s32 $0x80000000  }
.LBB2_35:
0x10: {  	(xrf0) =	vmax.scan.msk.u32 $0xffff, v3;
	_ =	sdelay $0x5  }
0x11: {  	v3, _, _ =	vpop (xrf0)  }
0x12: {  	(v2sf) =	vpush v3, $0xF;
	_ =	sdelay $0xe  }
0x13: {  	s0 =	spop (v2sf)  }
0x14: {  	s0 =	sadd.s32 s0, s18  }
0x15: {  	s0 =	sadd.s32 $0x80000000, s0  }
0x16: {  	p0 =	sgt.s32 s0, $0x7FF  }
0x17: {  	s17 =	smov.u32 @p0 s19  }
0x18: {  	s31 =	sxor.u32 $0x80000000, s17  }
0x19: {  	s16 =	sadd.s32 $0x1, s16;
	v3 =	vmov s31  }
0x1a: {  	p0 =	sne.s32 s16, s7;
	v3 =	vnsel vm0, $0x0, v3  }
.Ltmp1:
0x1b: {  	[tilespmem:$0x18100] =	vst v3;
	(pc) =	sbr.rel @!p0 .LBB2_36-.Ltmp1, $4  }
0x1c: {  	[hbm4b:s6+s2] =	stream.linear.scatter [tilespmem:s15], [sflag:$0x1], $0x80, $0x38;
	[tilespmem:$0x18180] =	vst v63  }
0x1d: {  	_ =	swait.ge [sflag:s10], $0x80  }
0x1e: {  	[sflag:s10] =	ssyncset.done $0x0  }
0x1f: {  	[sflag:s10] =	ssyncadd.s32 $0xFFFFFF80  }
.LBB2_1:
0x20: {  	[tilespmem:s2], [sflag:$0x1] =	stream.strided.gather [hbm4b:s3+s8], $0x8000, s9, s8, $0x38;
	[tilespmem:$0x18180] =	vst v63  }
0x21: {  	_ =	swait.ge [sflag:s10], $0x8000  }
0x22: {  	[sflag:s10] =	ssyncset.done $0x0  }
0x23: {  	s17 =	simm.s32 $0x20;
	s18 =	simm.s32 $0x8000;
	v3 =	vimm.s32 $0x0;
	v4 =	vimm.s32 $0x0;
	[sflag:s10] =	ssyncadd.s32 $0xFFFF8000  }
.LBB2_2:
0x24: {  	v5 =	vld [tilespmem:s17+$0xFFFFFFE0];
	_ =	sdelay $0x4  }
0x25: {  	vm1 =	vgt.s32 v5, $0xFFFFFFFF  }
0x26: {  	v6 =	vsel vm1, $0x1, v2  }
0x27: {  	(xrf0) =	vadd.scan.msk.s32 $0xffff, v6;
	_ =	sdelay $0x2  }
0x28: {  	v6 =	vmov s18  }
0x29: {  	vm2 =	vlt.s32 v6, v1  }
0x2a: {  	v6 =	vsel vm2, s18, v1  }
0x2b: {  	v6 =	vmin.u32 v6, $0x10;
	v7, _, _ =	vpop (xrf0)  }
0x2c: {  	v6 =	vadd.s32 v3, v6;
	v8 =	vadd.s32 v7, v4  }
0x2d: {  	vm2 =	vle.s32 v5, $0xFFFFFFFF;
	v6 =	vsub.s32 v7, v6;
	v8 =	vadd.s32 $0xFFFFFFFF, v8  }
0x2e: {  	v6 =	vadd.s32 $0x8000, v6  }
0x2f: {  	v7 =	vshra.s32 v5, $0x1F  }
0x30: {  	v7 =	vand.u32 $0x7FFFFFFF, v7  }
0x31: {  	v5 =	vxor.u32 v5, v7  }
0x32: {  	[tilespmem:v8+s11+$0x0] =	vst.idx.msk vm1, v5  }
0x33: {  	[tilespmem:v6+s11+$0x0] =	vst.idx.msk vm2, v5  }
0x34: {  	v5 =	vld [tilespmem:s17+$0xFFFFFFF0];
	_ =	sdelay $0x4  }
0x35: {  	vm3 =	vgt.s32 v5, $0xFFFFFFFF  }
0x36: {  	v6 =	vsel vm3, $0x1, v2  }
0x37: {  	(xrf0) =	vadd.scan.msk.s32 $0xffff, v6;
	_ =	sdelay $0x1  }
0x38: {  	v7 =	vmpcnt.ones.xlane vm2  }
0x39: {  	s19 =	sadd.s32 $0xFFFFFFF0, s18  }
0x3a: {  	v58 =	vmov s19;
	v6 =	vmpcnt.ones.xlane vm1  }
0x3b: {  	vm1 =	vlt.s32 v58, v1  }
0x3c: {  	v3 =	vadd.s32 v3, v7;
	v4 =	vadd.s32 v4, v6;
	v6 =	vsel vm1, s19, v1;
	v7, _, _ =	vpop (xrf0)  }
0x3d: {  	v6 =	vadd.s32 v6, v3;
	v59 =	vadd.s32 v7, v4  }
0x3e: {  	vm1 =	vle.s32 v5, $0xFFFFFFFF;
	v6 =	vsub.s32 v7, v6;
	v8 =	vadd.s32 $0xFFFFFFFF, v59  }
0x3f: {  	v6 =	vadd.s32 $0x8000, v6  }
0x40: {  	v7 =	vshra.s32 v5, $0x1F  }
0x41: {  	v7 =	vand.u32 $0x7FFFFFFF, v7  }
0x42: {  	v5 =	vxor.u32 v5, v7  }
0x43: {  	[tilespmem:v8+s11+$0x0] =	vst.idx.msk vm3, v5  }
0x44: {  	[tilespmem:v6+s11+$0x0] =	vst.idx.msk vm1, v5  }
0x45: {  	v5 =	vld [tilespmem:s17+$0x0];
	_ =	sdelay $0x4  }
0x46: {  	vm2 =	vgt.s32 v5, $0xFFFFFFFF  }
0x47: {  	v6 =	vsel vm2, $0x1, v2  }
0x48: {  	(xrf0) =	vadd.scan.msk.s32 $0xffff, v6;
	_ =	sdelay $0x1  }
0x49: {  	v7 =	vmpcnt.ones.xlane vm1  }
0x4a: {  	s30 =	sadd.s32 $0xFFFFFFE0, s18  }
0x4b: {  	v60 =	vmov s30;
	v6 =	vmpcnt.ones.xlane vm3  }
0x4c: {  	vm1 =	vlt.s32 v60, v1  }
0x4d: {  	v3 =	vadd.s32 v3, v7;
	v4 =	vadd.s32 v4, v6;
	v6 =	vsel vm1, s30, v1;
	v7, _, _ =	vpop (xrf0)  }
0x4e: {  	v6 =	vadd.s32 v6, v3;
	v61 =	vadd.s32 v7, v4  }
0x4f: {  	vm1 =	vle.s32 v5, $0xFFFFFFFF;
	v6 =	vsub.s32 v7, v6;
	v8 =	vadd.s32 $0xFFFFFFFF, v61  }
0x50: {  	v6 =	vadd.s32 $0x8000, v6  }
0x51: {  	v7 =	vshra.s32 v5, $0x1F  }
0x52: {  	v7 =	vand.u32 $0x7FFFFFFF, v7  }
0x53: {  	v5 =	vxor.u32 v5, v7  }
0x54: {  	[tilespmem:v8+s11+$0x0] =	vst.idx.msk vm2, v5  }
0x55: {  	[tilespmem:v6+s11+$0x0] =	vst.idx.msk vm1, v5  }
0x56: {  	v5 =	vld [tilespmem:s17+$0x10];
	_ =	sdelay $0x4  }
0x57: {  	vm3 =	vgt.s32 v5, $0xFFFFFFFF  }
0x58: {  	v6 =	vsel vm3, $0x1, v2  }
0x59: {  	(xrf0) =	vadd.scan.msk.s32 $0xffff, v6;
	_ =	sdelay $0x1  }
0x5a: {  	v7 =	vmpcnt.ones.xlane vm1  }
0x5b: {  	s31 =	sadd.s32 $0xFFFFFFD0, s18  }
0x5c: {  	v62 =	vmov s31;
	v6 =	vmpcnt.ones.xlane vm2  }
0x5d: {  	vm1 =	vlt.s32 v62, v1  }
0x5e: {  	v3 =	vadd.s32 v3, v7;
	v4 =	vadd.s32 v4, v6;
	v6 =	vsel vm1, s31, v1;
	v7, _, _ =	vpop (xrf0)  }
0x5f: {  	v6 =	vadd.s32 v6, v3;
	v63 =	vadd.s32 v7, v4  }
0x60: {  	vm1 =	vle.s32 v5, $0xFFFFFFFF;
	v6 =	vsub.s32 v7, v6;
	v8 =	vadd.s32 $0xFFFFFFFF, v63  }
0x61: {  	p0 =	sne.s32 s18, $0x40;
	v6 =	vadd.s32 $0x8000, v6  }
.Ltmp2:
0x62: {  	v7 =	vshra.s32 v5, $0x1F;
	(pc) =	sbr.rel @p0 .LBB2_2-.Ltmp2, $4  }
0x63: {  	v7 =	vand.u32 $0x7FFFFFFF, v7  }
0x64: {  	v9 =	vmpcnt.ones.xlane vm1;
	v5 =	vxor.u32 v5, v7;
	v7 =	vmpcnt.ones.xlane vm3  }
0x65: {  	[tilespmem:v8+s11+$0x0] =	vst.idx.msk vm3, v5  }
0x66: {  	s18 =	sadd.s32 $0xFFFFFFC0, s18;
	s17 =	sadd.s32 $0x40, s17;
	v3 =	vadd.s32 v3, v9;
	v4 =	vadd.s32 v4, v7;
	[tilespmem:v6+s11+$0x0] =	vst.idx.msk vm1, v5  }
0x67: {  	v4 =	vxor.u32 $0x80000000, v4  }
0x68: {  	v3 =	vxor.u32 $0x80000000, v3;
	(xrf0) =	vmax.scan.msk.u32 $0xffff, v4  }
0x69: {  	(xrf0) =	vmax.scan.msk.u32 $0xffff, v3;
	_ =	sdelay $0x4  }
0x6a: {  	v3, _, _ =	vpop (xrf0)  }
0x6b: {  	(v2sf) =	vpush v3, $0xF;
	v3, _, _ =	vpop (xrf0)  }
0x6c: {  	(v2sf) =	vpush v3, $0xF;
	_ =	sdelay $0xd  }
.Ltmp3:
0x6d: {  	s17 =	spop (v2sf);
	(pc) =	sbr.rel .LBB2_4-.Ltmp3, $4  }
0x6e: {  	s20 =	sxor.u32 $0x80000000, s17;
	s31 =	spop (v2sf);
	s17 =	simm.s32 $0x80000000  }
0x6f: {  	s19 =	sxor.u32 $0x80000000, s31;
	p0 =	sgt.s32 s20, $0x7FF;
	s18 =	smov.u32 s20  }
0x70: {  	s17 =	simm.s32 @!p0 $0x0;
	s18 =	simm.s32 @p0 $0x0;
	s21 =	ssub.s32 $0x8000, s19  }
0x71: {  	s20 =	simm.s32 @!p0 $0x8000;
	s19 =	simm.s32 $0x0;
	s21 =	simm.s32 @p0 $0x0  }
.LBB2_12:
0x72: {  	(xrf0) =	vmax.scan.msk.u32 $0xffff, v3;
	_ =	sdelay $0x1  }
0x73: {  	(xrf0) =	vmax.scan.msk.u32 $0xffff, v4;
	_ =	sdelay $0x3  }
0x74: {  	v3, _, _ =	vpop (xrf0)  }
0x75: {  	(v2sf) =	vpush v3, $0xF  }
0x76: {  	v3, _, _ =	vpop (xrf0)  }
0x77: {  	(v2sf) =	vpush v3, $0xF;
	_ =	sdelay $0xb  }
0x78: {  	s19 =	sadd.s32 $0x1, s19  }
0x79: {  	p1 =	sne.s32 s19, $0xF;
	s0 =	spop (v2sf)  }
.Ltmp4:
0x7a: {  	s21 =	smov.u32 @p0 s18;
	s20 =	sxor.u32 $0x80000000, s0;
	(pc) =	sbr.rel @!p1 .LBB2_13-.Ltmp4, $4  }
0x7b: {  	s31 =	spop (v2sf);
	s18 =	sadd.s32 s21, s20  }
0x7c: {  	s0 =	sxor.u32 $0x80000000, s31;
	p0 =	sgt.s32 s18, $0x7FF  }
0x7d: {  	s18 =	smov.u32 @p0 s21;
	s21 =	ssub.s32 $0x8000, s0  }
0x7e: {  	s17 =	smov.u32 @p0 s22;
	s20 =	simm.s32 @!p0 $0x8000;
	s21 =	simm.s32 @p0 $0x0  }
.LBB2_4:
0x7f: {  	s26 =	sand.u32 $0xFFFFFFF0, s21  }
0x80: {  	s22 =	ssub.s32 s20, s26  }
0x81: {  	s22 =	sadd.s32 $0x3F, s22  }
0x82: {  	s23 =	sand.u32 $0x3F, s22  }
0x83: {  	s24 =	sshra.s32 s22, $0x1F;
	p0 =	slt.s32 s22, $0x1;
	p1 =	sne.s32 s23, $0x0  }
0x84: {  	s29 =	sshrl.u32 s24, $0x1A;
	p0 =	por !p0, !p1  }
0x85: {  	s23 =	simm.s32 $0x1;
	s22 =	sadd.s32 s29, s22;
	p0 =	por !p0, !p0  }
0x86: {  	s30 =	sshra.s32 s22, $0x6;
	s23 =	simm.s32 @!p0 $0x0  }
0x87: {  	s24 =	ssub.s32 s30, s23  }
0x88: {  	p0 =	slt.s32 s24, $0x1  }
.Ltmp5:
0x89: {  	_ = 	snop;
	(pc) =	sbr.rel @p0 .LBB2_8-.Ltmp5, $4  }
0x8a: {  	_ = 	snop  }
0x8b: {  	s22 =	sshll.u32 s19, $0x1  }
0x8c: {  	s31 =	sshrl.u32 s12, s22  }
0x8d: {  	v3 =	vimm.s32 $0x80000000;
	v4 =	vimm.s32 $0x80000000;
	v5 =	vimm.s32 $0x80000000;
	s23 =	sor.u32 s31, s17  }
0x8e: {  	s25 =	sshll.u32 s21, $0x2  }
0x8f: {  	s25 =	sshra.s32 s25, $0x2  }
0x90: {  	s28 =	sxor.u32 $0x80000000, s23;
	v4 =	vmov s21;
	v5 =	vmov s20;
	s29 =	sand.u32 $0xFFFFFFF0, s25  }
0x91: {  	v7 =	vimm.s32 $0x0;
	v8 =	vimm.s32 $0x0;
	v6 =	vmov s28;
	s25 =	ssub.s32 $0x0, s26;
	s26 =	sadd.s32 $0x30, s26;
	s28 =	sadd.s32 $0x8020, s29  }
.LBB2_6:
0x92: {  	v9 =	vld [tilespmem:s28+$0xFFFFFFE0];
	_ =	sdelay $0x1  }
0x93: {  	s29 =	sadd.s32 $0xFFFFFFD0, s26  }
0x94: {  	v10 =	vor.u32 s29, v0  }
0x95: {  	vm1 =	vge.s32 v10, v4;
	vm2 =	vlt.s32 v10, v5  }
0x96: {  	vm1 =	vmand vm1, vm2;
	vm2 =	vge.s32 v9, v6  }
0x97: {  	vm2 =	vmand vm1, vm2  }
0x98: {  	s30 =	sadd.s32 s21, s25;
	s29 =	sadd.s32 s20, s25;
	v10 =	vsel vm2, $0x1, v2  }
0x99: {  	p0 =	sgt.s32 s30, $0x0;
	s31 =	smov.u32 s30;
	v11 =	vmov s29;
	(xrf0) =	vadd.scan.msk.s32 $0xffff, v10  }
0x9a: {  	s31 =	simm.s32 @!p0 $0x0;
	vm3 =	vlt.s32 v11, v1  }
0x9b: {  	v11 =	vmov s31;
	v10 =	vsel vm3, s29, v1  }
0x9c: {  	v10 =	vsub.s32 v10, v11  }
0x9d: {  	vm3 =	vgt.s32 v10, $0x0  }
0x9e: {  	v10 =	vnsel vm3, $0x0, v10  }
0x9f: {  	v10 =	vmin.u32 v10, $0x10;
	v11, _, _ =	vpop (xrf0)  }
0xa0: {  	vm3 =	vlt.s32 v9, v6;
	v10 =	vadd.s32 v7, v10;
	v12 =	vadd.s32 v11, v8  }
0xa1: {  	vm3 =	vmand vm1, vm3;
	v10 =	vsub.s32 v11, v10;
	v12 =	vadd.s32 $0xFFFFFFFF, v12  }
0xa2: {  	v10 =	vadd.s32 $0x8000, v10;
	_ =	sdelay $0x3  }
0xa3: {  	[tilespmem:v12+s13+$0x0] =	vst.idx.msk vm2, v9  }
0xa4: {  	[tilespmem:v10+s13+$0x0] =	vst.idx.msk vm3, v9  }
0xa5: {  	v9 =	vld [tilespmem:s28+$0xFFFFFFF0];
	_ =	sdelay $0x1  }
0xa6: {  	s0 =	sadd.s32 $0xFFFFFFE0, s26  }
0xa7: {  	v10 =	vor.u32 s0, v0  }
0xa8: {  	vm1 =	vge.s32 v10, v4;
	vm4 =	vlt.s32 v10, v5  }
0xa9: {  	vm4 =	vmand vm1, vm4;
	vm1 =	vge.s32 v9, v6  }
0xaa: {  	s31 =	sadd.s32 $0xFFFFFFF0, s29;
	s0 =	sadd.s32 $0xFFFFFFF0, s30;
	vm1 =	vmand vm4, vm1  }
0xab: {  	v11 =	vmov s31;
	p0 =	sgt.s32 s0, $0x0;
	v10 =	vsel vm1, $0x1, v2  }
0xac: {  	vm5 =	vlt.s32 v11, v1;
	s0 =	simm.s32 @!p0 $0x0;
	(xrf0) =	vadd.scan.msk.s32 $0xffff, v10  }
0xad: {  	v11 =	vmov s0;
	v10 =	vsel vm5, s31, v1  }
0xae: {  	v10 =	vsub.s32 v10, v11;
	v11 =	vmpcnt.ones.xlane vm2;
	_ =	sdelay $0x1  }
0xaf: {  	v58 =	vmpcnt.ones.xlane vm3;
	vm2 =	vgt.s32 v10, $0x0  }
0xb0: {  	v10 =	vnsel vm2, $0x0, v10  }
0xb1: {  	v7 =	vadd.s32 v7, v58;
	v8 =	vadd.s32 v8, v11;
	v10 =	vmin.u32 v10, $0x10;
	v11, _, _ =	vpop (xrf0)  }
0xb2: {  	vm2 =	vlt.s32 v9, v6;
	v10 =	vadd.s32 v10, v7;
	v59 =	vadd.s32 v11, v8  }
0xb3: {  	vm3 =	vmand vm4, vm2;
	v10 =	vsub.s32 v11, v10;
	v12 =	vadd.s32 $0xFFFFFFFF, v59  }
0xb4: {  	v10 =	vadd.s32 $0x8000, v10;
	_ =	sdelay $0x3  }
0xb5: {  	[tilespmem:v12+s13+$0x0] =	vst.idx.msk vm1, v9  }
0xb6: {  	[tilespmem:v10+s13+$0x0] =	vst.idx.msk vm3, v9  }
0xb7: {  	v9 =	vld [tilespmem:s28+$0x0];
	_ =	sdelay $0x1  }
0xb8: {  	s31 =	sadd.s32 $0xFFFFFFF0, s26  }
0xb9: {  	v10 =	vor.u32 s31, v0  }
0xba: {  	vm2 =	vge.s32 v10, v4;
	vm11 =	vlt.s32 v10, v5  }
0xbb: {  	vm4 =	vmand vm2, vm11;
	vm2 =	vge.s32 v9, v6  }
0xbc: {  	s0 =	sadd.s32 $0xFFFFFFE0, s29;
	s31 =	sadd.s32 $0xFFFFFFE0, s30;
	vm2 =	vmand vm4, vm2  }
0xbd: {  	v11 =	vmov s0;
	p0 =	sgt.s32 s31, $0x0;
	v10 =	vsel vm2, $0x1, v2  }
0xbe: {  	vm12 =	vlt.s32 v11, v1;
	s31 =	simm.s32 @!p0 $0x0;
	(xrf0) =	vadd.scan.msk.s32 $0xffff, v10  }
0xbf: {  	v11 =	vmov s31;
	v10 =	vsel vm12, s0, v1  }
0xc0: {  	v10 =	vsub.s32 v10, v11;
	v11 =	vmpcnt.ones.xlane vm1;
	_ =	sdelay $0x1  }
0xc1: {  	v60 =	vmpcnt.ones.xlane vm3;
	vm1 =	vgt.s32 v10, $0x0  }
0xc2: {  	v10 =	vnsel vm1, $0x0, v10  }
0xc3: {  	v7 =	vadd.s32 v7, v60;
	v8 =	vadd.s32 v8, v11;
	v10 =	vmin.u32 v10, $0x10;
	v11, _, _ =	vpop (xrf0)  }
0xc4: {  	vm1 =	vlt.s32 v9, v6;
	v10 =	vadd.s32 v10, v7;
	v61 =	vadd.s32 v11, v8  }
0xc5: {  	vm1 =	vmand vm4, vm1;
	v10 =	vsub.s32 v11, v10;
	v12 =	vadd.s32 $0xFFFFFFFF, v61  }
0xc6: {  	v10 =	vadd.s32 $0x8000, v10;
	_ =	sdelay $0x3  }
0xc7: {  	[tilespmem:v12+s13+$0x0] =	vst.idx.msk vm2, v9  }
0xc8: {  	[tilespmem:v10+s13+$0x0] =	vst.idx.msk vm1, v9  }
0xc9: {  	v9 =	vld [tilespmem:s28+$0x10];
	_ =	sdelay $0x2  }
0xca: {  	v10 =	vor.u32 s26, v0  }
0xcb: {  	vm3 =	vge.s32 v10, v4;
	vm13 =	vlt.s32 v10, v5  }
0xcc: {  	vm3 =	vmand vm3, vm13;
	vm14 =	vge.s32 v9, v6  }
0xcd: {  	s31 =	sadd.s32 $0xFFFFFFD0, s29;
	s29 =	sadd.s32 $0xFFFFFFD0, s30;
	vm4 =	vmand vm3, vm14  }
0xce: {  	p0 =	sgt.s32 s29, $0x0;
	v11 =	vmov s31;
	v10 =	vsel vm4, $0x1, v2  }
0xcf: {  	s29 =	simm.s32 @!p0 $0x0;
	vm15 =	vlt.s32 v11, v1;
	(xrf0) =	vadd.scan.msk.s32 $0xffff, v10  }
0xd0: {  	v11 =	vmov s29;
	v10 =	vsel vm15, s31, v1  }
0xd1: {  	v10 =	vsub.s32 v10, v11;
	v11 =	vmpcnt.ones.xlane vm2;
	_ =	sdelay $0x1  }
0xd2: {  	v62 =	vmpcnt.ones.xlane vm1;
	vm1 =	vgt.s32 v10, $0x0  }
0xd3: {  	v10 =	vnsel vm1, $0x0, v10  }
0xd4: {  	v7 =	vadd.s32 v7, v62;
	v8 =	vadd.s32 v8, v11;
	v10 =	vmin.u32 v10, $0x10;
	v11, _, _ =	vpop (xrf0)  }
0xd5: {  	vm1 =	vlt.s32 v9, v6;
	v10 =	vadd.s32 v10, v7;
	v63 =	vadd.s32 v11, v8  }
0xd6: {  	vm1 =	vmand vm3, vm1;
	v10 =	vsub.s32 v11, v10;
	v12 =	vadd.s32 $0xFFFFFFFF, v63  }
0xd7: {  	p0 =	sne.s32 s24, $0x1;
	v10 =	vadd.s32 $0x8000, v10  }
.Ltmp6:
0xd8: {  	_ = 	snop;
	(pc) =	sbr.rel @p0 .LBB2_6-.Ltmp6, $4  }
0xd9: {  	_ = 	snop  }
0xda: {  	v13 =	vmpcnt.ones.xlane vm1;
	v11 =	vmpcnt.ones.xlane vm4  }
0xdb: {  	s21 =	sadd.s32 $0xFFFFFFC0, s21;
	s20 =	sadd.s32 $0xFFFFFFC0, s20;
	[tilespmem:v12+s13+$0x0] =	vst.idx.msk vm4, v9  }
0xdc: {  	s24 =	sadd.s32 $0xFFFFFFFF, s24;
	s26 =	sadd.s32 $0x40, s26;
	s28 =	sadd.s32 $0x40, s28;
	v7 =	vadd.s32 v7, v13;
	v8 =	vadd.s32 v8, v11;
	[tilespmem:v10+s13+$0x0] =	vst.idx.msk vm1, v9  }
0xdd: {  	v4 =	vxor.u32 $0x80000000, v8;
	v5 =	vxor.u32 $0x80000000, v7  }
.LBB2_8:
0xde: {  	(xrf0) =	vmax.scan.msk.u32 $0xffff, v4  }
0xdf: {  	(xrf0) =	vmax.scan.msk.u32 $0xffff, v5;
	_ =	sdelay $0x4  }
0xe0: {  	v4, _, _ =	vpop (xrf0)  }
0xe1: {  	(v2sf) =	vpush v4, $0xF;
	v4, _, _ =	vpop (xrf0)  }
0xe2: {  	(v2sf) =	vpush v4, $0xF;
	_ =	sdelay $0xd  }
0xe3: {  	s0 =	spop (v2sf)  }
0xe4: {  	s20 =	sxor.u32 $0x80000000, s0;
	s28 =	spop (v2sf)  }
0xe5: {  	s0 =	sxor.u32 $0x80000000, s28;
	s21 =	sadd.s32 s18, s20  }
0xe6: {  	p0 =	sgt.s32 s21, $0x7FF;
	s24 =	ssub.s32 $0x8000, s0  }
0xe7: {  	s24 =	simm.s32 @p0 $0x0  }
0xe8: {  	s20 =	simm.s32 @!p0 $0x8000;
	s26 =	sand.u32 $0xFFFFFFF0, s24  }
0xe9: {  	s29 =	ssub.s32 s20, s26  }
0xea: {  	s0 =	sadd.s32 $0x3F, s29  }
0xeb: {  	s25 =	sand.u32 $0x3F, s0  }
0xec: {  	s30 =	sshra.s32 s0, $0x1F;
	p2 =	slt.s32 s0, $0x1;
	p1 =	sne.s32 s25, $0x0  }
0xed: {  	s25 =	sshrl.u32 s30, $0x1A;
	p1 =	por !p2, !p1  }
0xee: {  	s0 =	sadd.s32 s25, s0;
	s25 =	simm.s32 $0x1;
	p1 =	por !p1, !p1  }
0xef: {  	s0 =	sshra.s32 s0, $0x6;
	s25 =	simm.s32 @!p1 $0x0  }
0xf0: {  	s25 =	ssub.s32 s0, s25  }
0xf1: {  	p1 =	slt.s32 s25, $0x1  }
.Ltmp7:
0xf2: {  	_ = 	snop;
	(pc) =	sbr.rel @p1 .LBB2_12-.Ltmp7, $3  }
0xf3: {  	_ =	sdelay $0x1  }
0xf4: {  	s31 =	sshrl.u32 s14, s22;
	s17 =	smov.u32 @p0 s23  }
0xf5: {  	v4 =	vimm.s32 $0x80000000;
	s22 =	sor.u32 s31, s17  }
0xf6: {  	s0 =	sshll.u32 s24, $0x2  }
0xf7: {  	s0 =	sshra.s32 s0, $0x2  }
0xf8: {  	s23 =	sxor.u32 $0x80000000, s22;
	v3 =	vmov s24;
	v4 =	vmov s20;
	s0 =	sand.u32 $0xFFFFFFF0, s0  }
0xf9: {  	v6 =	vimm.s32 $0x0;
	v7 =	vimm.s32 $0x0;
	v5 =	vmov s23;
	s23 =	ssub.s32 $0x0, s26;
	s26 =	sadd.s32 $0x30, s26;
	s28 =	sadd.s32 $0x100A0, s0  }
.LBB2_10:
0xfa: {  	v8 =	vld [tilespmem:s28+$0xFFFFFFE0];
	_ =	sdelay $0x1  }
0xfb: {  	s0 =	sadd.s32 $0xFFFFFFD0, s26  }
0xfc: {  	v9 =	vor.u32 s0, v0  }
0xfd: {  	vm1 =	vge.s32 v9, v3;
	vm2 =	vlt.s32 v9, v4  }
0xfe: {  	vm1 =	vmand vm1, vm2;
	vm2 =	vge.s32 v8, v5  }
0xff: {  	vm2 =	vmand vm1, vm2  }
0x100: {  	s29 =	sadd.s32 s20, s23;
	s30 =	sadd.s32 s24, s23;
	v32 =	vsel vm2, $0x1, v2  }
0x101: {  	v10 =	vmov s29;
	p1 =	sgt.s32 s30, $0x0;
	s0 =	smov.u32 s30;
	(xrf0) =	vadd.scan.msk.s32 $0xffff, v32  }
0x102: {  	vm3 =	vlt.s32 v10, v1;
	s0 =	simm.s32 @!p1 $0x0  }
0x103: {  	v33 =	vsel vm3, s29, v1;
	v34 =	vmov s0  }
0x104: {  	v9 =	vsub.s32 v33, v34  }
0x105: {  	vm3 =	vgt.s32 v9, $0x0  }
0x106: {  	v9 =	vnsel vm3, $0x0, v9  }
0x107: {  	v9 =	vmin.u32 v9, $0x10;
	v35, _, _ =	vpop (xrf0)  }
0x108: {  	vm3 =	vlt.s32 v8, v5;
	v9 =	vadd.s32 v6, v9;
	v11 =	vadd.s32 v35, v7  }
0x109: {  	vm3 =	vmand vm1, vm3;
	v9 =	vsub.s32 v35, v9;
	v11 =	vadd.s32 $0xFFFFFFFF, v11  }
0x10a: {  	v9 =	vadd.s32 $0x8000, v9;
	_ =	sdelay $0x3  }
0x10b: {  	[tilespmem:v11+s11+$0x0] =	vst.idx.msk vm2, v8  }
0x10c: {  	[tilespmem:v9+s11+$0x0] =	vst.idx.msk vm3, v8  }
0x10d: {  	v8 =	vld [tilespmem:s28+$0xFFFFFFF0];
	_ =	sdelay $0x1  }
0x10e: {  	s31 =	sadd.s32 $0xFFFFFFE0, s26  }
0x10f: {  	v36 =	vor.u32 s31, v0  }
0x110: {  	vm4 =	vlt.s32 v36, v4;
	vm1 =	vge.s32 v36, v3  }
0x111: {  	vm4 =	vmand vm1, vm4;
	vm1 =	vge.s32 v8, v5  }
0x112: {  	vm1 =	vmand vm4, vm1  }
0x113: {  	s31 =	sadd.s32 $0xFFFFFFF0, s30;
	s0 =	sadd.s32 $0xFFFFFFF0, s29;
	v37 =	vsel vm1, $0x1, v2  }
0x114: {  	p1 =	sgt.s32 s31, $0x0;
	v38 =	vmov s0;
	(xrf0) =	vadd.scan.msk.s32 $0xffff, v37  }
0x115: {  	s31 =	simm.s32 @!p1 $0x0;
	vm5 =	vlt.s32 v38, v1  }
0x116: {  	v40 =	vmov s31;
	v39 =	vsel vm5, s0, v1  }
0x117: {  	v9 =	vsub.s32 v39, v40  }
0x118: {  	v41 =	vmpcnt.ones.xlane vm2;
	v42 =	vmpcnt.ones.xlane vm3;
	vm2 =	vgt.s32 v9, $0x0  }
0x119: {  	v9 =	vnsel vm2, $0x0, v9  }
0x11a: {  	v6 =	vadd.s32 v6, v42;
	v7 =	vadd.s32 v7, v41;
	v9 =	vmin.u32 v9, $0x10;
	v43, _, _ =	vpop (xrf0)  }
0x11b: {  	v9 =	vadd.s32 v9, v6;
	vm2 =	vlt.s32 v8, v5;
	v44 =	vadd.s32 v43, v7  }
0x11c: {  	vm3 =	vmand vm4, vm2;
	v9 =	vsub.s32 v43, v9;
	v11 =	vadd.s32 $0xFFFFFFFF, v44  }
0x11d: {  	v9 =	vadd.s32 $0x8000, v9;
	_ =	sdelay $0x3  }
0x11e: {  	[tilespmem:v11+s11+$0x0] =	vst.idx.msk vm1, v8  }
0x11f: {  	[tilespmem:v9+s11+$0x0] =	vst.idx.msk vm3, v8  }
0x120: {  	v8 =	vld [tilespmem:s28+$0x0];
	_ =	sdelay $0x1  }
0x121: {  	s31 =	sadd.s32 $0xFFFFFFF0, s26  }
0x122: {  	v45 =	vor.u32 s31, v0  }
0x123: {  	vm11 =	vlt.s32 v45, v4;
	vm2 =	vge.s32 v45, v3  }
0x124: {  	vm4 =	vmand vm2, vm11;
	vm2 =	vge.s32 v8, v5  }
0x125: {  	vm2 =	vmand vm4, vm2  }
0x126: {  	s31 =	sadd.s32 $0xFFFFFFE0, s30;
	s0 =	sadd.s32 $0xFFFFFFE0, s29;
	v46 =	vsel vm2, $0x1, v2  }
0x127: {  	p1 =	sgt.s32 s31, $0x0;
	v47 =	vmov s0;
	(xrf0) =	vadd.scan.msk.s32 $0xffff, v46  }
0x128: {  	s31 =	simm.s32 @!p1 $0x0;
	vm12 =	vlt.s32 v47, v1  }
0x129: {  	v49 =	vmov s31;
	v48 =	vsel vm12, s0, v1  }
0x12a: {  	v9 =	vsub.s32 v48, v49  }
0x12b: {  	v50 =	vmpcnt.ones.xlane vm1;
	v51 =	vmpcnt.ones.xlane vm3;
	vm1 =	vgt.s32 v9, $0x0  }
0x12c: {  	v9 =	vnsel vm1, $0x0, v9  }
0x12d: {  	v6 =	vadd.s32 v6, v51;
	v7 =	vadd.s32 v7, v50;
	v9 =	vmin.u32 v9, $0x10;
	v52, _, _ =	vpop (xrf0)  }
0x12e: {  	v9 =	vadd.s32 v9, v6;
	vm1 =	vlt.s32 v8, v5;
	v53 =	vadd.s32 v52, v7  }
0x12f: {  	vm1 =	vmand vm4, vm1;
	v9 =	vsub.s32 v52, v9;
	v11 =	vadd.s32 $0xFFFFFFFF, v53  }
0x130: {  	v9 =	vadd.s32 $0x8000, v9;
	_ =	sdelay $0x3  }
0x131: {  	[tilespmem:v11+s11+$0x0] =	vst.idx.msk vm2, v8  }
0x132: {  	[tilespmem:v9+s11+$0x0] =	vst.idx.msk vm1, v8  }
0x133: {  	v8 =	vld [tilespmem:s28+$0x10];
	_ =	sdelay $0x2  }
0x134: {  	v54 =	vor.u32 s26, v0  }
0x135: {  	vm13 =	vlt.s32 v54, v4;
	vm3 =	vge.s32 v54, v3  }
0x136: {  	vm3 =	vmand vm3, vm13;
	vm14 =	vge.s32 v8, v5  }
0x137: {  	vm4 =	vmand vm3, vm14  }
0x138: {  	s31 =	sadd.s32 $0xFFFFFFD0, s29;
	s29 =	sadd.s32 $0xFFFFFFD0, s30;
	v55 =	vsel vm4, $0x1, v2  }
0x139: {  	v56 =	vmov s31;
	p1 =	sgt.s32 s29, $0x0;
	(xrf0) =	vadd.scan.msk.s32 $0xffff, v55  }
0x13a: {  	vm15 =	vlt.s32 v56, v1;
	s29 =	simm.s32 @!p1 $0x0  }
0x13b: {  	v57 =	vsel vm15, s31, v1;
	v58 =	vmov s29  }
0x13c: {  	v9 =	vsub.s32 v57, v58  }
0x13d: {  	v59 =	vmpcnt.ones.xlane vm2;
	v60 =	vmpcnt.ones.xlane vm1;
	vm1 =	vgt.s32 v9, $0x0  }
0x13e: {  	v9 =	vnsel vm1, $0x0, v9  }
0x13f: {  	v6 =	vadd.s32 v6, v60;
	v7 =	vadd.s32 v7, v59;
	v9 =	vmin.u32 v9, $0x10;
	v61, _, _ =	vpop (xrf0)  }
0x140: {  	v9 =	vadd.s32 v9, v6;
	vm1 =	vlt.s32 v8, v5;
	v62 =	vadd.s32 v61, v7  }
0x141: {  	vm1 =	vmand vm3, vm1;
	v9 =	vsub.s32 v61, v9;
	v11 =	vadd.s32 $0xFFFFFFFF, v62  }
0x142: {  	p1 =	sne.s32 s25, $0x1;
	v9 =	vadd.s32 $0x8000, v9  }
.Ltmp8:
0x143: {  	_ = 	snop;
	(pc) =	sbr.rel @p1 .LBB2_10-.Ltmp8, $4  }
0x144: {  	_ = 	snop  }
0x145: {  	v63 =	vmpcnt.ones.xlane vm4;
	v12 =	vmpcnt.ones.xlane vm1  }
0x146: {  	s20 =	sadd.s32 $0xFFFFFFC0, s20;
	s24 =	sadd.s32 $0xFFFFFFC0, s24;
	[tilespmem:v11+s11+$0x0] =	vst.idx.msk vm4, v8  }
0x147: {  	s26 =	sadd.s32 $0x40, s26;
	s25 =	sadd.s32 $0xFFFFFFFF, s25;
	s28 =	sadd.s32 $0x40, s28;
	v6 =	vadd.s32 v6, v12;
	v7 =	vadd.s32 v7, v63;
	[tilespmem:v9+s11+$0x0] =	vst.idx.msk vm1, v8  }
.Ltmp9:
0x148: {  	(pc) =	sbr.rel .LBB2_12-.Ltmp9, $2  }
0x149: {  	_ =	sdelay $0x2  }
0x14a: {  	v3 =	vxor.u32 $0x80000000, v7;
	v4 =	vxor.u32 $0x80000000, v6  }
.LBB2_13:
0x14b: {  	s24 =	sand.u32 $0xFFFFFFF0, s21  }
0x14c: {  	s0 =	ssub.s32 s20, s24  }
0x14d: {  	s0 =	sadd.s32 $0x3F, s0  }
0x14e: {  	s19 =	sand.u32 $0x3F, s0  }
0x14f: {  	s22 =	sshra.s32 s0, $0x1F;
	p0 =	slt.s32 s0, $0x1;
	p1 =	sne.s32 s19, $0x0  }
0x150: {  	s31 =	sshrl.u32 s22, $0x1A;
	p0 =	por !p0, !p1  }
0x151: {  	s19 =	simm.s32 $0x1;
	s0 =	sadd.s32 s31, s0;
	p0 =	por !p0, !p0  }
0x152: {  	s0 =	sshra.s32 s0, $0x6;
	s19 =	simm.s32 @!p0 $0x0  }
0x153: {  	s22 =	ssub.s32 s0, s19  }
0x154: {  	p0 =	slt.s32 s22, $0x1  }
.Ltmp10:
0x155: {  	_ = 	snop;
	(pc) =	sbr.rel @p0 .LBB2_14-.Ltmp10, $2  }
0x156: {  	_ =	sdelay $0x2  }
0x157: {  	s19 =	sor.u32 $0x1, s17  }
0x158: {  	s0 =	sshll.u32 s21, $0x2  }
0x159: {  	s0 =	sshra.s32 s0, $0x2  }
0x15a: {  	s23 =	sxor.u32 $0x80000000, s19;
	v3 =	vmov s21;
	v4 =	vmov s20;
	s0 =	sand.u32 $0xFFFFFFF0, s0  }
0x15b: {  	v7 =	vimm.s32 $0x0;
	v6 =	vimm.s32 $0x0;
	v5 =	vmov s23;
	s23 =	ssub.s32 $0x0, s24;
	s24 =	sadd.s32 $0x30, s24;
	s25 =	sadd.s32 $0x8020, s0  }
.LBB2_16:
0x15c: {  	v8 =	vld [tilespmem:s25+$0xFFFFFFE0];
	_ =	sdelay $0x1  }
0x15d: {  	s0 =	sadd.s32 $0xFFFFFFD0, s24  }
0x15e: {  	v9 =	vor.u32 s0, v0  }
0x15f: {  	vm1 =	vge.s32 v9, v3;
	vm2 =	vlt.s32 v9, v4  }
0x160: {  	vm1 =	vmand vm1, vm2;
	vm2 =	vge.s32 v8, v5  }
0x161: {  	vm2 =	vmand vm1, vm2  }
0x162: {  	s26 =	sadd.s32 s20, s23;
	s28 =	sadd.s32 s21, s23;
	v32 =	vsel vm2, $0x1, v2  }
0x163: {  	v10 =	vmov s26;
	p0 =	sgt.s32 s28, $0x0;
	s0 =	smov.u32 s28;
	(xrf0) =	vadd.scan.msk.s32 $0xffff, v32  }
0x164: {  	vm3 =	vlt.s32 v10, v1;
	s0 =	simm.s32 @!p0 $0x0  }
0x165: {  	v33 =	vsel vm3, s26, v1;
	v34 =	vmov s0  }
0x166: {  	v9 =	vsub.s32 v33, v34  }
0x167: {  	vm3 =	vgt.s32 v9, $0x0  }
0x168: {  	v9 =	vnsel vm3, $0x0, v9  }
0x169: {  	v9 =	vmin.u32 v9, $0x10;
	v35, _, _ =	vpop (xrf0)  }
0x16a: {  	vm3 =	vlt.s32 v8, v5;
	v9 =	vadd.s32 v7, v9;
	v11 =	vadd.s32 v35, v6  }
0x16b: {  	vm3 =	vmand vm1, vm3;
	v9 =	vsub.s32 v35, v9;
	v11 =	vadd.s32 $0xFFFFFFFF, v11  }
0x16c: {  	v9 =	vadd.s32 $0x8000, v9;
	_ =	sdelay $0x3  }
0x16d: {  	[tilespmem:v11+s13+$0x0] =	vst.idx.msk vm2, v8  }
0x16e: {  	[tilespmem:v9+s13+$0x0] =	vst.idx.msk vm3, v8  }
0x16f: {  	v8 =	vld [tilespmem:s25+$0xFFFFFFF0];
	_ =	sdelay $0x1  }
0x170: {  	s30 =	sadd.s32 $0xFFFFFFE0, s24  }
0x171: {  	v36 =	vor.u32 s30, v0  }
0x172: {  	vm4 =	vlt.s32 v36, v4;
	vm1 =	vge.s32 v36, v3  }
0x173: {  	vm4 =	vmand vm1, vm4;
	vm1 =	vge.s32 v8, v5  }
0x174: {  	vm1 =	vmand vm4, vm1  }
0x175: {  	s31 =	sadd.s32 $0xFFFFFFF0, s26;
	s29 =	sadd.s32 $0xFFFFFFF0, s28;
	v37 =	vsel vm1, $0x1, v2  }
0x176: {  	v38 =	vmov s31;
	p0 =	sgt.s32 s29, $0x0;
	(xrf0) =	vadd.scan.msk.s32 $0xffff, v37  }
0x177: {  	vm5 =	vlt.s32 v38, v1;
	s29 =	simm.s32 @!p0 $0x0  }
0x178: {  	v39 =	vsel vm5, s31, v1;
	v40 =	vmov s29  }
0x179: {  	v9 =	vsub.s32 v39, v40  }
0x17a: {  	v41 =	vmpcnt.ones.xlane vm2;
	v42 =	vmpcnt.ones.xlane vm3;
	vm2 =	vgt.s32 v9, $0x0  }
0x17b: {  	v9 =	vnsel vm2, $0x0, v9  }
0x17c: {  	v7 =	vadd.s32 v7, v42;
	v6 =	vadd.s32 v6, v41;
	v9 =	vmin.u32 v9, $0x10;
	v43, _, _ =	vpop (xrf0)  }
0x17d: {  	v9 =	vadd.s32 v9, v7;
	vm2 =	vlt.s32 v8, v5;
	v44 =	vadd.s32 v43, v6  }
0x17e: {  	vm3 =	vmand vm4, vm2;
	v9 =	vsub.s32 v43, v9;
	v11 =	vadd.s32 $0xFFFFFFFF, v44  }
0x17f: {  	v9 =	vadd.s32 $0x8000, v9;
	_ =	sdelay $0x3  }
0x180: {  	[tilespmem:v11+s13+$0x0] =	vst.idx.msk vm1, v8  }
0x181: {  	[tilespmem:v9+s13+$0x0] =	vst.idx.msk vm3, v8  }
0x182: {  	v8 =	vld [tilespmem:s25+$0x0];
	_ =	sdelay $0x1  }
0x183: {  	s29 =	sadd.s32 $0xFFFFFFF0, s24  }
0x184: {  	v45 =	vor.u32 s29, v0  }
0x185: {  	vm11 =	vlt.s32 v45, v4;
	vm2 =	vge.s32 v45, v3  }
0x186: {  	vm4 =	vmand vm2, vm11;
	vm2 =	vge.s32 v8, v5  }
0x187: {  	vm2 =	vmand vm4, vm2  }
0x188: {  	s30 =	sadd.s32 $0xFFFFFFE0, s26;
	s29 =	sadd.s32 $0xFFFFFFE0, s28;
	v46 =	vsel vm2, $0x1, v2  }
0x189: {  	v47 =	vmov s30;
	p0 =	sgt.s32 s29, $0x0;
	(xrf0) =	vadd.scan.msk.s32 $0xffff, v46  }
0x18a: {  	vm12 =	vlt.s32 v47, v1;
	s29 =	simm.s32 @!p0 $0x0  }
0x18b: {  	v48 =	vsel vm12, s30, v1;
	v49 =	vmov s29  }
0x18c: {  	v9 =	vsub.s32 v48, v49  }
0x18d: {  	v50 =	vmpcnt.ones.xlane vm1;
	v51 =	vmpcnt.ones.xlane vm3;
	vm1 =	vgt.s32 v9, $0x0  }
0x18e: {  	v9 =	vnsel vm1, $0x0, v9  }
0x18f: {  	v7 =	vadd.s32 v7, v51;
	v6 =	vadd.s32 v6, v50;
	v9 =	vmin.u32 v9, $0x10;
	v52, _, _ =	vpop (xrf0)  }
0x190: {  	v9 =	vadd.s32 v9, v7;
	vm1 =	vlt.s32 v8, v5;
	v53 =	vadd.s32 v52, v6  }
0x191: {  	vm1 =	vmand vm4, vm1;
	v9 =	vsub.s32 v52, v9;
	v11 =	vadd.s32 $0xFFFFFFFF, v53  }
0x192: {  	v9 =	vadd.s32 $0x8000, v9;
	_ =	sdelay $0x3  }
0x193: {  	[tilespmem:v11+s13+$0x0] =	vst.idx.msk vm2, v8  }
0x194: {  	[tilespmem:v9+s13+$0x0] =	vst.idx.msk vm1, v8  }
0x195: {  	v8 =	vld [tilespmem:s25+$0x10];
	_ =	sdelay $0x2  }
0x196: {  	v54 =	vor.u32 s24, v0  }
0x197: {  	vm13 =	vlt.s32 v54, v4;
	vm3 =	vge.s32 v54, v3  }
0x198: {  	vm3 =	vmand vm3, vm13;
	vm14 =	vge.s32 v8, v5  }
0x199: {  	vm4 =	vmand vm3, vm14  }
0x19a: {  	s31 =	sadd.s32 $0xFFFFFFD0, s26;
	s26 =	sadd.s32 $0xFFFFFFD0, s28;
	v55 =	vsel vm4, $0x1, v2  }
0x19b: {  	v56 =	vmov s31;
	p0 =	sgt.s32 s26, $0x0;
	(xrf0) =	vadd.scan.msk.s32 $0xffff, v55  }
0x19c: {  	vm15 =	vlt.s32 v56, v1;
	s26 =	simm.s32 @!p0 $0x0  }
0x19d: {  	v57 =	vsel vm15, s31, v1;
	v58 =	vmov s26  }
0x19e: {  	v9 =	vsub.s32 v57, v58  }
0x19f: {  	v59 =	vmpcnt.ones.xlane vm2;
	v60 =	vmpcnt.ones.xlane vm1;
	vm1 =	vgt.s32 v9, $0x0  }
0x1a0: {  	v9 =	vnsel vm1, $0x0, v9  }
0x1a1: {  	v7 =	vadd.s32 v7, v60;
	v6 =	vadd.s32 v6, v59;
	v9 =	vmin.u32 v9, $0x10;
	v61, _, _ =	vpop (xrf0)  }
0x1a2: {  	v9 =	vadd.s32 v9, v7;
	vm1 =	vlt.s32 v8, v5;
	v62 =	vadd.s32 v61, v6  }
0x1a3: {  	vm1 =	vmand vm3, vm1;
	v9 =	vsub.s32 v61, v9;
	v11 =	vadd.s32 $0xFFFFFFFF, v62  }
0x1a4: {  	p0 =	sne.s32 s22, $0x1;
	v9 =	vadd.s32 $0x8000, v9  }
.Ltmp11:
0x1a5: {  	_ = 	snop;
	(pc) =	sbr.rel @p0 .LBB2_16-.Ltmp11, $4  }
0x1a6: {  	_ = 	snop  }
0x1a7: {  	v63 =	vmpcnt.ones.xlane vm4;
	v12 =	vmpcnt.ones.xlane vm1  }
0x1a8: {  	s20 =	sadd.s32 $0xFFFFFFC0, s20;
	s21 =	sadd.s32 $0xFFFFFFC0, s21;
	[tilespmem:v11+s13+$0x0] =	vst.idx.msk vm4, v8  }
0x1a9: {  	s24 =	sadd.s32 $0x40, s24;
	s22 =	sadd.s32 $0xFFFFFFFF, s22;
	s25 =	sadd.s32 $0x40, s25;
	v7 =	vadd.s32 v7, v12;
	v6 =	vadd.s32 v6, v63;
	[tilespmem:v9+s13+$0x0] =	vst.idx.msk vm1, v8  }
.Ltmp12:
0x1aa: {  	(pc) =	sbr.rel .LBB2_18-.Ltmp12, $2  }
0x1ab: {  	_ =	sdelay $0x2  }
0x1ac: {  	v3 =	vxor.u32 $0x80000000, v6  }
.LBB2_14:
0x1ad: {  	v3 =	vimm.s32 $0x80000000  }
.LBB2_18:
0x1ae: {  	(xrf0) =	vmax.scan.msk.u32 $0xffff, v3;
	_ =	sdelay $0x5  }
0x1af: {  	v3, _, _ =	vpop (xrf0)  }
0x1b0: {  	(v2sf) =	vpush v3, $0xF;
	_ =	sdelay $0xe  }
0x1b1: {  	s0 =	spop (v2sf)  }
0x1b2: {  	s0 =	sadd.s32 s0, s18  }
0x1b3: {  	s0 =	sadd.s32 $0x80000000, s0  }
0x1b4: {  	p0 =	sgt.s32 s0, $0x7FF  }
0x1b5: {  	s17 =	smov.u32 @p0 s19  }
0x1b6: {  	s31 =	sxor.u32 $0x80000000, s17  }
0x1b7: {  	v3 =	vmov s31  }
0x1b8: {  	v3 =	vnsel vm0, $0x0, v3  }
0x1b9: {  	[tilespmem:$0x18100] =	vst v3  }
0x1ba: {  	[hbm4b:s4+s2] =	stream.linear.scatter [tilespmem:s15], [sflag:$0x1], $0x80, $0x38;
	[tilespmem:$0x18180] =	vst v63  }
0x1bb: {  	_ =	swait.ge [sflag:s10], $0x80  }
0x1bc: {  	[sflag:s10] =	ssyncset.done $0x0  }
0x1bd: {  	[sflag:s10] =	ssyncadd.s32 $0xFFFFFF80  }
0x1be: {  	[tilespmem:s2], [sflag:$0x1] =	stream.strided.gather [hbm4b:s5+s8], $0x8000, s9, s8, $0x38;
	[tilespmem:$0x18180] =	vst v63  }
0x1bf: {  	_ =	swait.ge [sflag:s10], $0x8000  }
0x1c0: {  	[sflag:s10] =	ssyncset.done $0x0  }
0x1c1: {  	v4 =	vimm.s32 $0x0;
	s18 =	simm.s32 $0x20;
	s17 =	simm.s32 $0x8000;
	v3 =	vimm.s32 $0x0;
	[sflag:s10] =	ssyncadd.s32 $0xFFFF8000  }
.LBB2_19:
0x1c2: {  	v5 =	vld [tilespmem:s18+$0xFFFFFFE0];
	_ =	sdelay $0x4  }
0x1c3: {  	vm1 =	vgt.s32 v5, $0xFFFFFFFF  }
0x1c4: {  	v6 =	vsel vm1, $0x1, v2  }
0x1c5: {  	(xrf0) =	vadd.scan.msk.s32 $0xffff, v6;
	_ =	sdelay $0x2  }
0x1c6: {  	v6 =	vmov s17  }
0x1c7: {  	vm2 =	vlt.s32 v6, v1  }
0x1c8: {  	v6 =	vsel vm2, s17, v1  }
0x1c9: {  	v6 =	vmin.u32 v6, $0x10;
	v7, _, _ =	vpop (xrf0)  }
0x1ca: {  	v6 =	vadd.s32 v3, v6;
	v8 =	vadd.s32 v7, v4  }
0x1cb: {  	vm2 =	vle.s32 v5, $0xFFFFFFFF;
	v6 =	vsub.s32 v7, v6;
	v8 =	vadd.s32 $0xFFFFFFFF, v8  }
0x1cc: {  	v6 =	vadd.s32 $0x8000, v6  }
0x1cd: {  	v7 =	vshra.s32 v5, $0x1F  }
0x1ce: {  	v7 =	vand.u32 $0x7FFFFFFF, v7  }
0x1cf: {  	v5 =	vxor.u32 v5, v7  }
0x1d0: {  	[tilespmem:v8+s11+$0x0] =	vst.idx.msk vm1, v5  }
0x1d1: {  	[tilespmem:v6+s11+$0x0] =	vst.idx.msk vm2, v5  }
0x1d2: {  	v5 =	vld [tilespmem:s18+$0xFFFFFFF0];
	_ =	sdelay $0x4  }
0x1d3: {  	vm3 =	vgt.s32 v5, $0xFFFFFFFF  }
0x1d4: {  	v6 =	vsel vm3, $0x1, v2  }
0x1d5: {  	(xrf0) =	vadd.scan.msk.s32 $0xffff, v6;
	_ =	sdelay $0x1  }
0x1d6: {  	v7 =	vmpcnt.ones.xlane vm2  }
0x1d7: {  	s0 =	sadd.s32 $0xFFFFFFF0, s17  }
0x1d8: {  	v58 =	vmov s0;
	v6 =	vmpcnt.ones.xlane vm1  }
0x1d9: {  	vm1 =	vlt.s32 v58, v1  }
0x1da: {  	v3 =	vadd.s32 v3, v7;
	v4 =	vadd.s32 v4, v6;
	v6 =	vsel vm1, s0, v1;
	v7, _, _ =	vpop (xrf0)  }
0x1db: {  	v6 =	vadd.s32 v6, v3;
	v59 =	vadd.s32 v7, v4  }
0x1dc: {  	vm1 =	vle.s32 v5, $0xFFFFFFFF;
	v6 =	vsub.s32 v7, v6;
	v8 =	vadd.s32 $0xFFFFFFFF, v59  }
0x1dd: {  	v6 =	vadd.s32 $0x8000, v6  }
0x1de: {  	v7 =	vshra.s32 v5, $0x1F  }
0x1df: {  	v7 =	vand.u32 $0x7FFFFFFF, v7  }
0x1e0: {  	v5 =	vxor.u32 v5, v7  }
0x1e1: {  	[tilespmem:v8+s11+$0x0] =	vst.idx.msk vm3, v5  }
0x1e2: {  	[tilespmem:v6+s11+$0x0] =	vst.idx.msk vm1, v5  }
0x1e3: {  	v5 =	vld [tilespmem:s18+$0x0];
	_ =	sdelay $0x4  }
0x1e4: {  	vm2 =	vgt.s32 v5, $0xFFFFFFFF  }
0x1e5: {  	v6 =	vsel vm2, $0x1, v2  }
0x1e6: {  	(xrf0) =	vadd.scan.msk.s32 $0xffff, v6;
	_ =	sdelay $0x1  }
0x1e7: {  	v7 =	vmpcnt.ones.xlane vm1  }
0x1e8: {  	s30 =	sadd.s32 $0xFFFFFFE0, s17  }
0x1e9: {  	v60 =	vmov s30;
	v6 =	vmpcnt.ones.xlane vm3  }
0x1ea: {  	vm1 =	vlt.s32 v60, v1  }
0x1eb: {  	v3 =	vadd.s32 v3, v7;
	v4 =	vadd.s32 v4, v6;
	v6 =	vsel vm1, s30, v1;
	v7, _, _ =	vpop (xrf0)  }
0x1ec: {  	v6 =	vadd.s32 v6, v3;
	v61 =	vadd.s32 v7, v4  }
0x1ed: {  	vm1 =	vle.s32 v5, $0xFFFFFFFF;
	v6 =	vsub.s32 v7, v6;
	v8 =	vadd.s32 $0xFFFFFFFF, v61  }
0x1ee: {  	v6 =	vadd.s32 $0x8000, v6  }
0x1ef: {  	v7 =	vshra.s32 v5, $0x1F  }
0x1f0: {  	v7 =	vand.u32 $0x7FFFFFFF, v7  }
0x1f1: {  	v5 =	vxor.u32 v5, v7  }
0x1f2: {  	[tilespmem:v8+s11+$0x0] =	vst.idx.msk vm2, v5  }
0x1f3: {  	[tilespmem:v6+s11+$0x0] =	vst.idx.msk vm1, v5  }
0x1f4: {  	v5 =	vld [tilespmem:s18+$0x10];
	_ =	sdelay $0x4  }
0x1f5: {  	vm3 =	vgt.s32 v5, $0xFFFFFFFF  }
0x1f6: {  	v6 =	vsel vm3, $0x1, v2  }
0x1f7: {  	(xrf0) =	vadd.scan.msk.s32 $0xffff, v6;
	_ =	sdelay $0x1  }
0x1f8: {  	v7 =	vmpcnt.ones.xlane vm1  }
0x1f9: {  	s31 =	sadd.s32 $0xFFFFFFD0, s17  }
0x1fa: {  	v62 =	vmov s31;
	v6 =	vmpcnt.ones.xlane vm2  }
0x1fb: {  	vm1 =	vlt.s32 v62, v1  }
0x1fc: {  	v3 =	vadd.s32 v3, v7;
	v4 =	vadd.s32 v4, v6;
	v6 =	vsel vm1, s31, v1;
	v7, _, _ =	vpop (xrf0)  }
0x1fd: {  	v6 =	vadd.s32 v6, v3;
	v63 =	vadd.s32 v7, v4  }
0x1fe: {  	vm1 =	vle.s32 v5, $0xFFFFFFFF;
	v6 =	vsub.s32 v7, v6;
	v8 =	vadd.s32 $0xFFFFFFFF, v63  }
0x1ff: {  	p0 =	sne.s32 s17, $0x40;
	v6 =	vadd.s32 $0x8000, v6  }
.Ltmp13:
0x200: {  	v7 =	vshra.s32 v5, $0x1F;
	(pc) =	sbr.rel @p0 .LBB2_19-.Ltmp13, $4  }
0x201: {  	v7 =	vand.u32 $0x7FFFFFFF, v7  }
0x202: {  	v9 =	vmpcnt.ones.xlane vm1;
	v5 =	vxor.u32 v5, v7;
	v7 =	vmpcnt.ones.xlane vm3  }
0x203: {  	[tilespmem:v8+s11+$0x0] =	vst.idx.msk vm3, v5  }
0x204: {  	s17 =	sadd.s32 $0xFFFFFFC0, s17;
	s18 =	sadd.s32 $0x40, s18;
	v3 =	vadd.s32 v3, v9;
	v4 =	vadd.s32 v4, v7;
	[tilespmem:v6+s11+$0x0] =	vst.idx.msk vm1, v5  }
0x205: {  	v4 =	vxor.u32 $0x80000000, v4  }
0x206: {  	v3 =	vxor.u32 $0x80000000, v3;
	(xrf0) =	vmax.scan.msk.u32 $0xffff, v4  }
0x207: {  	(xrf0) =	vmax.scan.msk.u32 $0xffff, v3;
	_ =	sdelay $0x4  }
0x208: {  	v3, _, _ =	vpop (xrf0)  }
0x209: {  	(v2sf) =	vpush v3, $0xF;
	v3, _, _ =	vpop (xrf0)  }
0x20a: {  	(v2sf) =	vpush v3, $0xF;
	_ =	sdelay $0xd  }
.Ltmp14:
0x20b: {  	s0 =	spop (v2sf);
	(pc) =	sbr.rel .LBB2_21-.Ltmp14, $4  }
0x20c: {  	s17 =	simm.s32 $0x80000000;
	s20 =	sxor.u32 $0x80000000, s0;
	s31 =	spop (v2sf)  }
0x20d: {  	s19 =	simm.s32 $0x0;
	s0 =	sxor.u32 $0x80000000, s31;
	p0 =	sgt.s32 s20, $0x7FF  }
0x20e: {  	s18 =	smov.u32 s20;
	s17 =	simm.s32 @!p0 $0x0;
	s21 =	ssub.s32 $0x8000, s0  }
0x20f: {  	s18 =	simm.s32 @p0 $0x0;
	s20 =	simm.s32 @!p0 $0x8000;
	s21 =	simm.s32 @p0 $0x0  }
.LBB2_29:
0x210: {  	(xrf0) =	vmax.scan.msk.u32 $0xffff, v3;
	_ =	sdelay $0x1  }
0x211: {  	(xrf0) =	vmax.scan.msk.u32 $0xffff, v4;
	_ =	sdelay $0x3  }
0x212: {  	v3, _, _ =	vpop (xrf0)  }
0x213: {  	(v2sf) =	vpush v3, $0xF  }
0x214: {  	v3, _, _ =	vpop (xrf0)  }
0x215: {  	(v2sf) =	vpush v3, $0xF;
	_ =	sdelay $0xb  }
0x216: {  	s19 =	sadd.s32 $0x1, s19  }
0x217: {  	p1 =	sne.s32 s19, $0xF;
	s0 =	spop (v2sf)  }
.Ltmp15:
0x218: {  	s21 =	smov.u32 @p0 s18;
	s20 =	sxor.u32 $0x80000000, s0;
	(pc) =	sbr.rel @!p1 .LBB2_30-.Ltmp15, $4  }
0x219: {  	s31 =	spop (v2sf);
	s18 =	sadd.s32 s21, s20  }
0x21a: {  	s0 =	sxor.u32 $0x80000000, s31;
	p0 =	sgt.s32 s18, $0x7FF  }
0x21b: {  	s18 =	smov.u32 @p0 s21;
	s21 =	ssub.s32 $0x8000, s0  }
0x21c: {  	s17 =	smov.u32 @p0 s22;
	s20 =	simm.s32 @!p0 $0x8000;
	s21 =	simm.s32 @p0 $0x0  }
.LBB2_21:
0x21d: {  	s26 =	sand.u32 $0xFFFFFFF0, s21  }
0x21e: {  	s0 =	ssub.s32 s20, s26  }
0x21f: {  	s0 =	sadd.s32 $0x3F, s0  }
0x220: {  	s22 =	sand.u32 $0x3F, s0  }
0x221: {  	s23 =	sshra.s32 s0, $0x1F;
	p0 =	slt.s32 s0, $0x1;
	p1 =	sne.s32 s22, $0x0  }
0x222: {  	s30 =	sshrl.u32 s23, $0x1A;
	p0 =	por !p0, !p1  }
0x223: {  	s23 =	simm.s32 $0x1;
	s0 =	sadd.s32 s30, s0;
	p0 =	por !p0, !p0  }
0x224: {  	s0 =	sshra.s32 s0, $0x6;
	s23 =	simm.s32 @!p0 $0x0  }
0x225: {  	s24 =	ssub.s32 s0, s23  }
0x226: {  	p0 =	slt.s32 s24, $0x1  }
.Ltmp16:
0x227: {  	_ = 	snop;
	(pc) =	sbr.rel @p0 .LBB2_25-.Ltmp16, $4  }
0x228: {  	_ = 	snop  }
0x229: {  	s22 =	sshll.u32 s19, $0x1  }
0x22a: {  	s31 =	sshrl.u32 s12, s22  }
0x22b: {  	v3 =	vimm.s32 $0x80000000;
	v4 =	vimm.s32 $0x80000000;
	v5 =	vimm.s32 $0x80000000;
	s23 =	sor.u32 s31, s17  }
0x22c: {  	s0 =	sshll.u32 s21, $0x2  }
0x22d: {  	s0 =	sshra.s32 s0, $0x2  }
0x22e: {  	s25 =	sxor.u32 $0x80000000, s23;
	v4 =	vmov s21;
	v5 =	vmov s20;
	s0 =	sand.u32 $0xFFFFFFF0, s0  }
0x22f: {  	v7 =	vimm.s32 $0x0;
	v8 =	vimm.s32 $0x0;
	v6 =	vmov s25;
	s25 =	ssub.s32 $0x0, s26;
	s26 =	sadd.s32 $0x30, s26;
	s28 =	sadd.s32 $0x8020, s0  }
.LBB2_23:
0x230: {  	v9 =	vld [tilespmem:s28+$0xFFFFFFE0];
	_ =	sdelay $0x1  }
0x231: {  	s0 =	sadd.s32 $0xFFFFFFD0, s26  }
0x232: {  	v10 =	vor.u32 s0, v0  }
0x233: {  	vm1 =	vge.s32 v10, v4;
	vm2 =	vlt.s32 v10, v5  }
0x234: {  	vm1 =	vmand vm1, vm2;
	vm2 =	vge.s32 v9, v6  }
0x235: {  	vm2 =	vmand vm1, vm2  }
0x236: {  	s29 =	sadd.s32 s20, s25;
	s30 =	sadd.s32 s21, s25;
	v10 =	vsel vm2, $0x1, v2  }
0x237: {  	v11 =	vmov s29;
	p0 =	sgt.s32 s30, $0x0;
	s0 =	smov.u32 s30;
	(xrf0) =	vadd.scan.msk.s32 $0xffff, v10  }
0x238: {  	vm3 =	vlt.s32 v11, v1;
	s0 =	simm.s32 @!p0 $0x0  }
0x239: {  	v11 =	vmov s0;
	v10 =	vsel vm3, s29, v1  }
0x23a: {  	v10 =	vsub.s32 v10, v11  }
0x23b: {  	vm3 =	vgt.s32 v10, $0x0  }
0x23c: {  	v10 =	vnsel vm3, $0x0, v10  }
0x23d: {  	v10 =	vmin.u32 v10, $0x10;
	v11, _, _ =	vpop (xrf0)  }
0x23e: {  	vm3 =	vlt.s32 v9, v6;
	v10 =	vadd.s32 v7, v10;
	v12 =	vadd.s32 v11, v8  }
0x23f: {  	vm3 =	vmand vm1, vm3;
	v10 =	vsub.s32 v11, v10;
	v12 =	vadd.s32 $0xFFFFFFFF, v12  }
0x240: {  	v10 =	vadd.s32 $0x8000, v10;
	_ =	sdelay $0x3  }
0x241: {  	[tilespmem:v12+s13+$0x0] =	vst.idx.msk vm2, v9  }
0x242: {  	[tilespmem:v10+s13+$0x0] =	vst.idx.msk vm3, v9  }
0x243: {  	v9 =	vld [tilespmem:s28+$0xFFFFFFF0];
	_ =	sdelay $0x1  }
0x244: {  	s31 =	sadd.s32 $0xFFFFFFE0, s26  }
0x245: {  	v10 =	vor.u32 s31, v0  }
0x246: {  	vm1 =	vge.s32 v10, v4;
	vm4 =	vlt.s32 v10, v5  }
0x247: {  	vm4 =	vmand vm1, vm4;
	vm1 =	vge.s32 v9, v6  }
0x248: {  	s0 =	sadd.s32 $0xFFFFFFF0, s29;
	s31 =	sadd.s32 $0xFFFFFFF0, s30;
	vm1 =	vmand vm4, vm1  }
0x249: {  	v11 =	vmov s0;
	p0 =	sgt.s32 s31, $0x0;
	v10 =	vsel vm1, $0x1, v2  }
0x24a: {  	vm5 =	vlt.s32 v11, v1;
	s31 =	simm.s32 @!p0 $0x0;
	(xrf0) =	vadd.scan.msk.s32 $0xffff, v10  }
0x24b: {  	v11 =	vmov s31;
	v10 =	vsel vm5, s0, v1  }
0x24c: {  	v10 =	vsub.s32 v10, v11;
	v11 =	vmpcnt.ones.xlane vm2;
	_ =	sdelay $0x1  }
0x24d: {  	v58 =	vmpcnt.ones.xlane vm3;
	vm2 =	vgt.s32 v10, $0x0  }
0x24e: {  	v10 =	vnsel vm2, $0x0, v10  }
0x24f: {  	v7 =	vadd.s32 v7, v58;
	v8 =	vadd.s32 v8, v11;
	v10 =	vmin.u32 v10, $0x10;
	v11, _, _ =	vpop (xrf0)  }
0x250: {  	vm2 =	vlt.s32 v9, v6;
	v10 =	vadd.s32 v10, v7;
	v59 =	vadd.s32 v11, v8  }
0x251: {  	vm3 =	vmand vm4, vm2;
	v10 =	vsub.s32 v11, v10;
	v12 =	vadd.s32 $0xFFFFFFFF, v59  }
0x252: {  	v10 =	vadd.s32 $0x8000, v10;
	_ =	sdelay $0x3  }
0x253: {  	[tilespmem:v12+s13+$0x0] =	vst.idx.msk vm1, v9  }
0x254: {  	[tilespmem:v10+s13+$0x0] =	vst.idx.msk vm3, v9  }
0x255: {  	v9 =	vld [tilespmem:s28+$0x0];
	_ =	sdelay $0x1  }
0x256: {  	s31 =	sadd.s32 $0xFFFFFFF0, s26  }
0x257: {  	v10 =	vor.u32 s31, v0  }
0x258: {  	vm2 =	vge.s32 v10, v4;
	vm11 =	vlt.s32 v10, v5  }
0x259: {  	vm4 =	vmand vm2, vm11;
	vm2 =	vge.s32 v9, v6  }
0x25a: {  	s0 =	sadd.s32 $0xFFFFFFE0, s29;
	s31 =	sadd.s32 $0xFFFFFFE0, s30;
	vm2 =	vmand vm4, vm2  }
0x25b: {  	v11 =	vmov s0;
	p0 =	sgt.s32 s31, $0x0;
	v10 =	vsel vm2, $0x1, v2  }
0x25c: {  	vm12 =	vlt.s32 v11, v1;
	s31 =	simm.s32 @!p0 $0x0;
	(xrf0) =	vadd.scan.msk.s32 $0xffff, v10  }
0x25d: {  	v11 =	vmov s31;
	v10 =	vsel vm12, s0, v1  }
0x25e: {  	v10 =	vsub.s32 v10, v11;
	v11 =	vmpcnt.ones.xlane vm1;
	_ =	sdelay $0x1  }
0x25f: {  	v60 =	vmpcnt.ones.xlane vm3;
	vm1 =	vgt.s32 v10, $0x0  }
0x260: {  	v10 =	vnsel vm1, $0x0, v10  }
0x261: {  	v7 =	vadd.s32 v7, v60;
	v8 =	vadd.s32 v8, v11;
	v10 =	vmin.u32 v10, $0x10;
	v11, _, _ =	vpop (xrf0)  }
0x262: {  	vm1 =	vlt.s32 v9, v6;
	v10 =	vadd.s32 v10, v7;
	v61 =	vadd.s32 v11, v8  }
0x263: {  	vm1 =	vmand vm4, vm1;
	v10 =	vsub.s32 v11, v10;
	v12 =	vadd.s32 $0xFFFFFFFF, v61  }
0x264: {  	v10 =	vadd.s32 $0x8000, v10;
	_ =	sdelay $0x3  }
0x265: {  	[tilespmem:v12+s13+$0x0] =	vst.idx.msk vm2, v9  }
0x266: {  	[tilespmem:v10+s13+$0x0] =	vst.idx.msk vm1, v9  }
0x267: {  	v9 =	vld [tilespmem:s28+$0x10];
	_ =	sdelay $0x2  }
0x268: {  	v10 =	vor.u32 s26, v0  }
0x269: {  	vm3 =	vge.s32 v10, v4;
	vm13 =	vlt.s32 v10, v5  }
0x26a: {  	vm3 =	vmand vm3, vm13;
	vm14 =	vge.s32 v9, v6  }
0x26b: {  	s31 =	sadd.s32 $0xFFFFFFD0, s29;
	s29 =	sadd.s32 $0xFFFFFFD0, s30;
	vm4 =	vmand vm3, vm14  }
0x26c: {  	p0 =	sgt.s32 s29, $0x0;
	v11 =	vmov s31;
	v10 =	vsel vm4, $0x1, v2  }
0x26d: {  	s29 =	simm.s32 @!p0 $0x0;
	vm15 =	vlt.s32 v11, v1;
	(xrf0) =	vadd.scan.msk.s32 $0xffff, v10  }
0x26e: {  	v11 =	vmov s29;
	v10 =	vsel vm15, s31, v1  }
0x26f: {  	v10 =	vsub.s32 v10, v11;
	v11 =	vmpcnt.ones.xlane vm2;
	_ =	sdelay $0x1  }
0x270: {  	v62 =	vmpcnt.ones.xlane vm1;
	vm1 =	vgt.s32 v10, $0x0  }
0x271: {  	v10 =	vnsel vm1, $0x0, v10  }
0x272: {  	v7 =	vadd.s32 v7, v62;
	v8 =	vadd.s32 v8, v11;
	v10 =	vmin.u32 v10, $0x10;
	v11, _, _ =	vpop (xrf0)  }
0x273: {  	vm1 =	vlt.s32 v9, v6;
	v10 =	vadd.s32 v10, v7;
	v63 =	vadd.s32 v11, v8  }
0x274: {  	vm1 =	vmand vm3, vm1;
	v10 =	vsub.s32 v11, v10;
	v12 =	vadd.s32 $0xFFFFFFFF, v63  }
0x275: {  	p0 =	sne.s32 s24, $0x1;
	v10 =	vadd.s32 $0x8000, v10  }
.Ltmp17:
0x276: {  	_ = 	snop;
	(pc) =	sbr.rel @p0 .LBB2_23-.Ltmp17, $4  }
0x277: {  	_ = 	snop  }
0x278: {  	v13 =	vmpcnt.ones.xlane vm1;
	v11 =	vmpcnt.ones.xlane vm4  }
0x279: {  	s20 =	sadd.s32 $0xFFFFFFC0, s20;
	s21 =	sadd.s32 $0xFFFFFFC0, s21;
	[tilespmem:v12+s13+$0x0] =	vst.idx.msk vm4, v9  }
0x27a: {  	s24 =	sadd.s32 $0xFFFFFFFF, s24;
	s26 =	sadd.s32 $0x40, s26;
	s28 =	sadd.s32 $0x40, s28;
	v7 =	vadd.s32 v7, v13;
	v8 =	vadd.s32 v8, v11;
	[tilespmem:v10+s13+$0x0] =	vst.idx.msk vm1, v9  }
0x27b: {  	v4 =	vxor.u32 $0x80000000, v8;
	v5 =	vxor.u32 $0x80000000, v7  }
.LBB2_25:
0x27c: {  	(xrf0) =	vmax.scan.msk.u32 $0xffff, v4  }
0x27d: {  	(xrf0) =	vmax.scan.msk.u32 $0xffff, v5;
	_ =	sdelay $0x4  }
0x27e: {  	v4, _, _ =	vpop (xrf0)  }
0x27f: {  	(v2sf) =	vpush v4, $0xF;
	v4, _, _ =	vpop (xrf0)  }
0x280: {  	(v2sf) =	vpush v4, $0xF;
	_ =	sdelay $0xd  }
0x281: {  	s0 =	spop (v2sf)  }
0x282: {  	s20 =	sxor.u32 $0x80000000, s0;
	s28 =	spop (v2sf)  }
0x283: {  	s0 =	sxor.u32 $0x80000000, s28;
	s21 =	sadd.s32 s18, s20  }
0x284: {  	p0 =	sgt.s32 s21, $0x7FF;
	s24 =	ssub.s32 $0x8000, s0  }
0x285: {  	s24 =	simm.s32 @p0 $0x0  }
0x286: {  	s20 =	simm.s32 @!p0 $0x8000;
	s26 =	sand.u32 $0xFFFFFFF0, s24  }
0x287: {  	s29 =	ssub.s32 s20, s26  }
0x288: {  	s0 =	sadd.s32 $0x3F, s29  }
0x289: {  	s25 =	sand.u32 $0x3F, s0  }
0x28a: {  	s30 =	sshra.s32 s0, $0x1F;
	p2 =	slt.s32 s0, $0x1;
	p1 =	sne.s32 s25, $0x0  }
0x28b: {  	s25 =	sshrl.u32 s30, $0x1A;
	p1 =	por !p2, !p1  }
0x28c: {  	s0 =	sadd.s32 s25, s0;
	s25 =	simm.s32 $0x1;
	p1 =	por !p1, !p1  }
0x28d: {  	s0 =	sshra.s32 s0, $0x6;
	s25 =	simm.s32 @!p1 $0x0  }
0x28e: {  	s25 =	ssub.s32 s0, s25  }
0x28f: {  	p1 =	slt.s32 s25, $0x1  }
.Ltmp18:
0x290: {  	_ = 	snop;
	(pc) =	sbr.rel @p1 .LBB2_29-.Ltmp18, $3  }
0x291: {  	_ =	sdelay $0x1  }
0x292: {  	s31 =	sshrl.u32 s14, s22;
	s17 =	smov.u32 @p0 s23  }
0x293: {  	v4 =	vimm.s32 $0x80000000;
	s22 =	sor.u32 s31, s17  }
0x294: {  	s0 =	sshll.u32 s24, $0x2  }
0x295: {  	s0 =	sshra.s32 s0, $0x2  }
0x296: {  	s23 =	sxor.u32 $0x80000000, s22;
	v3 =	vmov s24;
	v4 =	vmov s20;
	s0 =	sand.u32 $0xFFFFFFF0, s0  }
0x297: {  	v6 =	vimm.s32 $0x0;
	v7 =	vimm.s32 $0x0;
	v5 =	vmov s23;
	s23 =	ssub.s32 $0x0, s26;
	s26 =	sadd.s32 $0x30, s26;
	s28 =	sadd.s32 $0x100A0, s0  }
.LBB2_27:
0x298: {  	v8 =	vld [tilespmem:s28+$0xFFFFFFE0];
	_ =	sdelay $0x1  }
0x299: {  	s0 =	sadd.s32 $0xFFFFFFD0, s26  }
0x29a: {  	v9 =	vor.u32 s0, v0  }
0x29b: {  	vm1 =	vge.s32 v9, v3;
	vm2 =	vlt.s32 v9, v4  }
0x29c: {  	vm1 =	vmand vm1, vm2;
	vm2 =	vge.s32 v8, v5  }
0x29d: {  	vm2 =	vmand vm1, vm2  }
0x29e: {  	s29 =	sadd.s32 s20, s23;
	s30 =	sadd.s32 s24, s23;
	v32 =	vsel vm2, $0x1, v2  }
0x29f: {  	v10 =	vmov s29;
	p1 =	sgt.s32 s30, $0x0;
	s0 =	smov.u32 s30;
	(xrf0) =	vadd.scan.msk.s32 $0xffff, v32  }
0x2a0: {  	vm3 =	vlt.s32 v10, v1;
	s0 =	simm.s32 @!p1 $0x0  }
0x2a1: {  	v33 =	vsel vm3, s29, v1;
	v34 =	vmov s0  }
0x2a2: {  	v9 =	vsub.s32 v33, v34  }
0x2a3: {  	vm3 =	vgt.s32 v9, $0x0  }
0x2a4: {  	v9 =	vnsel vm3, $0x0, v9  }
0x2a5: {  	v9 =	vmin.u32 v9, $0x10;
	v35, _, _ =	vpop (xrf0)  }
0x2a6: {  	vm3 =	vlt.s32 v8, v5;
	v9 =	vadd.s32 v6, v9;
	v11 =	vadd.s32 v35, v7  }
0x2a7: {  	vm3 =	vmand vm1, vm3;
	v9 =	vsub.s32 v35, v9;
	v11 =	vadd.s32 $0xFFFFFFFF, v11  }
0x2a8: {  	v9 =	vadd.s32 $0x8000, v9;
	_ =	sdelay $0x3  }
0x2a9: {  	[tilespmem:v11+s11+$0x0] =	vst.idx.msk vm2, v8  }
0x2aa: {  	[tilespmem:v9+s11+$0x0] =	vst.idx.msk vm3, v8  }
0x2ab: {  	v8 =	vld [tilespmem:s28+$0xFFFFFFF0];
	_ =	sdelay $0x1  }
0x2ac: {  	s31 =	sadd.s32 $0xFFFFFFE0, s26  }
0x2ad: {  	v36 =	vor.u32 s31, v0  }
0x2ae: {  	vm4 =	vlt.s32 v36, v4;
	vm1 =	vge.s32 v36, v3  }
0x2af: {  	vm4 =	vmand vm1, vm4;
	vm1 =	vge.s32 v8, v5  }
0x2b0: {  	vm1 =	vmand vm4, vm1  }
0x2b1: {  	s31 =	sadd.s32 $0xFFFFFFF0, s30;
	s0 =	sadd.s32 $0xFFFFFFF0, s29;
	v37 =	vsel vm1, $0x1, v2  }
0x2b2: {  	p1 =	sgt.s32 s31, $0x0;
	v38 =	vmov s0;
	(xrf0) =	vadd.scan.msk.s32 $0xffff, v37  }
0x2b3: {  	s31 =	simm.s32 @!p1 $0x0;
	vm5 =	vlt.s32 v38, v1  }
0x2b4: {  	v40 =	vmov s31;
	v39 =	vsel vm5, s0, v1  }
0x2b5: {  	v9 =	vsub.s32 v39, v40  }
0x2b6: {  	v41 =	vmpcnt.ones.xlane vm2;
	v42 =	vmpcnt.ones.xlane vm3;
	vm2 =	vgt.s32 v9, $0x0  }
0x2b7: {  	v9 =	vnsel vm2, $0x0, v9  }
0x2b8: {  	v6 =	vadd.s32 v6, v42;
	v7 =	vadd.s32 v7, v41;
	v9 =	vmin.u32 v9, $0x10;
	v43, _, _ =	vpop (xrf0)  }
0x2b9: {  	v9 =	vadd.s32 v9, v6;
	vm2 =	vlt.s32 v8, v5;
	v44 =	vadd.s32 v43, v7  }
0x2ba: {  	vm3 =	vmand vm4, vm2;
	v9 =	vsub.s32 v43, v9;
	v11 =	vadd.s32 $0xFFFFFFFF, v44  }
0x2bb: {  	v9 =	vadd.s32 $0x8000, v9;
	_ =	sdelay $0x3  }
0x2bc: {  	[tilespmem:v11+s11+$0x0] =	vst.idx.msk vm1, v8  }
0x2bd: {  	[tilespmem:v9+s11+$0x0] =	vst.idx.msk vm3, v8  }
0x2be: {  	v8 =	vld [tilespmem:s28+$0x0];
	_ =	sdelay $0x1  }
0x2bf: {  	s31 =	sadd.s32 $0xFFFFFFF0, s26  }
0x2c0: {  	v45 =	vor.u32 s31, v0  }
0x2c1: {  	vm11 =	vlt.s32 v45, v4;
	vm2 =	vge.s32 v45, v3  }
0x2c2: {  	vm4 =	vmand vm2, vm11;
	vm2 =	vge.s32 v8, v5  }
0x2c3: {  	vm2 =	vmand vm4, vm2  }
0x2c4: {  	s31 =	sadd.s32 $0xFFFFFFE0, s30;
	s0 =	sadd.s32 $0xFFFFFFE0, s29;
	v46 =	vsel vm2, $0x1, v2  }
0x2c5: {  	p1 =	sgt.s32 s31, $0x0;
	v47 =	vmov s0;
	(xrf0) =	vadd.scan.msk.s32 $0xffff, v46  }
0x2c6: {  	s31 =	simm.s32 @!p1 $0x0;
	vm12 =	vlt.s32 v47, v1  }
0x2c7: {  	v49 =	vmov s31;
	v48 =	vsel vm12, s0, v1  }
0x2c8: {  	v9 =	vsub.s32 v48, v49  }
0x2c9: {  	v50 =	vmpcnt.ones.xlane vm1;
	v51 =	vmpcnt.ones.xlane vm3;
	vm1 =	vgt.s32 v9, $0x0  }
0x2ca: {  	v9 =	vnsel vm1, $0x0, v9  }
0x2cb: {  	v6 =	vadd.s32 v6, v51;
	v7 =	vadd.s32 v7, v50;
	v9 =	vmin.u32 v9, $0x10;
	v52, _, _ =	vpop (xrf0)  }
0x2cc: {  	v9 =	vadd.s32 v9, v6;
	vm1 =	vlt.s32 v8, v5;
	v53 =	vadd.s32 v52, v7  }
0x2cd: {  	vm1 =	vmand vm4, vm1;
	v9 =	vsub.s32 v52, v9;
	v11 =	vadd.s32 $0xFFFFFFFF, v53  }
0x2ce: {  	v9 =	vadd.s32 $0x8000, v9;
	_ =	sdelay $0x3  }
0x2cf: {  	[tilespmem:v11+s11+$0x0] =	vst.idx.msk vm2, v8  }
0x2d0: {  	[tilespmem:v9+s11+$0x0] =	vst.idx.msk vm1, v8  }
0x2d1: {  	v8 =	vld [tilespmem:s28+$0x10];
	_ =	sdelay $0x2  }
0x2d2: {  	v54 =	vor.u32 s26, v0  }
0x2d3: {  	vm13 =	vlt.s32 v54, v4;
	vm3 =	vge.s32 v54, v3  }
0x2d4: {  	vm3 =	vmand vm3, vm13;
	vm14 =	vge.s32 v8, v5  }
0x2d5: {  	vm4 =	vmand vm3, vm14  }
0x2d6: {  	s31 =	sadd.s32 $0xFFFFFFD0, s29;
	s29 =	sadd.s32 $0xFFFFFFD0, s30;
	v55 =	vsel vm4, $0x1, v2  }
0x2d7: {  	v56 =	vmov s31;
	p1 =	sgt.s32 s29, $0x0;
	(xrf0) =	vadd.scan.msk.s32 $0xffff, v55  }
0x2d8: {  	vm15 =	vlt.s32 v56, v1;
	s29 =	simm.s32 @!p1 $0x0  }
0x2d9: {  	v57 =	vsel vm15, s31, v1;
	v58 =	vmov s29  }
0x2da: {  	v9 =	vsub.s32 v57, v58  }
0x2db: {  	v59 =	vmpcnt.ones.xlane vm2;
	v60 =	vmpcnt.ones.xlane vm1;
	vm1 =	vgt.s32 v9, $0x0  }
0x2dc: {  	v9 =	vnsel vm1, $0x0, v9  }
0x2dd: {  	v6 =	vadd.s32 v6, v60;
	v7 =	vadd.s32 v7, v59;
	v9 =	vmin.u32 v9, $0x10;
	v61, _, _ =	vpop (xrf0)  }
0x2de: {  	v9 =	vadd.s32 v9, v6;
	vm1 =	vlt.s32 v8, v5;
	v62 =	vadd.s32 v61, v7  }
0x2df: {  	vm1 =	vmand vm3, vm1;
	v9 =	vsub.s32 v61, v9;
	v11 =	vadd.s32 $0xFFFFFFFF, v62  }
0x2e0: {  	p1 =	sne.s32 s25, $0x1;
	v9 =	vadd.s32 $0x8000, v9  }
.Ltmp19:
0x2e1: {  	_ = 	snop;
	(pc) =	sbr.rel @p1 .LBB2_27-.Ltmp19, $4  }
0x2e2: {  	_ = 	snop  }
0x2e3: {  	v63 =	vmpcnt.ones.xlane vm4;
	v12 =	vmpcnt.ones.xlane vm1  }
0x2e4: {  	s20 =	sadd.s32 $0xFFFFFFC0, s20;
	s24 =	sadd.s32 $0xFFFFFFC0, s24;
	[tilespmem:v11+s11+$0x0] =	vst.idx.msk vm4, v8  }
0x2e5: {  	s26 =	sadd.s32 $0x40, s26;
	s25 =	sadd.s32 $0xFFFFFFFF, s25;
	s28 =	sadd.s32 $0x40, s28;
	v6 =	vadd.s32 v6, v12;
	v7 =	vadd.s32 v7, v63;
	[tilespmem:v9+s11+$0x0] =	vst.idx.msk vm1, v8  }
.Ltmp20:
0x2e6: {  	(pc) =	sbr.rel .LBB2_29-.Ltmp20, $2  }
0x2e7: {  	_ =	sdelay $0x2  }
0x2e8: {  	v3 =	vxor.u32 $0x80000000, v7;
	v4 =	vxor.u32 $0x80000000, v6  }
.LBB2_30:
0x2e9: {  	s24 =	sand.u32 $0xFFFFFFF0, s21  }
0x2ea: {  	s0 =	ssub.s32 s20, s24  }
0x2eb: {  	s0 =	sadd.s32 $0x3F, s0  }
0x2ec: {  	s19 =	sand.u32 $0x3F, s0  }
0x2ed: {  	s22 =	sshra.s32 s0, $0x1F;
	p0 =	slt.s32 s0, $0x1;
	p1 =	sne.s32 s19, $0x0  }
0x2ee: {  	s31 =	sshrl.u32 s22, $0x1A;
	p0 =	por !p0, !p1  }
0x2ef: {  	s19 =	simm.s32 $0x1;
	s0 =	sadd.s32 s31, s0;
	p0 =	por !p0, !p0  }
0x2f0: {  	s0 =	sshra.s32 s0, $0x6;
	s19 =	simm.s32 @!p0 $0x0  }
0x2f1: {  	s22 =	ssub.s32 s0, s19  }
0x2f2: {  	p0 =	slt.s32 s22, $0x1  }
.Ltmp21:
0x2f3: {  	_ = 	snop;
	(pc) =	sbr.rel @p0 .LBB2_31-.Ltmp21, $2  }
0x2f4: {  	_ =	sdelay $0x2  }
0x2f5: {  	s19 =	sor.u32 $0x1, s17  }
0x2f6: {  	s0 =	sshll.u32 s21, $0x2  }
0x2f7: {  	s0 =	sshra.s32 s0, $0x2  }
0x2f8: {  	s23 =	sxor.u32 $0x80000000, s19;
	v3 =	vmov s21;
	v4 =	vmov s20;
	s0 =	sand.u32 $0xFFFFFFF0, s0  }
0x2f9: {  	v7 =	vimm.s32 $0x0;
	v6 =	vimm.s32 $0x0;
	v5 =	vmov s23;
	s23 =	ssub.s32 $0x0, s24;
	s24 =	sadd.s32 $0x30, s24;
	s25 =	sadd.s32 $0x8020, s0  }
.LBB2_33:
0x2fa: {  	v8 =	vld [tilespmem:s25+$0xFFFFFFE0];
	_ =	sdelay $0x1  }
0x2fb: {  	s0 =	sadd.s32 $0xFFFFFFD0, s24  }
0x2fc: {  	v9 =	vor.u32 s0, v0  }
0x2fd: {  	vm1 =	vge.s32 v9, v3;
	vm2 =	vlt.s32 v9, v4  }
0x2fe: {  	vm1 =	vmand vm1, vm2;
	vm2 =	vge.s32 v8, v5  }
0x2ff: {  	vm2 =	vmand vm1, vm2  }
0x300: {  	s26 =	sadd.s32 s20, s23;
	s28 =	sadd.s32 s21, s23;
	v32 =	vsel vm2, $0x1, v2  }
0x301: {  	v10 =	vmov s26;
	p0 =	sgt.s32 s28, $0x0;
	s0 =	smov.u32 s28;
	(xrf0) =	vadd.scan.msk.s32 $0xffff, v32  }
0x302: {  	vm3 =	vlt.s32 v10, v1;
	s0 =	simm.s32 @!p0 $0x0  }
0x303: {  	v33 =	vsel vm3, s26, v1;
	v34 =	vmov s0  }
0x304: {  	v9 =	vsub.s32 v33, v34  }
0x305: {  	vm3 =	vgt.s32 v9, $0x0  }
0x306: {  	v9 =	vnsel vm3, $0x0, v9  }
0x307: {  	v9 =	vmin.u32 v9, $0x10;
	v35, _, _ =	vpop (xrf0)  }
0x308: {  	vm3 =	vlt.s32 v8, v5;
	v9 =	vadd.s32 v7, v9;
	v11 =	vadd.s32 v35, v6  }
0x309: {  	vm3 =	vmand vm1, vm3;
	v9 =	vsub.s32 v35, v9;
	v11 =	vadd.s32 $0xFFFFFFFF, v11  }
0x30a: {  	v9 =	vadd.s32 $0x8000, v9;
	_ =	sdelay $0x3  }
0x30b: {  	[tilespmem:v11+s13+$0x0] =	vst.idx.msk vm2, v8  }
0x30c: {  	[tilespmem:v9+s13+$0x0] =	vst.idx.msk vm3, v8  }
0x30d: {  	v8 =	vld [tilespmem:s25+$0xFFFFFFF0];
	_ =	sdelay $0x1  }
0x30e: {  	s30 =	sadd.s32 $0xFFFFFFE0, s24  }
0x30f: {  	v36 =	vor.u32 s30, v0  }
0x310: {  	vm4 =	vlt.s32 v36, v4;
	vm1 =	vge.s32 v36, v3  }
0x311: {  	vm4 =	vmand vm1, vm4;
	vm1 =	vge.s32 v8, v5  }
0x312: {  	vm1 =	vmand vm4, vm1  }
0x313: {  	s31 =	sadd.s32 $0xFFFFFFF0, s26;
	s29 =	sadd.s32 $0xFFFFFFF0, s28;
	v37 =	vsel vm1, $0x1, v2  }
0x314: {  	v38 =	vmov s31;
	p0 =	sgt.s32 s29, $0x0;
	(xrf0) =	vadd.scan.msk.s32 $0xffff, v37  }
0x315: {  	vm5 =	vlt.s32 v38, v1;
	s29 =	simm.s32 @!p0 $0x0  }
0x316: {  	v39 =	vsel vm5, s31, v1;
	v40 =	vmov s29  }
0x317: {  	v9 =	vsub.s32 v39, v40  }
0x318: {  	v41 =	vmpcnt.ones.xlane vm2;
	v42 =	vmpcnt.ones.xlane vm3;
	vm2 =	vgt.s32 v9, $0x0  }
0x319: {  	v9 =	vnsel vm2, $0x0, v9  }
0x31a: {  	v7 =	vadd.s32 v7, v42;
	v6 =	vadd.s32 v6, v41;
	v9 =	vmin.u32 v9, $0x10;
	v43, _, _ =	vpop (xrf0)  }
0x31b: {  	v9 =	vadd.s32 v9, v7;
	vm2 =	vlt.s32 v8, v5;
	v44 =	vadd.s32 v43, v6  }
0x31c: {  	vm3 =	vmand vm4, vm2;
	v9 =	vsub.s32 v43, v9;
	v11 =	vadd.s32 $0xFFFFFFFF, v44  }
0x31d: {  	v9 =	vadd.s32 $0x8000, v9;
	_ =	sdelay $0x3  }
0x31e: {  	[tilespmem:v11+s13+$0x0] =	vst.idx.msk vm1, v8  }
0x31f: {  	[tilespmem:v9+s13+$0x0] =	vst.idx.msk vm3, v8  }
0x320: {  	v8 =	vld [tilespmem:s25+$0x0];
	_ =	sdelay $0x1  }
0x321: {  	s29 =	sadd.s32 $0xFFFFFFF0, s24  }
0x322: {  	v45 =	vor.u32 s29, v0  }
0x323: {  	vm11 =	vlt.s32 v45, v4;
	vm2 =	vge.s32 v45, v3  }
0x324: {  	vm4 =	vmand vm2, vm11;
	vm2 =	vge.s32 v8, v5  }
0x325: {  	vm2 =	vmand vm4, vm2  }
0x326: {  	s30 =	sadd.s32 $0xFFFFFFE0, s26;
	s29 =	sadd.s32 $0xFFFFFFE0, s28;
	v46 =	vsel vm2, $0x1, v2  }
0x327: {  	v47 =	vmov s30;
	p0 =	sgt.s32 s29, $0x0;
	(xrf0) =	vadd.scan.msk.s32 $0xffff, v46  }
0x328: {  	vm12 =	vlt.s32 v47, v1;
	s29 =	simm.s32 @!p0 $0x0  }
0x329: {  	v48 =	vsel vm12, s30, v1;
	v49 =	vmov s29  }
0x32a: {  	v9 =	vsub.s32 v48, v49  }
0x32b: {  	v50 =	vmpcnt.ones.xlane vm1;
	v51 =	vmpcnt.ones.xlane vm3;
	vm1 =	vgt.s32 v9, $0x0  }
0x32c: {  	v9 =	vnsel vm1, $0x0, v9  }
0x32d: {  	v7 =	vadd.s32 v7, v51;
	v6 =	vadd.s32 v6, v50;
	v9 =	vmin.u32 v9, $0x10;
	v52, _, _ =	vpop (xrf0)  }
0x32e: {  	v9 =	vadd.s32 v9, v7;
	vm1 =	vlt.s32 v8, v5;
	v53 =	vadd.s32 v52, v6  }
0x32f: {  	vm1 =	vmand vm4, vm1;
	v9 =	vsub.s32 v52, v9;
	v11 =	vadd.s32 $0xFFFFFFFF, v53  }
0x330: {  	v9 =	vadd.s32 $0x8000, v9;
	_ =	sdelay $0x3  }
0x331: {  	[tilespmem:v11+s13+$0x0] =	vst.idx.msk vm2, v8  }
0x332: {  	[tilespmem:v9+s13+$0x0] =	vst.idx.msk vm1, v8  }
0x333: {  	v8 =	vld [tilespmem:s25+$0x10];
	_ =	sdelay $0x2  }
0x334: {  	v54 =	vor.u32 s24, v0  }
0x335: {  	vm13 =	vlt.s32 v54, v4;
	vm3 =	vge.s32 v54, v3  }
0x336: {  	vm3 =	vmand vm3, vm13;
	vm14 =	vge.s32 v8, v5  }
0x337: {  	vm4 =	vmand vm3, vm14  }
0x338: {  	s31 =	sadd.s32 $0xFFFFFFD0, s26;
	s26 =	sadd.s32 $0xFFFFFFD0, s28;
	v55 =	vsel vm4, $0x1, v2  }
0x339: {  	v56 =	vmov s31;
	p0 =	sgt.s32 s26, $0x0;
	(xrf0) =	vadd.scan.msk.s32 $0xffff, v55  }
0x33a: {  	vm15 =	vlt.s32 v56, v1;
	s26 =	simm.s32 @!p0 $0x0  }
0x33b: {  	v57 =	vsel vm15, s31, v1;
	v58 =	vmov s26  }
0x33c: {  	v9 =	vsub.s32 v57, v58  }
0x33d: {  	v59 =	vmpcnt.ones.xlane vm2;
	v60 =	vmpcnt.ones.xlane vm1;
	vm1 =	vgt.s32 v9, $0x0  }
0x33e: {  	v9 =	vnsel vm1, $0x0, v9  }
0x33f: {  	v7 =	vadd.s32 v7, v60;
	v6 =	vadd.s32 v6, v59;
	v9 =	vmin.u32 v9, $0x10;
	v61, _, _ =	vpop (xrf0)  }
0x340: {  	v9 =	vadd.s32 v9, v7;
	vm1 =	vlt.s32 v8, v5;
	v62 =	vadd.s32 v61, v6  }
0x341: {  	vm1 =	vmand vm3, vm1;
	v9 =	vsub.s32 v61, v9;
	v11 =	vadd.s32 $0xFFFFFFFF, v62  }
0x342: {  	p0 =	sne.s32 s22, $0x1;
	v9 =	vadd.s32 $0x8000, v9  }
.Ltmp22:
0x343: {  	_ = 	snop;
	(pc) =	sbr.rel @p0 .LBB2_33-.Ltmp22, $4  }
0x344: {  	_ = 	snop  }
0x345: {  	v63 =	vmpcnt.ones.xlane vm4;
	v12 =	vmpcnt.ones.xlane vm1  }
0x346: {  	s20 =	sadd.s32 $0xFFFFFFC0, s20;
	s21 =	sadd.s32 $0xFFFFFFC0, s21;
	[tilespmem:v11+s13+$0x0] =	vst.idx.msk vm4, v8  }
0x347: {  	s24 =	sadd.s32 $0x40, s24;
	s22 =	sadd.s32 $0xFFFFFFFF, s22;
	s25 =	sadd.s32 $0x40, s25;
	v7 =	vadd.s32 v7, v12;
	v6 =	vadd.s32 v6, v63;
	[tilespmem:v9+s13+$0x0] =	vst.idx.msk vm1, v8  }
.Ltmp23:
0x348: {  	(pc) =	sbr.rel .LBB2_35-.Ltmp23, $2  }
0x349: {  	_ =	sdelay $0x2  }
0x34a: {  	v3 =	vxor.u32 $0x80000000, v6  }
.LBB2_36:
0x34b: {  	_ =	sfence.sel $0x180000  }
0x34c: {  	[bflag:$0x0] =	sbarrier.arrive $0xFFFF  }
0x34d: {  	_ =	strace $0x90000047  }
0x34e: {  	[bflag:$0x2] =	sbarrier.arrive $0xFFFF  }
0x34f: {  	p0 =	sne.s32 s1, $0x0;
	s0 =	rddreg [dreg:$0x1]  }
0x350: {  	s0 =	sadd.s32 @!p0 $0x100000, s0  }
0x351: {  	[sflag:s0] =	ssyncadd.tile.s32 @!p0 $0x1;
	_ =	shalt  }
.Lfunc_end2:
_tile_overlayer_lowered:
.L_overlay_start_2:
0x352: {  	(tag) =	ssettag $0x2  }
0x353: {  	s0 =	rddreg [dreg:$0x0];
	s2 =	stileid.u32  }
0x354: {  	s1 =	rddreg [dreg:$0x1];
	p0 =	sne.s32 s2, $0x0  }
0x355: {  	s3 =	rddreg [dreg:$0x2];
	[bflag:$0x3] =	sbarrier.arrive $0xFFFF;
	s2 =	simm.s32 @!p0 $0x1C01  }
0x356: {  	[timem:s3], [sflag:s2] =	dma.local @!p0 [hbm:s0], s1  }
0x357: {  	s0 =	simm.s32 @!p0 $0x1  }
0x358: {  	_ =	swait.ge @!p0 [sflag:s0], s1  }
0x359: {  	s1 =	ssub.s32 @!p0 $0x0, s1;
	[sflag:s0] =	ssyncset.done @!p0 $0x0  }
0x35a: {  	[sflag:s0] =	ssyncadd.s32 @!p0 s1  }
0x35b: {  	[bflag:$0x3] =	sbarrier.arrive $0xFFFF  }
0x35c: {  	_ =	shalt  }

</sc_bundles>
